<compile_context>
chip_gen: v7x
topology: tpu7x:2x2x1
jax: 0.10.2.dev20260603
libtpu: 0.0.44.dev20260713+nightly
codegen_flags: <defaults>
</compile_context>

<pallas_src>
import functools

import jax
import jax.numpy as jnp
from jax import lax
from jax.experimental import pallas as pl
from jax.experimental.pallas import tpu as pltpu
from jax.experimental.pallas import tpu_sc as plsc

NUM_CLASSES = 256
FEATURE_DIM = 512
N_ROWS = 32768
EPS = 1e-08

TC_ROWS = 26624
TC_BLK = 2048
SC_ROWS = N_ROWS - TC_ROWS

N_RG = 8
N_CG = 4
N_TILES = N_RG * N_CG
ROWS_PT = SC_ROWS // N_RG
COLS_PT = FEATURE_DIM // N_CG
CHUNK = 128
N_CHUNKS = ROWS_PT // CHUNK
HIST_PT = N_ROWS // N_TILES
LANES = 16
CNTW = 16


def _bcast_lane(vec, j):
    dnums = lax.GatherDimensionNumbers(
        offset_dims=(), collapsed_slice_dims=(0,), start_index_map=(0,))
    idx = jnp.full((LANES, 1), j, jnp.int32)
    return lax.gather(vec, idx, dnums, (1,),
                      mode=lax.GatherScatterMode.PROMISE_IN_BOUNDS)


def _sc_body(feat_hbm, lab_hbm, zacc_hbm, zhist_hbm,
             out_sums, out_cnts,
             lab_v, labh_v, acc_v, hist_v, buf0_v, buf1_v, sem0, sem1):
    cid = lax.axis_index("c")
    sid = lax.axis_index("s")
    rg = sid % N_RG
    cg = cid * 2 + sid // N_RG
    wid = rg * N_CG + cg
    row0 = TC_ROWS + rg * ROWS_PT
    col0 = cg * COLS_PT

    pltpu.sync_copy(lab_hbm.at[pl.ds(row0, ROWS_PT)], lab_v)
    pltpu.sync_copy(lab_hbm.at[pl.ds(wid * HIST_PT, HIST_PT)], labh_v)
    pltpu.sync_copy(zacc_hbm, acc_v)
    pltpu.sync_copy(zhist_hbm, hist_v)

    col_iotas = [jnp.arange(LANES, dtype=jnp.int32) + (c * LANES)
                 for c in range(COLS_PT // LANES)]
    lane_iota = jnp.arange(LANES, dtype=jnp.int32)
    ones16 = jnp.ones((LANES,), jnp.float32)

    bufs = (buf0_v, buf1_v)
    sems = (sem0, sem1)

    def start_fetch(g, b):
        src = feat_hbm.at[pl.ds(row0 + g * CHUNK, CHUNK), pl.ds(col0, COLS_PT)]
        pltpu.make_async_copy(src, bufs[b], sems[b]).start()

    def wait_fetch(g, b):
        src = feat_hbm.at[pl.ds(row0 + g * CHUNK, CHUNK), pl.ds(col0, COLS_PT)]
        pltpu.make_async_copy(src, bufs[b], sems[b]).wait()

    start_fetch(0, 0)

    @plsc.parallel_loop(0, HIST_PT // LANES, unroll=4)
    def hist_body(r16):
        labels16 = labh_v[pl.ds(r16 * LANES, LANES)]
        plsc.addupdate_scatter(hist_v, [labels16, lane_iota], ones16)

    def chunk_body(g, b, buf):
        wait_fetch(g, b)

        @pl.when(g + 1 < N_CHUNKS)
        def _():
            start_fetch(g + 1, 1 - b)

        @plsc.parallel_loop(0, CHUNK // LANES, unroll=4)
        def row_body(r16):
            labels16 = lab_v[pl.ds(g * CHUNK + r16 * LANES, LANES)]
            for j in range(LANES):
                lbl = _bcast_lane(labels16, j)
                r = r16 * LANES + j
                for c in range(COLS_PT // LANES):
                    data = buf[r, pl.ds(c * LANES, LANES)]
                    plsc.addupdate_scatter(acc_v, [lbl, col_iotas[c]], data)

    def two_chunks(gg, carry):
        chunk_body(2 * gg, 0, buf0_v)
        chunk_body(2 * gg + 1, 1, buf1_v)
        return carry

    lax.fori_loop(0, N_CHUNKS // 2, two_chunks, 0)

    pltpu.sync_copy(acc_v, out_sums.at[rg, :, pl.ds(col0, COLS_PT)])
    pltpu.sync_copy(hist_v, out_cnts.at[wid])


def _make_sc_kernel():
    mesh = plsc.VectorSubcoreMesh(core_axis_name="c", subcore_axis_name="s")
    return pl.kernel(
        _sc_body,
        out_type=[
            jax.ShapeDtypeStruct((N_RG, NUM_CLASSES, FEATURE_DIM), jnp.float32),
            jax.ShapeDtypeStruct((N_TILES, NUM_CLASSES, CNTW), jnp.float32),
        ],
        mesh=mesh,
        compiler_params=pltpu.CompilerParams(needs_layout_passes=False),
        scratch_types=[
            pltpu.VMEM((ROWS_PT,), jnp.int32),
            pltpu.VMEM((HIST_PT,), jnp.int32),
            pltpu.VMEM((NUM_CLASSES, COLS_PT), jnp.float32),
            pltpu.VMEM((NUM_CLASSES, CNTW), jnp.float32),
            pltpu.VMEM((CHUNK, COLS_PT), jnp.float32),
            pltpu.VMEM((CHUNK, COLS_PT), jnp.float32),
            pltpu.SemaphoreType.DMA,
            pltpu.SemaphoreType.DMA,
        ],
    )


def _tc_partial_body(lab_ref, feat_ref, out_ref):
    i = pl.program_id(0)
    lab = lab_ref[0, 0, :]
    cls = lax.broadcasted_iota(jnp.int32, (NUM_CLASSES, TC_BLK), 0)
    onehot = jnp.where(cls == lab[None, :], 1.0, 0.0)
    part = lax.dot_general(onehot, feat_ref[...], (((1,), (0,)), ((), ())),
                           preferred_element_type=jnp.float32)

    @pl.when(i == 0)
    def _():
        out_ref[...] = part

    @pl.when(i > 0)
    def _():
        out_ref[...] += part


def _tc_partial(labels3d, features):
    nb = TC_ROWS // TC_BLK
    return pl.pallas_call(
        _tc_partial_body,
        grid=(nb,),
        in_specs=[
            pl.BlockSpec((1, 1, TC_BLK), lambda i: (i, 0, 0)),
            pl.BlockSpec((TC_BLK, FEATURE_DIM), lambda i: (i, 0)),
        ],
        out_specs=pl.BlockSpec((NUM_CLASSES, FEATURE_DIM), lambda i: (0, 0)),
        out_shape=jax.ShapeDtypeStruct((NUM_CLASSES, FEATURE_DIM),
                                       jnp.float32),
    )(labels3d, features)


def _loss_body(sums_ref, tcsums_ref, cnts_ref, out_ref):
    sums = jnp.sum(sums_ref[...], axis=0) + tcsums_ref[...]
    cnt = jnp.sum(cnts_ref[...], axis=(0, 2)).reshape(NUM_CLASSES, 1)
    present = cnt > 0.0
    safe = jnp.maximum(cnt, 1.0)
    cent = jnp.where(present, sums / safe, 0.0)

    gram = lax.dot_general(cent, cent, (((1,), (1,)), ((), ())),
                           preferred_element_type=jnp.float32)
    ii = lax.broadcasted_iota(jnp.int32, (NUM_CLASSES, NUM_CLASSES), 0)
    jj = lax.broadcasted_iota(jnp.int32, (NUM_CLASSES, NUM_CLASSES), 1)
    eye = ii == jj
    diag_col = jnp.sum(jnp.where(eye, gram, 0.0), axis=1, keepdims=True)
    diag_row = jnp.sum(jnp.where(eye, gram, 0.0), axis=0, keepdims=True)
    dist_sq = jnp.maximum(diag_col + diag_row - 2.0 * gram, 0.0)

    pres_f = jnp.where(present, 1.0, 0.0)
    pres_mat = lax.dot_general(pres_f, pres_f, (((1,), (1,)), ((), ())),
                               preferred_element_type=jnp.float32)
    valid = (ii < jj) & (pres_mat > 0.5)
    safe_sq = jnp.where(valid, dist_sq, 1.0)
    dist = jnp.sqrt(safe_sq) * (1.0 / 16.0)
    terms = jnp.where(valid, jnp.exp(-(dist + EPS)), 0.0)
    out_ref[...] = jnp.reshape(jnp.sum(terms), (1, 1))


def _tc_loss(sums8, tcsums, counts):
    return pl.pallas_call(
        _loss_body,
        out_shape=jax.ShapeDtypeStruct((1, 1), jnp.float32),
    )(sums8, tcsums, counts)


def kernel(features, labels):
    labels = labels.astype(jnp.int32)
    zacc = jnp.zeros((NUM_CLASSES, COLS_PT), jnp.float32)
    zhist = jnp.zeros((NUM_CLASSES, CNTW), jnp.float32)
    sums8, counts = _make_sc_kernel()(features, labels, zacc, zhist)
    lab3d = labels.reshape(N_ROWS // TC_BLK, 1, TC_BLK)
    tcsums = _tc_partial(lab3d, features)
    loss = _tc_loss(sums8, tcsums, counts)
    return loss[0, 0]

# --- scband reference (transcript-rebuilt; emitter-appended) ---
"""Pipeline reference for scband-inter-class-separation-loss-7696581394563 (READ-ONLY COPY).

The authoritative reference and input builder live on the scoring server;
editing this copy changes nothing except your own understanding.
"""

import jax, jax.numpy as jnp
import numpy as np

NUM_CLASSES = 256
FEATURE_DIM = 512
N = 32768
EPS = 1e-08


def setup_inputs(seed: int = 0) -> dict:
    key = jax.random.key(seed)
    k1, k2 = jax.random.split(key)
    features = jax.random.normal(k1, (N, FEATURE_DIM), dtype=jnp.float32)
    labels = jax.random.randint(k2, (N,), 0, NUM_CLASSES, dtype=jnp.int64)
    return {"features": features, "labels": labels}


def reference(features, labels):
    # Per-class sums and counts (scatter-add / segment_sum maps to SparseCore)
    ones = jnp.ones((features.shape[0],), dtype=features.dtype)
    counts = jax.ops.segment_sum(ones, labels, num_segments=NUM_CLASSES)
    sums = jax.ops.segment_sum(features, labels, num_segments=NUM_CLASSES)
    present = counts > 0
    safe_counts = jnp.maximum(counts, 1.0)
    # centroids[i] = mean(features[labels==i]) if count>0 else zeros (matches torch init)
    centroids = jnp.where(present[:, None], sums / safe_counts[:, None], 0.0)

    # Pairwise: loop over i<j with both classes present
    diff = centroids[:, None, :] - centroids[None, :, :]
    dist_sq = jnp.sum(diff * diff, axis=-1)
    idx = jnp.arange(NUM_CLASSES)
    upper = idx[:, None] < idx[None, :]
    valid = upper & present[:, None] & present[None, :]
    # double-where trick to keep sqrt numerically safe on masked entries
    safe_sq = jnp.where(valid, dist_sq, 1.0)
    distance = jnp.sqrt(safe_sq) / 16.0
    terms = jnp.where(valid, jnp.exp(-(distance + EPS)), 0.0)
    loss = jnp.sum(terms)
    return loss

if __name__ == "__main__":
    import jax
    _d = setup_inputs()
    print(jax.jit(kernel)(*tuple(_d.values())))

</pallas_src>

<mosaic_0001>
#map = affine_map<(d0, d1) -> (0, 0)>
#map1 = affine_map<(d0, d1) -> (0)>
#map2 = affine_map<(d0, d1) -> (0, 0, 0)>
module attributes {stable_mosaic.version = 14 : i64} {
  func.func @_sc_body(%arg0: i32, %arg1: i32, %arg2: memref<32768x512xf32, #tpu.memory_space<hbm>>, %arg3: memref<32768xi32, #tpu.memory_space<hbm>>, %arg4: memref<256x128xf32, #tpu.memory_space<hbm>>, %arg5: memref<256x16xf32, #tpu.memory_space<hbm>>, %arg6: memref<8x256x512xf32, #tpu.memory_space<hbm>>, %arg7: memref<32x256x16xf32, #tpu.memory_space<hbm>>, %arg8: memref<768xi32, #tpu.memory_space<vmem>>, %arg9: memref<1024xi32, #tpu.memory_space<vmem>>, %arg10: memref<256x128xf32, #tpu.memory_space<vmem>>, %arg11: memref<256x16xf32, #tpu.memory_space<vmem>>, %arg12: memref<128x128xf32, #tpu.memory_space<vmem>>, %arg13: memref<128x128xf32, #tpu.memory_space<vmem>>, %arg14: memref<!tpu.dma_semaphore, #tpu.memory_space<semaphore_mem>>, %arg15: memref<!tpu.dma_semaphore, #tpu.memory_space<semaphore_mem>>) attributes {dimension_semantics = [#tpu.dimension_semantics<core_parallel>, #tpu.dimension_semantics<subcore_parallel>], iteration_bounds = array<i64: 2, 16>, scalar_prefetch = 0 : i64, scratch_operands = 8 : i64, tpu.core_type = #tpu.core_type<sc_vector_subcore>, window_params = [{transform_indices = #map}, {transform_indices = #map1}, {transform_indices = #map}, {transform_indices = #map}, {transform_indices = #map2}, {transform_indices = #map2}]} {
    %jit3A = arith.constant 8 : i32
    %eq3A = arith.constant 0 : i32
    %eq3A_0 = arith.cmpi eq, %jit3A, %eq3A : i32
    %jit3A_1 = arith.constant 1 : i32
    %select_n3A = arith.select %eq3A_0, %jit3A_1, %jit3A : i32
    %rem3A = arith.remsi %arg1, %select_n3A : i32
    %ne3A = arith.constant 0 : i32
    %ne3A_2 = arith.cmpi ne, %rem3A, %ne3A : i32
    %lt3A = arith.constant 0 : i32
    %lt3A_3 = arith.cmpi slt, %rem3A, %lt3A : i32
    %lt3A_4 = arith.constant 0 : i32
    %lt3A_5 = arith.cmpi slt, %select_n3A, %lt3A_4 : i32
    %ne3A_6 = arith.xori %lt3A_3, %lt3A_5 : i1
    %and3A = arith.andi %ne3A_6, %ne3A_2 : i1
    %add3A = arith.addi %rem3A, %select_n3A : i32
    %select_n3A_7 = arith.select %and3A, %add3A, %rem3A : i32
    %mul3A = arith.constant 2 : i32
    %mul3A_8 = arith.muli %arg0, %mul3A : i32
    %jit3A_9 = arith.constant 8 : i32
    %div3A = arith.divsi %arg1, %jit3A_9 : i32
    %sign3A = arith.constant 0 : i32
    %sign3A_10 = arith.cmpi sgt, %arg1, %sign3A : i32
    %sign3A_11 = arith.extui %sign3A_10 : i1 to i32
    %sign3A_12 = arith.constant 0 : i32
    %sign3A_13 = arith.cmpi slt, %arg1, %sign3A_12 : i32
    %sign3A_14 = arith.extui %sign3A_13 : i1 to i32
    %sign3A_15 = arith.subi %sign3A_11, %sign3A_14 : i32
    %sign3A_16 = arith.constant 0 : i32
    %sign3A_17 = arith.cmpi sgt, %jit3A_9, %sign3A_16 : i32
    %sign3A_18 = arith.extui %sign3A_17 : i1 to i32
    %sign3A_19 = arith.constant 0 : i32
    %sign3A_20 = arith.cmpi slt, %jit3A_9, %sign3A_19 : i32
    %sign3A_21 = arith.extui %sign3A_20 : i1 to i32
    %sign3A_22 = arith.subi %sign3A_18, %sign3A_21 : i32
    %ne3A_23 = arith.cmpi ne, %sign3A_15, %sign3A_22 : i32
    %rem3A_24 = arith.remsi %arg1, %jit3A_9 : i32
    %ne3A_25 = arith.constant 0 : i32
    %ne3A_26 = arith.cmpi ne, %rem3A_24, %ne3A_25 : i32
    %and3A_27 = arith.andi %ne3A_23, %ne3A_26 : i1
    %sub3A = arith.constant 1 : i32
    %sub3A_28 = arith.subi %div3A, %sub3A : i32
    %select_n3A_29 = arith.select %and3A_27, %sub3A_28, %div3A : i32
    %add3A_30 = arith.addi %mul3A_8, %select_n3A_29 : i32
    %mul3A_31 = arith.constant 4 : i32
    %mul3A_32 = arith.muli %select_n3A_7, %mul3A_31 : i32
    %add3A_33 = arith.addi %mul3A_32, %add3A_30 : i32
    %mul3A_34 = arith.constant 768 : i32
    %mul3A_35 = arith.muli %select_n3A_7, %mul3A_34 : i32
    %add3A_36 = arith.constant 26624 : i32
    %add3A_37 = arith.addi %add3A_36, %mul3A_35 : i32
    %mul3A_38 = arith.constant 128 : i32
    %mul3A_39 = arith.muli %add3A_30, %mul3A_38 : i32
    "tpu.region"() ({
      %run_scoped3A = tpu.sem_alloc : memref<!tpu.dma_semaphore, #tpu.memory_space<semaphore_mem>>
      %dma_start3A_85 = tpu.memref_slice %arg3[%add3A_37] : memref<32768xi32, #tpu.memory_space<hbm>> -> memref<768xi32, #tpu.memory_space<hbm>>
      %dma_start3A_86 = tpu.memref_slice %arg3[%add3A_37] : memref<32768xi32, #tpu.memory_space<hbm>> -> memref<768xi32, #tpu.memory_space<hbm>>
      tpu.enqueue_dma source(%dma_start3A_86 : memref<768xi32, #tpu.memory_space<hbm>>) target(%arg8 : memref<768xi32, #tpu.memory_space<vmem>>) target_semaphore(%run_scoped3A : memref<!tpu.dma_semaphore, #tpu.memory_space<semaphore_mem>>)
      %dma_wait3A = tpu.memref_slice %arg3[%add3A_37] : memref<32768xi32, #tpu.memory_space<hbm>> -> memref<768xi32, #tpu.memory_space<hbm>>
      %dma_wait3A_87 = tpu.memref_slice %arg3[%add3A_37] : memref<32768xi32, #tpu.memory_space<hbm>> -> memref<768xi32, #tpu.memory_space<hbm>>
      tpu.wait_dma2 semaphore(%run_scoped3A : memref<!tpu.dma_semaphore, #tpu.memory_space<semaphore_mem>>) src(%dma_wait3A_87 : memref<768xi32, #tpu.memory_space<hbm>>) dst(%arg8 : memref<768xi32, #tpu.memory_space<vmem>>)
      tpu.yield
    }) : () -> ()
    %mul3A_40 = arith.constant 1024 : i32
    %mul3A_41 = arith.muli %add3A_33, %mul3A_40 : i32
    "tpu.region"() ({
      %run_scoped3A = tpu.sem_alloc : memref<!tpu.dma_semaphore, #tpu.memory_space<semaphore_mem>>
      %dma_start3A_85 = tpu.memref_slice %arg3[%mul3A_41] : memref<32768xi32, #tpu.memory_space<hbm>> -> memref<1024xi32, #tpu.memory_space<hbm>>
      %dma_start3A_86 = tpu.memref_slice %arg3[%mul3A_41] : memref<32768xi32, #tpu.memory_space<hbm>> -> memref<1024xi32, #tpu.memory_space<hbm>>
      tpu.enqueue_dma source(%dma_start3A_86 : memref<1024xi32, #tpu.memory_space<hbm>>) target(%arg9 : memref<1024xi32, #tpu.memory_space<vmem>>) target_semaphore(%run_scoped3A : memref<!tpu.dma_semaphore, #tpu.memory_space<semaphore_mem>>)
      %dma_wait3A = tpu.memref_slice %arg3[%mul3A_41] : memref<32768xi32, #tpu.memory_space<hbm>> -> memref<1024xi32, #tpu.memory_space<hbm>>
      %dma_wait3A_87 = tpu.memref_slice %arg3[%mul3A_41] : memref<32768xi32, #tpu.memory_space<hbm>> -> memref<1024xi32, #tpu.memory_space<hbm>>
      tpu.wait_dma2 semaphore(%run_scoped3A : memref<!tpu.dma_semaphore, #tpu.memory_space<semaphore_mem>>) src(%dma_wait3A_87 : memref<1024xi32, #tpu.memory_space<hbm>>) dst(%arg9 : memref<1024xi32, #tpu.memory_space<vmem>>)
      tpu.yield
    }) : () -> ()
    "tpu.region"() ({
      %run_scoped3A = tpu.sem_alloc : memref<!tpu.dma_semaphore, #tpu.memory_space<semaphore_mem>>
      tpu.enqueue_dma source(%arg4 : memref<256x128xf32, #tpu.memory_space<hbm>>) target(%arg10 : memref<256x128xf32, #tpu.memory_space<vmem>>) target_semaphore(%run_scoped3A : memref<!tpu.dma_semaphore, #tpu.memory_space<semaphore_mem>>)
      tpu.wait_dma2 semaphore(%run_scoped3A : memref<!tpu.dma_semaphore, #tpu.memory_space<semaphore_mem>>) src(%arg4 : memref<256x128xf32, #tpu.memory_space<hbm>>) dst(%arg10 : memref<256x128xf32, #tpu.memory_space<vmem>>)
      tpu.yield
    }) : () -> ()
    "tpu.region"() ({
      %run_scoped3A = tpu.sem_alloc : memref<!tpu.dma_semaphore, #tpu.memory_space<semaphore_mem>>
      tpu.enqueue_dma source(%arg5 : memref<256x16xf32, #tpu.memory_space<hbm>>) target(%arg11 : memref<256x16xf32, #tpu.memory_space<vmem>>) target_semaphore(%run_scoped3A : memref<!tpu.dma_semaphore, #tpu.memory_space<semaphore_mem>>)
      tpu.wait_dma2 semaphore(%run_scoped3A : memref<!tpu.dma_semaphore, #tpu.memory_space<semaphore_mem>>) src(%arg5 : memref<256x16xf32, #tpu.memory_space<hbm>>) dst(%arg11 : memref<256x16xf32, #tpu.memory_space<vmem>>)
      tpu.yield
    }) : () -> ()
    %iota3A = tpu.iota {dimensions = array<i32: 0>} : vector<16xi32>
    %add3A_42 = arith.constant 0 : i32
    %add3A_43 = vector.broadcast %add3A_42 : i32 to vector<16xi32>
    %add3A_44 = arith.addi %iota3A, %add3A_43 : vector<16xi32>
    %iota3A_45 = tpu.iota {dimensions = array<i32: 0>} : vector<16xi32>
    %add3A_46 = arith.constant 16 : i32
    %add3A_47 = vector.broadcast %add3A_46 : i32 to vector<16xi32>
    %add3A_48 = arith.addi %iota3A_45, %add3A_47 : vector<16xi32>
    %iota3A_49 = tpu.iota {dimensions = array<i32: 0>} : vector<16xi32>
    %add3A_50 = arith.constant 32 : i32
    %add3A_51 = vector.broadcast %add3A_50 : i32 to vector<16xi32>
    %add3A_52 = arith.addi %iota3A_49, %add3A_51 : vector<16xi32>
    %iota3A_53 = tpu.iota {dimensions = array<i32: 0>} : vector<16xi32>
    %add3A_54 = arith.constant 48 : i32
    %add3A_55 = vector.broadcast %add3A_54 : i32 to vector<16xi32>
    %add3A_56 = arith.addi %iota3A_53, %add3A_55 : vector<16xi32>
    %iota3A_57 = tpu.iota {dimensions = array<i32: 0>} : vector<16xi32>
    %add3A_58 = arith.constant 64 : i32
    %add3A_59 = vector.broadcast %add3A_58 : i32 to vector<16xi32>
    %add3A_60 = arith.addi %iota3A_57, %add3A_59 : vector<16xi32>
    %iota3A_61 = tpu.iota {dimensions = array<i32: 0>} : vector<16xi32>
    %add3A_62 = arith.constant 80 : i32
    %add3A_63 = vector.broadcast %add3A_62 : i32 to vector<16xi32>
    %add3A_64 = arith.addi %iota3A_61, %add3A_63 : vector<16xi32>
    %iota3A_65 = tpu.iota {dimensions = array<i32: 0>} : vector<16xi32>
    %add3A_66 = arith.constant 96 : i32
    %add3A_67 = vector.broadcast %add3A_66 : i32 to vector<16xi32>
    %add3A_68 = arith.addi %iota3A_65, %add3A_67 : vector<16xi32>
    %iota3A_69 = tpu.iota {dimensions = array<i32: 0>} : vector<16xi32>
    %add3A_70 = arith.constant 112 : i32
    %add3A_71 = vector.broadcast %add3A_70 : i32 to vector<16xi32>
    %add3A_72 = arith.addi %iota3A_69, %add3A_71 : vector<16xi32>
    %iota3A_73 = tpu.iota {dimensions = array<i32: 0>} : vector<16xi32>
    %broadcast_in_dim3A = arith.constant 1.000000e+00 : f32
    %broadcast_in_dim3A_74 = vector.broadcast %broadcast_in_dim3A : f32 to vector<16xf32>
    %add3A_75 = arith.constant 0 : i32
    %add3A_76 = arith.addi %add3A_37, %add3A_75 : i32
    %dma_start3A = tpu.memref_slice %arg2[%add3A_76, %mul3A_39] : memref<32768x512xf32, #tpu.memory_space<hbm>> -> memref<128x128xf32, #tpu.memory_space<hbm>>
    %dma_start3A_77 = tpu.memref_slice %arg2[%add3A_76, %mul3A_39] : memref<32768x512xf32, #tpu.memory_space<hbm>> -> memref<128x128xf32, #tpu.memory_space<hbm>>
    tpu.enqueue_dma source(%dma_start3A_77 : memref<128x128xf32, #tpu.memory_space<hbm>>) target(%arg12 : memref<128x128xf32, #tpu.memory_space<vmem>>) target_semaphore(%arg14 : memref<!tpu.dma_semaphore, #tpu.memory_space<semaphore_mem>>)
    %parallel_loop3A = arith.constant 0 : i32
    %parallel_loop3A_78 = arith.constant 64 : i32
    %parallel_loop3A_79 = arith.constant 1 : i32
    scf.for %parallel_loop3A_85 = %parallel_loop3A to %parallel_loop3A_78 step %parallel_loop3A_79  : i32 {
      %parallel_loop3A_86 = arith.constant 16 : i32
      %parallel_loop3A_87 = arith.muli %parallel_loop3A_85, %parallel_loop3A_86 : i32
      %parallel_loop3A_88 = arith.index_cast %parallel_loop3A_87 : i32 to index
      %parallel_loop3A_89 = tpu.vector_load %arg9[%parallel_loop3A_88] {strides = array<i32>} : memref<1024xi32, #tpu.memory_space<vmem>>, vector<16xi32>,
      tpu.vector_store_idx %arg11[%parallel_loop3A_89, %iota3A_73], %broadcast_in_dim3A_74 {add = true} : memref<256x16xf32, #tpu.memory_space<vmem>>[vector<16xi32>, vector<16xi32>], vector<16xf32>,
    } {sc.loop_unroll_factor = 4 : i64, sc.parallel_access}
    %scan3A = arith.constant 0 : i32
    %scan3A_80 = arith.constant 0 : i32
    %scan3A_81 = arith.constant 3 : i32
    %scan3A_82 = arith.addi %scan3A_80, %scan3A_81 : i32
    %scan3A_83 = arith.constant 1 : i32
    scf.for %scan3A_85 = %scan3A_80 to %scan3A_82 step %scan3A_83  : i32 {
      %mul3A_86 = arith.constant 2 : i32
      %mul3A_87 = arith.muli %mul3A_86, %scan3A_85 : i32
      %mul3A_88 = arith.constant 128 : i32
      %mul3A_89 = arith.muli %mul3A_87, %mul3A_88 : i32
      %add3A_90 = arith.addi %add3A_37, %mul3A_89 : i32
      %dma_wait3A = tpu.memref_slice %arg2[%add3A_90, %mul3A_39] : memref<32768x512xf32, #tpu.memory_space<hbm>> -> memref<128x128xf32, #tpu.memory_space<hbm>>
      %dma_wait3A_91 = tpu.memref_slice %arg2[%add3A_90, %mul3A_39] : memref<32768x512xf32, #tpu.memory_space<hbm>> -> memref<128x128xf32, #tpu.memory_space<hbm>>
      tpu.wait_dma2 semaphore(%arg14 : memref<!tpu.dma_semaphore, #tpu.memory_space<semaphore_mem>>) src(%dma_wait3A_91 : memref<128x128xf32, #tpu.memory_space<hbm>>) dst(%arg12 : memref<128x128xf32, #tpu.memory_space<vmem>>)
      %add3A_92 = arith.constant 1 : i32
      %add3A_93 = arith.addi %mul3A_87, %add3A_92 : i32
      %lt3A_94 = arith.constant 6 : i32
      %lt3A_95 = arith.cmpi slt, %add3A_93, %lt3A_94 : i32
      %convert_element_type3A = arith.extui %lt3A_95 : i1 to i32
      %cond3A = arith.constant 0 : i32
      %cond3A_96 = arith.cmpi ne, %convert_element_type3A, %cond3A : i32
      scf.if %cond3A_96 {
        %add3A_119 = arith.constant 1 : i32
        %add3A_120 = arith.addi %mul3A_87, %add3A_119 : i32
        %mul3A_121 = arith.constant 128 : i32
        %mul3A_122 = arith.muli %add3A_120, %mul3A_121 : i32
        %add3A_123 = arith.addi %add3A_37, %mul3A_122 : i32
        %dma_start3A_124 = tpu.memref_slice %arg2[%add3A_123, %mul3A_39] : memref<32768x512xf32, #tpu.memory_space<hbm>> -> memref<128x128xf32, #tpu.memory_space<hbm>>
        %dma_start3A_125 = tpu.memref_slice %arg2[%add3A_123, %mul3A_39] : memref<32768x512xf32, #tpu.memory_space<hbm>> -> memref<128x128xf32, #tpu.memory_space<hbm>>
        tpu.enqueue_dma source(%dma_start3A_125 : memref<128x128xf32, #tpu.memory_space<hbm>>) target(%arg13 : memref<128x128xf32, #tpu.memory_space<vmem>>) target_semaphore(%arg15 : memref<!tpu.dma_semaphore, #tpu.memory_space<semaphore_mem>>)
      } else {
      }
      %parallel_loop3A_97 = arith.constant 0 : i32
      %parallel_loop3A_98 = arith.constant 8 : i32
      %parallel_loop3A_99 = arith.constant 1 : i32
      scf.for %parallel_loop3A_119 = %parallel_loop3A_97 to %parallel_loop3A_98 step %parallel_loop3A_99  : i32 {
        %parallel_loop3A_120 = arith.constant 128 : i32
        %parallel_loop3A_121 = arith.muli %mul3A_87, %parallel_loop3A_120 : i32
        %parallel_loop3A_122 = arith.constant 16 : i32
        %parallel_loop3A_123 = arith.muli %parallel_loop3A_119, %parallel_loop3A_122 : i32
        %parallel_loop3A_124 = arith.addi %parallel_loop3A_121, %parallel_loop3A_123 : i32
        %parallel_loop3A_125 = arith.index_cast %parallel_loop3A_124 : i32 to index
        %parallel_loop3A_126 = tpu.vector_load %arg8[%parallel_loop3A_125] {strides = array<i32>} : memref<768xi32, #tpu.memory_space<vmem>>, vector<16xi32>,
        %parallel_loop3A_127 = arith.constant 0 : i32
        %parallel_loop3A_128 = vector.broadcast %parallel_loop3A_127 : i32 to vector<16x1xi32>
        %parallel_loop3A_129 = vector.shape_cast %parallel_loop3A_128 : vector<16x1xi32> to vector<16xi32>
        %parallel_loop3A_130 = tpu.dynamic_gather %parallel_loop3A_126[%parallel_loop3A_129] in [0] : vector<16xi32>, vector<16xi32> -> vector<16xi32>
        %parallel_loop3A_131 = arith.constant 16 : i32
        %parallel_loop3A_132 = arith.muli %parallel_loop3A_119, %parallel_loop3A_131 : i32
        %parallel_loop3A_133 = arith.constant 0 : i32
        %parallel_loop3A_134 = arith.addi %parallel_loop3A_132, %parallel_loop3A_133 : i32
        %parallel_loop3A_135 = arith.index_cast %parallel_loop3A_134 : i32 to index
        %parallel_loop3A_136 = arith.constant 0 : index
        %parallel_loop3A_137 = tpu.vector_load %arg12[%parallel_loop3A_135, %parallel_loop3A_136] {strides = array<i32>} : memref<128x128xf32, #tpu.memory_space<vmem>>, vector<16xf32>,
        tpu.vector_store_idx %arg10[%parallel_loop3A_130, %add3A_44], %parallel_loop3A_137 {add = true} : memref<256x128xf32, #tpu.memory_space<vmem>>[vector<16xi32>, vector<16xi32>], vector<16xf32>,
        %parallel_loop3A_138 = arith.index_cast %parallel_loop3A_134 : i32 to index
        %parallel_loop3A_139 = arith.constant 16 : index
        %parallel_loop3A_140 = tpu.vector_load %arg12[%parallel_loop3A_138, %parallel_loop3A_139] {strides = array<i32>} : memref<128x128xf32, #tpu.memory_space<vmem>>, vector<16xf32>,
        tpu.vector_store_idx %arg10[%parallel_loop3A_130, %add3A_48], %parallel_loop3A_140 {add = true} : memref<256x128xf32, #tpu.memory_space<vmem>>[vector<16xi32>, vector<16xi32>], vector<16xf32>,
        %parallel_loop3A_141 = arith.index_cast %parallel_loop3A_134 : i32 to index
        %parallel_loop3A_142 = arith.constant 32 : index
        %parallel_loop3A_143 = tpu.vector_load %arg12[%parallel_loop3A_141, %parallel_loop3A_142] {strides = array<i32>} : memref<128x128xf32, #tpu.memory_space<vmem>>, vector<16xf32>,
        tpu.vector_store_idx %arg10[%parallel_loop3A_130, %add3A_52], %parallel_loop3A_143 {add = true} : memref<256x128xf32, #tpu.memory_space<vmem>>[vector<16xi32>, vector<16xi32>], vector<16xf32>,
        %parallel_loop3A_144 = arith.index_cast %parallel_loop3A_134 : i32 to index
        %parallel_loop3A_145 = arith.constant 48 : index
        %parallel_loop3A_146 = tpu.vector_load %arg12[%parallel_loop3A_144, %parallel_loop3A_145] {strides = array<i32>} : memref<128x128xf32, #tpu.memory_space<vmem>>, vector<16xf32>,
        tpu.vector_store_idx %arg10[%parallel_loop3A_130, %add3A_56], %parallel_loop3A_146 {add = true} : memref<256x128xf32, #tpu.memory_space<vmem>>[vector<16xi32>, vector<16xi32>], vector<16xf32>,
        %parallel_loop3A_147 = arith.index_cast %parallel_loop3A_134 : i32 to index
        %parallel_loop3A_148 = arith.constant 64 : index
        %parallel_loop3A_149 = tpu.vector_load %arg12[%parallel_loop3A_147, %parallel_loop3A_148] {strides = array<i32>} : memref<128x128xf32, #tpu.memory_space<vmem>>, vector<16xf32>,
        tpu.vector_store_idx %arg10[%parallel_loop3A_130, %add3A_60], %parallel_loop3A_149 {add = true} : memref<256x128xf32, #tpu.memory_space<vmem>>[vector<16xi32>, vector<16xi32>], vector<16xf32>,
        %parallel_loop3A_150 = arith.index_cast %parallel_loop3A_134 : i32 to index
        %parallel_loop3A_151 = arith.constant 80 : index
        %parallel_loop3A_152 = tpu.vector_load %arg12[%parallel_loop3A_150, %parallel_loop3A_151] {strides = array<i32>} : memref<128x128xf32, #tpu.memory_space<vmem>>, vector<16xf32>,
        tpu.vector_store_idx %arg10[%parallel_loop3A_130, %add3A_64], %parallel_loop3A_152 {add = true} : memref<256x128xf32, #tpu.memory_space<vmem>>[vector<16xi32>, vector<16xi32>], vector<16xf32>,
        %parallel_loop3A_153 = arith.index_cast %parallel_loop3A_134 : i32 to index
        %parallel_loop3A_154 = arith.constant 96 : index
        %parallel_loop3A_155 = tpu.vector_load %arg12[%parallel_loop3A_153, %parallel_loop3A_154] {strides = array<i32>} : memref<128x128xf32, #tpu.memory_space<vmem>>, vector<16xf32>,
        tpu.vector_store_idx %arg10[%parallel_loop3A_130, %add3A_68], %parallel_loop3A_155 {add = true} : memref<256x128xf32, #tpu.memory_space<vmem>>[vector<16xi32>, vector<16xi32>], vector<16xf32>,
        %parallel_loop3A_156 = arith.index_cast %parallel_loop3A_134 : i32 to index
        %parallel_loop3A_157 = arith.constant 112 : index
        %parallel_loop3A_158 = tpu.vector_load %arg12[%parallel_loop3A_156, %parallel_loop3A_157] {strides = array<i32>} : memref<128x128xf32, #tpu.memory_space<vmem>>, vector<16xf32>,
        tpu.vector_store_idx %arg10[%parallel_loop3A_130, %add3A_72], %parallel_loop3A_158 {add = true} : memref<256x128xf32, #tpu.memory_space<vmem>>[vector<16xi32>, vector<16xi32>], vector<16xf32>,
        %parallel_loop3A_159 = arith.constant 1 : i32
        %parallel_loop3A_160 = vector.broadcast %parallel_loop3A_159 : i32 to vector<16x1xi32>
        %parallel_loop3A_161 = vector.shape_cast %parallel_loop3A_160 : vector<16x1xi32> to vector<16xi32>
        %parallel_loop3A_162 = tpu.dynamic_gather %parallel_loop3A_126[%parallel_loop3A_161] in [0] : vector<16xi32>, vector<16xi32> -> vector<16xi32>
        %parallel_loop3A_163 = arith.constant 16 : i32
        %parallel_loop3A_164 = arith.muli %parallel_loop3A_119, %parallel_loop3A_163 : i32
        %parallel_loop3A_165 = arith.constant 1 : i32
        %parallel_loop3A_166 = arith.addi %parallel_loop3A_164, %parallel_loop3A_165 : i32
        %parallel_loop3A_167 = arith.index_cast %parallel_loop3A_166 : i32 to index
        %parallel_loop3A_168 = arith.constant 0 : index
        %parallel_loop3A_169 = tpu.vector_load %arg12[%parallel_loop3A_167, %parallel_loop3A_168] {strides = array<i32>} : memref<128x128xf32, #tpu.memory_space<vmem>>, vector<16xf32>,
        tpu.vector_store_idx %arg10[%parallel_loop3A_162, %add3A_44], %parallel_loop3A_169 {add = true} : memref<256x128xf32, #tpu.memory_space<vmem>>[vector<16xi32>, vector<16xi32>], vector<16xf32>,
        %parallel_loop3A_170 = arith.index_cast %parallel_loop3A_166 : i32 to index
        %parallel_loop3A_171 = arith.constant 16 : index
        %parallel_loop3A_172 = tpu.vector_load %arg12[%parallel_loop3A_170, %parallel_loop3A_171] {strides = array<i32>} : memref<128x128xf32, #tpu.memory_space<vmem>>, vector<16xf32>,
        tpu.vector_store_idx %arg10[%parallel_loop3A_162, %add3A_48], %parallel_loop3A_172 {add = true} : memref<256x128xf32, #tpu.memory_space<vmem>>[vector<16xi32>, vector<16xi32>], vector<16xf32>,
        %parallel_loop3A_173 = arith.index_cast %parallel_loop3A_166 : i32 to index
        %parallel_loop3A_174 = arith.constant 32 : index
        %parallel_loop3A_175 = tpu.vector_load %arg12[%parallel_loop3A_173, %parallel_loop3A_174] {strides = array<i32>} : memref<128x128xf32, #tpu.memory_space<vmem>>, vector<16xf32>,
        tpu.vector_store_idx %arg10[%parallel_loop3A_162, %add3A_52], %parallel_loop3A_175 {add = true} : memref<256x128xf32, #tpu.memory_space<vmem>>[vector<16xi32>, vector<16xi32>], vector<16xf32>,
        %parallel_loop3A_176 = arith.index_cast %parallel_loop3A_166 : i32 to index
        %parallel_loop3A_177 = arith.constant 48 : index
        %parallel_loop3A_178 = tpu.vector_load %arg12[%parallel_loop3A_176, %parallel_loop3A_177] {strides = array<i32>} : memref<128x128xf32, #tpu.memory_space<vmem>>, vector<16xf32>,
        tpu.vector_store_idx %arg10[%parallel_loop3A_162, %add3A_56], %parallel_loop3A_178 {add = true} : memref<256x128xf32, #tpu.memory_space<vmem>>[vector<16xi32>, vector<16xi32>], vector<16xf32>,
        %parallel_loop3A_179 = arith.index_cast %parallel_loop3A_166 : i32 to index
        %parallel_loop3A_180 = arith.constant 64 : index
        %parallel_loop3A_181 = tpu.vector_load %arg12[%parallel_loop3A_179, %parallel_loop3A_180] {strides = array<i32>} : memref<128x128xf32, #tpu.memory_space<vmem>>, vector<16xf32>,
        tpu.vector_store_idx %arg10[%parallel_loop3A_162, %add3A_60], %parallel_loop3A_181 {add = true} : memref<256x128xf32, #tpu.memory_space<vmem>>[vector<16xi32>, vector<16xi32>], vector<16xf32>,
        %parallel_loop3A_182 = arith.index_cast %parallel_loop3A_166 : i32 to index
        %parallel_loop3A_183 = arith.constant 80 : index
        %parallel_loop3A_184 = tpu.vector_load %arg12[%parallel_loop3A_182, %parallel_loop3A_183] {strides = array<i32>} : memref<128x128xf32, #tpu.memory_space<vmem>>, vector<16xf32>,
        tpu.vector_store_idx %arg10[%parallel_loop3A_162, %add3A_64], %parallel_loop3A_184 {add = true} : memref<256x128xf32, #tpu.memory_space<vmem>>[vector<16xi32>, vector<16xi32>], vector<16xf32>,
        %parallel_loop3A_185 = arith.index_cast %parallel_loop3A_166 : i32 to index
        %parallel_loop3A_186 = arith.constant 96 : index
        %parallel_loop3A_187 = tpu.vector_load %arg12[%parallel_loop3A_185, %parallel_loop3A_186] {strides = array<i32>} : memref<128x128xf32, #tpu.memory_space<vmem>>, vector<16xf32>,
        tpu.vector_store_idx %arg10[%parallel_loop3A_162, %add3A_68], %parallel_loop3A_187 {add = true} : memref<256x128xf32, #tpu.memory_space<vmem>>[vector<16xi32>, vector<16xi32>], vector<16xf32>,
        %parallel_loop3A_188 = arith.index_cast %parallel_loop3A_166 : i32 to index
        %parallel_loop3A_189 = arith.constant 112 : index
        %parallel_loop3A_190 = tpu.vector_load %arg12[%parallel_loop3A_188, %parallel_loop3A_189] {strides = array<i32>} : memref<128x128xf32, #tpu.memory_space<vmem>>, vector<16xf32>,
        tpu.vector_store_idx %arg10[%parallel_loop3A_162, %add3A_72], %parallel_loop3A_190 {add = true} : memref<256x128xf32, #tpu.memory_space<vmem>>[vector<16xi32>, vector<16xi32>], vector<16xf32>,
        %parallel_loop3A_191 = arith.constant 2 : i32
        %parallel_loop3A_192 = vector.broadcast %parallel_loop3A_191 : i32 to vector<16x1xi32>
        %parallel_loop3A_193 = vector.shape_cast %parallel_loop3A_192 : vector<16x1xi32> to vector<16xi32>
        %parallel_loop3A_194 = tpu.dynamic_gather %parallel_loop3A_126[%parallel_loop3A_193] in [0] : vector<16xi32>, vector<16xi32> -> vector<16xi32>
        %parallel_loop3A_195 = arith.constant 16 : i32
        %parallel_loop3A_196 = arith.muli %parallel_loop3A_119, %parallel_loop3A_195 : i32
        %parallel_loop3A_197 = arith.constant 2 : i32
        %parallel_loop3A_198 = arith.addi %parallel_loop3A_196, %parallel_loop3A_197 : i32
        %parallel_loop3A_199 = arith.index_cast %parallel_loop3A_198 : i32 to index
        %parallel_loop3A_200 = arith.constant 0 : index
        %parallel_loop3A_201 = tpu.vector_load %arg12[%parallel_loop3A_199, %parallel_loop3A_200] {strides = array<i32>} : memref<128x128xf32, #tpu.memory_space<vmem>>, vector<16xf32>,
        tpu.vector_store_idx %arg10[%parallel_loop3A_194, %add3A_44], %parallel_loop3A_201 {add = true} : memref<256x128xf32, #tpu.memory_space<vmem>>[vector<16xi32>, vector<16xi32>], vector<16xf32>,
        %parallel_loop3A_202 = arith.index_cast %parallel_loop3A_198 : i32 to index
        %parallel_loop3A_203 = arith.constant 16 : index
        %parallel_loop3A_204 = tpu.vector_load %arg12[%parallel_loop3A_202, %parallel_loop3A_203] {strides = array<i32>} : memref<128x128xf32, #tpu.memory_space<vmem>>, vector<16xf32>,
        tpu.vector_store_idx %arg10[%parallel_loop3A_194, %add3A_48], %parallel_loop3A_204 {add = true} : memref<256x128xf32, #tpu.memory_space<vmem>>[vector<16xi32>, vector<16xi32>], vector<16xf32>,
        %parallel_loop3A_205 = arith.index_cast %parallel_loop3A_198 : i32 to index
        %parallel_loop3A_206 = arith.constant 32 : index
        %parallel_loop3A_207 = tpu.vector_load %arg12[%parallel_loop3A_205, %parallel_loop3A_206] {strides = array<i32>} : memref<128x128xf32, #tpu.memory_space<vmem>>, vector<16xf32>,
        tpu.vector_store_idx %arg10[%parallel_loop3A_194, %add3A_52], %parallel_loop3A_207 {add = true} : memref<256x128xf32, #tpu.memory_space<vmem>>[vector<16xi32>, vector<16xi32>], vector<16xf32>,
        %parallel_loop3A_208 = arith.index_cast %parallel_loop3A_198 : i32 to index
        %parallel_loop3A_209 = arith.constant 48 : index
        %parallel_loop3A_210 = tpu.vector_load %arg12[%parallel_loop3A_208, %parallel_loop3A_209] {strides = array<i32>} : memref<128x128xf32, #tpu.memory_space<vmem>>, vector<16xf32>,
        tpu.vector_store_idx %arg10[%parallel_loop3A_194, %add3A_56], %parallel_loop3A_210 {add = true} : memref<256x128xf32, #tpu.memory_space<vmem>>[vector<16xi32>, vector<16xi32>], vector<16xf32>,
        %parallel_loop3A_211 = arith.index_cast %parallel_loop3A_198 : i32 to index
        %parallel_loop3A_212 = arith.constant 64 : index
        %parallel_loop3A_213 = tpu.vector_load %arg12[%parallel_loop3A_211, %parallel_loop3A_212] {strides = array<i32>} : memref<128x128xf32, #tpu.memory_space<vmem>>, vector<16xf32>,
        tpu.vector_store_idx %arg10[%parallel_loop3A_194, %add3A_60], %parallel_loop3A_213 {add = true} : memref<256x128xf32, #tpu.memory_space<vmem>>[vector<16xi32>, vector<16xi32>], vector<16xf32>,
        %parallel_loop3A_214 = arith.index_cast %parallel_loop3A_198 : i32 to index
        %parallel_loop3A_215 = arith.constant 80 : index
        %parallel_loop3A_216 = tpu.vector_load %arg12[%parallel_loop3A_214, %parallel_loop3A_215] {strides = array<i32>} : memref<128x128xf32, #tpu.memory_space<vmem>>, vector<16xf32>,
        tpu.vector_store_idx %arg10[%parallel_loop3A_194, %add3A_64], %parallel_loop3A_216 {add = true} : memref<256x128xf32, #tpu.memory_space<vmem>>[vector<16xi32>, vector<16xi32>], vector<16xf32>,
        %parallel_loop3A_217 = arith.index_cast %parallel_loop3A_198 : i32 to index
        %parallel_loop3A_218 = arith.constant 96 : index
        %parallel_loop3A_219 = tpu.vector_load %arg12[%parallel_loop3A_217, %parallel_loop3A_218] {strides = array<i32>} : memref<128x128xf32, #tpu.memory_space<vmem>>, vector<16xf32>,
        tpu.vector_store_idx %arg10[%parallel_loop3A_194, %add3A_68], %parallel_loop3A_219 {add = true} : memref<256x128xf32, #tpu.memory_space<vmem>>[vector<16xi32>, vector<16xi32>], vector<16xf32>,
        %parallel_loop3A_220 = arith.index_cast %parallel_loop3A_198 : i32 to index
        %parallel_loop3A_221 = arith.constant 112 : index
        %parallel_loop3A_222 = tpu.vector_load %arg12[%parallel_loop3A_220, %parallel_loop3A_221] {strides = array<i32>} : memref<128x128xf32, #tpu.memory_space<vmem>>, vector<16xf32>,
        tpu.vector_store_idx %arg10[%parallel_loop3A_194, %add3A_72], %parallel_loop3A_222 {add = true} : memref<256x128xf32, #tpu.memory_space<vmem>>[vector<16xi32>, vector<16xi32>], vector<16xf32>,
        %parallel_loop3A_223 = arith.constant 3 : i32
        %parallel_loop3A_224 = vector.broadcast %parallel_loop3A_223 : i32 to vector<16x1xi32>
        %parallel_loop3A_225 = vector.shape_cast %parallel_loop3A_224 : vector<16x1xi32> to vector<16xi32>
        %parallel_loop3A_226 = tpu.dynamic_gather %parallel_loop3A_126[%parallel_loop3A_225] in [0] : vector<16xi32>, vector<16xi32> -> vector<16xi32>
        %parallel_loop3A_227 = arith.constant 16 : i32
        %parallel_loop3A_228 = arith.muli %parallel_loop3A_119, %parallel_loop3A_227 : i32
        %parallel_loop3A_229 = arith.constant 3 : i32
        %parallel_loop3A_230 = arith.addi %parallel_loop3A_228, %parallel_loop3A_229 : i32
        %parallel_loop3A_231 = arith.index_cast %parallel_loop3A_230 : i32 to index
        %parallel_loop3A_232 = arith.constant 0 : index
        %parallel_loop3A_233 = tpu.vector_load %arg12[%parallel_loop3A_231, %parallel_loop3A_232] {strides = array<i32>} : memref<128x128xf32, #tpu.memory_space<vmem>>, vector<16xf32>,
        tpu.vector_store_idx %arg10[%parallel_loop3A_226, %add3A_44], %parallel_loop3A_233 {add = true} : memref<256x128xf32, #tpu.memory_space<vmem>>[vector<16xi32>, vector<16xi32>], vector<16xf32>,
        %parallel_loop3A_234 = arith.index_cast %parallel_loop3A_230 : i32 to index
        %parallel_loop3A_235 = arith.constant 16 : index
        %parallel_loop3A_236 = tpu.vector_load %arg12[%parallel_loop3A_234, %parallel_loop3A_235] {strides = array<i32>} : memref<128x128xf32, #tpu.memory_space<vmem>>, vector<16xf32>,
        tpu.vector_store_idx %arg10[%parallel_loop3A_226, %add3A_48], %parallel_loop3A_236 {add = true} : memref<256x128xf32, #tpu.memory_space<vmem>>[vector<16xi32>, vector<16xi32>], vector<16xf32>,
        %parallel_loop3A_237 = arith.index_cast %parallel_loop3A_230 : i32 to index
        %parallel_loop3A_238 = arith.constant 32 : index
        %parallel_loop3A_239 = tpu.vector_load %arg12[%parallel_loop3A_237, %parallel_loop3A_238] {strides = array<i32>} : memref<128x128xf32, #tpu.memory_space<vmem>>, vector<16xf32>,
        tpu.vector_store_idx %arg10[%parallel_loop3A_226, %add3A_52], %parallel_loop3A_239 {add = true} : memref<256x128xf32, #tpu.memory_space<vmem>>[vector<16xi32>, vector<16xi32>], vector<16xf32>,
        %parallel_loop3A_240 = arith.index_cast %parallel_loop3A_230 : i32 to index
        %parallel_loop3A_241 = arith.constant 48 : index
        %parallel_loop3A_242 = tpu.vector_load %arg12[%parallel_loop3A_240, %parallel_loop3A_241] {strides = array<i32>} : memref<128x128xf32, #tpu.memory_space<vmem>>, vector<16xf32>,
        tpu.vector_store_idx %arg10[%parallel_loop3A_226, %add3A_56], %parallel_loop3A_242 {add = true} : memref<256x128xf32, #tpu.memory_space<vmem>>[vector<16xi32>, vector<16xi32>], vector<16xf32>,
        %parallel_loop3A_243 = arith.index_cast %parallel_loop3A_230 : i32 to index
        %parallel_loop3A_244 = arith.constant 64 : index
        %parallel_loop3A_245 = tpu.vector_load %arg12[%parallel_loop3A_243, %parallel_loop3A_244] {strides = array<i32>} : memref<128x128xf32, #tpu.memory_space<vmem>>, vector<16xf32>,
        tpu.vector_store_idx %arg10[%parallel_loop3A_226, %add3A_60], %parallel_loop3A_245 {add = true} : memref<256x128xf32, #tpu.memory_space<vmem>>[vector<16xi32>, vector<16xi32>], vector<16xf32>,
        %parallel_loop3A_246 = arith.index_cast %parallel_loop3A_230 : i32 to index
        %parallel_loop3A_247 = arith.constant 80 : index
        %parallel_loop3A_248 = tpu.vector_load %arg12[%parallel_loop3A_246, %parallel_loop3A_247] {strides = array<i32>} : memref<128x128xf32, #tpu.memory_space<vmem>>, vector<16xf32>,
        tpu.vector_store_idx %arg10[%parallel_loop3A_226, %add3A_64], %parallel_loop3A_248 {add = true} : memref<256x128xf32, #tpu.memory_space<vmem>>[vector<16xi32>, vector<16xi32>], vector<16xf32>,
        %parallel_loop3A_249 = arith.index_cast %parallel_loop3A_230 : i32 to index
        %parallel_loop3A_250 = arith.constant 96 : index
        %parallel_loop3A_251 = tpu.vector_load %arg12[%parallel_loop3A_249, %parallel_loop3A_250] {strides = array<i32>} : memref<128x128xf32, #tpu.memory_space<vmem>>, vector<16xf32>,
        tpu.vector_store_idx %arg10[%parallel_loop3A_226, %add3A_68], %parallel_loop3A_251 {add = true} : memref<256x128xf32, #tpu.memory_space<vmem>>[vector<16xi32>, vector<16xi32>], vector<16xf32>,
        %parallel_loop3A_252 = arith.index_cast %parallel_loop3A_230 : i32 to index
        %parallel_loop3A_253 = arith.constant 112 : index
        %parallel_loop3A_254 = tpu.vector_load %arg12[%parallel_loop3A_252, %parallel_loop3A_253] {strides = array<i32>} : memref<128x128xf32, #tpu.memory_space<vmem>>, vector<16xf32>,
        tpu.vector_store_idx %arg10[%parallel_loop3A_226, %add3A_72], %parallel_loop3A_254 {add = true} : memref<256x128xf32, #tpu.memory_space<vmem>>[vector<16xi32>, vector<16xi32>], vector<16xf32>,
        %parallel_loop3A_255 = arith.constant 4 : i32
        %parallel_loop3A_256 = vector.broadcast %parallel_loop3A_255 : i32 to vector<16x1xi32>
        %parallel_loop3A_257 = vector.shape_cast %parallel_loop3A_256 : vector<16x1xi32> to vector<16xi32>
        %parallel_loop3A_258 = tpu.dynamic_gather %parallel_loop3A_126[%parallel_loop3A_257] in [0] : vector<16xi32>, vector<16xi32> -> vector<16xi32>
        %parallel_loop3A_259 = arith.constant 16 : i32
        %parallel_loop3A_260 = arith.muli %parallel_loop3A_119, %parallel_loop3A_259 : i32
        %parallel_loop3A_261 = arith.constant 4 : i32
        %parallel_loop3A_262 = arith.addi %parallel_loop3A_260, %parallel_loop3A_261 : i32
        %parallel_loop3A_263 = arith.index_cast %parallel_loop3A_262 : i32 to index
        %parallel_loop3A_264 = arith.constant 0 : index
        %parallel_loop3A_265 = tpu.vector_load %arg12[%parallel_loop3A_263, %parallel_loop3A_264] {strides = array<i32>} : memref<128x128xf32, #tpu.memory_space<vmem>>, vector<16xf32>,
        tpu.vector_store_idx %arg10[%parallel_loop3A_258, %add3A_44], %parallel_loop3A_265 {add = true} : memref<256x128xf32, #tpu.memory_space<vmem>>[vector<16xi32>, vector<16xi32>], vector<16xf32>,
        %parallel_loop3A_266 = arith.index_cast %parallel_loop3A_262 : i32 to index
        %parallel_loop3A_267 = arith.constant 16 : index
        %parallel_loop3A_268 = tpu.vector_load %arg12[%parallel_loop3A_266, %parallel_loop3A_267] {strides = array<i32>} : memref<128x128xf32, #tpu.memory_space<vmem>>, vector<16xf32>,
        tpu.vector_store_idx %arg10[%parallel_loop3A_258, %add3A_48], %parallel_loop3A_268 {add = true} : memref<256x128xf32, #tpu.memory_space<vmem>>[vector<16xi32>, vector<16xi32>], vector<16xf32>,
        %parallel_loop3A_269 = arith.index_cast %parallel_loop3A_262 : i32 to index
        %parallel_loop3A_270 = arith.constant 32 : index
        %parallel_loop3A_271 = tpu.vector_load %arg12[%parallel_loop3A_269, %parallel_loop3A_270] {strides = array<i32>} : memref<128x128xf32, #tpu.memory_space<vmem>>, vector<16xf32>,
        tpu.vector_store_idx %arg10[%parallel_loop3A_258, %add3A_52], %parallel_loop3A_271 {add = true} : memref<256x128xf32, #tpu.memory_space<vmem>>[vector<16xi32>, vector<16xi32>], vector<16xf32>,
        %parallel_loop3A_272 = arith.index_cast %parallel_loop3A_262 : i32 to index
        %parallel_loop3A_273 = arith.constant 48 : index
        %parallel_loop3A_274 = tpu.vector_load %arg12[%parallel_loop3A_272, %parallel_loop3A_273] {strides = array<i32>} : memref<128x128xf32, #tpu.memory_space<vmem>>, vector<16xf32>,
        tpu.vector_store_idx %arg10[%parallel_loop3A_258, %add3A_56], %parallel_loop3A_274 {add = true} : memref<256x128xf32, #tpu.memory_space<vmem>>[vector<16xi32>, vector<16xi32>], vector<16xf32>,
        %parallel_loop3A_275 = arith.index_cast %parallel_loop3A_262 : i32 to index
        %parallel_loop3A_276 = arith.constant 64 : index
        %parallel_loop3A_277 = tpu.vector_load %arg12[%parallel_loop3A_275, %parallel_loop3A_276] {strides = array<i32>} : memref<128x128xf32, #tpu.memory_space<vmem>>, vector<16xf32>,
        tpu.vector_store_idx %arg10[%parallel_loop3A_258, %add3A_60], %parallel_loop3A_277 {add = true} : memref<256x128xf32, #tpu.memory_space<vmem>>[vector<16xi32>, vector<16xi32>], vector<16xf32>,
        %parallel_loop3A_278 = arith.index_cast %parallel_loop3A_262 : i32 to index
        %parallel_loop3A_279 = arith.constant 80 : index
        %parallel_loop3A_280 = tpu.vector_load %arg12[%parallel_loop3A_278, %parallel_loop3A_279] {strides = array<i32>} : memref<128x128xf32, #tpu.memory_space<vmem>>, vector<16xf32>,
        tpu.vector_store_idx %arg10[%parallel_loop3A_258, %add3A_64], %parallel_loop3A_280 {add = true} : memref<256x128xf32, #tpu.memory_space<vmem>>[vector<16xi32>, vector<16xi32>], vector<16xf32>,
        %parallel_loop3A_281 = arith.index_cast %parallel_loop3A_262 : i32 to index
        %parallel_loop3A_282 = arith.constant 96 : index
        %parallel_loop3A_283 = tpu.vector_load %arg12[%parallel_loop3A_281, %parallel_loop3A_282] {strides = array<i32>} : memref<128x128xf32, #tpu.memory_space<vmem>>, vector<16xf32>,
        tpu.vector_store_idx %arg10[%parallel_loop3A_258, %add3A_68], %parallel_loop3A_283 {add = true} : memref<256x128xf32, #tpu.memory_space<vmem>>[vector<16xi32>, vector<16xi32>], vector<16xf32>,
        %parallel_loop3A_284 = arith.index_cast %parallel_loop3A_262 : i32 to index
        %parallel_loop3A_285 = arith.constant 112 : index
        %parallel_loop3A_286 = tpu.vector_load %arg12[%parallel_loop3A_284, %parallel_loop3A_285] {strides = array<i32>} : memref<128x128xf32, #tpu.memory_space<vmem>>, vector<16xf32>,
        tpu.vector_store_idx %arg10[%parallel_loop3A_258, %add3A_72], %parallel_loop3A_286 {add = true} : memref<256x128xf32, #tpu.memory_space<vmem>>[vector<16xi32>, vector<16xi32>], vector<16xf32>,
        %parallel_loop3A_287 = arith.constant 5 : i32
        %parallel_loop3A_288 = vector.broadcast %parallel_loop3A_287 : i32 to vector<16x1xi32>
        %parallel_loop3A_289 = vector.shape_cast %parallel_loop3A_288 : vector<16x1xi32> to vector<16xi32>
        %parallel_loop3A_290 = tpu.dynamic_gather %parallel_loop3A_126[%parallel_loop3A_289] in [0] : vector<16xi32>, vector<16xi32> -> vector<16xi32>
        %parallel_loop3A_291 = arith.constant 16 : i32
        %parallel_loop3A_292 = arith.muli %parallel_loop3A_119, %parallel_loop3A_291 : i32
        %parallel_loop3A_293 = arith.constant 5 : i32
        %parallel_loop3A_294 = arith.addi %parallel_loop3A_292, %parallel_loop3A_293 : i32
        %parallel_loop3A_295 = arith.index_cast %parallel_loop3A_294 : i32 to index
        %parallel_loop3A_296 = arith.constant 0 : index
        %parallel_loop3A_297 = tpu.vector_load %arg12[%parallel_loop3A_295, %parallel_loop3A_296] {strides = array<i32>} : memref<128x128xf32, #tpu.memory_space<vmem>>, vector<16xf32>,
        tpu.vector_store_idx %arg10[%parallel_loop3A_290, %add3A_44], %parallel_loop3A_297 {add = true} : memref<256x128xf32, #tpu.memory_space<vmem>>[vector<16xi32>, vector<16xi32>], vector<16xf32>,
        %parallel_loop3A_298 = arith.index_cast %parallel_loop3A_294 : i32 to index
        %parallel_loop3A_299 = arith.constant 16 : index
        %parallel_loop3A_300 = tpu.vector_load %arg12[%parallel_loop3A_298, %parallel_loop3A_299] {strides = array<i32>} : memref<128x128xf32, #tpu.memory_space<vmem>>, vector<16xf32>,
        tpu.vector_store_idx %arg10[%parallel_loop3A_290, %add3A_48], %parallel_loop3A_300 {add = true} : memref<256x128xf32, #tpu.memory_space<vmem>>[vector<16xi32>, vector<16xi32>], vector<16xf32>,
        %parallel_loop3A_301 = arith.index_cast %parallel_loop3A_294 : i32 to index
        %parallel_loop3A_302 = arith.constant 32 : index
        %parallel_loop3A_303 = tpu.vector_load %arg12[%parallel_loop3A_301, %parallel_loop3A_302] {strides = array<i32>} : memref<128x128xf32, #tpu.memory_space<vmem>>, vector<16xf32>,
        tpu.vector_store_idx %arg10[%parallel_loop3A_290, %add3A_52], %parallel_loop3A_303 {add = true} : memref<256x128xf32, #tpu.memory_space<vmem>>[vector<16xi32>, vector<16xi32>], vector<16xf32>,
        %parallel_loop3A_304 = arith.index_cast %parallel_loop3A_294 : i32 to index
        %parallel_loop3A_305 = arith.constant 48 : index
        %parallel_loop3A_306 = tpu.vector_load %arg12[%parallel_loop3A_304, %parallel_loop3A_305] {strides = array<i32>} : memref<128x128xf32, #tpu.memory_space<vmem>>, vector<16xf32>,
        tpu.vector_store_idx %arg10[%parallel_loop3A_290, %add3A_56], %parallel_loop3A_306 {add = true} : memref<256x128xf32, #tpu.memory_space<vmem>>[vector<16xi32>, vector<16xi32>], vector<16xf32>,
        %parallel_loop3A_307 = arith.index_cast %parallel_loop3A_294 : i32 to index
        %parallel_loop3A_308 = arith.constant 64 : index
        %parallel_loop3A_309 = tpu.vector_load %arg12[%parallel_loop3A_307, %parallel_loop3A_308] {strides = array<i32>} : memref<128x128xf32, #tpu.memory_space<vmem>>, vector<16xf32>,
        tpu.vector_store_idx %arg10[%parallel_loop3A_290, %add3A_60], %parallel_loop3A_309 {add = true} : memref<256x128xf32, #tpu.memory_space<vmem>>[vector<16xi32>, vector<16xi32>], vector<16xf32>,
        %parallel_loop3A_310 = arith.index_cast %parallel_loop3A_294 : i32 to index
        %parallel_loop3A_311 = arith.constant 80 : index
        %parallel_loop3A_312 = tpu.vector_load %arg12[%parallel_loop3A_310, %parallel_loop3A_311] {strides = array<i32>} : memref<128x128xf32, #tpu.memory_space<vmem>>, vector<16xf32>,
        tpu.vector_store_idx %arg10[%parallel_loop3A_290, %add3A_64], %parallel_loop3A_312 {add = true} : memref<256x128xf32, #tpu.memory_space<vmem>>[vector<16xi32>, vector<16xi32>], vector<16xf32>,
        %parallel_loop3A_313 = arith.index_cast %parallel_loop3A_294 : i32 to index
        %parallel_loop3A_314 = arith.constant 96 : index
        %parallel_loop3A_315 = tpu.vector_load %arg12[%parallel_loop3A_313, %parallel_loop3A_314] {strides = array<i32>} : memref<128x128xf32, #tpu.memory_space<vmem>>, vector<16xf32>,
        tpu.vector_store_idx %arg10[%parallel_loop3A_290, %add3A_68], %parallel_loop3A_315 {add = true} : memref<256x128xf32, #tpu.memory_space<vmem>>[vector<16xi32>, vector<16xi32>], vector<16xf32>,
        %parallel_loop3A_316 = arith.index_cast %parallel_loop3A_294 : i32 to index
        %parallel_loop3A_317 = arith.constant 112 : index
        %parallel_loop3A_318 = tpu.vector_load %arg12[%parallel_loop3A_316, %parallel_loop3A_317] {strides = array<i32>} : memref<128x128xf32, #tpu.memory_space<vmem>>, vector<16xf32>,
        tpu.vector_store_idx %arg10[%parallel_loop3A_290, %add3A_72], %parallel_loop3A_318 {add = true} : memref<256x128xf32, #tpu.memory_space<vmem>>[vector<16xi32>, vector<16xi32>], vector<16xf32>,
        %parallel_loop3A_319 = arith.constant 6 : i32
        %parallel_loop3A_320 = vector.broadcast %parallel_loop3A_319 : i32 to vector<16x1xi32>
        %parallel_loop3A_321 = vector.shape_cast %parallel_loop3A_320 : vector<16x1xi32> to vector<16xi32>
        %parallel_loop3A_322 = tpu.dynamic_gather %parallel_loop3A_126[%parallel_loop3A_321] in [0] : vector<16xi32>, vector<16xi32> -> vector<16xi32>
        %parallel_loop3A_323 = arith.constant 16 : i32
        %parallel_loop3A_324 = arith.muli %parallel_loop3A_119, %parallel_loop3A_323 : i32
        %parallel_loop3A_325 = arith.constant 6 : i32
        %parallel_loop3A_326 = arith.addi %parallel_loop3A_324, %parallel_loop3A_325 : i32
        %parallel_loop3A_327 = arith.index_cast %parallel_loop3A_326 : i32 to index
        %parallel_loop3A_328 = arith.constant 0 : index
        %parallel_loop3A_329 = tpu.vector_load %arg12[%parallel_loop3A_327, %parallel_loop3A_328] {strides = array<i32>} : memref<128x128xf32, #tpu.memory_space<vmem>>, vector<16xf32>,
        tpu.vector_store_idx %arg10[%parallel_loop3A_322, %add3A_44], %parallel_loop3A_329 {add = true} : memref<256x128xf32, #tpu.memory_space<vmem>>[vector<16xi32>, vector<16xi32>], vector<16xf32>,
        %parallel_loop3A_330 = arith.index_cast %parallel_loop3A_326 : i32 to index
        %parallel_loop3A_331 = arith.constant 16 : index
        %parallel_loop3A_332 = tpu.vector_load %arg12[%parallel_loop3A_330, %parallel_loop3A_331] {strides = array<i32>} : memref<128x128xf32, #tpu.memory_space<vmem>>, vector<16xf32>,
        tpu.vector_store_idx %arg10[%parallel_loop3A_322, %add3A_48], %parallel_loop3A_332 {add = true} : memref<256x128xf32, #tpu.memory_space<vmem>>[vector<16xi32>, vector<16xi32>], vector<16xf32>,
        %parallel_loop3A_333 = arith.index_cast %parallel_loop3A_326 : i32 to index
        %parallel_loop3A_334 = arith.constant 32 : index
        %parallel_loop3A_335 = tpu.vector_load %arg12[%parallel_loop3A_333, %parallel_loop3A_334] {strides = array<i32>} : memref<128x128xf32, #tpu.memory_space<vmem>>, vector<16xf32>,
        tpu.vector_store_idx %arg10[%parallel_loop3A_322, %add3A_52], %parallel_loop3A_335 {add = true} : memref<256x128xf32, #tpu.memory_space<vmem>>[vector<16xi32>, vector<16xi32>], vector<16xf32>,
        %parallel_loop3A_336 = arith.index_cast %parallel_loop3A_326 : i32 to index
        %parallel_loop3A_337 = arith.constant 48 : index
        %parallel_loop3A_338 = tpu.vector_load %arg12[%parallel_loop3A_336, %parallel_loop3A_337] {strides = array<i32>} : memref<128x128xf32, #tpu.memory_space<vmem>>, vector<16xf32>,
        tpu.vector_store_idx %arg10[%parallel_loop3A_322, %add3A_56], %parallel_loop3A_338 {add = true} : memref<256x128xf32, #tpu.memory_space<vmem>>[vector<16xi32>, vector<16xi32>], vector<16xf32>,
        %parallel_loop3A_339 = arith.index_cast %parallel_loop3A_326 : i32 to index
        %parallel_loop3A_340 = arith.constant 64 : index
        %parallel_loop3A_341 = tpu.vector_load %arg12[%parallel_loop3A_339, %parallel_loop3A_340] {strides = array<i32>} : memref<128x128xf32, #tpu.memory_space<vmem>>, vector<16xf32>,
        tpu.vector_store_idx %arg10[%parallel_loop3A_322, %add3A_60], %parallel_loop3A_341 {add = true} : memref<256x128xf32, #tpu.memory_space<vmem>>[vector<16xi32>, vector<16xi32>], vector<16xf32>,
        %parallel_loop3A_342 = arith.index_cast %parallel_loop3A_326 : i32 to index
        %parallel_loop3A_343 = arith.constant 80 : index
        %parallel_loop3A_344 = tpu.vector_load %arg12[%parallel_loop3A_342, %parallel_loop3A_343] {strides = array<i32>} : memref<128x128xf32, #tpu.memory_space<vmem>>, vector<16xf32>,
        tpu.vector_store_idx %arg10[%parallel_loop3A_322, %add3A_64], %parallel_loop3A_344 {add = true} : memref<256x128xf32, #tpu.memory_space<vmem>>[vector<16xi32>, vector<16xi32>], vector<16xf32>,
        %parallel_loop3A_345 = arith.index_cast %parallel_loop3A_326 : i32 to index
        %parallel_loop3A_346 = arith.constant 96 : index
        %parallel_loop3A_347 = tpu.vector_load %arg12[%parallel_loop3A_345, %parallel_loop3A_346] {strides = array<i32>} : memref<128x128xf32, #tpu.memory_space<vmem>>, vector<16xf32>,
        tpu.vector_store_idx %arg10[%parallel_loop3A_322, %add3A_68], %parallel_loop3A_347 {add = true} : memref<256x128xf32, #tpu.memory_space<vmem>>[vector<16xi32>, vector<16xi32>], vector<16xf32>,
        %parallel_loop3A_348 = arith.index_cast %parallel_loop3A_326 : i32 to index
        %parallel_loop3A_349 = arith.constant 112 : index
        %parallel_loop3A_350 = tpu.vector_load %arg12[%parallel_loop3A_348, %parallel_loop3A_349] {strides = array<i32>} : memref<128x128xf32, #tpu.memory_space<vmem>>, vector<16xf32>,
        tpu.vector_store_idx %arg10[%parallel_loop3A_322, %add3A_72], %parallel_loop3A_350 {add = true} : memref<256x128xf32, #tpu.memory_space<vmem>>[vector<16xi32>, vector<16xi32>], vector<16xf32>,
        %parallel_loop3A_351 = arith.constant 7 : i32
        %parallel_loop3A_352 = vector.broadcast %parallel_loop3A_351 : i32 to vector<16x1xi32>
        %parallel_loop3A_353 = vector.shape_cast %parallel_loop3A_352 : vector<16x1xi32> to vector<16xi32>
        %parallel_loop3A_354 = tpu.dynamic_gather %parallel_loop3A_126[%parallel_loop3A_353] in [0] : vector<16xi32>, vector<16xi32> -> vector<16xi32>
        %parallel_loop3A_355 = arith.constant 16 : i32
        %parallel_loop3A_356 = arith.muli %parallel_loop3A_119, %parallel_loop3A_355 : i32
        %parallel_loop3A_357 = arith.constant 7 : i32
        %parallel_loop3A_358 = arith.addi %parallel_loop3A_356, %parallel_loop3A_357 : i32
        %parallel_loop3A_359 = arith.index_cast %parallel_loop3A_358 : i32 to index
        %parallel_loop3A_360 = arith.constant 0 : index
        %parallel_loop3A_361 = tpu.vector_load %arg12[%parallel_loop3A_359, %parallel_loop3A_360] {strides = array<i32>} : memref<128x128xf32, #tpu.memory_space<vmem>>, vector<16xf32>,
        tpu.vector_store_idx %arg10[%parallel_loop3A_354, %add3A_44], %parallel_loop3A_361 {add = true} : memref<256x128xf32, #tpu.memory_space<vmem>>[vector<16xi32>, vector<16xi32>], vector<16xf32>,
        %parallel_loop3A_362 = arith.index_cast %parallel_loop3A_358 : i32 to index
        %parallel_loop3A_363 = arith.constant 16 : index
        %parallel_loop3A_364 = tpu.vector_load %arg12[%parallel_loop3A_362, %parallel_loop3A_363] {strides = array<i32>} : memref<128x128xf32, #tpu.memory_space<vmem>>, vector<16xf32>,
        tpu.vector_store_idx %arg10[%parallel_loop3A_354, %add3A_48], %parallel_loop3A_364 {add = true} : memref<256x128xf32, #tpu.memory_space<vmem>>[vector<16xi32>, vector<16xi32>], vector<16xf32>,
        %parallel_loop3A_365 = arith.index_cast %parallel_loop3A_358 : i32 to index
        %parallel_loop3A_366 = arith.constant 32 : index
        %parallel_loop3A_367 = tpu.vector_load %arg12[%parallel_loop3A_365, %parallel_loop3A_366] {strides = array<i32>} : memref<128x128xf32, #tpu.memory_space<vmem>>, vector<16xf32>,
        tpu.vector_store_idx %arg10[%parallel_loop3A_354, %add3A_52], %parallel_loop3A_367 {add = true} : memref<256x128xf32, #tpu.memory_space<vmem>>[vector<16xi32>, vector<16xi32>], vector<16xf32>,
        %parallel_loop3A_368 = arith.index_cast %parallel_loop3A_358 : i32 to index
        %parallel_loop3A_369 = arith.constant 48 : index
        %parallel_loop3A_370 = tpu.vector_load %arg12[%parallel_loop3A_368, %parallel_loop3A_369] {strides = array<i32>} : memref<128x128xf32, #tpu.memory_space<vmem>>, vector<16xf32>,
        tpu.vector_store_idx %arg10[%parallel_loop3A_354, %add3A_56], %parallel_loop3A_370 {add = true} : memref<256x128xf32, #tpu.memory_space<vmem>>[vector<16xi32>, vector<16xi32>], vector<16xf32>,
        %parallel_loop3A_371 = arith.index_cast %parallel_loop3A_358 : i32 to index
        %parallel_loop3A_372 = arith.constant 64 : index
        %parallel_loop3A_373 = tpu.vector_load %arg12[%parallel_loop3A_371, %parallel_loop3A_372] {strides = array<i32>} : memref<128x128xf32, #tpu.memory_space<vmem>>, vector<16xf32>,
        tpu.vector_store_idx %arg10[%parallel_loop3A_354, %add3A_60], %parallel_loop3A_373 {add = true} : memref<256x128xf32, #tpu.memory_space<vmem>>[vector<16xi32>, vector<16xi32>], vector<16xf32>,
        %parallel_loop3A_374 = arith.index_cast %parallel_loop3A_358 : i32 to index
        %parallel_loop3A_375 = arith.constant 80 : index
        %parallel_loop3A_376 = tpu.vector_load %arg12[%parallel_loop3A_374, %parallel_loop3A_375] {strides = array<i32>} : memref<128x128xf32, #tpu.memory_space<vmem>>, vector<16xf32>,
        tpu.vector_store_idx %arg10[%parallel_loop3A_354, %add3A_64], %parallel_loop3A_376 {add = true} : memref<256x128xf32, #tpu.memory_space<vmem>>[vector<16xi32>, vector<16xi32>], vector<16xf32>,
        %parallel_loop3A_377 = arith.index_cast %parallel_loop3A_358 : i32 to index
        %parallel_loop3A_378 = arith.constant 96 : index
        %parallel_loop3A_379 = tpu.vector_load %arg12[%parallel_loop3A_377, %parallel_loop3A_378] {strides = array<i32>} : memref<128x128xf32, #tpu.memory_space<vmem>>, vector<16xf32>,
        tpu.vector_store_idx %arg10[%parallel_loop3A_354, %add3A_68], %parallel_loop3A_379 {add = true} : memref<256x128xf32, #tpu.memory_space<vmem>>[vector<16xi32>, vector<16xi32>], vector<16xf32>,
        %parallel_loop3A_380 = arith.index_cast %parallel_loop3A_358 : i32 to index
        %parallel_loop3A_381 = arith.constant 112 : index
        %parallel_loop3A_382 = tpu.vector_load %arg12[%parallel_loop3A_380, %parallel_loop3A_381] {strides = array<i32>} : memref<128x128xf32, #tpu.memory_space<vmem>>, vector<16xf32>,
        tpu.vector_store_idx %arg10[%parallel_loop3A_354, %add3A_72], %parallel_loop3A_382 {add = true} : memref<256x128xf32, #tpu.memory_space<vmem>>[vector<16xi32>, vector<16xi32>], vector<16xf32>,
        %parallel_loop3A_383 = arith.constant 8 : i32
        %parallel_loop3A_384 = vector.broadcast %parallel_loop3A_383 : i32 to vector<16x1xi32>
        %parallel_loop3A_385 = vector.shape_cast %parallel_loop3A_384 : vector<16x1xi32> to vector<16xi32>
        %parallel_loop3A_386 = tpu.dynamic_gather %parallel_loop3A_126[%parallel_loop3A_385] in [0] : vector<16xi32>, vector<16xi32> -> vector<16xi32>
        %parallel_loop3A_387 = arith.constant 16 : i32
        %parallel_loop3A_388 = arith.muli %parallel_loop3A_119, %parallel_loop3A_387 : i32
        %parallel_loop3A_389 = arith.constant 8 : i32
        %parallel_loop3A_390 = arith.addi %parallel_loop3A_388, %parallel_loop3A_389 : i32
        %parallel_loop3A_391 = arith.index_cast %parallel_loop3A_390 : i32 to index
        %parallel_loop3A_392 = arith.constant 0 : index
        %parallel_loop3A_393 = tpu.vector_load %arg12[%parallel_loop3A_391, %parallel_loop3A_392] {strides = array<i32>} : memref<128x128xf32, #tpu.memory_space<vmem>>, vector<16xf32>,
        tpu.vector_store_idx %arg10[%parallel_loop3A_386, %add3A_44], %parallel_loop3A_393 {add = true} : memref<256x128xf32, #tpu.memory_space<vmem>>[vector<16xi32>, vector<16xi32>], vector<16xf32>,
        %parallel_loop3A_394 = arith.index_cast %parallel_loop3A_390 : i32 to index
        %parallel_loop3A_395 = arith.constant 16 : index
        %parallel_loop3A_396 = tpu.vector_load %arg12[%parallel_loop3A_394, %parallel_loop3A_395] {strides = array<i32>} : memref<128x128xf32, #tpu.memory_space<vmem>>, vector<16xf32>,
        tpu.vector_store_idx %arg10[%parallel_loop3A_386, %add3A_48], %parallel_loop3A_396 {add = true} : memref<256x128xf32, #tpu.memory_space<vmem>>[vector<16xi32>, vector<16xi32>], vector<16xf32>,
        %parallel_loop3A_397 = arith.index_cast %parallel_loop3A_390 : i32 to index
        %parallel_loop3A_398 = arith.constant 32 : index
        %parallel_loop3A_399 = tpu.vector_load %arg12[%parallel_loop3A_397, %parallel_loop3A_398] {strides = array<i32>} : memref<128x128xf32, #tpu.memory_space<vmem>>, vector<16xf32>,
        tpu.vector_store_idx %arg10[%parallel_loop3A_386, %add3A_52], %parallel_loop3A_399 {add = true} : memref<256x128xf32, #tpu.memory_space<vmem>>[vector<16xi32>, vector<16xi32>], vector<16xf32>,
        %parallel_loop3A_400 = arith.index_cast %parallel_loop3A_390 : i32 to index
        %parallel_loop3A_401 = arith.constant 48 : index
        %parallel_loop3A_402 = tpu.vector_load %arg12[%parallel_loop3A_400, %parallel_loop3A_401] {strides = array<i32>} : memref<128x128xf32, #tpu.memory_space<vmem>>, vector<16xf32>,
        tpu.vector_store_idx %arg10[%parallel_loop3A_386, %add3A_56], %parallel_loop3A_402 {add = true} : memref<256x128xf32, #tpu.memory_space<vmem>>[vector<16xi32>, vector<16xi32>], vector<16xf32>,
        %parallel_loop3A_403 = arith.index_cast %parallel_loop3A_390 : i32 to index
        %parallel_loop3A_404 = arith.constant 64 : index
        %parallel_loop3A_405 = tpu.vector_load %arg12[%parallel_loop3A_403, %parallel_loop3A_404] {strides = array<i32>} : memref<128x128xf32, #tpu.memory_space<vmem>>, vector<16xf32>,
        tpu.vector_store_idx %arg10[%parallel_loop3A_386, %add3A_60], %parallel_loop3A_405 {add = true} : memref<256x128xf32, #tpu.memory_space<vmem>>[vector<16xi32>, vector<16xi32>], vector<16xf32>,
        %parallel_loop3A_406 = arith.index_cast %parallel_loop3A_390 : i32 to index
        %parallel_loop3A_407 = arith.constant 80 : index
        %parallel_loop3A_408 = tpu.vector_load %arg12[%parallel_loop3A_406, %parallel_loop3A_407] {strides = array<i32>} : memref<128x128xf32, #tpu.memory_space<vmem>>, vector<16xf32>,
        tpu.vector_store_idx %arg10[%parallel_loop3A_386, %add3A_64], %parallel_loop3A_408 {add = true} : memref<256x128xf32, #tpu.memory_space<vmem>>[vector<16xi32>, vector<16xi32>], vector<16xf32>,
        %parallel_loop3A_409 = arith.index_cast %parallel_loop3A_390 : i32 to index
        %parallel_loop3A_410 = arith.constant 96 : index
        %parallel_loop3A_411 = tpu.vector_load %arg12[%parallel_loop3A_409, %parallel_loop3A_410] {strides = array<i32>} : memref<128x128xf32, #tpu.memory_space<vmem>>, vector<16xf32>,
        tpu.vector_store_idx %arg10[%parallel_loop3A_386, %add3A_68], %parallel_loop3A_411 {add = true} : memref<256x128xf32, #tpu.memory_space<vmem>>[vector<16xi32>, vector<16xi32>], vector<16xf32>,
        %parallel_loop3A_412 = arith.index_cast %parallel_loop3A_390 : i32 to index
        %parallel_loop3A_413 = arith.constant 112 : index
        %parallel_loop3A_414 = tpu.vector_load %arg12[%parallel_loop3A_412, %parallel_loop3A_413] {strides = array<i32>} : memref<128x128xf32, #tpu.memory_space<vmem>>, vector<16xf32>,
        tpu.vector_store_idx %arg10[%parallel_loop3A_386, %add3A_72], %parallel_loop3A_414 {add = true} : memref<256x128xf32, #tpu.memory_space<vmem>>[vector<16xi32>, vector<16xi32>], vector<16xf32>,
        %parallel_loop3A_415 = arith.constant 9 : i32
        %parallel_loop3A_416 = vector.broadcast %parallel_loop3A_415 : i32 to vector<16x1xi32>
        %parallel_loop3A_417 = vector.shape_cast %parallel_loop3A_416 : vector<16x1xi32> to vector<16xi32>
        %parallel_loop3A_418 = tpu.dynamic_gather %parallel_loop3A_126[%parallel_loop3A_417] in [0] : vector<16xi32>, vector<16xi32> -> vector<16xi32>
        %parallel_loop3A_419 = arith.constant 16 : i32
        %parallel_loop3A_420 = arith.muli %parallel_loop3A_119, %parallel_loop3A_419 : i32
        %parallel_loop3A_421 = arith.constant 9 : i32
        %parallel_loop3A_422 = arith.addi %parallel_loop3A_420, %parallel_loop3A_421 : i32
        %parallel_loop3A_423 = arith.index_cast %parallel_loop3A_422 : i32 to index
        %parallel_loop3A_424 = arith.constant 0 : index
        %parallel_loop3A_425 = tpu.vector_load %arg12[%parallel_loop3A_423, %parallel_loop3A_424] {strides = array<i32>} : memref<128x128xf32, #tpu.memory_space<vmem>>, vector<16xf32>,
        tpu.vector_store_idx %arg10[%parallel_loop3A_418, %add3A_44], %parallel_loop3A_425 {add = true} : memref<256x128xf32, #tpu.memory_space<vmem>>[vector<16xi32>, vector<16xi32>], vector<16xf32>,
        %parallel_loop3A_426 = arith.index_cast %parallel_loop3A_422 : i32 to index
        %parallel_loop3A_427 = arith.constant 16 : index
        %parallel_loop3A_428 = tpu.vector_load %arg12[%parallel_loop3A_426, %parallel_loop3A_427] {strides = array<i32>} : memref<128x128xf32, #tpu.memory_space<vmem>>, vector<16xf32>,
        tpu.vector_store_idx %arg10[%parallel_loop3A_418, %add3A_48], %parallel_loop3A_428 {add = true} : memref<256x128xf32, #tpu.memory_space<vmem>>[vector<16xi32>, vector<16xi32>], vector<16xf32>,
        %parallel_loop3A_429 = arith.index_cast %parallel_loop3A_422 : i32 to index
        %parallel_loop3A_430 = arith.constant 32 : index
        %parallel_loop3A_431 = tpu.vector_load %arg12[%parallel_loop3A_429, %parallel_loop3A_430] {strides = array<i32>} : memref<128x128xf32, #tpu.memory_space<vmem>>, vector<16xf32>,
        tpu.vector_store_idx %arg10[%parallel_loop3A_418, %add3A_52], %parallel_loop3A_431 {add = true} : memref<256x128xf32, #tpu.memory_space<vmem>>[vector<16xi32>, vector<16xi32>], vector<16xf32>,
        %parallel_loop3A_432 = arith.index_cast %parallel_loop3A_422 : i32 to index
        %parallel_loop3A_433 = arith.constant 48 : index
        %parallel_loop3A_434 = tpu.vector_load %arg12[%parallel_loop3A_432, %parallel_loop3A_433] {strides = array<i32>} : memref<128x128xf32, #tpu.memory_space<vmem>>, vector<16xf32>,
        tpu.vector_store_idx %arg10[%parallel_loop3A_418, %add3A_56], %parallel_loop3A_434 {add = true} : memref<256x128xf32, #tpu.memory_space<vmem>>[vector<16xi32>, vector<16xi32>], vector<16xf32>,
        %parallel_loop3A_435 = arith.index_cast %parallel_loop3A_422 : i32 to index
        %parallel_loop3A_436 = arith.constant 64 : index
        %parallel_loop3A_437 = tpu.vector_load %arg12[%parallel_loop3A_435, %parallel_loop3A_436] {strides = array<i32>} : memref<128x128xf32, #tpu.memory_space<vmem>>, vector<16xf32>,
        tpu.vector_store_idx %arg10[%parallel_loop3A_418, %add3A_60], %parallel_loop3A_437 {add = true} : memref<256x128xf32, #tpu.memory_space<vmem>>[vector<16xi32>, vector<16xi32>], vector<16xf32>,
        %parallel_loop3A_438 = arith.index_cast %parallel_loop3A_422 : i32 to index
        %parallel_loop3A_439 = arith.constant 80 : index
        %parallel_loop3A_440 = tpu.vector_load %arg12[%parallel_loop3A_438, %parallel_loop3A_439] {strides = array<i32>} : memref<128x128xf32, #tpu.memory_space<vmem>>, vector<16xf32>,
        tpu.vector_store_idx %arg10[%parallel_loop3A_418, %add3A_64], %parallel_loop3A_440 {add = true} : memref<256x128xf32, #tpu.memory_space<vmem>>[vector<16xi32>, vector<16xi32>], vector<16xf32>,
        %parallel_loop3A_441 = arith.index_cast %parallel_loop3A_422 : i32 to index
        %parallel_loop3A_442 = arith.constant 96 : index
        %parallel_loop3A_443 = tpu.vector_load %arg12[%parallel_loop3A_441, %parallel_loop3A_442] {strides = array<i32>} : memref<128x128xf32, #tpu.memory_space<vmem>>, vector<16xf32>,
        tpu.vector_store_idx %arg10[%parallel_loop3A_418, %add3A_68], %parallel_loop3A_443 {add = true} : memref<256x128xf32, #tpu.memory_space<vmem>>[vector<16xi32>, vector<16xi32>], vector<16xf32>,
        %parallel_loop3A_444 = arith.index_cast %parallel_loop3A_422 : i32 to index
        %parallel_loop3A_445 = arith.constant 112 : index
        %parallel_loop3A_446 = tpu.vector_load %arg12[%parallel_loop3A_444, %parallel_loop3A_445] {strides = array<i32>} : memref<128x128xf32, #tpu.memory_space<vmem>>, vector<16xf32>,
        tpu.vector_store_idx %arg10[%parallel_loop3A_418, %add3A_72], %parallel_loop3A_446 {add = true} : memref<256x128xf32, #tpu.memory_space<vmem>>[vector<16xi32>, vector<16xi32>], vector<16xf32>,
        %parallel_loop3A_447 = arith.constant 10 : i32
        %parallel_loop3A_448 = vector.broadcast %parallel_loop3A_447 : i32 to vector<16x1xi32>
        %parallel_loop3A_449 = vector.shape_cast %parallel_loop3A_448 : vector<16x1xi32> to vector<16xi32>
        %parallel_loop3A_450 = tpu.dynamic_gather %parallel_loop3A_126[%parallel_loop3A_449] in [0] : vector<16xi32>, vector<16xi32> -> vector<16xi32>
        %parallel_loop3A_451 = arith.constant 16 : i32
        %parallel_loop3A_452 = arith.muli %parallel_loop3A_119, %parallel_loop3A_451 : i32
        %parallel_loop3A_453 = arith.constant 10 : i32
        %parallel_loop3A_454 = arith.addi %parallel_loop3A_452, %parallel_loop3A_453 : i32
        %parallel_loop3A_455 = arith.index_cast %parallel_loop3A_454 : i32 to index
        %parallel_loop3A_456 = arith.constant 0 : index
        %parallel_loop3A_457 = tpu.vector_load %arg12[%parallel_loop3A_455, %parallel_loop3A_456] {strides = array<i32>} : memref<128x128xf32, #tpu.memory_space<vmem>>, vector<16xf32>,
        tpu.vector_store_idx %arg10[%parallel_loop3A_450, %add3A_44], %parallel_loop3A_457 {add = true} : memref<256x128xf32, #tpu.memory_space<vmem>>[vector<16xi32>, vector<16xi32>], vector<16xf32>,
        %parallel_loop3A_458 = arith.index_cast %parallel_loop3A_454 : i32 to index
        %parallel_loop3A_459 = arith.constant 16 : index
        %parallel_loop3A_460 = tpu.vector_load %arg12[%parallel_loop3A_458, %parallel_loop3A_459] {strides = array<i32>} : memref<128x128xf32, #tpu.memory_space<vmem>>, vector<16xf32>,
        tpu.vector_store_idx %arg10[%parallel_loop3A_450, %add3A_48], %parallel_loop3A_460 {add = true} : memref<256x128xf32, #tpu.memory_space<vmem>>[vector<16xi32>, vector<16xi32>], vector<16xf32>,
        %parallel_loop3A_461 = arith.index_cast %parallel_loop3A_454 : i32 to index
        %parallel_loop3A_462 = arith.constant 32 : index
        %parallel_loop3A_463 = tpu.vector_load %arg12[%parallel_loop3A_461, %parallel_loop3A_462] {strides = array<i32>} : memref<128x128xf32, #tpu.memory_space<vmem>>, vector<16xf32>,
        tpu.vector_store_idx %arg10[%parallel_loop3A_450, %add3A_52], %parallel_loop3A_463 {add = true} : memref<256x128xf32, #tpu.memory_space<vmem>>[vector<16xi32>, vector<16xi32>], vector<16xf32>,
        %parallel_loop3A_464 = arith.index_cast %parallel_loop3A_454 : i32 to index
        %parallel_loop3A_465 = arith.constant 48 : index
        %parallel_loop3A_466 = tpu.vector_load %arg12[%parallel_loop3A_464, %parallel_loop3A_465] {strides = array<i32>} : memref<128x128xf32, #tpu.memory_space<vmem>>, vector<16xf32>,
        tpu.vector_store_idx %arg10[%parallel_loop3A_450, %add3A_56], %parallel_loop3A_466 {add = true} : memref<256x128xf32, #tpu.memory_space<vmem>>[vector<16xi32>, vector<16xi32>], vector<16xf32>,
        %parallel_loop3A_467 = arith.index_cast %parallel_loop3A_454 : i32 to index
        %parallel_loop3A_468 = arith.constant 64 : index
        %parallel_loop3A_469 = tpu.vector_load %arg12[%parallel_loop3A_467, %parallel_loop3A_468] {strides = array<i32>} : memref<128x128xf32, #tpu.memory_space<vmem>>, vector<16xf32>,
        tpu.vector_store_idx %arg10[%parallel_loop3A_450, %add3A_60], %parallel_loop3A_469 {add = true} : memref<256x128xf32, #tpu.memory_space<vmem>>[vector<16xi32>, vector<16xi32>], vector<16xf32>,
        %parallel_loop3A_470 = arith.index_cast %parallel_loop3A_454 : i32 to index
        %parallel_loop3A_471 = arith.constant 80 : index
        %parallel_loop3A_472 = tpu.vector_load %arg12[%parallel_loop3A_470, %parallel_loop3A_471] {strides = array<i32>} : memref<128x128xf32, #tpu.memory_space<vmem>>, vector<16xf32>,
        tpu.vector_store_idx %arg10[%parallel_loop3A_450, %add3A_64], %parallel_loop3A_472 {add = true} : memref<256x128xf32, #tpu.memory_space<vmem>>[vector<16xi32>, vector<16xi32>], vector<16xf32>,
        %parallel_loop3A_473 = arith.index_cast %parallel_loop3A_454 : i32 to index
        %parallel_loop3A_474 = arith.constant 96 : index
        %parallel_loop3A_475 = tpu.vector_load %arg12[%parallel_loop3A_473, %parallel_loop3A_474] {strides = array<i32>} : memref<128x128xf32, #tpu.memory_space<vmem>>, vector<16xf32>,
        tpu.vector_store_idx %arg10[%parallel_loop3A_450, %add3A_68], %parallel_loop3A_475 {add = true} : memref<256x128xf32, #tpu.memory_space<vmem>>[vector<16xi32>, vector<16xi32>], vector<16xf32>,
        %parallel_loop3A_476 = arith.index_cast %parallel_loop3A_454 : i32 to index
        %parallel_loop3A_477 = arith.constant 112 : index
        %parallel_loop3A_478 = tpu.vector_load %arg12[%parallel_loop3A_476, %parallel_loop3A_477] {strides = array<i32>} : memref<128x128xf32, #tpu.memory_space<vmem>>, vector<16xf32>,
        tpu.vector_store_idx %arg10[%parallel_loop3A_450, %add3A_72], %parallel_loop3A_478 {add = true} : memref<256x128xf32, #tpu.memory_space<vmem>>[vector<16xi32>, vector<16xi32>], vector<16xf32>,
        %parallel_loop3A_479 = arith.constant 11 : i32
        %parallel_loop3A_480 = vector.broadcast %parallel_loop3A_479 : i32 to vector<16x1xi32>
        %parallel_loop3A_481 = vector.shape_cast %parallel_loop3A_480 : vector<16x1xi32> to vector<16xi32>
        %parallel_loop3A_482 = tpu.dynamic_gather %parallel_loop3A_126[%parallel_loop3A_481] in [0] : vector<16xi32>, vector<16xi32> -> vector<16xi32>
        %parallel_loop3A_483 = arith.constant 16 : i32
        %parallel_loop3A_484 = arith.muli %parallel_loop3A_119, %parallel_loop3A_483 : i32
        %parallel_loop3A_485 = arith.constant 11 : i32
        %parallel_loop3A_486 = arith.addi %parallel_loop3A_484, %parallel_loop3A_485 : i32
        %parallel_loop3A_487 = arith.index_cast %parallel_loop3A_486 : i32 to index
        %parallel_loop3A_488 = arith.constant 0 : index
        %parallel_loop3A_489 = tpu.vector_load %arg12[%parallel_loop3A_487, %parallel_loop3A_488] {strides = array<i32>} : memref<128x128xf32, #tpu.memory_space<vmem>>, vector<16xf32>,
        tpu.vector_store_idx %arg10[%parallel_loop3A_482, %add3A_44], %parallel_loop3A_489 {add = true} : memref<256x128xf32, #tpu.memory_space<vmem>>[vector<16xi32>, vector<16xi32>], vector<16xf32>,
        %parallel_loop3A_490 = arith.index_cast %parallel_loop3A_486 : i32 to index
        %parallel_loop3A_491 = arith.constant 16 : index
        %parallel_loop3A_492 = tpu.vector_load %arg12[%parallel_loop3A_490, %parallel_loop3A_491] {strides = array<i32>} : memref<128x128xf32, #tpu.memory_space<vmem>>, vector<16xf32>,
        tpu.vector_store_idx %arg10[%parallel_loop3A_482, %add3A_48], %parallel_loop3A_492 {add = true} : memref<256x128xf32, #tpu.memory_space<vmem>>[vector<16xi32>, vector<16xi32>], vector<16xf32>,
        %parallel_loop3A_493 = arith.index_cast %parallel_loop3A_486 : i32 to index
        %parallel_loop3A_494 = arith.constant 32 : index
        %parallel_loop3A_495 = tpu.vector_load %arg12[%parallel_loop3A_493, %parallel_loop3A_494] {strides = array<i32>} : memref<128x128xf32, #tpu.memory_space<vmem>>, vector<16xf32>,
        tpu.vector_store_idx %arg10[%parallel_loop3A_482, %add3A_52], %parallel_loop3A_495 {add = true} : memref<256x128xf32, #tpu.memory_space<vmem>>[vector<16xi32>, vector<16xi32>], vector<16xf32>,
        %parallel_loop3A_496 = arith.index_cast %parallel_loop3A_486 : i32 to index
        %parallel_loop3A_497 = arith.constant 48 : index
        %parallel_loop3A_498 = tpu.vector_load %arg12[%parallel_loop3A_496, %parallel_loop3A_497] {strides = array<i32>} : memref<128x128xf32, #tpu.memory_space<vmem>>, vector<16xf32>,
        tpu.vector_store_idx %arg10[%parallel_loop3A_482, %add3A_56], %parallel_loop3A_498 {add = true} : memref<256x128xf32, #tpu.memory_space<vmem>>[vector<16xi32>, vector<16xi32>], vector<16xf32>,
        %parallel_loop3A_499 = arith.index_cast %parallel_loop3A_486 : i32 to index
        %parallel_loop3A_500 = arith.constant 64 : index
        %parallel_loop3A_501 = tpu.vector_load %arg12[%parallel_loop3A_499, %parallel_loop3A_500] {strides = array<i32>} : memref<128x128xf32, #tpu.memory_space<vmem>>, vector<16xf32>,
        tpu.vector_store_idx %arg10[%parallel_loop3A_482, %add3A_60], %parallel_loop3A_501 {add = true} : memref<256x128xf32, #tpu.memory_space<vmem>>[vector<16xi32>, vector<16xi32>], vector<16xf32>,
        %parallel_loop3A_502 = arith.index_cast %parallel_loop3A_486 : i32 to index
        %parallel_loop3A_503 = arith.constant 80 : index
        %parallel_loop3A_504 = tpu.vector_load %arg12[%parallel_loop3A_502, %parallel_loop3A_503] {strides = array<i32>} : memref<128x128xf32, #tpu.memory_space<vmem>>, vector<16xf32>,
        tpu.vector_store_idx %arg10[%parallel_loop3A_482, %add3A_64], %parallel_loop3A_504 {add = true} : memref<256x128xf32, #tpu.memory_space<vmem>>[vector<16xi32>, vector<16xi32>], vector<16xf32>,
        %parallel_loop3A_505 = arith.index_cast %parallel_loop3A_486 : i32 to index
        %parallel_loop3A_506 = arith.constant 96 : index
        %parallel_loop3A_507 = tpu.vector_load %arg12[%parallel_loop3A_505, %parallel_loop3A_506] {strides = array<i32>} : memref<128x128xf32, #tpu.memory_space<vmem>>, vector<16xf32>,
        tpu.vector_store_idx %arg10[%parallel_loop3A_482, %add3A_68], %parallel_loop3A_507 {add = true} : memref<256x128xf32, #tpu.memory_space<vmem>>[vector<16xi32>, vector<16xi32>], vector<16xf32>,
        %parallel_loop3A_508 = arith.index_cast %parallel_loop3A_486 : i32 to index
        %parallel_loop3A_509 = arith.constant 112 : index
        %parallel_loop3A_510 = tpu.vector_load %arg12[%parallel_loop3A_508, %parallel_loop3A_509] {strides = array<i32>} : memref<128x128xf32, #tpu.memory_space<vmem>>, vector<16xf32>,
        tpu.vector_store_idx %arg10[%parallel_loop3A_482, %add3A_72], %parallel_loop3A_510 {add = true} : memref<256x128xf32, #tpu.memory_space<vmem>>[vector<16xi32>, vector<16xi32>], vector<16xf32>,
        %parallel_loop3A_511 = arith.constant 12 : i32
        %parallel_loop3A_512 = vector.broadcast %parallel_loop3A_511 : i32 to vector<16x1xi32>
        %parallel_loop3A_513 = vector.shape_cast %parallel_loop3A_512 : vector<16x1xi32> to vector<16xi32>
        %parallel_loop3A_514 = tpu.dynamic_gather %parallel_loop3A_126[%parallel_loop3A_513] in [0] : vector<16xi32>, vector<16xi32> -> vector<16xi32>
        %parallel_loop3A_515 = arith.constant 16 : i32
        %parallel_loop3A_516 = arith.muli %parallel_loop3A_119, %parallel_loop3A_515 : i32
        %parallel_loop3A_517 = arith.constant 12 : i32
        %parallel_loop3A_518 = arith.addi %parallel_loop3A_516, %parallel_loop3A_517 : i32
        %parallel_loop3A_519 = arith.index_cast %parallel_loop3A_518 : i32 to index
        %parallel_loop3A_520 = arith.constant 0 : index
        %parallel_loop3A_521 = tpu.vector_load %arg12[%parallel_loop3A_519, %parallel_loop3A_520] {strides = array<i32>} : memref<128x128xf32, #tpu.memory_space<vmem>>, vector<16xf32>,
        tpu.vector_store_idx %arg10[%parallel_loop3A_514, %add3A_44], %parallel_loop3A_521 {add = true} : memref<256x128xf32, #tpu.memory_space<vmem>>[vector<16xi32>, vector<16xi32>], vector<16xf32>,
        %parallel_loop3A_522 = arith.index_cast %parallel_loop3A_518 : i32 to index
        %parallel_loop3A_523 = arith.constant 16 : index
        %parallel_loop3A_524 = tpu.vector_load %arg12[%parallel_loop3A_522, %parallel_loop3A_523] {strides = array<i32>} : memref<128x128xf32, #tpu.memory_space<vmem>>, vector<16xf32>,
        tpu.vector_store_idx %arg10[%parallel_loop3A_514, %add3A_48], %parallel_loop3A_524 {add = true} : memref<256x128xf32, #tpu.memory_space<vmem>>[vector<16xi32>, vector<16xi32>], vector<16xf32>,
        %parallel_loop3A_525 = arith.index_cast %parallel_loop3A_518 : i32 to index
        %parallel_loop3A_526 = arith.constant 32 : index
        %parallel_loop3A_527 = tpu.vector_load %arg12[%parallel_loop3A_525, %parallel_loop3A_526] {strides = array<i32>} : memref<128x128xf32, #tpu.memory_space<vmem>>, vector<16xf32>,
        tpu.vector_store_idx %arg10[%parallel_loop3A_514, %add3A_52], %parallel_loop3A_527 {add = true} : memref<256x128xf32, #tpu.memory_space<vmem>>[vector<16xi32>, vector<16xi32>], vector<16xf32>,
        %parallel_loop3A_528 = arith.index_cast %parallel_loop3A_518 : i32 to index
        %parallel_loop3A_529 = arith.constant 48 : index
        %parallel_loop3A_530 = tpu.vector_load %arg12[%parallel_loop3A_528, %parallel_loop3A_529] {strides = array<i32>} : memref<128x128xf32, #tpu.memory_space<vmem>>, vector<16xf32>,
        tpu.vector_store_idx %arg10[%parallel_loop3A_514, %add3A_56], %parallel_loop3A_530 {add = true} : memref<256x128xf32, #tpu.memory_space<vmem>>[vector<16xi32>, vector<16xi32>], vector<16xf32>,
        %parallel_loop3A_531 = arith.index_cast %parallel_loop3A_518 : i32 to index
        %parallel_loop3A_532 = arith.constant 64 : index
        %parallel_loop3A_533 = tpu.vector_load %arg12[%parallel_loop3A_531, %parallel_loop3A_532] {strides = array<i32>} : memref<128x128xf32, #tpu.memory_space<vmem>>, vector<16xf32>,
        tpu.vector_store_idx %arg10[%parallel_loop3A_514, %add3A_60], %parallel_loop3A_533 {add = true} : memref<256x128xf32, #tpu.memory_space<vmem>>[vector<16xi32>, vector<16xi32>], vector<16xf32>,
        %parallel_loop3A_534 = arith.index_cast %parallel_loop3A_518 : i32 to index
        %parallel_loop3A_535 = arith.constant 80 : index
        %parallel_loop3A_536 = tpu.vector_load %arg12[%parallel_loop3A_534, %parallel_loop3A_535] {strides = array<i32>} : memref<128x128xf32, #tpu.memory_space<vmem>>, vector<16xf32>,
        tpu.vector_store_idx %arg10[%parallel_loop3A_514, %add3A_64], %parallel_loop3A_536 {add = true} : memref<256x128xf32, #tpu.memory_space<vmem>>[vector<16xi32>, vector<16xi32>], vector<16xf32>,
        %parallel_loop3A_537 = arith.index_cast %parallel_loop3A_518 : i32 to index
        %parallel_loop3A_538 = arith.constant 96 : index
        %parallel_loop3A_539 = tpu.vector_load %arg12[%parallel_loop3A_537, %parallel_loop3A_538] {strides = array<i32>} : memref<128x128xf32, #tpu.memory_space<vmem>>, vector<16xf32>,
        tpu.vector_store_idx %arg10[%parallel_loop3A_514, %add3A_68], %parallel_loop3A_539 {add = true} : memref<256x128xf32, #tpu.memory_space<vmem>>[vector<16xi32>, vector<16xi32>], vector<16xf32>,
        %parallel_loop3A_540 = arith.index_cast %parallel_loop3A_518 : i32 to index
        %parallel_loop3A_541 = arith.constant 112 : index
        %parallel_loop3A_542 = tpu.vector_load %arg12[%parallel_loop3A_540, %parallel_loop3A_541] {strides = array<i32>} : memref<128x128xf32, #tpu.memory_space<vmem>>, vector<16xf32>,
        tpu.vector_store_idx %arg10[%parallel_loop3A_514, %add3A_72], %parallel_loop3A_542 {add = true} : memref<256x128xf32, #tpu.memory_space<vmem>>[vector<16xi32>, vector<16xi32>], vector<16xf32>,
        %parallel_loop3A_543 = arith.constant 13 : i32
        %parallel_loop3A_544 = vector.broadcast %parallel_loop3A_543 : i32 to vector<16x1xi32>
        %parallel_loop3A_545 = vector.shape_cast %parallel_loop3A_544 : vector<16x1xi32> to vector<16xi32>
        %parallel_loop3A_546 = tpu.dynamic_gather %parallel_loop3A_126[%parallel_loop3A_545] in [0] : vector<16xi32>, vector<16xi32> -> vector<16xi32>
        %parallel_loop3A_547 = arith.constant 16 : i32
        %parallel_loop3A_548 = arith.muli %parallel_loop3A_119, %parallel_loop3A_547 : i32
        %parallel_loop3A_549 = arith.constant 13 : i32
        %parallel_loop3A_550 = arith.addi %parallel_loop3A_548, %parallel_loop3A_549 : i32
        %parallel_loop3A_551 = arith.index_cast %parallel_loop3A_550 : i32 to index
        %parallel_loop3A_552 = arith.constant 0 : index
        %parallel_loop3A_553 = tpu.vector_load %arg12[%parallel_loop3A_551, %parallel_loop3A_552] {strides = array<i32>} : memref<128x128xf32, #tpu.memory_space<vmem>>, vector<16xf32>,
        tpu.vector_store_idx %arg10[%parallel_loop3A_546, %add3A_44], %parallel_loop3A_553 {add = true} : memref<256x128xf32, #tpu.memory_space<vmem>>[vector<16xi32>, vector<16xi32>], vector<16xf32>,
        %parallel_loop3A_554 = arith.index_cast %parallel_loop3A_550 : i32 to index
        %parallel_loop3A_555 = arith.constant 16 : index
        %parallel_loop3A_556 = tpu.vector_load %arg12[%parallel_loop3A_554, %parallel_loop3A_555] {strides = array<i32>} : memref<128x128xf32, #tpu.memory_space<vmem>>, vector<16xf32>,
        tpu.vector_store_idx %arg10[%parallel_loop3A_546, %add3A_48], %parallel_loop3A_556 {add = true} : memref<256x128xf32, #tpu.memory_space<vmem>>[vector<16xi32>, vector<16xi32>], vector<16xf32>,
        %parallel_loop3A_557 = arith.index_cast %parallel_loop3A_550 : i32 to index
        %parallel_loop3A_558 = arith.constant 32 : index
        %parallel_loop3A_559 = tpu.vector_load %arg12[%parallel_loop3A_557, %parallel_loop3A_558] {strides = array<i32>} : memref<128x128xf32, #tpu.memory_space<vmem>>, vector<16xf32>,
        tpu.vector_store_idx %arg10[%parallel_loop3A_546, %add3A_52], %parallel_loop3A_559 {add = true} : memref<256x128xf32, #tpu.memory_space<vmem>>[vector<16xi32>, vector<16xi32>], vector<16xf32>,
        %parallel_loop3A_560 = arith.index_cast %parallel_loop3A_550 : i32 to index
        %parallel_loop3A_561 = arith.constant 48 : index
        %parallel_loop3A_562 = tpu.vector_load %arg12[%parallel_loop3A_560, %parallel_loop3A_561] {strides = array<i32>} : memref<128x128xf32, #tpu.memory_space<vmem>>, vector<16xf32>,
        tpu.vector_store_idx %arg10[%parallel_loop3A_546, %add3A_56], %parallel_loop3A_562 {add = true} : memref<256x128xf32, #tpu.memory_space<vmem>>[vector<16xi32>, vector<16xi32>], vector<16xf32>,
        %parallel_loop3A_563 = arith.index_cast %parallel_loop3A_550 : i32 to index
        %parallel_loop3A_564 = arith.constant 64 : index
        %parallel_loop3A_565 = tpu.vector_load %arg12[%parallel_loop3A_563, %parallel_loop3A_564] {strides = array<i32>} : memref<128x128xf32, #tpu.memory_space<vmem>>, vector<16xf32>,
        tpu.vector_store_idx %arg10[%parallel_loop3A_546, %add3A_60], %parallel_loop3A_565 {add = true} : memref<256x128xf32, #tpu.memory_space<vmem>>[vector<16xi32>, vector<16xi32>], vector<16xf32>,
        %parallel_loop3A_566 = arith.index_cast %parallel_loop3A_550 : i32 to index
        %parallel_loop3A_567 = arith.constant 80 : index
        %parallel_loop3A_568 = tpu.vector_load %arg12[%parallel_loop3A_566, %parallel_loop3A_567] {strides = array<i32>} : memref<128x128xf32, #tpu.memory_space<vmem>>, vector<16xf32>,
        tpu.vector_store_idx %arg10[%parallel_loop3A_546, %add3A_64], %parallel_loop3A_568 {add = true} : memref<256x128xf32, #tpu.memory_space<vmem>>[vector<16xi32>, vector<16xi32>], vector<16xf32>,
        %parallel_loop3A_569 = arith.index_cast %parallel_loop3A_550 : i32 to index
        %parallel_loop3A_570 = arith.constant 96 : index
        %parallel_loop3A_571 = tpu.vector_load %arg12[%parallel_loop3A_569, %parallel_loop3A_570] {strides = array<i32>} : memref<128x128xf32, #tpu.memory_space<vmem>>, vector<16xf32>,
        tpu.vector_store_idx %arg10[%parallel_loop3A_546, %add3A_68], %parallel_loop3A_571 {add = true} : memref<256x128xf32, #tpu.memory_space<vmem>>[vector<16xi32>, vector<16xi32>], vector<16xf32>,
        %parallel_loop3A_572 = arith.index_cast %parallel_loop3A_550 : i32 to index
        %parallel_loop3A_573 = arith.constant 112 : index
        %parallel_loop3A_574 = tpu.vector_load %arg12[%parallel_loop3A_572, %parallel_loop3A_573] {strides = array<i32>} : memref<128x128xf32, #tpu.memory_space<vmem>>, vector<16xf32>,
        tpu.vector_store_idx %arg10[%parallel_loop3A_546, %add3A_72], %parallel_loop3A_574 {add = true} : memref<256x128xf32, #tpu.memory_space<vmem>>[vector<16xi32>, vector<16xi32>], vector<16xf32>,
        %parallel_loop3A_575 = arith.constant 14 : i32
        %parallel_loop3A_576 = vector.broadcast %parallel_loop3A_575 : i32 to vector<16x1xi32>
        %parallel_loop3A_577 = vector.shape_cast %parallel_loop3A_576 : vector<16x1xi32> to vector<16xi32>
        %parallel_loop3A_578 = tpu.dynamic_gather %parallel_loop3A_126[%parallel_loop3A_577] in [0] : vector<16xi32>, vector<16xi32> -> vector<16xi32>
        %parallel_loop3A_579 = arith.constant 16 : i32
        %parallel_loop3A_580 = arith.muli %parallel_loop3A_119, %parallel_loop3A_579 : i32
        %parallel_loop3A_581 = arith.constant 14 : i32
        %parallel_loop3A_582 = arith.addi %parallel_loop3A_580, %parallel_loop3A_581 : i32
        %parallel_loop3A_583 = arith.index_cast %parallel_loop3A_582 : i32 to index
        %parallel_loop3A_584 = arith.constant 0 : index
        %parallel_loop3A_585 = tpu.vector_load %arg12[%parallel_loop3A_583, %parallel_loop3A_584] {strides = array<i32>} : memref<128x128xf32, #tpu.memory_space<vmem>>, vector<16xf32>,
        tpu.vector_store_idx %arg10[%parallel_loop3A_578, %add3A_44], %parallel_loop3A_585 {add = true} : memref<256x128xf32, #tpu.memory_space<vmem>>[vector<16xi32>, vector<16xi32>], vector<16xf32>,
        %parallel_loop3A_586 = arith.index_cast %parallel_loop3A_582 : i32 to index
        %parallel_loop3A_587 = arith.constant 16 : index
        %parallel_loop3A_588 = tpu.vector_load %arg12[%parallel_loop3A_586, %parallel_loop3A_587] {strides = array<i32>} : memref<128x128xf32, #tpu.memory_space<vmem>>, vector<16xf32>,
        tpu.vector_store_idx %arg10[%parallel_loop3A_578, %add3A_48], %parallel_loop3A_588 {add = true} : memref<256x128xf32, #tpu.memory_space<vmem>>[vector<16xi32>, vector<16xi32>], vector<16xf32>,
        %parallel_loop3A_589 = arith.index_cast %parallel_loop3A_582 : i32 to index
        %parallel_loop3A_590 = arith.constant 32 : index
        %parallel_loop3A_591 = tpu.vector_load %arg12[%parallel_loop3A_589, %parallel_loop3A_590] {strides = array<i32>} : memref<128x128xf32, #tpu.memory_space<vmem>>, vector<16xf32>,
        tpu.vector_store_idx %arg10[%parallel_loop3A_578, %add3A_52], %parallel_loop3A_591 {add = true} : memref<256x128xf32, #tpu.memory_space<vmem>>[vector<16xi32>, vector<16xi32>], vector<16xf32>,
        %parallel_loop3A_592 = arith.index_cast %parallel_loop3A_582 : i32 to index
        %parallel_loop3A_593 = arith.constant 48 : index
        %parallel_loop3A_594 = tpu.vector_load %arg12[%parallel_loop3A_592, %parallel_loop3A_593] {strides = array<i32>} : memref<128x128xf32, #tpu.memory_space<vmem>>, vector<16xf32>,
        tpu.vector_store_idx %arg10[%parallel_loop3A_578, %add3A_56], %parallel_loop3A_594 {add = true} : memref<256x128xf32, #tpu.memory_space<vmem>>[vector<16xi32>, vector<16xi32>], vector<16xf32>,
        %parallel_loop3A_595 = arith.index_cast %parallel_loop3A_582 : i32 to index
        %parallel_loop3A_596 = arith.constant 64 : index
        %parallel_loop3A_597 = tpu.vector_load %arg12[%parallel_loop3A_595, %parallel_loop3A_596] {strides = array<i32>} : memref<128x128xf32, #tpu.memory_space<vmem>>, vector<16xf32>,
        tpu.vector_store_idx %arg10[%parallel_loop3A_578, %add3A_60], %parallel_loop3A_597 {add = true} : memref<256x128xf32, #tpu.memory_space<vmem>>[vector<16xi32>, vector<16xi32>], vector<16xf32>,
        %parallel_loop3A_598 = arith.index_cast %parallel_loop3A_582 : i32 to index
        %parallel_loop3A_599 = arith.constant 80 : index
        %parallel_loop3A_600 = tpu.vector_load %arg12[%parallel_loop3A_598, %parallel_loop3A_599] {strides = array<i32>} : memref<128x128xf32, #tpu.memory_space<vmem>>, vector<16xf32>,
        tpu.vector_store_idx %arg10[%parallel_loop3A_578, %add3A_64], %parallel_loop3A_600 {add = true} : memref<256x128xf32, #tpu.memory_space<vmem>>[vector<16xi32>, vector<16xi32>], vector<16xf32>,
        %parallel_loop3A_601 = arith.index_cast %parallel_loop3A_582 : i32 to index
        %parallel_loop3A_602 = arith.constant 96 : index
        %parallel_loop3A_603 = tpu.vector_load %arg12[%parallel_loop3A_601, %parallel_loop3A_602] {strides = array<i32>} : memref<128x128xf32, #tpu.memory_space<vmem>>, vector<16xf32>,
        tpu.vector_store_idx %arg10[%parallel_loop3A_578, %add3A_68], %parallel_loop3A_603 {add = true} : memref<256x128xf32, #tpu.memory_space<vmem>>[vector<16xi32>, vector<16xi32>], vector<16xf32>,
        %parallel_loop3A_604 = arith.index_cast %parallel_loop3A_582 : i32 to index
        %parallel_loop3A_605 = arith.constant 112 : index
        %parallel_loop3A_606 = tpu.vector_load %arg12[%parallel_loop3A_604, %parallel_loop3A_605] {strides = array<i32>} : memref<128x128xf32, #tpu.memory_space<vmem>>, vector<16xf32>,
        tpu.vector_store_idx %arg10[%parallel_loop3A_578, %add3A_72], %parallel_loop3A_606 {add = true} : memref<256x128xf32, #tpu.memory_space<vmem>>[vector<16xi32>, vector<16xi32>], vector<16xf32>,
        %parallel_loop3A_607 = arith.constant 15 : i32
        %parallel_loop3A_608 = vector.broadcast %parallel_loop3A_607 : i32 to vector<16x1xi32>
        %parallel_loop3A_609 = vector.shape_cast %parallel_loop3A_608 : vector<16x1xi32> to vector<16xi32>
        %parallel_loop3A_610 = tpu.dynamic_gather %parallel_loop3A_126[%parallel_loop3A_609] in [0] : vector<16xi32>, vector<16xi32> -> vector<16xi32>
        %parallel_loop3A_611 = arith.constant 16 : i32
        %parallel_loop3A_612 = arith.muli %parallel_loop3A_119, %parallel_loop3A_611 : i32
        %parallel_loop3A_613 = arith.constant 15 : i32
        %parallel_loop3A_614 = arith.addi %parallel_loop3A_612, %parallel_loop3A_613 : i32
        %parallel_loop3A_615 = arith.index_cast %parallel_loop3A_614 : i32 to index
        %parallel_loop3A_616 = arith.constant 0 : index
        %parallel_loop3A_617 = tpu.vector_load %arg12[%parallel_loop3A_615, %parallel_loop3A_616] {strides = array<i32>} : memref<128x128xf32, #tpu.memory_space<vmem>>, vector<16xf32>,
        tpu.vector_store_idx %arg10[%parallel_loop3A_610, %add3A_44], %parallel_loop3A_617 {add = true} : memref<256x128xf32, #tpu.memory_space<vmem>>[vector<16xi32>, vector<16xi32>], vector<16xf32>,
        %parallel_loop3A_618 = arith.index_cast %parallel_loop3A_614 : i32 to index
        %parallel_loop3A_619 = arith.constant 16 : index
        %parallel_loop3A_620 = tpu.vector_load %arg12[%parallel_loop3A_618, %parallel_loop3A_619] {strides = array<i32>} : memref<128x128xf32, #tpu.memory_space<vmem>>, vector<16xf32>,
        tpu.vector_store_idx %arg10[%parallel_loop3A_610, %add3A_48], %parallel_loop3A_620 {add = true} : memref<256x128xf32, #tpu.memory_space<vmem>>[vector<16xi32>, vector<16xi32>], vector<16xf32>,
        %parallel_loop3A_621 = arith.index_cast %parallel_loop3A_614 : i32 to index
        %parallel_loop3A_622 = arith.constant 32 : index
        %parallel_loop3A_623 = tpu.vector_load %arg12[%parallel_loop3A_621, %parallel_loop3A_622] {strides = array<i32>} : memref<128x128xf32, #tpu.memory_space<vmem>>, vector<16xf32>,
        tpu.vector_store_idx %arg10[%parallel_loop3A_610, %add3A_52], %parallel_loop3A_623 {add = true} : memref<256x128xf32, #tpu.memory_space<vmem>>[vector<16xi32>, vector<16xi32>], vector<16xf32>,
        %parallel_loop3A_624 = arith.index_cast %parallel_loop3A_614 : i32 to index
        %parallel_loop3A_625 = arith.constant 48 : index
        %parallel_loop3A_626 = tpu.vector_load %arg12[%parallel_loop3A_624, %parallel_loop3A_625] {strides = array<i32>} : memref<128x128xf32, #tpu.memory_space<vmem>>, vector<16xf32>,
        tpu.vector_store_idx %arg10[%parallel_loop3A_610, %add3A_56], %parallel_loop3A_626 {add = true} : memref<256x128xf32, #tpu.memory_space<vmem>>[vector<16xi32>, vector<16xi32>], vector<16xf32>,
        %parallel_loop3A_627 = arith.index_cast %parallel_loop3A_614 : i32 to index
        %parallel_loop3A_628 = arith.constant 64 : index
        %parallel_loop3A_629 = tpu.vector_load %arg12[%parallel_loop3A_627, %parallel_loop3A_628] {strides = array<i32>} : memref<128x128xf32, #tpu.memory_space<vmem>>, vector<16xf32>,
        tpu.vector_store_idx %arg10[%parallel_loop3A_610, %add3A_60], %parallel_loop3A_629 {add = true} : memref<256x128xf32, #tpu.memory_space<vmem>>[vector<16xi32>, vector<16xi32>], vector<16xf32>,
        %parallel_loop3A_630 = arith.index_cast %parallel_loop3A_614 : i32 to index
        %parallel_loop3A_631 = arith.constant 80 : index
        %parallel_loop3A_632 = tpu.vector_load %arg12[%parallel_loop3A_630, %parallel_loop3A_631] {strides = array<i32>} : memref<128x128xf32, #tpu.memory_space<vmem>>, vector<16xf32>,
        tpu.vector_store_idx %arg10[%parallel_loop3A_610, %add3A_64], %parallel_loop3A_632 {add = true} : memref<256x128xf32, #tpu.memory_space<vmem>>[vector<16xi32>, vector<16xi32>], vector<16xf32>,
        %parallel_loop3A_633 = arith.index_cast %parallel_loop3A_614 : i32 to index
        %parallel_loop3A_634 = arith.constant 96 : index
        %parallel_loop3A_635 = tpu.vector_load %arg12[%parallel_loop3A_633, %parallel_loop3A_634] {strides = array<i32>} : memref<128x128xf32, #tpu.memory_space<vmem>>, vector<16xf32>,
        tpu.vector_store_idx %arg10[%parallel_loop3A_610, %add3A_68], %parallel_loop3A_635 {add = true} : memref<256x128xf32, #tpu.memory_space<vmem>>[vector<16xi32>, vector<16xi32>], vector<16xf32>,
        %parallel_loop3A_636 = arith.index_cast %parallel_loop3A_614 : i32 to index
        %parallel_loop3A_637 = arith.constant 112 : index
        %parallel_loop3A_638 = tpu.vector_load %arg12[%parallel_loop3A_636, %parallel_loop3A_637] {strides = array<i32>} : memref<128x128xf32, #tpu.memory_space<vmem>>, vector<16xf32>,
        tpu.vector_store_idx %arg10[%parallel_loop3A_610, %add3A_72], %parallel_loop3A_638 {add = true} : memref<256x128xf32, #tpu.memory_space<vmem>>[vector<16xi32>, vector<16xi32>], vector<16xf32>,
      } {sc.loop_unroll_factor = 4 : i64, sc.parallel_access}
      %mul3A_100 = arith.constant 2 : i32
      %mul3A_101 = arith.muli %mul3A_100, %scan3A_85 : i32
      %add3A_102 = arith.constant 1 : i32
      %add3A_103 = arith.addi %mul3A_101, %add3A_102 : i32
      %mul3A_104 = arith.constant 128 : i32
      %mul3A_105 = arith.muli %add3A_103, %mul3A_104 : i32
      %add3A_106 = arith.addi %add3A_37, %mul3A_105 : i32
      %dma_wait3A_107 = tpu.memref_slice %arg2[%add3A_106, %mul3A_39] : memref<32768x512xf32, #tpu.memory_space<hbm>> -> memref<128x128xf32, #tpu.memory_space<hbm>>
      %dma_wait3A_108 = tpu.memref_slice %arg2[%add3A_106, %mul3A_39] : memref<32768x512xf32, #tpu.memory_space<hbm>> -> memref<128x128xf32, #tpu.memory_space<hbm>>
      tpu.wait_dma2 semaphore(%arg15 : memref<!tpu.dma_semaphore, #tpu.memory_space<semaphore_mem>>) src(%dma_wait3A_108 : memref<128x128xf32, #tpu.memory_space<hbm>>) dst(%arg13 : memref<128x128xf32, #tpu.memory_space<vmem>>)
      %add3A_109 = arith.constant 1 : i32
      %add3A_110 = arith.addi %add3A_103, %add3A_109 : i32
      %lt3A_111 = arith.constant 6 : i32
      %lt3A_112 = arith.cmpi slt, %add3A_110, %lt3A_111 : i32
      %convert_element_type3A_113 = arith.extui %lt3A_112 : i1 to i32
      %cond3A_114 = arith.constant 0 : i32
      %cond3A_115 = arith.cmpi ne, %convert_element_type3A_113, %cond3A_114 : i32
      scf.if %cond3A_115 {
        %add3A_119 = arith.constant 1 : i32
        %add3A_120 = arith.addi %add3A_103, %add3A_119 : i32
        %mul3A_121 = arith.constant 128 : i32
        %mul3A_122 = arith.muli %add3A_120, %mul3A_121 : i32
        %add3A_123 = arith.addi %add3A_37, %mul3A_122 : i32
        %dma_start3A_124 = tpu.memref_slice %arg2[%add3A_123, %mul3A_39] : memref<32768x512xf32, #tpu.memory_space<hbm>> -> memref<128x128xf32, #tpu.memory_space<hbm>>
        %dma_start3A_125 = tpu.memref_slice %arg2[%add3A_123, %mul3A_39] : memref<32768x512xf32, #tpu.memory_space<hbm>> -> memref<128x128xf32, #tpu.memory_space<hbm>>
        tpu.enqueue_dma source(%dma_start3A_125 : memref<128x128xf32, #tpu.memory_space<hbm>>) target(%arg12 : memref<128x128xf32, #tpu.memory_space<vmem>>) target_semaphore(%arg14 : memref<!tpu.dma_semaphore, #tpu.memory_space<semaphore_mem>>)
      } else {
      }
      %parallel_loop3A_116 = arith.constant 0 : i32
      %parallel_loop3A_117 = arith.constant 8 : i32
      %parallel_loop3A_118 = arith.constant 1 : i32
      scf.for %parallel_loop3A_119 = %parallel_loop3A_116 to %parallel_loop3A_117 step %parallel_loop3A_118  : i32 {
        %parallel_loop3A_120 = arith.constant 128 : i32
        %parallel_loop3A_121 = arith.muli %add3A_103, %parallel_loop3A_120 : i32
        %parallel_loop3A_122 = arith.constant 16 : i32
        %parallel_loop3A_123 = arith.muli %parallel_loop3A_119, %parallel_loop3A_122 : i32
        %parallel_loop3A_124 = arith.addi %parallel_loop3A_121, %parallel_loop3A_123 : i32
        %parallel_loop3A_125 = arith.index_cast %parallel_loop3A_124 : i32 to index
        %parallel_loop3A_126 = tpu.vector_load %arg8[%parallel_loop3A_125] {strides = array<i32>} : memref<768xi32, #tpu.memory_space<vmem>>, vector<16xi32>,
        %parallel_loop3A_127 = arith.constant 0 : i32
        %parallel_loop3A_128 = vector.broadcast %parallel_loop3A_127 : i32 to vector<16x1xi32>
        %parallel_loop3A_129 = vector.shape_cast %parallel_loop3A_128 : vector<16x1xi32> to vector<16xi32>
        %parallel_loop3A_130 = tpu.dynamic_gather %parallel_loop3A_126[%parallel_loop3A_129] in [0] : vector<16xi32>, vector<16xi32> -> vector<16xi32>
        %parallel_loop3A_131 = arith.constant 16 : i32
        %parallel_loop3A_132 = arith.muli %parallel_loop3A_119, %parallel_loop3A_131 : i32
        %parallel_loop3A_133 = arith.constant 0 : i32
        %parallel_loop3A_134 = arith.addi %parallel_loop3A_132, %parallel_loop3A_133 : i32
        %parallel_loop3A_135 = arith.index_cast %parallel_loop3A_134 : i32 to index
        %parallel_loop3A_136 = arith.constant 0 : index
        %parallel_loop3A_137 = tpu.vector_load %arg13[%parallel_loop3A_135, %parallel_loop3A_136] {strides = array<i32>} : memref<128x128xf32, #tpu.memory_space<vmem>>, vector<16xf32>,
        tpu.vector_store_idx %arg10[%parallel_loop3A_130, %add3A_44], %parallel_loop3A_137 {add = true} : memref<256x128xf32, #tpu.memory_space<vmem>>[vector<16xi32>, vector<16xi32>], vector<16xf32>,
        %parallel_loop3A_138 = arith.index_cast %parallel_loop3A_134 : i32 to index
        %parallel_loop3A_139 = arith.constant 16 : index
        %parallel_loop3A_140 = tpu.vector_load %arg13[%parallel_loop3A_138, %parallel_loop3A_139] {strides = array<i32>} : memref<128x128xf32, #tpu.memory_space<vmem>>, vector<16xf32>,
        tpu.vector_store_idx %arg10[%parallel_loop3A_130, %add3A_48], %parallel_loop3A_140 {add = true} : memref<256x128xf32, #tpu.memory_space<vmem>>[vector<16xi32>, vector<16xi32>], vector<16xf32>,
        %parallel_loop3A_141 = arith.index_cast %parallel_loop3A_134 : i32 to index
        %parallel_loop3A_142 = arith.constant 32 : index
        %parallel_loop3A_143 = tpu.vector_load %arg13[%parallel_loop3A_141, %parallel_loop3A_142] {strides = array<i32>} : memref<128x128xf32, #tpu.memory_space<vmem>>, vector<16xf32>,
        tpu.vector_store_idx %arg10[%parallel_loop3A_130, %add3A_52], %parallel_loop3A_143 {add = true} : memref<256x128xf32, #tpu.memory_space<vmem>>[vector<16xi32>, vector<16xi32>], vector<16xf32>,
        %parallel_loop3A_144 = arith.index_cast %parallel_loop3A_134 : i32 to index
        %parallel_loop3A_145 = arith.constant 48 : index
        %parallel_loop3A_146 = tpu.vector_load %arg13[%parallel_loop3A_144, %parallel_loop3A_145] {strides = array<i32>} : memref<128x128xf32, #tpu.memory_space<vmem>>, vector<16xf32>,
        tpu.vector_store_idx %arg10[%parallel_loop3A_130, %add3A_56], %parallel_loop3A_146 {add = true} : memref<256x128xf32, #tpu.memory_space<vmem>>[vector<16xi32>, vector<16xi32>], vector<16xf32>,
        %parallel_loop3A_147 = arith.index_cast %parallel_loop3A_134 : i32 to index
        %parallel_loop3A_148 = arith.constant 64 : index
        %parallel_loop3A_149 = tpu.vector_load %arg13[%parallel_loop3A_147, %parallel_loop3A_148] {strides = array<i32>} : memref<128x128xf32, #tpu.memory_space<vmem>>, vector<16xf32>,
        tpu.vector_store_idx %arg10[%parallel_loop3A_130, %add3A_60], %parallel_loop3A_149 {add = true} : memref<256x128xf32, #tpu.memory_space<vmem>>[vector<16xi32>, vector<16xi32>], vector<16xf32>,
        %parallel_loop3A_150 = arith.index_cast %parallel_loop3A_134 : i32 to index
        %parallel_loop3A_151 = arith.constant 80 : index
        %parallel_loop3A_152 = tpu.vector_load %arg13[%parallel_loop3A_150, %parallel_loop3A_151] {strides = array<i32>} : memref<128x128xf32, #tpu.memory_space<vmem>>, vector<16xf32>,
        tpu.vector_store_idx %arg10[%parallel_loop3A_130, %add3A_64], %parallel_loop3A_152 {add = true} : memref<256x128xf32, #tpu.memory_space<vmem>>[vector<16xi32>, vector<16xi32>], vector<16xf32>,
        %parallel_loop3A_153 = arith.index_cast %parallel_loop3A_134 : i32 to index
        %parallel_loop3A_154 = arith.constant 96 : index
        %parallel_loop3A_155 = tpu.vector_load %arg13[%parallel_loop3A_153, %parallel_loop3A_154] {strides = array<i32>} : memref<128x128xf32, #tpu.memory_space<vmem>>, vector<16xf32>,
        tpu.vector_store_idx %arg10[%parallel_loop3A_130, %add3A_68], %parallel_loop3A_155 {add = true} : memref<256x128xf32, #tpu.memory_space<vmem>>[vector<16xi32>, vector<16xi32>], vector<16xf32>,
        %parallel_loop3A_156 = arith.index_cast %parallel_loop3A_134 : i32 to index
        %parallel_loop3A_157 = arith.constant 112 : index
        %parallel_loop3A_158 = tpu.vector_load %arg13[%parallel_loop3A_156, %parallel_loop3A_157] {strides = array<i32>} : memref<128x128xf32, #tpu.memory_space<vmem>>, vector<16xf32>,
        tpu.vector_store_idx %arg10[%parallel_loop3A_130, %add3A_72], %parallel_loop3A_158 {add = true} : memref<256x128xf32, #tpu.memory_space<vmem>>[vector<16xi32>, vector<16xi32>], vector<16xf32>,
        %parallel_loop3A_159 = arith.constant 1 : i32
        %parallel_loop3A_160 = vector.broadcast %parallel_loop3A_159 : i32 to vector<16x1xi32>
        %parallel_loop3A_161 = vector.shape_cast %parallel_loop3A_160 : vector<16x1xi32> to vector<16xi32>
        %parallel_loop3A_162 = tpu.dynamic_gather %parallel_loop3A_126[%parallel_loop3A_161] in [0] : vector<16xi32>, vector<16xi32> -> vector<16xi32>
        %parallel_loop3A_163 = arith.constant 16 : i32
        %parallel_loop3A_164 = arith.muli %parallel_loop3A_119, %parallel_loop3A_163 : i32
        %parallel_loop3A_165 = arith.constant 1 : i32
        %parallel_loop3A_166 = arith.addi %parallel_loop3A_164, %parallel_loop3A_165 : i32
        %parallel_loop3A_167 = arith.index_cast %parallel_loop3A_166 : i32 to index
        %parallel_loop3A_168 = arith.constant 0 : index
        %parallel_loop3A_169 = tpu.vector_load %arg13[%parallel_loop3A_167, %parallel_loop3A_168] {strides = array<i32>} : memref<128x128xf32, #tpu.memory_space<vmem>>, vector<16xf32>,
        tpu.vector_store_idx %arg10[%parallel_loop3A_162, %add3A_44], %parallel_loop3A_169 {add = true} : memref<256x128xf32, #tpu.memory_space<vmem>>[vector<16xi32>, vector<16xi32>], vector<16xf32>,
        %parallel_loop3A_170 = arith.index_cast %parallel_loop3A_166 : i32 to index
        %parallel_loop3A_171 = arith.constant 16 : index
        %parallel_loop3A_172 = tpu.vector_load %arg13[%parallel_loop3A_170, %parallel_loop3A_171] {strides = array<i32>} : memref<128x128xf32, #tpu.memory_space<vmem>>, vector<16xf32>,
        tpu.vector_store_idx %arg10[%parallel_loop3A_162, %add3A_48], %parallel_loop3A_172 {add = true} : memref<256x128xf32, #tpu.memory_space<vmem>>[vector<16xi32>, vector<16xi32>], vector<16xf32>,
        %parallel_loop3A_173 = arith.index_cast %parallel_loop3A_166 : i32 to index
        %parallel_loop3A_174 = arith.constant 32 : index
        %parallel_loop3A_175 = tpu.vector_load %arg13[%parallel_loop3A_173, %parallel_loop3A_174] {strides = array<i32>} : memref<128x128xf32, #tpu.memory_space<vmem>>, vector<16xf32>,
        tpu.vector_store_idx %arg10[%parallel_loop3A_162, %add3A_52], %parallel_loop3A_175 {add = true} : memref<256x128xf32, #tpu.memory_space<vmem>>[vector<16xi32>, vector<16xi32>], vector<16xf32>,
        %parallel_loop3A_176 = arith.index_cast %parallel_loop3A_166 : i32 to index
        %parallel_loop3A_177 = arith.constant 48 : index
        %parallel_loop3A_178 = tpu.vector_load %arg13[%parallel_loop3A_176, %parallel_loop3A_177] {strides = array<i32>} : memref<128x128xf32, #tpu.memory_space<vmem>>, vector<16xf32>,
        tpu.vector_store_idx %arg10[%parallel_loop3A_162, %add3A_56], %parallel_loop3A_178 {add = true} : memref<256x128xf32, #tpu.memory_space<vmem>>[vector<16xi32>, vector<16xi32>], vector<16xf32>,
        %parallel_loop3A_179 = arith.index_cast %parallel_loop3A_166 : i32 to index
        %parallel_loop3A_180 = arith.constant 64 : index
        %parallel_loop3A_181 = tpu.vector_load %arg13[%parallel_loop3A_179, %parallel_loop3A_180] {strides = array<i32>} : memref<128x128xf32, #tpu.memory_space<vmem>>, vector<16xf32>,
        tpu.vector_store_idx %arg10[%parallel_loop3A_162, %add3A_60], %parallel_loop3A_181 {add = true} : memref<256x128xf32, #tpu.memory_space<vmem>>[vector<16xi32>, vector<16xi32>], vector<16xf32>,
        %parallel_loop3A_182 = arith.index_cast %parallel_loop3A_166 : i32 to index
        %parallel_loop3A_183 = arith.constant 80 : index
        %parallel_loop3A_184 = tpu.vector_load %arg13[%parallel_loop3A_182, %parallel_loop3A_183] {strides = array<i32>} : memref<128x128xf32, #tpu.memory_space<vmem>>, vector<16xf32>,
        tpu.vector_store_idx %arg10[%parallel_loop3A_162, %add3A_64], %parallel_loop3A_184 {add = true} : memref<256x128xf32, #tpu.memory_space<vmem>>[vector<16xi32>, vector<16xi32>], vector<16xf32>,
        %parallel_loop3A_185 = arith.index_cast %parallel_loop3A_166 : i32 to index
        %parallel_loop3A_186 = arith.constant 96 : index
        %parallel_loop3A_187 = tpu.vector_load %arg13[%parallel_loop3A_185, %parallel_loop3A_186] {strides = array<i32>} : memref<128x128xf32, #tpu.memory_space<vmem>>, vector<16xf32>,
        tpu.vector_store_idx %arg10[%parallel_loop3A_162, %add3A_68], %parallel_loop3A_187 {add = true} : memref<256x128xf32, #tpu.memory_space<vmem>>[vector<16xi32>, vector<16xi32>], vector<16xf32>,
        %parallel_loop3A_188 = arith.index_cast %parallel_loop3A_166 : i32 to index
        %parallel_loop3A_189 = arith.constant 112 : index
        %parallel_loop3A_190 = tpu.vector_load %arg13[%parallel_loop3A_188, %parallel_loop3A_189] {strides = array<i32>} : memref<128x128xf32, #tpu.memory_space<vmem>>, vector<16xf32>,
        tpu.vector_store_idx %arg10[%parallel_loop3A_162, %add3A_72], %parallel_loop3A_190 {add = true} : memref<256x128xf32, #tpu.memory_space<vmem>>[vector<16xi32>, vector<16xi32>], vector<16xf32>,
        %parallel_loop3A_191 = arith.constant 2 : i32
        %parallel_loop3A_192 = vector.broadcast %parallel_loop3A_191 : i32 to vector<16x1xi32>
        %parallel_loop3A_193 = vector.shape_cast %parallel_loop3A_192 : vector<16x1xi32> to vector<16xi32>
        %parallel_loop3A_194 = tpu.dynamic_gather %parallel_loop3A_126[%parallel_loop3A_193] in [0] : vector<16xi32>, vector<16xi32> -> vector<16xi32>
        %parallel_loop3A_195 = arith.constant 16 : i32
        %parallel_loop3A_196 = arith.muli %parallel_loop3A_119, %parallel_loop3A_195 : i32
        %parallel_loop3A_197 = arith.constant 2 : i32
        %parallel_loop3A_198 = arith.addi %parallel_loop3A_196, %parallel_loop3A_197 : i32
        %parallel_loop3A_199 = arith.index_cast %parallel_loop3A_198 : i32 to index
        %parallel_loop3A_200 = arith.constant 0 : index
        %parallel_loop3A_201 = tpu.vector_load %arg13[%parallel_loop3A_199, %parallel_loop3A_200] {strides = array<i32>} : memref<128x128xf32, #tpu.memory_space<vmem>>, vector<16xf32>,
        tpu.vector_store_idx %arg10[%parallel_loop3A_194, %add3A_44], %parallel_loop3A_201 {add = true} : memref<256x128xf32, #tpu.memory_space<vmem>>[vector<16xi32>, vector<16xi32>], vector<16xf32>,
        %parallel_loop3A_202 = arith.index_cast %parallel_loop3A_198 : i32 to index
        %parallel_loop3A_203 = arith.constant 16 : index
        %parallel_loop3A_204 = tpu.vector_load %arg13[%parallel_loop3A_202, %parallel_loop3A_203] {strides = array<i32>} : memref<128x128xf32, #tpu.memory_space<vmem>>, vector<16xf32>,
        tpu.vector_store_idx %arg10[%parallel_loop3A_194, %add3A_48], %parallel_loop3A_204 {add = true} : memref<256x128xf32, #tpu.memory_space<vmem>>[vector<16xi32>, vector<16xi32>], vector<16xf32>,
        %parallel_loop3A_205 = arith.index_cast %parallel_loop3A_198 : i32 to index
        %parallel_loop3A_206 = arith.constant 32 : index
        %parallel_loop3A_207 = tpu.vector_load %arg13[%parallel_loop3A_205, %parallel_loop3A_206] {strides = array<i32>} : memref<128x128xf32, #tpu.memory_space<vmem>>, vector<16xf32>,
        tpu.vector_store_idx %arg10[%parallel_loop3A_194, %add3A_52], %parallel_loop3A_207 {add = true} : memref<256x128xf32, #tpu.memory_space<vmem>>[vector<16xi32>, vector<16xi32>], vector<16xf32>,
        %parallel_loop3A_208 = arith.index_cast %parallel_loop3A_198 : i32 to index
        %parallel_loop3A_209 = arith.constant 48 : index
        %parallel_loop3A_210 = tpu.vector_load %arg13[%parallel_loop3A_208, %parallel_loop3A_209] {strides = array<i32>} : memref<128x128xf32, #tpu.memory_space<vmem>>, vector<16xf32>,
        tpu.vector_store_idx %arg10[%parallel_loop3A_194, %add3A_56], %parallel_loop3A_210 {add = true} : memref<256x128xf32, #tpu.memory_space<vmem>>[vector<16xi32>, vector<16xi32>], vector<16xf32>,
        %parallel_loop3A_211 = arith.index_cast %parallel_loop3A_198 : i32 to index
        %parallel_loop3A_212 = arith.constant 64 : index
        %parallel_loop3A_213 = tpu.vector_load %arg13[%parallel_loop3A_211, %parallel_loop3A_212] {strides = array<i32>} : memref<128x128xf32, #tpu.memory_space<vmem>>, vector<16xf32>,
        tpu.vector_store_idx %arg10[%parallel_loop3A_194, %add3A_60], %parallel_loop3A_213 {add = true} : memref<256x128xf32, #tpu.memory_space<vmem>>[vector<16xi32>, vector<16xi32>], vector<16xf32>,
        %parallel_loop3A_214 = arith.index_cast %parallel_loop3A_198 : i32 to index
        %parallel_loop3A_215 = arith.constant 80 : index
        %parallel_loop3A_216 = tpu.vector_load %arg13[%parallel_loop3A_214, %parallel_loop3A_215] {strides = array<i32>} : memref<128x128xf32, #tpu.memory_space<vmem>>, vector<16xf32>,
        tpu.vector_store_idx %arg10[%parallel_loop3A_194, %add3A_64], %parallel_loop3A_216 {add = true} : memref<256x128xf32, #tpu.memory_space<vmem>>[vector<16xi32>, vector<16xi32>], vector<16xf32>,
        %parallel_loop3A_217 = arith.index_cast %parallel_loop3A_198 : i32 to index
        %parallel_loop3A_218 = arith.constant 96 : index
        %parallel_loop3A_219 = tpu.vector_load %arg13[%parallel_loop3A_217, %parallel_loop3A_218] {strides = array<i32>} : memref<128x128xf32, #tpu.memory_space<vmem>>, vector<16xf32>,
        tpu.vector_store_idx %arg10[%parallel_loop3A_194, %add3A_68], %parallel_loop3A_219 {add = true} : memref<256x128xf32, #tpu.memory_space<vmem>>[vector<16xi32>, vector<16xi32>], vector<16xf32>,
        %parallel_loop3A_220 = arith.index_cast %parallel_loop3A_198 : i32 to index
        %parallel_loop3A_221 = arith.constant 112 : index
        %parallel_loop3A_222 = tpu.vector_load %arg13[%parallel_loop3A_220, %parallel_loop3A_221] {strides = array<i32>} : memref<128x128xf32, #tpu.memory_space<vmem>>, vector<16xf32>,
        tpu.vector_store_idx %arg10[%parallel_loop3A_194, %add3A_72], %parallel_loop3A_222 {add = true} : memref<256x128xf32, #tpu.memory_space<vmem>>[vector<16xi32>, vector<16xi32>], vector<16xf32>,
        %parallel_loop3A_223 = arith.constant 3 : i32
        %parallel_loop3A_224 = vector.broadcast %parallel_loop3A_223 : i32 to vector<16x1xi32>
        %parallel_loop3A_225 = vector.shape_cast %parallel_loop3A_224 : vector<16x1xi32> to vector<16xi32>
        %parallel_loop3A_226 = tpu.dynamic_gather %parallel_loop3A_126[%parallel_loop3A_225] in [0] : vector<16xi32>, vector<16xi32> -> vector<16xi32>
        %parallel_loop3A_227 = arith.constant 16 : i32
        %parallel_loop3A_228 = arith.muli %parallel_loop3A_119, %parallel_loop3A_227 : i32
        %parallel_loop3A_229 = arith.constant 3 : i32
        %parallel_loop3A_230 = arith.addi %parallel_loop3A_228, %parallel_loop3A_229 : i32
        %parallel_loop3A_231 = arith.index_cast %parallel_loop3A_230 : i32 to index
        %parallel_loop3A_232 = arith.constant 0 : index
        %parallel_loop3A_233 = tpu.vector_load %arg13[%parallel_loop3A_231, %parallel_loop3A_232] {strides = array<i32>} : memref<128x128xf32, #tpu.memory_space<vmem>>, vector<16xf32>,
        tpu.vector_store_idx %arg10[%parallel_loop3A_226, %add3A_44], %parallel_loop3A_233 {add = true} : memref<256x128xf32, #tpu.memory_space<vmem>>[vector<16xi32>, vector<16xi32>], vector<16xf32>,
        %parallel_loop3A_234 = arith.index_cast %parallel_loop3A_230 : i32 to index
        %parallel_loop3A_235 = arith.constant 16 : index
        %parallel_loop3A_236 = tpu.vector_load %arg13[%parallel_loop3A_234, %parallel_loop3A_235] {strides = array<i32>} : memref<128x128xf32, #tpu.memory_space<vmem>>, vector<16xf32>,
        tpu.vector_store_idx %arg10[%parallel_loop3A_226, %add3A_48], %parallel_loop3A_236 {add = true} : memref<256x128xf32, #tpu.memory_space<vmem>>[vector<16xi32>, vector<16xi32>], vector<16xf32>,
        %parallel_loop3A_237 = arith.index_cast %parallel_loop3A_230 : i32 to index
        %parallel_loop3A_238 = arith.constant 32 : index
        %parallel_loop3A_239 = tpu.vector_load %arg13[%parallel_loop3A_237, %parallel_loop3A_238] {strides = array<i32>} : memref<128x128xf32, #tpu.memory_space<vmem>>, vector<16xf32>,
        tpu.vector_store_idx %arg10[%parallel_loop3A_226, %add3A_52], %parallel_loop3A_239 {add = true} : memref<256x128xf32, #tpu.memory_space<vmem>>[vector<16xi32>, vector<16xi32>], vector<16xf32>,
        %parallel_loop3A_240 = arith.index_cast %parallel_loop3A_230 : i32 to index
        %parallel_loop3A_241 = arith.constant 48 : index
        %parallel_loop3A_242 = tpu.vector_load %arg13[%parallel_loop3A_240, %parallel_loop3A_241] {strides = array<i32>} : memref<128x128xf32, #tpu.memory_space<vmem>>, vector<16xf32>,
        tpu.vector_store_idx %arg10[%parallel_loop3A_226, %add3A_56], %parallel_loop3A_242 {add = true} : memref<256x128xf32, #tpu.memory_space<vmem>>[vector<16xi32>, vector<16xi32>], vector<16xf32>,
        %parallel_loop3A_243 = arith.index_cast %parallel_loop3A_230 : i32 to index
        %parallel_loop3A_244 = arith.constant 64 : index
        %parallel_loop3A_245 = tpu.vector_load %arg13[%parallel_loop3A_243, %parallel_loop3A_244] {strides = array<i32>} : memref<128x128xf32, #tpu.memory_space<vmem>>, vector<16xf32>,
        tpu.vector_store_idx %arg10[%parallel_loop3A_226, %add3A_60], %parallel_loop3A_245 {add = true} : memref<256x128xf32, #tpu.memory_space<vmem>>[vector<16xi32>, vector<16xi32>], vector<16xf32>,
        %parallel_loop3A_246 = arith.index_cast %parallel_loop3A_230 : i32 to index
        %parallel_loop3A_247 = arith.constant 80 : index
        %parallel_loop3A_248 = tpu.vector_load %arg13[%parallel_loop3A_246, %parallel_loop3A_247] {strides = array<i32>} : memref<128x128xf32, #tpu.memory_space<vmem>>, vector<16xf32>,
        tpu.vector_store_idx %arg10[%parallel_loop3A_226, %add3A_64], %parallel_loop3A_248 {add = true} : memref<256x128xf32, #tpu.memory_space<vmem>>[vector<16xi32>, vector<16xi32>], vector<16xf32>,
        %parallel_loop3A_249 = arith.index_cast %parallel_loop3A_230 : i32 to index
        %parallel_loop3A_250 = arith.constant 96 : index
        %parallel_loop3A_251 = tpu.vector_load %arg13[%parallel_loop3A_249, %parallel_loop3A_250] {strides = array<i32>} : memref<128x128xf32, #tpu.memory_space<vmem>>, vector<16xf32>,
        tpu.vector_store_idx %arg10[%parallel_loop3A_226, %add3A_68], %parallel_loop3A_251 {add = true} : memref<256x128xf32, #tpu.memory_space<vmem>>[vector<16xi32>, vector<16xi32>], vector<16xf32>,
        %parallel_loop3A_252 = arith.index_cast %parallel_loop3A_230 : i32 to index
        %parallel_loop3A_253 = arith.constant 112 : index
        %parallel_loop3A_254 = tpu.vector_load %arg13[%parallel_loop3A_252, %parallel_loop3A_253] {strides = array<i32>} : memref<128x128xf32, #tpu.memory_space<vmem>>, vector<16xf32>,
        tpu.vector_store_idx %arg10[%parallel_loop3A_226, %add3A_72], %parallel_loop3A_254 {add = true} : memref<256x128xf32, #tpu.memory_space<vmem>>[vector<16xi32>, vector<16xi32>], vector<16xf32>,
        %parallel_loop3A_255 = arith.constant 4 : i32
        %parallel_loop3A_256 = vector.broadcast %parallel_loop3A_255 : i32 to vector<16x1xi32>
        %parallel_loop3A_257 = vector.shape_cast %parallel_loop3A_256 : vector<16x1xi32> to vector<16xi32>
        %parallel_loop3A_258 = tpu.dynamic_gather %parallel_loop3A_126[%parallel_loop3A_257] in [0] : vector<16xi32>, vector<16xi32> -> vector<16xi32>
        %parallel_loop3A_259 = arith.constant 16 : i32
        %parallel_loop3A_260 = arith.muli %parallel_loop3A_119, %parallel_loop3A_259 : i32
        %parallel_loop3A_261 = arith.constant 4 : i32
        %parallel_loop3A_262 = arith.addi %parallel_loop3A_260, %parallel_loop3A_261 : i32
        %parallel_loop3A_263 = arith.index_cast %parallel_loop3A_262 : i32 to index
        %parallel_loop3A_264 = arith.constant 0 : index
        %parallel_loop3A_265 = tpu.vector_load %arg13[%parallel_loop3A_263, %parallel_loop3A_264] {strides = array<i32>} : memref<128x128xf32, #tpu.memory_space<vmem>>, vector<16xf32>,
        tpu.vector_store_idx %arg10[%parallel_loop3A_258, %add3A_44], %parallel_loop3A_265 {add = true} : memref<256x128xf32, #tpu.memory_space<vmem>>[vector<16xi32>, vector<16xi32>], vector<16xf32>,
        %parallel_loop3A_266 = arith.index_cast %parallel_loop3A_262 : i32 to index
        %parallel_loop3A_267 = arith.constant 16 : index
        %parallel_loop3A_268 = tpu.vector_load %arg13[%parallel_loop3A_266, %parallel_loop3A_267] {strides = array<i32>} : memref<128x128xf32, #tpu.memory_space<vmem>>, vector<16xf32>,
        tpu.vector_store_idx %arg10[%parallel_loop3A_258, %add3A_48], %parallel_loop3A_268 {add = true} : memref<256x128xf32, #tpu.memory_space<vmem>>[vector<16xi32>, vector<16xi32>], vector<16xf32>,
        %parallel_loop3A_269 = arith.index_cast %parallel_loop3A_262 : i32 to index
        %parallel_loop3A_270 = arith.constant 32 : index
        %parallel_loop3A_271 = tpu.vector_load %arg13[%parallel_loop3A_269, %parallel_loop3A_270] {strides = array<i32>} : memref<128x128xf32, #tpu.memory_space<vmem>>, vector<16xf32>,
        tpu.vector_store_idx %arg10[%parallel_loop3A_258, %add3A_52], %parallel_loop3A_271 {add = true} : memref<256x128xf32, #tpu.memory_space<vmem>>[vector<16xi32>, vector<16xi32>], vector<16xf32>,
        %parallel_loop3A_272 = arith.index_cast %parallel_loop3A_262 : i32 to index
        %parallel_loop3A_273 = arith.constant 48 : index
        %parallel_loop3A_274 = tpu.vector_load %arg13[%parallel_loop3A_272, %parallel_loop3A_273] {strides = array<i32>} : memref<128x128xf32, #tpu.memory_space<vmem>>, vector<16xf32>,
        tpu.vector_store_idx %arg10[%parallel_loop3A_258, %add3A_56], %parallel_loop3A_274 {add = true} : memref<256x128xf32, #tpu.memory_space<vmem>>[vector<16xi32>, vector<16xi32>], vector<16xf32>,
        %parallel_loop3A_275 = arith.index_cast %parallel_loop3A_262 : i32 to index
        %parallel_loop3A_276 = arith.constant 64 : index
        %parallel_loop3A_277 = tpu.vector_load %arg13[%parallel_loop3A_275, %parallel_loop3A_276] {strides = array<i32>} : memref<128x128xf32, #tpu.memory_space<vmem>>, vector<16xf32>,
        tpu.vector_store_idx %arg10[%parallel_loop3A_258, %add3A_60], %parallel_loop3A_277 {add = true} : memref<256x128xf32, #tpu.memory_space<vmem>>[vector<16xi32>, vector<16xi32>], vector<16xf32>,
        %parallel_loop3A_278 = arith.index_cast %parallel_loop3A_262 : i32 to index
        %parallel_loop3A_279 = arith.constant 80 : index
        %parallel_loop3A_280 = tpu.vector_load %arg13[%parallel_loop3A_278, %parallel_loop3A_279] {strides = array<i32>} : memref<128x128xf32, #tpu.memory_space<vmem>>, vector<16xf32>,
        tpu.vector_store_idx %arg10[%parallel_loop3A_258, %add3A_64], %parallel_loop3A_280 {add = true} : memref<256x128xf32, #tpu.memory_space<vmem>>[vector<16xi32>, vector<16xi32>], vector<16xf32>,
        %parallel_loop3A_281 = arith.index_cast %parallel_loop3A_262 : i32 to index
        %parallel_loop3A_282 = arith.constant 96 : index
        %parallel_loop3A_283 = tpu.vector_load %arg13[%parallel_loop3A_281, %parallel_loop3A_282] {strides = array<i32>} : memref<128x128xf32, #tpu.memory_space<vmem>>, vector<16xf32>,
        tpu.vector_store_idx %arg10[%parallel_loop3A_258, %add3A_68], %parallel_loop3A_283 {add = true} : memref<256x128xf32, #tpu.memory_space<vmem>>[vector<16xi32>, vector<16xi32>], vector<16xf32>,
        %parallel_loop3A_284 = arith.index_cast %parallel_loop3A_262 : i32 to index
        %parallel_loop3A_285 = arith.constant 112 : index
        %parallel_loop3A_286 = tpu.vector_load %arg13[%parallel_loop3A_284, %parallel_loop3A_285] {strides = array<i32>} : memref<128x128xf32, #tpu.memory_space<vmem>>, vector<16xf32>,
        tpu.vector_store_idx %arg10[%parallel_loop3A_258, %add3A_72], %parallel_loop3A_286 {add = true} : memref<256x128xf32, #tpu.memory_space<vmem>>[vector<16xi32>, vector<16xi32>], vector<16xf32>,
        %parallel_loop3A_287 = arith.constant 5 : i32
        %parallel_loop3A_288 = vector.broadcast %parallel_loop3A_287 : i32 to vector<16x1xi32>
        %parallel_loop3A_289 = vector.shape_cast %parallel_loop3A_288 : vector<16x1xi32> to vector<16xi32>
        %parallel_loop3A_290 = tpu.dynamic_gather %parallel_loop3A_126[%parallel_loop3A_289] in [0] : vector<16xi32>, vector<16xi32> -> vector<16xi32>
        %parallel_loop3A_291 = arith.constant 16 : i32
        %parallel_loop3A_292 = arith.muli %parallel_loop3A_119, %parallel_loop3A_291 : i32
        %parallel_loop3A_293 = arith.constant 5 : i32
        %parallel_loop3A_294 = arith.addi %parallel_loop3A_292, %parallel_loop3A_293 : i32
        %parallel_loop3A_295 = arith.index_cast %parallel_loop3A_294 : i32 to index
        %parallel_loop3A_296 = arith.constant 0 : index
        %parallel_loop3A_297 = tpu.vector_load %arg13[%parallel_loop3A_295, %parallel_loop3A_296] {strides = array<i32>} : memref<128x128xf32, #tpu.memory_space<vmem>>, vector<16xf32>,
        tpu.vector_store_idx %arg10[%parallel_loop3A_290, %add3A_44], %parallel_loop3A_297 {add = true} : memref<256x128xf32, #tpu.memory_space<vmem>>[vector<16xi32>, vector<16xi32>], vector<16xf32>,
        %parallel_loop3A_298 = arith.index_cast %parallel_loop3A_294 : i32 to index
        %parallel_loop3A_299 = arith.constant 16 : index
        %parallel_loop3A_300 = tpu.vector_load %arg13[%parallel_loop3A_298, %parallel_loop3A_299] {strides = array<i32>} : memref<128x128xf32, #tpu.memory_space<vmem>>, vector<16xf32>,
        tpu.vector_store_idx %arg10[%parallel_loop3A_290, %add3A_48], %parallel_loop3A_300 {add = true} : memref<256x128xf32, #tpu.memory_space<vmem>>[vector<16xi32>, vector<16xi32>], vector<16xf32>,
        %parallel_loop3A_301 = arith.index_cast %parallel_loop3A_294 : i32 to index
        %parallel_loop3A_302 = arith.constant 32 : index
        %parallel_loop3A_303 = tpu.vector_load %arg13[%parallel_loop3A_301, %parallel_loop3A_302] {strides = array<i32>} : memref<128x128xf32, #tpu.memory_space<vmem>>, vector<16xf32>,
        tpu.vector_store_idx %arg10[%parallel_loop3A_290, %add3A_52], %parallel_loop3A_303 {add = true} : memref<256x128xf32, #tpu.memory_space<vmem>>[vector<16xi32>, vector<16xi32>], vector<16xf32>,
        %parallel_loop3A_304 = arith.index_cast %parallel_loop3A_294 : i32 to index
        %parallel_loop3A_305 = arith.constant 48 : index
        %parallel_loop3A_306 = tpu.vector_load %arg13[%parallel_loop3A_304, %parallel_loop3A_305] {strides = array<i32>} : memref<128x128xf32, #tpu.memory_space<vmem>>, vector<16xf32>,
        tpu.vector_store_idx %arg10[%parallel_loop3A_290, %add3A_56], %parallel_loop3A_306 {add = true} : memref<256x128xf32, #tpu.memory_space<vmem>>[vector<16xi32>, vector<16xi32>], vector<16xf32>,
        %parallel_loop3A_307 = arith.index_cast %parallel_loop3A_294 : i32 to index
        %parallel_loop3A_308 = arith.constant 64 : index
        %parallel_loop3A_309 = tpu.vector_load %arg13[%parallel_loop3A_307, %parallel_loop3A_308] {strides = array<i32>} : memref<128x128xf32, #tpu.memory_space<vmem>>, vector<16xf32>,
        tpu.vector_store_idx %arg10[%parallel_loop3A_290, %add3A_60], %parallel_loop3A_309 {add = true} : memref<256x128xf32, #tpu.memory_space<vmem>>[vector<16xi32>, vector<16xi32>], vector<16xf32>,
        %parallel_loop3A_310 = arith.index_cast %parallel_loop3A_294 : i32 to index
        %parallel_loop3A_311 = arith.constant 80 : index
        %parallel_loop3A_312 = tpu.vector_load %arg13[%parallel_loop3A_310, %parallel_loop3A_311] {strides = array<i32>} : memref<128x128xf32, #tpu.memory_space<vmem>>, vector<16xf32>,
        tpu.vector_store_idx %arg10[%parallel_loop3A_290, %add3A_64], %parallel_loop3A_312 {add = true} : memref<256x128xf32, #tpu.memory_space<vmem>>[vector<16xi32>, vector<16xi32>], vector<16xf32>,
        %parallel_loop3A_313 = arith.index_cast %parallel_loop3A_294 : i32 to index
        %parallel_loop3A_314 = arith.constant 96 : index
        %parallel_loop3A_315 = tpu.vector_load %arg13[%parallel_loop3A_313, %parallel_loop3A_314] {strides = array<i32>} : memref<128x128xf32, #tpu.memory_space<vmem>>, vector<16xf32>,
        tpu.vector_store_idx %arg10[%parallel_loop3A_290, %add3A_68], %parallel_loop3A_315 {add = true} : memref<256x128xf32, #tpu.memory_space<vmem>>[vector<16xi32>, vector<16xi32>], vector<16xf32>,
        %parallel_loop3A_316 = arith.index_cast %parallel_loop3A_294 : i32 to index
        %parallel_loop3A_317 = arith.constant 112 : index
        %parallel_loop3A_318 = tpu.vector_load %arg13[%parallel_loop3A_316, %parallel_loop3A_317] {strides = array<i32>} : memref<128x128xf32, #tpu.memory_space<vmem>>, vector<16xf32>,
        tpu.vector_store_idx %arg10[%parallel_loop3A_290, %add3A_72], %parallel_loop3A_318 {add = true} : memref<256x128xf32, #tpu.memory_space<vmem>>[vector<16xi32>, vector<16xi32>], vector<16xf32>,
        %parallel_loop3A_319 = arith.constant 6 : i32
        %parallel_loop3A_320 = vector.broadcast %parallel_loop3A_319 : i32 to vector<16x1xi32>
        %parallel_loop3A_321 = vector.shape_cast %parallel_loop3A_320 : vector<16x1xi32> to vector<16xi32>
        %parallel_loop3A_322 = tpu.dynamic_gather %parallel_loop3A_126[%parallel_loop3A_321] in [0] : vector<16xi32>, vector<16xi32> -> vector<16xi32>
        %parallel_loop3A_323 = arith.constant 16 : i32
        %parallel_loop3A_324 = arith.muli %parallel_loop3A_119, %parallel_loop3A_323 : i32
        %parallel_loop3A_325 = arith.constant 6 : i32
        %parallel_loop3A_326 = arith.addi %parallel_loop3A_324, %parallel_loop3A_325 : i32
        %parallel_loop3A_327 = arith.index_cast %parallel_loop3A_326 : i32 to index
        %parallel_loop3A_328 = arith.constant 0 : index
        %parallel_loop3A_329 = tpu.vector_load %arg13[%parallel_loop3A_327, %parallel_loop3A_328] {strides = array<i32>} : memref<128x128xf32, #tpu.memory_space<vmem>>, vector<16xf32>,
        tpu.vector_store_idx %arg10[%parallel_loop3A_322, %add3A_44], %parallel_loop3A_329 {add = true} : memref<256x128xf32, #tpu.memory_space<vmem>>[vector<16xi32>, vector<16xi32>], vector<16xf32>,
        %parallel_loop3A_330 = arith.index_cast %parallel_loop3A_326 : i32 to index
        %parallel_loop3A_331 = arith.constant 16 : index
        %parallel_loop3A_332 = tpu.vector_load %arg13[%parallel_loop3A_330, %parallel_loop3A_331] {strides = array<i32>} : memref<128x128xf32, #tpu.memory_space<vmem>>, vector<16xf32>,
        tpu.vector_store_idx %arg10[%parallel_loop3A_322, %add3A_48], %parallel_loop3A_332 {add = true} : memref<256x128xf32, #tpu.memory_space<vmem>>[vector<16xi32>, vector<16xi32>], vector<16xf32>,
        %parallel_loop3A_333 = arith.index_cast %parallel_loop3A_326 : i32 to index
        %parallel_loop3A_334 = arith.constant 32 : index
        %parallel_loop3A_335 = tpu.vector_load %arg13[%parallel_loop3A_333, %parallel_loop3A_334] {strides = array<i32>} : memref<128x128xf32, #tpu.memory_space<vmem>>, vector<16xf32>,
        tpu.vector_store_idx %arg10[%parallel_loop3A_322, %add3A_52], %parallel_loop3A_335 {add = true} : memref<256x128xf32, #tpu.memory_space<vmem>>[vector<16xi32>, vector<16xi32>], vector<16xf32>,
        %parallel_loop3A_336 = arith.index_cast %parallel_loop3A_326 : i32 to index
        %parallel_loop3A_337 = arith.constant 48 : index
        %parallel_loop3A_338 = tpu.vector_load %arg13[%parallel_loop3A_336, %parallel_loop3A_337] {strides = array<i32>} : memref<128x128xf32, #tpu.memory_space<vmem>>, vector<16xf32>,
        tpu.vector_store_idx %arg10[%parallel_loop3A_322, %add3A_56], %parallel_loop3A_338 {add = true} : memref<256x128xf32, #tpu.memory_space<vmem>>[vector<16xi32>, vector<16xi32>], vector<16xf32>,
        %parallel_loop3A_339 = arith.index_cast %parallel_loop3A_326 : i32 to index
        %parallel_loop3A_340 = arith.constant 64 : index
        %parallel_loop3A_341 = tpu.vector_load %arg13[%parallel_loop3A_339, %parallel_loop3A_340] {strides = array<i32>} : memref<128x128xf32, #tpu.memory_space<vmem>>, vector<16xf32>,
        tpu.vector_store_idx %arg10[%parallel_loop3A_322, %add3A_60], %parallel_loop3A_341 {add = true} : memref<256x128xf32, #tpu.memory_space<vmem>>[vector<16xi32>, vector<16xi32>], vector<16xf32>,
        %parallel_loop3A_342 = arith.index_cast %parallel_loop3A_326 : i32 to index
        %parallel_loop3A_343 = arith.constant 80 : index
        %parallel_loop3A_344 = tpu.vector_load %arg13[%parallel_loop3A_342, %parallel_loop3A_343] {strides = array<i32>} : memref<128x128xf32, #tpu.memory_space<vmem>>, vector<16xf32>,
        tpu.vector_store_idx %arg10[%parallel_loop3A_322, %add3A_64], %parallel_loop3A_344 {add = true} : memref<256x128xf32, #tpu.memory_space<vmem>>[vector<16xi32>, vector<16xi32>], vector<16xf32>,
        %parallel_loop3A_345 = arith.index_cast %parallel_loop3A_326 : i32 to index
        %parallel_loop3A_346 = arith.constant 96 : index
        %parallel_loop3A_347 = tpu.vector_load %arg13[%parallel_loop3A_345, %parallel_loop3A_346] {strides = array<i32>} : memref<128x128xf32, #tpu.memory_space<vmem>>, vector<16xf32>,
        tpu.vector_store_idx %arg10[%parallel_loop3A_322, %add3A_68], %parallel_loop3A_347 {add = true} : memref<256x128xf32, #tpu.memory_space<vmem>>[vector<16xi32>, vector<16xi32>], vector<16xf32>,
        %parallel_loop3A_348 = arith.index_cast %parallel_loop3A_326 : i32 to index
        %parallel_loop3A_349 = arith.constant 112 : index
        %parallel_loop3A_350 = tpu.vector_load %arg13[%parallel_loop3A_348, %parallel_loop3A_349] {strides = array<i32>} : memref<128x128xf32, #tpu.memory_space<vmem>>, vector<16xf32>,
        tpu.vector_store_idx %arg10[%parallel_loop3A_322, %add3A_72], %parallel_loop3A_350 {add = true} : memref<256x128xf32, #tpu.memory_space<vmem>>[vector<16xi32>, vector<16xi32>], vector<16xf32>,
        %parallel_loop3A_351 = arith.constant 7 : i32
        %parallel_loop3A_352 = vector.broadcast %parallel_loop3A_351 : i32 to vector<16x1xi32>
        %parallel_loop3A_353 = vector.shape_cast %parallel_loop3A_352 : vector<16x1xi32> to vector<16xi32>
        %parallel_loop3A_354 = tpu.dynamic_gather %parallel_loop3A_126[%parallel_loop3A_353] in [0] : vector<16xi32>, vector<16xi32> -> vector<16xi32>
        %parallel_loop3A_355 = arith.constant 16 : i32
        %parallel_loop3A_356 = arith.muli %parallel_loop3A_119, %parallel_loop3A_355 : i32
        %parallel_loop3A_357 = arith.constant 7 : i32
        %parallel_loop3A_358 = arith.addi %parallel_loop3A_356, %parallel_loop3A_357 : i32
        %parallel_loop3A_359 = arith.index_cast %parallel_loop3A_358 : i32 to index
        %parallel_loop3A_360 = arith.constant 0 : index
        %parallel_loop3A_361 = tpu.vector_load %arg13[%parallel_loop3A_359, %parallel_loop3A_360] {strides = array<i32>} : memref<128x128xf32, #tpu.memory_space<vmem>>, vector<16xf32>,
        tpu.vector_store_idx %arg10[%parallel_loop3A_354, %add3A_44], %parallel_loop3A_361 {add = true} : memref<256x128xf32, #tpu.memory_space<vmem>>[vector<16xi32>, vector<16xi32>], vector<16xf32>,
        %parallel_loop3A_362 = arith.index_cast %parallel_loop3A_358 : i32 to index
        %parallel_loop3A_363 = arith.constant 16 : index
        %parallel_loop3A_364 = tpu.vector_load %arg13[%parallel_loop3A_362, %parallel_loop3A_363] {strides = array<i32>} : memref<128x128xf32, #tpu.memory_space<vmem>>, vector<16xf32>,
        tpu.vector_store_idx %arg10[%parallel_loop3A_354, %add3A_48], %parallel_loop3A_364 {add = true} : memref<256x128xf32, #tpu.memory_space<vmem>>[vector<16xi32>, vector<16xi32>], vector<16xf32>,
        %parallel_loop3A_365 = arith.index_cast %parallel_loop3A_358 : i32 to index
        %parallel_loop3A_366 = arith.constant 32 : index
        %parallel_loop3A_367 = tpu.vector_load %arg13[%parallel_loop3A_365, %parallel_loop3A_366] {strides = array<i32>} : memref<128x128xf32, #tpu.memory_space<vmem>>, vector<16xf32>,
        tpu.vector_store_idx %arg10[%parallel_loop3A_354, %add3A_52], %parallel_loop3A_367 {add = true} : memref<256x128xf32, #tpu.memory_space<vmem>>[vector<16xi32>, vector<16xi32>], vector<16xf32>,
        %parallel_loop3A_368 = arith.index_cast %parallel_loop3A_358 : i32 to index
        %parallel_loop3A_369 = arith.constant 48 : index
        %parallel_loop3A_370 = tpu.vector_load %arg13[%parallel_loop3A_368, %parallel_loop3A_369] {strides = array<i32>} : memref<128x128xf32, #tpu.memory_space<vmem>>, vector<16xf32>,
        tpu.vector_store_idx %arg10[%parallel_loop3A_354, %add3A_56], %parallel_loop3A_370 {add = true} : memref<256x128xf32, #tpu.memory_space<vmem>>[vector<16xi32>, vector<16xi32>], vector<16xf32>,
        %parallel_loop3A_371 = arith.index_cast %parallel_loop3A_358 : i32 to index
        %parallel_loop3A_372 = arith.constant 64 : index
        %parallel_loop3A_373 = tpu.vector_load %arg13[%parallel_loop3A_371, %parallel_loop3A_372] {strides = array<i32>} : memref<128x128xf32, #tpu.memory_space<vmem>>, vector<16xf32>,
        tpu.vector_store_idx %arg10[%parallel_loop3A_354, %add3A_60], %parallel_loop3A_373 {add = true} : memref<256x128xf32, #tpu.memory_space<vmem>>[vector<16xi32>, vector<16xi32>], vector<16xf32>,
        %parallel_loop3A_374 = arith.index_cast %parallel_loop3A_358 : i32 to index
        %parallel_loop3A_375 = arith.constant 80 : index
        %parallel_loop3A_376 = tpu.vector_load %arg13[%parallel_loop3A_374, %parallel_loop3A_375] {strides = array<i32>} : memref<128x128xf32, #tpu.memory_space<vmem>>, vector<16xf32>,
        tpu.vector_store_idx %arg10[%parallel_loop3A_354, %add3A_64], %parallel_loop3A_376 {add = true} : memref<256x128xf32, #tpu.memory_space<vmem>>[vector<16xi32>, vector<16xi32>], vector<16xf32>,
        %parallel_loop3A_377 = arith.index_cast %parallel_loop3A_358 : i32 to index
        %parallel_loop3A_378 = arith.constant 96 : index
        %parallel_loop3A_379 = tpu.vector_load %arg13[%parallel_loop3A_377, %parallel_loop3A_378] {strides = array<i32>} : memref<128x128xf32, #tpu.memory_space<vmem>>, vector<16xf32>,
        tpu.vector_store_idx %arg10[%parallel_loop3A_354, %add3A_68], %parallel_loop3A_379 {add = true} : memref<256x128xf32, #tpu.memory_space<vmem>>[vector<16xi32>, vector<16xi32>], vector<16xf32>,
        %parallel_loop3A_380 = arith.index_cast %parallel_loop3A_358 : i32 to index
        %parallel_loop3A_381 = arith.constant 112 : index
        %parallel_loop3A_382 = tpu.vector_load %arg13[%parallel_loop3A_380, %parallel_loop3A_381] {strides = array<i32>} : memref<128x128xf32, #tpu.memory_space<vmem>>, vector<16xf32>,
        tpu.vector_store_idx %arg10[%parallel_loop3A_354, %add3A_72], %parallel_loop3A_382 {add = true} : memref<256x128xf32, #tpu.memory_space<vmem>>[vector<16xi32>, vector<16xi32>], vector<16xf32>,
        %parallel_loop3A_383 = arith.constant 8 : i32
        %parallel_loop3A_384 = vector.broadcast %parallel_loop3A_383 : i32 to vector<16x1xi32>
        %parallel_loop3A_385 = vector.shape_cast %parallel_loop3A_384 : vector<16x1xi32> to vector<16xi32>
        %parallel_loop3A_386 = tpu.dynamic_gather %parallel_loop3A_126[%parallel_loop3A_385] in [0] : vector<16xi32>, vector<16xi32> -> vector<16xi32>
        %parallel_loop3A_387 = arith.constant 16 : i32
        %parallel_loop3A_388 = arith.muli %parallel_loop3A_119, %parallel_loop3A_387 : i32
        %parallel_loop3A_389 = arith.constant 8 : i32
        %parallel_loop3A_390 = arith.addi %parallel_loop3A_388, %parallel_loop3A_389 : i32
        %parallel_loop3A_391 = arith.index_cast %parallel_loop3A_390 : i32 to index
        %parallel_loop3A_392 = arith.constant 0 : index
        %parallel_loop3A_393 = tpu.vector_load %arg13[%parallel_loop3A_391, %parallel_loop3A_392] {strides = array<i32>} : memref<128x128xf32, #tpu.memory_space<vmem>>, vector<16xf32>,
        tpu.vector_store_idx %arg10[%parallel_loop3A_386, %add3A_44], %parallel_loop3A_393 {add = true} : memref<256x128xf32, #tpu.memory_space<vmem>>[vector<16xi32>, vector<16xi32>], vector<16xf32>,
        %parallel_loop3A_394 = arith.index_cast %parallel_loop3A_390 : i32 to index
        %parallel_loop3A_395 = arith.constant 16 : index
        %parallel_loop3A_396 = tpu.vector_load %arg13[%parallel_loop3A_394, %parallel_loop3A_395] {strides = array<i32>} : memref<128x128xf32, #tpu.memory_space<vmem>>, vector<16xf32>,
        tpu.vector_store_idx %arg10[%parallel_loop3A_386, %add3A_48], %parallel_loop3A_396 {add = true} : memref<256x128xf32, #tpu.memory_space<vmem>>[vector<16xi32>, vector<16xi32>], vector<16xf32>,
        %parallel_loop3A_397 = arith.index_cast %parallel_loop3A_390 : i32 to index
        %parallel_loop3A_398 = arith.constant 32 : index
        %parallel_loop3A_399 = tpu.vector_load %arg13[%parallel_loop3A_397, %parallel_loop3A_398] {strides = array<i32>} : memref<128x128xf32, #tpu.memory_space<vmem>>, vector<16xf32>,
        tpu.vector_store_idx %arg10[%parallel_loop3A_386, %add3A_52], %parallel_loop3A_399 {add = true} : memref<256x128xf32, #tpu.memory_space<vmem>>[vector<16xi32>, vector<16xi32>], vector<16xf32>,
        %parallel_loop3A_400 = arith.index_cast %parallel_loop3A_390 : i32 to index
        %parallel_loop3A_401 = arith.constant 48 : index
        %parallel_loop3A_402 = tpu.vector_load %arg13[%parallel_loop3A_400, %parallel_loop3A_401] {strides = array<i32>} : memref<128x128xf32, #tpu.memory_space<vmem>>, vector<16xf32>,
        tpu.vector_store_idx %arg10[%parallel_loop3A_386, %add3A_56], %parallel_loop3A_402 {add = true} : memref<256x128xf32, #tpu.memory_space<vmem>>[vector<16xi32>, vector<16xi32>], vector<16xf32>,
        %parallel_loop3A_403 = arith.index_cast %parallel_loop3A_390 : i32 to index
        %parallel_loop3A_404 = arith.constant 64 : index
        %parallel_loop3A_405 = tpu.vector_load %arg13[%parallel_loop3A_403, %parallel_loop3A_404] {strides = array<i32>} : memref<128x128xf32, #tpu.memory_space<vmem>>, vector<16xf32>,
        tpu.vector_store_idx %arg10[%parallel_loop3A_386, %add3A_60], %parallel_loop3A_405 {add = true} : memref<256x128xf32, #tpu.memory_space<vmem>>[vector<16xi32>, vector<16xi32>], vector<16xf32>,
        %parallel_loop3A_406 = arith.index_cast %parallel_loop3A_390 : i32 to index
        %parallel_loop3A_407 = arith.constant 80 : index
        %parallel_loop3A_408 = tpu.vector_load %arg13[%parallel_loop3A_406, %parallel_loop3A_407] {strides = array<i32>} : memref<128x128xf32, #tpu.memory_space<vmem>>, vector<16xf32>,
        tpu.vector_store_idx %arg10[%parallel_loop3A_386, %add3A_64], %parallel_loop3A_408 {add = true} : memref<256x128xf32, #tpu.memory_space<vmem>>[vector<16xi32>, vector<16xi32>], vector<16xf32>,
        %parallel_loop3A_409 = arith.index_cast %parallel_loop3A_390 : i32 to index
        %parallel_loop3A_410 = arith.constant 96 : index
        %parallel_loop3A_411 = tpu.vector_load %arg13[%parallel_loop3A_409, %parallel_loop3A_410] {strides = array<i32>} : memref<128x128xf32, #tpu.memory_space<vmem>>, vector<16xf32>,
        tpu.vector_store_idx %arg10[%parallel_loop3A_386, %add3A_68], %parallel_loop3A_411 {add = true} : memref<256x128xf32, #tpu.memory_space<vmem>>[vector<16xi32>, vector<16xi32>], vector<16xf32>,
        %parallel_loop3A_412 = arith.index_cast %parallel_loop3A_390 : i32 to index
        %parallel_loop3A_413 = arith.constant 112 : index
        %parallel_loop3A_414 = tpu.vector_load %arg13[%parallel_loop3A_412, %parallel_loop3A_413] {strides = array<i32>} : memref<128x128xf32, #tpu.memory_space<vmem>>, vector<16xf32>,
        tpu.vector_store_idx %arg10[%parallel_loop3A_386, %add3A_72], %parallel_loop3A_414 {add = true} : memref<256x128xf32, #tpu.memory_space<vmem>>[vector<16xi32>, vector<16xi32>], vector<16xf32>,
        %parallel_loop3A_415 = arith.constant 9 : i32
        %parallel_loop3A_416 = vector.broadcast %parallel_loop3A_415 : i32 to vector<16x1xi32>
        %parallel_loop3A_417 = vector.shape_cast %parallel_loop3A_416 : vector<16x1xi32> to vector<16xi32>
        %parallel_loop3A_418 = tpu.dynamic_gather %parallel_loop3A_126[%parallel_loop3A_417] in [0] : vector<16xi32>, vector<16xi32> -> vector<16xi32>
        %parallel_loop3A_419 = arith.constant 16 : i32
        %parallel_loop3A_420 = arith.muli %parallel_loop3A_119, %parallel_loop3A_419 : i32
        %parallel_loop3A_421 = arith.constant 9 : i32
        %parallel_loop3A_422 = arith.addi %parallel_loop3A_420, %parallel_loop3A_421 : i32
        %parallel_loop3A_423 = arith.index_cast %parallel_loop3A_422 : i32 to index
        %parallel_loop3A_424 = arith.constant 0 : index
        %parallel_loop3A_425 = tpu.vector_load %arg13[%parallel_loop3A_423, %parallel_loop3A_424] {strides = array<i32>} : memref<128x128xf32, #tpu.memory_space<vmem>>, vector<16xf32>,
        tpu.vector_store_idx %arg10[%parallel_loop3A_418, %add3A_44], %parallel_loop3A_425 {add = true} : memref<256x128xf32, #tpu.memory_space<vmem>>[vector<16xi32>, vector<16xi32>], vector<16xf32>,
        %parallel_loop3A_426 = arith.index_cast %parallel_loop3A_422 : i32 to index
        %parallel_loop3A_427 = arith.constant 16 : index
        %parallel_loop3A_428 = tpu.vector_load %arg13[%parallel_loop3A_426, %parallel_loop3A_427] {strides = array<i32>} : memref<128x128xf32, #tpu.memory_space<vmem>>, vector<16xf32>,
        tpu.vector_store_idx %arg10[%parallel_loop3A_418, %add3A_48], %parallel_loop3A_428 {add = true} : memref<256x128xf32, #tpu.memory_space<vmem>>[vector<16xi32>, vector<16xi32>], vector<16xf32>,
        %parallel_loop3A_429 = arith.index_cast %parallel_loop3A_422 : i32 to index
        %parallel_loop3A_430 = arith.constant 32 : index
        %parallel_loop3A_431 = tpu.vector_load %arg13[%parallel_loop3A_429, %parallel_loop3A_430] {strides = array<i32>} : memref<128x128xf32, #tpu.memory_space<vmem>>, vector<16xf32>,
        tpu.vector_store_idx %arg10[%parallel_loop3A_418, %add3A_52], %parallel_loop3A_431 {add = true} : memref<256x128xf32, #tpu.memory_space<vmem>>[vector<16xi32>, vector<16xi32>], vector<16xf32>,
        %parallel_loop3A_432 = arith.index_cast %parallel_loop3A_422 : i32 to index
        %parallel_loop3A_433 = arith.constant 48 : index
        %parallel_loop3A_434 = tpu.vector_load %arg13[%parallel_loop3A_432, %parallel_loop3A_433] {strides = array<i32>} : memref<128x128xf32, #tpu.memory_space<vmem>>, vector<16xf32>,
        tpu.vector_store_idx %arg10[%parallel_loop3A_418, %add3A_56], %parallel_loop3A_434 {add = true} : memref<256x128xf32, #tpu.memory_space<vmem>>[vector<16xi32>, vector<16xi32>], vector<16xf32>,
        %parallel_loop3A_435 = arith.index_cast %parallel_loop3A_422 : i32 to index
        %parallel_loop3A_436 = arith.constant 64 : index
        %parallel_loop3A_437 = tpu.vector_load %arg13[%parallel_loop3A_435, %parallel_loop3A_436] {strides = array<i32>} : memref<128x128xf32, #tpu.memory_space<vmem>>, vector<16xf32>,
        tpu.vector_store_idx %arg10[%parallel_loop3A_418, %add3A_60], %parallel_loop3A_437 {add = true} : memref<256x128xf32, #tpu.memory_space<vmem>>[vector<16xi32>, vector<16xi32>], vector<16xf32>,
        %parallel_loop3A_438 = arith.index_cast %parallel_loop3A_422 : i32 to index
        %parallel_loop3A_439 = arith.constant 80 : index
        %parallel_loop3A_440 = tpu.vector_load %arg13[%parallel_loop3A_438, %parallel_loop3A_439] {strides = array<i32>} : memref<128x128xf32, #tpu.memory_space<vmem>>, vector<16xf32>,
        tpu.vector_store_idx %arg10[%parallel_loop3A_418, %add3A_64], %parallel_loop3A_440 {add = true} : memref<256x128xf32, #tpu.memory_space<vmem>>[vector<16xi32>, vector<16xi32>], vector<16xf32>,
        %parallel_loop3A_441 = arith.index_cast %parallel_loop3A_422 : i32 to index
        %parallel_loop3A_442 = arith.constant 96 : index
        %parallel_loop3A_443 = tpu.vector_load %arg13[%parallel_loop3A_441, %parallel_loop3A_442] {strides = array<i32>} : memref<128x128xf32, #tpu.memory_space<vmem>>, vector<16xf32>,
        tpu.vector_store_idx %arg10[%parallel_loop3A_418, %add3A_68], %parallel_loop3A_443 {add = true} : memref<256x128xf32, #tpu.memory_space<vmem>>[vector<16xi32>, vector<16xi32>], vector<16xf32>,
        %parallel_loop3A_444 = arith.index_cast %parallel_loop3A_422 : i32 to index
        %parallel_loop3A_445 = arith.constant 112 : index
        %parallel_loop3A_446 = tpu.vector_load %arg13[%parallel_loop3A_444, %parallel_loop3A_445] {strides = array<i32>} : memref<128x128xf32, #tpu.memory_space<vmem>>, vector<16xf32>,
        tpu.vector_store_idx %arg10[%parallel_loop3A_418, %add3A_72], %parallel_loop3A_446 {add = true} : memref<256x128xf32, #tpu.memory_space<vmem>>[vector<16xi32>, vector<16xi32>], vector<16xf32>,
        %parallel_loop3A_447 = arith.constant 10 : i32
        %parallel_loop3A_448 = vector.broadcast %parallel_loop3A_447 : i32 to vector<16x1xi32>
        %parallel_loop3A_449 = vector.shape_cast %parallel_loop3A_448 : vector<16x1xi32> to vector<16xi32>
        %parallel_loop3A_450 = tpu.dynamic_gather %parallel_loop3A_126[%parallel_loop3A_449] in [0] : vector<16xi32>, vector<16xi32> -> vector<16xi32>
        %parallel_loop3A_451 = arith.constant 16 : i32
        %parallel_loop3A_452 = arith.muli %parallel_loop3A_119, %parallel_loop3A_451 : i32
        %parallel_loop3A_453 = arith.constant 10 : i32
        %parallel_loop3A_454 = arith.addi %parallel_loop3A_452, %parallel_loop3A_453 : i32
        %parallel_loop3A_455 = arith.index_cast %parallel_loop3A_454 : i32 to index
        %parallel_loop3A_456 = arith.constant 0 : index
        %parallel_loop3A_457 = tpu.vector_load %arg13[%parallel_loop3A_455, %parallel_loop3A_456] {strides = array<i32>} : memref<128x128xf32, #tpu.memory_space<vmem>>, vector<16xf32>,
        tpu.vector_store_idx %arg10[%parallel_loop3A_450, %add3A_44], %parallel_loop3A_457 {add = true} : memref<256x128xf32, #tpu.memory_space<vmem>>[vector<16xi32>, vector<16xi32>], vector<16xf32>,
        %parallel_loop3A_458 = arith.index_cast %parallel_loop3A_454 : i32 to index
        %parallel_loop3A_459 = arith.constant 16 : index
        %parallel_loop3A_460 = tpu.vector_load %arg13[%parallel_loop3A_458, %parallel_loop3A_459] {strides = array<i32>} : memref<128x128xf32, #tpu.memory_space<vmem>>, vector<16xf32>,
        tpu.vector_store_idx %arg10[%parallel_loop3A_450, %add3A_48], %parallel_loop3A_460 {add = true} : memref<256x128xf32, #tpu.memory_space<vmem>>[vector<16xi32>, vector<16xi32>], vector<16xf32>,
        %parallel_loop3A_461 = arith.index_cast %parallel_loop3A_454 : i32 to index
        %parallel_loop3A_462 = arith.constant 32 : index
        %parallel_loop3A_463 = tpu.vector_load %arg13[%parallel_loop3A_461, %parallel_loop3A_462] {strides = array<i32>} : memref<128x128xf32, #tpu.memory_space<vmem>>, vector<16xf32>,
        tpu.vector_store_idx %arg10[%parallel_loop3A_450, %add3A_52], %parallel_loop3A_463 {add = true} : memref<256x128xf32, #tpu.memory_space<vmem>>[vector<16xi32>, vector<16xi32>], vector<16xf32>,
        %parallel_loop3A_464 = arith.index_cast %parallel_loop3A_454 : i32 to index
        %parallel_loop3A_465 = arith.constant 48 : index
        %parallel_loop3A_466 = tpu.vector_load %arg13[%parallel_loop3A_464, %parallel_loop3A_465] {strides = array<i32>} : memref<128x128xf32, #tpu.memory_space<vmem>>, vector<16xf32>,
        tpu.vector_store_idx %arg10[%parallel_loop3A_450, %add3A_56], %parallel_loop3A_466 {add = true} : memref<256x128xf32, #tpu.memory_space<vmem>>[vector<16xi32>, vector<16xi32>], vector<16xf32>,
        %parallel_loop3A_467 = arith.index_cast %parallel_loop3A_454 : i32 to index
        %parallel_loop3A_468 = arith.constant 64 : index
        %parallel_loop3A_469 = tpu.vector_load %arg13[%parallel_loop3A_467, %parallel_loop3A_468] {strides = array<i32>} : memref<128x128xf32, #tpu.memory_space<vmem>>, vector<16xf32>,
        tpu.vector_store_idx %arg10[%parallel_loop3A_450, %add3A_60], %parallel_loop3A_469 {add = true} : memref<256x128xf32, #tpu.memory_space<vmem>>[vector<16xi32>, vector<16xi32>], vector<16xf32>,
        %parallel_loop3A_470 = arith.index_cast %parallel_loop3A_454 : i32 to index
        %parallel_loop3A_471 = arith.constant 80 : index
        %parallel_loop3A_472 = tpu.vector_load %arg13[%parallel_loop3A_470, %parallel_loop3A_471] {strides = array<i32>} : memref<128x128xf32, #tpu.memory_space<vmem>>, vector<16xf32>,
        tpu.vector_store_idx %arg10[%parallel_loop3A_450, %add3A_64], %parallel_loop3A_472 {add = true} : memref<256x128xf32, #tpu.memory_space<vmem>>[vector<16xi32>, vector<16xi32>], vector<16xf32>,
        %parallel_loop3A_473 = arith.index_cast %parallel_loop3A_454 : i32 to index
        %parallel_loop3A_474 = arith.constant 96 : index
        %parallel_loop3A_475 = tpu.vector_load %arg13[%parallel_loop3A_473, %parallel_loop3A_474] {strides = array<i32>} : memref<128x128xf32, #tpu.memory_space<vmem>>, vector<16xf32>,
        tpu.vector_store_idx %arg10[%parallel_loop3A_450, %add3A_68], %parallel_loop3A_475 {add = true} : memref<256x128xf32, #tpu.memory_space<vmem>>[vector<16xi32>, vector<16xi32>], vector<16xf32>,
        %parallel_loop3A_476 = arith.index_cast %parallel_loop3A_454 : i32 to index
        %parallel_loop3A_477 = arith.constant 112 : index
        %parallel_loop3A_478 = tpu.vector_load %arg13[%parallel_loop3A_476, %parallel_loop3A_477] {strides = array<i32>} : memref<128x128xf32, #tpu.memory_space<vmem>>, vector<16xf32>,
        tpu.vector_store_idx %arg10[%parallel_loop3A_450, %add3A_72], %parallel_loop3A_478 {add = true} : memref<256x128xf32, #tpu.memory_space<vmem>>[vector<16xi32>, vector<16xi32>], vector<16xf32>,
        %parallel_loop3A_479 = arith.constant 11 : i32
        %parallel_loop3A_480 = vector.broadcast %parallel_loop3A_479 : i32 to vector<16x1xi32>
        %parallel_loop3A_481 = vector.shape_cast %parallel_loop3A_480 : vector<16x1xi32> to vector<16xi32>
        %parallel_loop3A_482 = tpu.dynamic_gather %parallel_loop3A_126[%parallel_loop3A_481] in [0] : vector<16xi32>, vector<16xi32> -> vector<16xi32>
        %parallel_loop3A_483 = arith.constant 16 : i32
        %parallel_loop3A_484 = arith.muli %parallel_loop3A_119, %parallel_loop3A_483 : i32
        %parallel_loop3A_485 = arith.constant 11 : i32
        %parallel_loop3A_486 = arith.addi %parallel_loop3A_484, %parallel_loop3A_485 : i32
        %parallel_loop3A_487 = arith.index_cast %parallel_loop3A_486 : i32 to index
        %parallel_loop3A_488 = arith.constant 0 : index
        %parallel_loop3A_489 = tpu.vector_load %arg13[%parallel_loop3A_487, %parallel_loop3A_488] {strides = array<i32>} : memref<128x128xf32, #tpu.memory_space<vmem>>, vector<16xf32>,
        tpu.vector_store_idx %arg10[%parallel_loop3A_482, %add3A_44], %parallel_loop3A_489 {add = true} : memref<256x128xf32, #tpu.memory_space<vmem>>[vector<16xi32>, vector<16xi32>], vector<16xf32>,
        %parallel_loop3A_490 = arith.index_cast %parallel_loop3A_486 : i32 to index
        %parallel_loop3A_491 = arith.constant 16 : index
        %parallel_loop3A_492 = tpu.vector_load %arg13[%parallel_loop3A_490, %parallel_loop3A_491] {strides = array<i32>} : memref<128x128xf32, #tpu.memory_space<vmem>>, vector<16xf32>,
        tpu.vector_store_idx %arg10[%parallel_loop3A_482, %add3A_48], %parallel_loop3A_492 {add = true} : memref<256x128xf32, #tpu.memory_space<vmem>>[vector<16xi32>, vector<16xi32>], vector<16xf32>,
        %parallel_loop3A_493 = arith.index_cast %parallel_loop3A_486 : i32 to index
        %parallel_loop3A_494 = arith.constant 32 : index
        %parallel_loop3A_495 = tpu.vector_load %arg13[%parallel_loop3A_493, %parallel_loop3A_494] {strides = array<i32>} : memref<128x128xf32, #tpu.memory_space<vmem>>, vector<16xf32>,
        tpu.vector_store_idx %arg10[%parallel_loop3A_482, %add3A_52], %parallel_loop3A_495 {add = true} : memref<256x128xf32, #tpu.memory_space<vmem>>[vector<16xi32>, vector<16xi32>], vector<16xf32>,
        %parallel_loop3A_496 = arith.index_cast %parallel_loop3A_486 : i32 to index
        %parallel_loop3A_497 = arith.constant 48 : index
        %parallel_loop3A_498 = tpu.vector_load %arg13[%parallel_loop3A_496, %parallel_loop3A_497] {strides = array<i32>} : memref<128x128xf32, #tpu.memory_space<vmem>>, vector<16xf32>,
        tpu.vector_store_idx %arg10[%parallel_loop3A_482, %add3A_56], %parallel_loop3A_498 {add = true} : memref<256x128xf32, #tpu.memory_space<vmem>>[vector<16xi32>, vector<16xi32>], vector<16xf32>,
        %parallel_loop3A_499 = arith.index_cast %parallel_loop3A_486 : i32 to index
        %parallel_loop3A_500 = arith.constant 64 : index
        %parallel_loop3A_501 = tpu.vector_load %arg13[%parallel_loop3A_499, %parallel_loop3A_500] {strides = array<i32>} : memref<128x128xf32, #tpu.memory_space<vmem>>, vector<16xf32>,
        tpu.vector_store_idx %arg10[%parallel_loop3A_482, %add3A_60], %parallel_loop3A_501 {add = true} : memref<256x128xf32, #tpu.memory_space<vmem>>[vector<16xi32>, vector<16xi32>], vector<16xf32>,
        %parallel_loop3A_502 = arith.index_cast %parallel_loop3A_486 : i32 to index
        %parallel_loop3A_503 = arith.constant 80 : index
        %parallel_loop3A_504 = tpu.vector_load %arg13[%parallel_loop3A_502, %parallel_loop3A_503] {strides = array<i32>} : memref<128x128xf32, #tpu.memory_space<vmem>>, vector<16xf32>,
        tpu.vector_store_idx %arg10[%parallel_loop3A_482, %add3A_64], %parallel_loop3A_504 {add = true} : memref<256x128xf32, #tpu.memory_space<vmem>>[vector<16xi32>, vector<16xi32>], vector<16xf32>,
        %parallel_loop3A_505 = arith.index_cast %parallel_loop3A_486 : i32 to index
        %parallel_loop3A_506 = arith.constant 96 : index
        %parallel_loop3A_507 = tpu.vector_load %arg13[%parallel_loop3A_505, %parallel_loop3A_506] {strides = array<i32>} : memref<128x128xf32, #tpu.memory_space<vmem>>, vector<16xf32>,
        tpu.vector_store_idx %arg10[%parallel_loop3A_482, %add3A_68], %parallel_loop3A_507 {add = true} : memref<256x128xf32, #tpu.memory_space<vmem>>[vector<16xi32>, vector<16xi32>], vector<16xf32>,
        %parallel_loop3A_508 = arith.index_cast %parallel_loop3A_486 : i32 to index
        %parallel_loop3A_509 = arith.constant 112 : index
        %parallel_loop3A_510 = tpu.vector_load %arg13[%parallel_loop3A_508, %parallel_loop3A_509] {strides = array<i32>} : memref<128x128xf32, #tpu.memory_space<vmem>>, vector<16xf32>,
        tpu.vector_store_idx %arg10[%parallel_loop3A_482, %add3A_72], %parallel_loop3A_510 {add = true} : memref<256x128xf32, #tpu.memory_space<vmem>>[vector<16xi32>, vector<16xi32>], vector<16xf32>,
        %parallel_loop3A_511 = arith.constant 12 : i32
        %parallel_loop3A_512 = vector.broadcast %parallel_loop3A_511 : i32 to vector<16x1xi32>
        %parallel_loop3A_513 = vector.shape_cast %parallel_loop3A_512 : vector<16x1xi32> to vector<16xi32>
        %parallel_loop3A_514 = tpu.dynamic_gather %parallel_loop3A_126[%parallel_loop3A_513] in [0] : vector<16xi32>, vector<16xi32> -> vector<16xi32>
        %parallel_loop3A_515 = arith.constant 16 : i32
        %parallel_loop3A_516 = arith.muli %parallel_loop3A_119, %parallel_loop3A_515 : i32
        %parallel_loop3A_517 = arith.constant 12 : i32
        %parallel_loop3A_518 = arith.addi %parallel_loop3A_516, %parallel_loop3A_517 : i32
        %parallel_loop3A_519 = arith.index_cast %parallel_loop3A_518 : i32 to index
        %parallel_loop3A_520 = arith.constant 0 : index
        %parallel_loop3A_521 = tpu.vector_load %arg13[%parallel_loop3A_519, %parallel_loop3A_520] {strides = array<i32>} : memref<128x128xf32, #tpu.memory_space<vmem>>, vector<16xf32>,
        tpu.vector_store_idx %arg10[%parallel_loop3A_514, %add3A_44], %parallel_loop3A_521 {add = true} : memref<256x128xf32, #tpu.memory_space<vmem>>[vector<16xi32>, vector<16xi32>], vector<16xf32>,
        %parallel_loop3A_522 = arith.index_cast %parallel_loop3A_518 : i32 to index
        %parallel_loop3A_523 = arith.constant 16 : index
        %parallel_loop3A_524 = tpu.vector_load %arg13[%parallel_loop3A_522, %parallel_loop3A_523] {strides = array<i32>} : memref<128x128xf32, #tpu.memory_space<vmem>>, vector<16xf32>,
        tpu.vector_store_idx %arg10[%parallel_loop3A_514, %add3A_48], %parallel_loop3A_524 {add = true} : memref<256x128xf32, #tpu.memory_space<vmem>>[vector<16xi32>, vector<16xi32>], vector<16xf32>,
        %parallel_loop3A_525 = arith.index_cast %parallel_loop3A_518 : i32 to index
        %parallel_loop3A_526 = arith.constant 32 : index
        %parallel_loop3A_527 = tpu.vector_load %arg13[%parallel_loop3A_525, %parallel_loop3A_526] {strides = array<i32>} : memref<128x128xf32, #tpu.memory_space<vmem>>, vector<16xf32>,
        tpu.vector_store_idx %arg10[%parallel_loop3A_514, %add3A_52], %parallel_loop3A_527 {add = true} : memref<256x128xf32, #tpu.memory_space<vmem>>[vector<16xi32>, vector<16xi32>], vector<16xf32>,
        %parallel_loop3A_528 = arith.index_cast %parallel_loop3A_518 : i32 to index
        %parallel_loop3A_529 = arith.constant 48 : index
        %parallel_loop3A_530 = tpu.vector_load %arg13[%parallel_loop3A_528, %parallel_loop3A_529] {strides = array<i32>} : memref<128x128xf32, #tpu.memory_space<vmem>>, vector<16xf32>,
        tpu.vector_store_idx %arg10[%parallel_loop3A_514, %add3A_56], %parallel_loop3A_530 {add = true} : memref<256x128xf32, #tpu.memory_space<vmem>>[vector<16xi32>, vector<16xi32>], vector<16xf32>,
        %parallel_loop3A_531 = arith.index_cast %parallel_loop3A_518 : i32 to index
        %parallel_loop3A_532 = arith.constant 64 : index
        %parallel_loop3A_533 = tpu.vector_load %arg13[%parallel_loop3A_531, %parallel_loop3A_532] {strides = array<i32>} : memref<128x128xf32, #tpu.memory_space<vmem>>, vector<16xf32>,
        tpu.vector_store_idx %arg10[%parallel_loop3A_514, %add3A_60], %parallel_loop3A_533 {add = true} : memref<256x128xf32, #tpu.memory_space<vmem>>[vector<16xi32>, vector<16xi32>], vector<16xf32>,
        %parallel_loop3A_534 = arith.index_cast %parallel_loop3A_518 : i32 to index
        %parallel_loop3A_535 = arith.constant 80 : index
        %parallel_loop3A_536 = tpu.vector_load %arg13[%parallel_loop3A_534, %parallel_loop3A_535] {strides = array<i32>} : memref<128x128xf32, #tpu.memory_space<vmem>>, vector<16xf32>,
        tpu.vector_store_idx %arg10[%parallel_loop3A_514, %add3A_64], %parallel_loop3A_536 {add = true} : memref<256x128xf32, #tpu.memory_space<vmem>>[vector<16xi32>, vector<16xi32>], vector<16xf32>,
        %parallel_loop3A_537 = arith.index_cast %parallel_loop3A_518 : i32 to index
        %parallel_loop3A_538 = arith.constant 96 : index
        %parallel_loop3A_539 = tpu.vector_load %arg13[%parallel_loop3A_537, %parallel_loop3A_538] {strides = array<i32>} : memref<128x128xf32, #tpu.memory_space<vmem>>, vector<16xf32>,
        tpu.vector_store_idx %arg10[%parallel_loop3A_514, %add3A_68], %parallel_loop3A_539 {add = true} : memref<256x128xf32, #tpu.memory_space<vmem>>[vector<16xi32>, vector<16xi32>], vector<16xf32>,
        %parallel_loop3A_540 = arith.index_cast %parallel_loop3A_518 : i32 to index
        %parallel_loop3A_541 = arith.constant 112 : index
        %parallel_loop3A_542 = tpu.vector_load %arg13[%parallel_loop3A_540, %parallel_loop3A_541] {strides = array<i32>} : memref<128x128xf32, #tpu.memory_space<vmem>>, vector<16xf32>,
        tpu.vector_store_idx %arg10[%parallel_loop3A_514, %add3A_72], %parallel_loop3A_542 {add = true} : memref<256x128xf32, #tpu.memory_space<vmem>>[vector<16xi32>, vector<16xi32>], vector<16xf32>,
        %parallel_loop3A_543 = arith.constant 13 : i32
        %parallel_loop3A_544 = vector.broadcast %parallel_loop3A_543 : i32 to vector<16x1xi32>
        %parallel_loop3A_545 = vector.shape_cast %parallel_loop3A_544 : vector<16x1xi32> to vector<16xi32>
        %parallel_loop3A_546 = tpu.dynamic_gather %parallel_loop3A_126[%parallel_loop3A_545] in [0] : vector<16xi32>, vector<16xi32> -> vector<16xi32>
        %parallel_loop3A_547 = arith.constant 16 : i32
        %parallel_loop3A_548 = arith.muli %parallel_loop3A_119, %parallel_loop3A_547 : i32
        %parallel_loop3A_549 = arith.constant 13 : i32
        %parallel_loop3A_550 = arith.addi %parallel_loop3A_548, %parallel_loop3A_549 : i32
        %parallel_loop3A_551 = arith.index_cast %parallel_loop3A_550 : i32 to index
        %parallel_loop3A_552 = arith.constant 0 : index
        %parallel_loop3A_553 = tpu.vector_load %arg13[%parallel_loop3A_551, %parallel_loop3A_552] {strides = array<i32>} : memref<128x128xf32, #tpu.memory_space<vmem>>, vector<16xf32>,
        tpu.vector_store_idx %arg10[%parallel_loop3A_546, %add3A_44], %parallel_loop3A_553 {add = true} : memref<256x128xf32, #tpu.memory_space<vmem>>[vector<16xi32>, vector<16xi32>], vector<16xf32>,
        %parallel_loop3A_554 = arith.index_cast %parallel_loop3A_550 : i32 to index
        %parallel_loop3A_555 = arith.constant 16 : index
        %parallel_loop3A_556 = tpu.vector_load %arg13[%parallel_loop3A_554, %parallel_loop3A_555] {strides = array<i32>} : memref<128x128xf32, #tpu.memory_space<vmem>>, vector<16xf32>,
        tpu.vector_store_idx %arg10[%parallel_loop3A_546, %add3A_48], %parallel_loop3A_556 {add = true} : memref<256x128xf32, #tpu.memory_space<vmem>>[vector<16xi32>, vector<16xi32>], vector<16xf32>,
        %parallel_loop3A_557 = arith.index_cast %parallel_loop3A_550 : i32 to index
        %parallel_loop3A_558 = arith.constant 32 : index
        %parallel_loop3A_559 = tpu.vector_load %arg13[%parallel_loop3A_557, %parallel_loop3A_558] {strides = array<i32>} : memref<128x128xf32, #tpu.memory_space<vmem>>, vector<16xf32>,
        tpu.vector_store_idx %arg10[%parallel_loop3A_546, %add3A_52], %parallel_loop3A_559 {add = true} : memref<256x128xf32, #tpu.memory_space<vmem>>[vector<16xi32>, vector<16xi32>], vector<16xf32>,
        %parallel_loop3A_560 = arith.index_cast %parallel_loop3A_550 : i32 to index
        %parallel_loop3A_561 = arith.constant 48 : index
        %parallel_loop3A_562 = tpu.vector_load %arg13[%parallel_loop3A_560, %parallel_loop3A_561] {strides = array<i32>} : memref<128x128xf32, #tpu.memory_space<vmem>>, vector<16xf32>,
        tpu.vector_store_idx %arg10[%parallel_loop3A_546, %add3A_56], %parallel_loop3A_562 {add = true} : memref<256x128xf32, #tpu.memory_space<vmem>>[vector<16xi32>, vector<16xi32>], vector<16xf32>,
        %parallel_loop3A_563 = arith.index_cast %parallel_loop3A_550 : i32 to index
        %parallel_loop3A_564 = arith.constant 64 : index
        %parallel_loop3A_565 = tpu.vector_load %arg13[%parallel_loop3A_563, %parallel_loop3A_564] {strides = array<i32>} : memref<128x128xf32, #tpu.memory_space<vmem>>, vector<16xf32>,
        tpu.vector_store_idx %arg10[%parallel_loop3A_546, %add3A_60], %parallel_loop3A_565 {add = true} : memref<256x128xf32, #tpu.memory_space<vmem>>[vector<16xi32>, vector<16xi32>], vector<16xf32>,
        %parallel_loop3A_566 = arith.index_cast %parallel_loop3A_550 : i32 to index
        %parallel_loop3A_567 = arith.constant 80 : index
        %parallel_loop3A_568 = tpu.vector_load %arg13[%parallel_loop3A_566, %parallel_loop3A_567] {strides = array<i32>} : memref<128x128xf32, #tpu.memory_space<vmem>>, vector<16xf32>,
        tpu.vector_store_idx %arg10[%parallel_loop3A_546, %add3A_64], %parallel_loop3A_568 {add = true} : memref<256x128xf32, #tpu.memory_space<vmem>>[vector<16xi32>, vector<16xi32>], vector<16xf32>,
        %parallel_loop3A_569 = arith.index_cast %parallel_loop3A_550 : i32 to index
        %parallel_loop3A_570 = arith.constant 96 : index
        %parallel_loop3A_571 = tpu.vector_load %arg13[%parallel_loop3A_569, %parallel_loop3A_570] {strides = array<i32>} : memref<128x128xf32, #tpu.memory_space<vmem>>, vector<16xf32>,
        tpu.vector_store_idx %arg10[%parallel_loop3A_546, %add3A_68], %parallel_loop3A_571 {add = true} : memref<256x128xf32, #tpu.memory_space<vmem>>[vector<16xi32>, vector<16xi32>], vector<16xf32>,
        %parallel_loop3A_572 = arith.index_cast %parallel_loop3A_550 : i32 to index
        %parallel_loop3A_573 = arith.constant 112 : index
        %parallel_loop3A_574 = tpu.vector_load %arg13[%parallel_loop3A_572, %parallel_loop3A_573] {strides = array<i32>} : memref<128x128xf32, #tpu.memory_space<vmem>>, vector<16xf32>,
        tpu.vector_store_idx %arg10[%parallel_loop3A_546, %add3A_72], %parallel_loop3A_574 {add = true} : memref<256x128xf32, #tpu.memory_space<vmem>>[vector<16xi32>, vector<16xi32>], vector<16xf32>,
        %parallel_loop3A_575 = arith.constant 14 : i32
        %parallel_loop3A_576 = vector.broadcast %parallel_loop3A_575 : i32 to vector<16x1xi32>
        %parallel_loop3A_577 = vector.shape_cast %parallel_loop3A_576 : vector<16x1xi32> to vector<16xi32>
        %parallel_loop3A_578 = tpu.dynamic_gather %parallel_loop3A_126[%parallel_loop3A_577] in [0] : vector<16xi32>, vector<16xi32> -> vector<16xi32>
        %parallel_loop3A_579 = arith.constant 16 : i32
        %parallel_loop3A_580 = arith.muli %parallel_loop3A_119, %parallel_loop3A_579 : i32
        %parallel_loop3A_581 = arith.constant 14 : i32
        %parallel_loop3A_582 = arith.addi %parallel_loop3A_580, %parallel_loop3A_581 : i32
        %parallel_loop3A_583 = arith.index_cast %parallel_loop3A_582 : i32 to index
        %parallel_loop3A_584 = arith.constant 0 : index
        %parallel_loop3A_585 = tpu.vector_load %arg13[%parallel_loop3A_583, %parallel_loop3A_584] {strides = array<i32>} : memref<128x128xf32, #tpu.memory_space<vmem>>, vector<16xf32>,
        tpu.vector_store_idx %arg10[%parallel_loop3A_578, %add3A_44], %parallel_loop3A_585 {add = true} : memref<256x128xf32, #tpu.memory_space<vmem>>[vector<16xi32>, vector<16xi32>], vector<16xf32>,
        %parallel_loop3A_586 = arith.index_cast %parallel_loop3A_582 : i32 to index
        %parallel_loop3A_587 = arith.constant 16 : index
        %parallel_loop3A_588 = tpu.vector_load %arg13[%parallel_loop3A_586, %parallel_loop3A_587] {strides = array<i32>} : memref<128x128xf32, #tpu.memory_space<vmem>>, vector<16xf32>,
        tpu.vector_store_idx %arg10[%parallel_loop3A_578, %add3A_48], %parallel_loop3A_588 {add = true} : memref<256x128xf32, #tpu.memory_space<vmem>>[vector<16xi32>, vector<16xi32>], vector<16xf32>,
        %parallel_loop3A_589 = arith.index_cast %parallel_loop3A_582 : i32 to index
        %parallel_loop3A_590 = arith.constant 32 : index
        %parallel_loop3A_591 = tpu.vector_load %arg13[%parallel_loop3A_589, %parallel_loop3A_590] {strides = array<i32>} : memref<128x128xf32, #tpu.memory_space<vmem>>, vector<16xf32>,
        tpu.vector_store_idx %arg10[%parallel_loop3A_578, %add3A_52], %parallel_loop3A_591 {add = true} : memref<256x128xf32, #tpu.memory_space<vmem>>[vector<16xi32>, vector<16xi32>], vector<16xf32>,
        %parallel_loop3A_592 = arith.index_cast %parallel_loop3A_582 : i32 to index
        %parallel_loop3A_593 = arith.constant 48 : index
        %parallel_loop3A_594 = tpu.vector_load %arg13[%parallel_loop3A_592, %parallel_loop3A_593] {strides = array<i32>} : memref<128x128xf32, #tpu.memory_space<vmem>>, vector<16xf32>,
        tpu.vector_store_idx %arg10[%parallel_loop3A_578, %add3A_56], %parallel_loop3A_594 {add = true} : memref<256x128xf32, #tpu.memory_space<vmem>>[vector<16xi32>, vector<16xi32>], vector<16xf32>,
        %parallel_loop3A_595 = arith.index_cast %parallel_loop3A_582 : i32 to index
        %parallel_loop3A_596 = arith.constant 64 : index
        %parallel_loop3A_597 = tpu.vector_load %arg13[%parallel_loop3A_595, %parallel_loop3A_596] {strides = array<i32>} : memref<128x128xf32, #tpu.memory_space<vmem>>, vector<16xf32>,
        tpu.vector_store_idx %arg10[%parallel_loop3A_578, %add3A_60], %parallel_loop3A_597 {add = true} : memref<256x128xf32, #tpu.memory_space<vmem>>[vector<16xi32>, vector<16xi32>], vector<16xf32>,
        %parallel_loop3A_598 = arith.index_cast %parallel_loop3A_582 : i32 to index
        %parallel_loop3A_599 = arith.constant 80 : index
        %parallel_loop3A_600 = tpu.vector_load %arg13[%parallel_loop3A_598, %parallel_loop3A_599] {strides = array<i32>} : memref<128x128xf32, #tpu.memory_space<vmem>>, vector<16xf32>,
        tpu.vector_store_idx %arg10[%parallel_loop3A_578, %add3A_64], %parallel_loop3A_600 {add = true} : memref<256x128xf32, #tpu.memory_space<vmem>>[vector<16xi32>, vector<16xi32>], vector<16xf32>,
        %parallel_loop3A_601 = arith.index_cast %parallel_loop3A_582 : i32 to index
        %parallel_loop3A_602 = arith.constant 96 : index
        %parallel_loop3A_603 = tpu.vector_load %arg13[%parallel_loop3A_601, %parallel_loop3A_602] {strides = array<i32>} : memref<128x128xf32, #tpu.memory_space<vmem>>, vector<16xf32>,
        tpu.vector_store_idx %arg10[%parallel_loop3A_578, %add3A_68], %parallel_loop3A_603 {add = true} : memref<256x128xf32, #tpu.memory_space<vmem>>[vector<16xi32>, vector<16xi32>], vector<16xf32>,
        %parallel_loop3A_604 = arith.index_cast %parallel_loop3A_582 : i32 to index
        %parallel_loop3A_605 = arith.constant 112 : index
        %parallel_loop3A_606 = tpu.vector_load %arg13[%parallel_loop3A_604, %parallel_loop3A_605] {strides = array<i32>} : memref<128x128xf32, #tpu.memory_space<vmem>>, vector<16xf32>,
        tpu.vector_store_idx %arg10[%parallel_loop3A_578, %add3A_72], %parallel_loop3A_606 {add = true} : memref<256x128xf32, #tpu.memory_space<vmem>>[vector<16xi32>, vector<16xi32>], vector<16xf32>,
        %parallel_loop3A_607 = arith.constant 15 : i32
        %parallel_loop3A_608 = vector.broadcast %parallel_loop3A_607 : i32 to vector<16x1xi32>
        %parallel_loop3A_609 = vector.shape_cast %parallel_loop3A_608 : vector<16x1xi32> to vector<16xi32>
        %parallel_loop3A_610 = tpu.dynamic_gather %parallel_loop3A_126[%parallel_loop3A_609] in [0] : vector<16xi32>, vector<16xi32> -> vector<16xi32>
        %parallel_loop3A_611 = arith.constant 16 : i32
        %parallel_loop3A_612 = arith.muli %parallel_loop3A_119, %parallel_loop3A_611 : i32
        %parallel_loop3A_613 = arith.constant 15 : i32
        %parallel_loop3A_614 = arith.addi %parallel_loop3A_612, %parallel_loop3A_613 : i32
        %parallel_loop3A_615 = arith.index_cast %parallel_loop3A_614 : i32 to index
        %parallel_loop3A_616 = arith.constant 0 : index
        %parallel_loop3A_617 = tpu.vector_load %arg13[%parallel_loop3A_615, %parallel_loop3A_616] {strides = array<i32>} : memref<128x128xf32, #tpu.memory_space<vmem>>, vector<16xf32>,
        tpu.vector_store_idx %arg10[%parallel_loop3A_610, %add3A_44], %parallel_loop3A_617 {add = true} : memref<256x128xf32, #tpu.memory_space<vmem>>[vector<16xi32>, vector<16xi32>], vector<16xf32>,
        %parallel_loop3A_618 = arith.index_cast %parallel_loop3A_614 : i32 to index
        %parallel_loop3A_619 = arith.constant 16 : index
        %parallel_loop3A_620 = tpu.vector_load %arg13[%parallel_loop3A_618, %parallel_loop3A_619] {strides = array<i32>} : memref<128x128xf32, #tpu.memory_space<vmem>>, vector<16xf32>,
        tpu.vector_store_idx %arg10[%parallel_loop3A_610, %add3A_48], %parallel_loop3A_620 {add = true} : memref<256x128xf32, #tpu.memory_space<vmem>>[vector<16xi32>, vector<16xi32>], vector<16xf32>,
        %parallel_loop3A_621 = arith.index_cast %parallel_loop3A_614 : i32 to index
        %parallel_loop3A_622 = arith.constant 32 : index
        %parallel_loop3A_623 = tpu.vector_load %arg13[%parallel_loop3A_621, %parallel_loop3A_622] {strides = array<i32>} : memref<128x128xf32, #tpu.memory_space<vmem>>, vector<16xf32>,
        tpu.vector_store_idx %arg10[%parallel_loop3A_610, %add3A_52], %parallel_loop3A_623 {add = true} : memref<256x128xf32, #tpu.memory_space<vmem>>[vector<16xi32>, vector<16xi32>], vector<16xf32>,
        %parallel_loop3A_624 = arith.index_cast %parallel_loop3A_614 : i32 to index
        %parallel_loop3A_625 = arith.constant 48 : index
        %parallel_loop3A_626 = tpu.vector_load %arg13[%parallel_loop3A_624, %parallel_loop3A_625] {strides = array<i32>} : memref<128x128xf32, #tpu.memory_space<vmem>>, vector<16xf32>,
        tpu.vector_store_idx %arg10[%parallel_loop3A_610, %add3A_56], %parallel_loop3A_626 {add = true} : memref<256x128xf32, #tpu.memory_space<vmem>>[vector<16xi32>, vector<16xi32>], vector<16xf32>,
        %parallel_loop3A_627 = arith.index_cast %parallel_loop3A_614 : i32 to index
        %parallel_loop3A_628 = arith.constant 64 : index
        %parallel_loop3A_629 = tpu.vector_load %arg13[%parallel_loop3A_627, %parallel_loop3A_628] {strides = array<i32>} : memref<128x128xf32, #tpu.memory_space<vmem>>, vector<16xf32>,
        tpu.vector_store_idx %arg10[%parallel_loop3A_610, %add3A_60], %parallel_loop3A_629 {add = true} : memref<256x128xf32, #tpu.memory_space<vmem>>[vector<16xi32>, vector<16xi32>], vector<16xf32>,
        %parallel_loop3A_630 = arith.index_cast %parallel_loop3A_614 : i32 to index
        %parallel_loop3A_631 = arith.constant 80 : index
        %parallel_loop3A_632 = tpu.vector_load %arg13[%parallel_loop3A_630, %parallel_loop3A_631] {strides = array<i32>} : memref<128x128xf32, #tpu.memory_space<vmem>>, vector<16xf32>,
        tpu.vector_store_idx %arg10[%parallel_loop3A_610, %add3A_64], %parallel_loop3A_632 {add = true} : memref<256x128xf32, #tpu.memory_space<vmem>>[vector<16xi32>, vector<16xi32>], vector<16xf32>,
        %parallel_loop3A_633 = arith.index_cast %parallel_loop3A_614 : i32 to index
        %parallel_loop3A_634 = arith.constant 96 : index
        %parallel_loop3A_635 = tpu.vector_load %arg13[%parallel_loop3A_633, %parallel_loop3A_634] {strides = array<i32>} : memref<128x128xf32, #tpu.memory_space<vmem>>, vector<16xf32>,
        tpu.vector_store_idx %arg10[%parallel_loop3A_610, %add3A_68], %parallel_loop3A_635 {add = true} : memref<256x128xf32, #tpu.memory_space<vmem>>[vector<16xi32>, vector<16xi32>], vector<16xf32>,
        %parallel_loop3A_636 = arith.index_cast %parallel_loop3A_614 : i32 to index
        %parallel_loop3A_637 = arith.constant 112 : index
        %parallel_loop3A_638 = tpu.vector_load %arg13[%parallel_loop3A_636, %parallel_loop3A_637] {strides = array<i32>} : memref<128x128xf32, #tpu.memory_space<vmem>>, vector<16xf32>,
        tpu.vector_store_idx %arg10[%parallel_loop3A_610, %add3A_72], %parallel_loop3A_638 {add = true} : memref<256x128xf32, #tpu.memory_space<vmem>>[vector<16xi32>, vector<16xi32>], vector<16xf32>,
      } {sc.loop_unroll_factor = 4 : i64, sc.parallel_access}
    }
    %scan3A_84 = arith.constant 3 : i32
    "tpu.region"() ({
      %run_scoped3A = tpu.sem_alloc : memref<!tpu.dma_semaphore, #tpu.memory_space<semaphore_mem>>
      %dma_start3A_85 = arith.constant 0 : i32
      %dma_start3A_86 = tpu.memref_slice %arg6[%select_n3A_7, %dma_start3A_85, %mul3A_39] : memref<8x256x512xf32, #tpu.memory_space<hbm>> -> memref<1x256x128xf32, #tpu.memory_space<hbm>>
      %dma_start3A_87 = tpu.memref_squeeze %dma_start3A_86 : memref<1x256x128xf32, #tpu.memory_space<hbm>> -> memref<256x128xf32, #tpu.memory_space<hbm>>
      %dma_start3A_88 = arith.constant 0 : i32
      %dma_start3A_89 = tpu.memref_slice %arg6[%select_n3A_7, %dma_start3A_88, %mul3A_39] : memref<8x256x512xf32, #tpu.memory_space<hbm>> -> memref<1x256x128xf32, #tpu.memory_space<hbm>>
      %dma_start3A_90 = tpu.memref_squeeze %dma_start3A_89 : memref<1x256x128xf32, #tpu.memory_space<hbm>> -> memref<256x128xf32, #tpu.memory_space<hbm>>
      tpu.enqueue_dma source(%arg10 : memref<256x128xf32, #tpu.memory_space<vmem>>) target(%dma_start3A_90 : memref<256x128xf32, #tpu.memory_space<hbm>>) target_semaphore(%run_scoped3A : memref<!tpu.dma_semaphore, #tpu.memory_space<semaphore_mem>>)
      %dma_wait3A = arith.constant 0 : i32
      %dma_wait3A_91 = tpu.memref_slice %arg6[%select_n3A_7, %dma_wait3A, %mul3A_39] : memref<8x256x512xf32, #tpu.memory_space<hbm>> -> memref<1x256x128xf32, #tpu.memory_space<hbm>>
      %dma_wait3A_92 = tpu.memref_squeeze %dma_wait3A_91 : memref<1x256x128xf32, #tpu.memory_space<hbm>> -> memref<256x128xf32, #tpu.memory_space<hbm>>
      %dma_wait3A_93 = arith.constant 0 : i32
      %dma_wait3A_94 = tpu.memref_slice %arg6[%select_n3A_7, %dma_wait3A_93, %mul3A_39] : memref<8x256x512xf32, #tpu.memory_space<hbm>> -> memref<1x256x128xf32, #tpu.memory_space<hbm>>
      %dma_wait3A_95 = tpu.memref_squeeze %dma_wait3A_94 : memref<1x256x128xf32, #tpu.memory_space<hbm>> -> memref<256x128xf32, #tpu.memory_space<hbm>>
      tpu.wait_dma2 semaphore(%run_scoped3A : memref<!tpu.dma_semaphore, #tpu.memory_space<semaphore_mem>>) src(%arg10 : memref<256x128xf32, #tpu.memory_space<vmem>>) dst(%dma_wait3A_95 : memref<256x128xf32, #tpu.memory_space<hbm>>)
      tpu.yield
    }) : () -> ()
    "tpu.region"() ({
      %run_scoped3A = tpu.sem_alloc : memref<!tpu.dma_semaphore, #tpu.memory_space<semaphore_mem>>
      %dma_start3A_85 = arith.constant 0 : i32
      %dma_start3A_86 = arith.constant 0 : i32
      %dma_start3A_87 = tpu.memref_slice %arg7[%add3A_33, %dma_start3A_85, %dma_start3A_86] : memref<32x256x16xf32, #tpu.memory_space<hbm>> -> memref<1x256x16xf32, #tpu.memory_space<hbm>>
      %dma_start3A_88 = tpu.memref_squeeze %dma_start3A_87 : memref<1x256x16xf32, #tpu.memory_space<hbm>> -> memref<256x16xf32, #tpu.memory_space<hbm>>
      %dma_start3A_89 = arith.constant 0 : i32
      %dma_start3A_90 = arith.constant 0 : i32
      %dma_start3A_91 = tpu.memref_slice %arg7[%add3A_33, %dma_start3A_89, %dma_start3A_90] : memref<32x256x16xf32, #tpu.memory_space<hbm>> -> memref<1x256x16xf32, #tpu.memory_space<hbm>>
      %dma_start3A_92 = tpu.memref_squeeze %dma_start3A_91 : memref<1x256x16xf32, #tpu.memory_space<hbm>> -> memref<256x16xf32, #tpu.memory_space<hbm>>
      tpu.enqueue_dma source(%arg11 : memref<256x16xf32, #tpu.memory_space<vmem>>) target(%dma_start3A_92 : memref<256x16xf32, #tpu.memory_space<hbm>>) target_semaphore(%run_scoped3A : memref<!tpu.dma_semaphore, #tpu.memory_space<semaphore_mem>>)
      %dma_wait3A = arith.constant 0 : i32
      %dma_wait3A_93 = arith.constant 0 : i32
      %dma_wait3A_94 = tpu.memref_slice %arg7[%add3A_33, %dma_wait3A, %dma_wait3A_93] : memref<32x256x16xf32, #tpu.memory_space<hbm>> -> memref<1x256x16xf32, #tpu.memory_space<hbm>>
      %dma_wait3A_95 = tpu.memref_squeeze %dma_wait3A_94 : memref<1x256x16xf32, #tpu.memory_space<hbm>> -> memref<256x16xf32, #tpu.memory_space<hbm>>
      %dma_wait3A_96 = arith.constant 0 : i32
      %dma_wait3A_97 = arith.constant 0 : i32
      %dma_wait3A_98 = tpu.memref_slice %arg7[%add3A_33, %dma_wait3A_96, %dma_wait3A_97] : memref<32x256x16xf32, #tpu.memory_space<hbm>> -> memref<1x256x16xf32, #tpu.memory_space<hbm>>
      %dma_wait3A_99 = tpu.memref_squeeze %dma_wait3A_98 : memref<1x256x16xf32, #tpu.memory_space<hbm>> -> memref<256x16xf32, #tpu.memory_space<hbm>>
      tpu.wait_dma2 semaphore(%run_scoped3A : memref<!tpu.dma_semaphore, #tpu.memory_space<semaphore_mem>>) src(%arg11 : memref<256x16xf32, #tpu.memory_space<vmem>>) dst(%dma_wait3A_99 : memref<256x16xf32, #tpu.memory_space<hbm>>)
      tpu.yield
    }) : () -> ()
    return
  }
}

module attributes {stable_mosaic.version = 14 : i64} {
  func.func @_loss_body(%arg0: memref<8x256x512xf32, #tpu.memory_space<vmem>>, %arg1: memref<256x512xf32, #tpu.memory_space<vmem>>, %arg2: memref<32x256x16xf32, #tpu.memory_space<vmem>>, %arg3: memref<1x1xf32, #tpu.memory_space<vmem>>) attributes {dimension_semantics = [], scalar_prefetch = 0 : i64, scratch_operands = 0 : i64, tpu.core_type = #tpu.core_type<tc>} {
    %get3A = arith.constant 0 : index
    %get3A_0 = arith.constant 0 : index
    %get3A_1 = arith.constant 0 : index
    %get3A_2 = vector.load %arg0[%get3A, %get3A_0, %get3A_1] : memref<8x256x512xf32, #tpu.memory_space<vmem>>, vector<8x256x512xf32>
    %reduce_sum3A = arith.constant dense<0.000000e+00> : vector<256x512xf32>
    %reduce_sum3A_3 = vector.multi_reduction <add>, %get3A_2, %reduce_sum3A [0] : vector<8x256x512xf32> to vector<256x512xf32>
    %get3A_4 = arith.constant 0 : index
    %get3A_5 = arith.constant 0 : index
    %get3A_6 = vector.load %arg1[%get3A_4, %get3A_5] : memref<256x512xf32, #tpu.memory_space<vmem>>, vector<256x512xf32>
    %add3A = arith.addf %reduce_sum3A_3, %get3A_6 : vector<256x512xf32>
    %get3A_7 = arith.constant 0 : index
    %get3A_8 = arith.constant 0 : index
    %get3A_9 = arith.constant 0 : index
    %get3A_10 = vector.load %arg2[%get3A_7, %get3A_8, %get3A_9] : memref<32x256x16xf32, #tpu.memory_space<vmem>>, vector<32x256x16xf32>
    %reduce_sum3A_11 = arith.constant dense<0.000000e+00> : vector<256xf32>
    %reduce_sum3A_12 = vector.multi_reduction <add>, %get3A_10, %reduce_sum3A_11 [0, 2] : vector<32x256x16xf32> to vector<256xf32>
    %reshape3A = vector.shape_cast %reduce_sum3A_12 : vector<256xf32> to vector<256x1xf32>
    %gt3A = arith.constant 0.000000e+00 : f32
    %gt3A_13 = vector.broadcast %gt3A : f32 to vector<256x1xf32>
    %gt3A_14 = arith.cmpf ogt, %reshape3A, %gt3A_13 : vector<256x1xf32>
    %max3A = arith.constant 1.000000e+00 : f32
    %max3A_15 = vector.broadcast %max3A : f32 to vector<256x1xf32>
    %max3A_16 = arith.maximumf %reshape3A, %max3A_15 : vector<256x1xf32>
    %div3A = vector.broadcast %max3A_16 : vector<256x1xf32> to vector<256x512xf32>
    %div3A_17 = arith.divf %add3A, %div3A : vector<256x512xf32>
    %jit3A = arith.constant 0.000000e+00 : f32
    %broadcast_in_dim3A = vector.shape_cast %gt3A_14 : vector<256x1xi1> to vector<256x1xi1>
    %broadcast_in_dim3A_18 = vector.broadcast %broadcast_in_dim3A : vector<256x1xi1> to vector<256x512xi1>
    %broadcast_in_dim3A_19 = vector.broadcast %jit3A : f32 to vector<256x512xf32>
    %select_n3A = arith.select %broadcast_in_dim3A_18, %div3A_17, %broadcast_in_dim3A_19 : vector<256x512xi1>, vector<256x512xf32>
    %dot_general3A = arith.constant dense<0.000000e+00> : vector<256x256xf32>
    %dot_general3A_20 = tpu.matmul %select_n3A, %select_n3A, %dot_general3A {dimension_numbers = #tpu.dot_dimension_numbers<[1], [1], [0], [0], [0, 0, 1, 0], [], []>, transpose_lhs_hint = false} : vector<256x512xf32>, vector<256x512xf32>, vector<256x256xf32> -> vector<256x256xf32>
    %iota3A = tpu.iota {dimensions = array<i32: 0>} : vector<256x256xi32>
    %iota3A_21 = tpu.iota {dimensions = array<i32: 1>} : vector<256x256xi32>
    %eq3A = arith.cmpi eq, %iota3A, %iota3A_21 : vector<256x256xi32>
    %jit3A_22 = arith.constant 0.000000e+00 : f32
    %broadcast_in_dim3A_23 = vector.broadcast %jit3A_22 : f32 to vector<256x256xf32>
    %select_n3A_24 = arith.select %eq3A, %dot_general3A_20, %broadcast_in_dim3A_23 : vector<256x256xi1>, vector<256x256xf32>
    %reduce_sum3A_25 = arith.constant dense<0.000000e+00> : vector<256xf32>
    %reduce_sum3A_26 = vector.multi_reduction <add>, %select_n3A_24, %reduce_sum3A_25 [1] : vector<256x256xf32> to vector<256xf32>
    %broadcast_in_dim3A_27 = vector.shape_cast %reduce_sum3A_26 : vector<256xf32> to vector<256x1xf32>
    %jit3A_28 = arith.constant 0.000000e+00 : f32
    %broadcast_in_dim3A_29 = vector.broadcast %jit3A_28 : f32 to vector<256x256xf32>
    %select_n3A_30 = arith.select %eq3A, %dot_general3A_20, %broadcast_in_dim3A_29 : vector<256x256xi1>, vector<256x256xf32>
    %reduce_sum3A_31 = arith.constant dense<0.000000e+00> : vector<256xf32>
    %reduce_sum3A_32 = vector.multi_reduction <add>, %select_n3A_30, %reduce_sum3A_31 [0] : vector<256x256xf32> to vector<256xf32>
    %broadcast_in_dim3A_33 = vector.shape_cast %reduce_sum3A_32 : vector<256xf32> to vector<1x256xf32>
    %add3A_34 = vector.broadcast %broadcast_in_dim3A_27 : vector<256x1xf32> to vector<256x256xf32>
    %add3A_35 = vector.broadcast %broadcast_in_dim3A_33 : vector<1x256xf32> to vector<256x256xf32>
    %add3A_36 = arith.addf %add3A_34, %add3A_35 : vector<256x256xf32>
    %mul3A = arith.constant 2.000000e+00 : f32
    %mul3A_37 = vector.broadcast %mul3A : f32 to vector<256x256xf32>
    %mul3A_38 = arith.mulf %mul3A_37, %dot_general3A_20 : vector<256x256xf32>
    %sub3A = arith.subf %add3A_36, %mul3A_38 : vector<256x256xf32>
    %max3A_39 = arith.constant 0.000000e+00 : f32
    %max3A_40 = vector.broadcast %max3A_39 : f32 to vector<256x256xf32>
    %max3A_41 = arith.maximumf %sub3A, %max3A_40 : vector<256x256xf32>
    %jit3A_42 = arith.constant 1.000000e+00 : f32
    %jit3A_43 = arith.constant 0.000000e+00 : f32
    %broadcast_in_dim3A_44 = vector.broadcast %jit3A_42 : f32 to vector<256x1xf32>
    %broadcast_in_dim3A_45 = vector.broadcast %jit3A_43 : f32 to vector<256x1xf32>
    %select_n3A_46 = arith.select %gt3A_14, %broadcast_in_dim3A_44, %broadcast_in_dim3A_45 : vector<256x1xi1>, vector<256x1xf32>
    %dot_general3A_47 = arith.constant dense<0.000000e+00> : vector<256x256xf32>
    %dot_general3A_48 = tpu.matmul %select_n3A_46, %select_n3A_46, %dot_general3A_47 {dimension_numbers = #tpu.dot_dimension_numbers<[1], [1], [0], [0], [0, 0, 1, 0], [], []>, transpose_lhs_hint = false} : vector<256x1xf32>, vector<256x1xf32>, vector<256x256xf32> -> vector<256x256xf32>
    %lt3A = arith.cmpi slt, %iota3A, %iota3A_21 : vector<256x256xi32>
    %gt3A_49 = arith.constant 5.000000e-01 : f32
    %gt3A_50 = vector.broadcast %gt3A_49 : f32 to vector<256x256xf32>
    %gt3A_51 = arith.cmpf ogt, %dot_general3A_48, %gt3A_50 : vector<256x256xf32>
    %and3A = arith.andi %lt3A, %gt3A_51 : vector<256x256xi1>
    %jit3A_52 = arith.constant 1.000000e+00 : f32
    %broadcast_in_dim3A_53 = vector.broadcast %jit3A_52 : f32 to vector<256x256xf32>
    %select_n3A_54 = arith.select %and3A, %max3A_41, %broadcast_in_dim3A_53 : vector<256x256xi1>, vector<256x256xf32>
    %sqrt3A = math.sqrt %select_n3A_54 : vector<256x256xf32>
    %mul3A_55 = arith.constant 6.250000e-02 : f32
    %mul3A_56 = vector.broadcast %mul3A_55 : f32 to vector<256x256xf32>
    %mul3A_57 = arith.mulf %sqrt3A, %mul3A_56 : vector<256x256xf32>
    %add3A_58 = arith.constant 9.99999993E-9 : f32
    %add3A_59 = vector.broadcast %add3A_58 : f32 to vector<256x256xf32>
    %add3A_60 = arith.addf %mul3A_57, %add3A_59 : vector<256x256xf32>
    %neg3A = arith.constant 0.000000e+00 : f32
    %neg3A_61 = vector.broadcast %neg3A : f32 to vector<256x256xf32>
    %neg3A_62 = arith.subf %neg3A_61, %add3A_60 : vector<256x256xf32>
    %exp3A = math.exp %neg3A_62 : vector<256x256xf32>
    %jit3A_63 = arith.constant 0.000000e+00 : f32
    %broadcast_in_dim3A_64 = vector.broadcast %jit3A_63 : f32 to vector<256x256xf32>
    %select_n3A_65 = arith.select %and3A, %exp3A, %broadcast_in_dim3A_64 : vector<256x256xi1>, vector<256x256xf32>
    %reduce_sum3A_66 = vector.shape_cast %select_n3A_65 : vector<256x256xf32> to vector<1x256x256xf32>
    %reduce_sum3A_67 = arith.constant dense<0.000000e+00> : vector<1xf32>
    %reduce_sum3A_68 = vector.multi_reduction <add>, %reduce_sum3A_66, %reduce_sum3A_67 [1, 2] : vector<1x256x256xf32> to vector<1xf32>
    %reduce_sum3A_69 = vector.shape_cast %reduce_sum3A_68 : vector<1xf32> to vector<1x1x1xf32>
    %reduce_sum3A_70 = vector.extract %reduce_sum3A_69[0, 0, 0] : f32 from vector<1x1x1xf32>
    %reshape3A_71 = vector.broadcast %reduce_sum3A_70 : f32 to vector<1x1xf32>
    %swap3A = arith.constant 0 : index
    %swap3A_72 = arith.constant 0 : index
    %swap3A_73 = vector.load %arg3[%swap3A, %swap3A_72] : memref<1x1xf32, #tpu.memory_space<vmem>>, vector<1x1xf32>
    tpu.vector_store %arg3[%swap3A, %swap3A_72], %reshape3A_71 {strides = array<i32>} : memref<1x1xf32, #tpu.memory_space<vmem>>, vector<1x1xf32>,
    return
  }
}

module attributes {stable_mosaic.version = 14 : i64} {
  func.func @_tc_partial_body(%arg0: i32, %arg1: memref<1x1x2048xi32, #tpu.memory_space<vmem>>, %arg2: memref<2048x512xf32, #tpu.memory_space<vmem>>, %arg3: memref<256x512xf32, #tpu.memory_space<vmem>>) attributes {dimension_semantics = [#tpu.dimension_semantics<arbitrary>], iteration_bounds = array<i64: 13>, scalar_prefetch = 0 : i64, scratch_operands = 0 : i64, tpu.core_type = #tpu.core_type<tc>, window_params = [{transform_indices = @transform_0, window_bounds = array<i64: 1, 1, 2048>}, {transform_indices = @transform_1, window_bounds = array<i64: 2048, 512>}, {pipeline_mode = #tpu.pipeline_mode<synchronous>, transform_indices = @transform_2, window_bounds = array<i64: 256, 512>}]} {
    %get3A = arith.constant 0 : index
    %get3A_0 = arith.constant 0 : index
    %get3A_1 = arith.constant 0 : index
    %get3A_2 = vector.load %arg1[%get3A, %get3A_0, %get3A_1] : memref<1x1x2048xi32, #tpu.memory_space<vmem>>, vector<1x1x2048xi32>
    %get3A_3 = vector.shape_cast %get3A_2 : vector<1x1x2048xi32> to vector<2048xi32>
    %iota3A = tpu.iota {dimensions = array<i32: 0>} : vector<256x2048xi32>
    %broadcast_in_dim3A = vector.shape_cast %get3A_3 : vector<2048xi32> to vector<1x2048xi32>
    %eq3A = vector.broadcast %broadcast_in_dim3A : vector<1x2048xi32> to vector<256x2048xi32>
    %eq3A_4 = arith.cmpi eq, %iota3A, %eq3A : vector<256x2048xi32>
    %jit3A = arith.constant 1.000000e+00 : f32
    %jit3A_5 = arith.constant 0.000000e+00 : f32
    %broadcast_in_dim3A_6 = vector.broadcast %jit3A : f32 to vector<256x2048xf32>
    %broadcast_in_dim3A_7 = vector.broadcast %jit3A_5 : f32 to vector<256x2048xf32>
    %select_n3A = arith.select %eq3A_4, %broadcast_in_dim3A_6, %broadcast_in_dim3A_7 : vector<256x2048xi1>, vector<256x2048xf32>
    %get3A_8 = arith.constant 0 : index
    %get3A_9 = arith.constant 0 : index
    %get3A_10 = vector.load %arg2[%get3A_8, %get3A_9] : memref<2048x512xf32, #tpu.memory_space<vmem>>, vector<2048x512xf32>
    %dot_general3A = arith.constant dense<0.000000e+00> : vector<256x512xf32>
    %dot_general3A_11 = tpu.matmul %select_n3A, %get3A_10, %dot_general3A {dimension_numbers = #tpu.dot_dimension_numbers<[1], [0], [0], [1], [0, 0, 1, 1], [], []>, transpose_lhs_hint = false} : vector<256x2048xf32>, vector<2048x512xf32>, vector<256x512xf32> -> vector<256x512xf32>
    %eq3A_12 = arith.constant 0 : i32
    %eq3A_13 = arith.cmpi eq, %arg0, %eq3A_12 : i32
    %convert_element_type3A = arith.extui %eq3A_13 : i1 to i32
    %cond3A = arith.constant 0 : i32
    %cond3A_14 = arith.cmpi ne, %convert_element_type3A, %cond3A : i32
    scf.if %cond3A_14 {
      %swap3A = arith.constant 0 : index
      %swap3A_19 = arith.constant 0 : index
      %swap3A_20 = vector.load %arg3[%swap3A, %swap3A_19] : memref<256x512xf32, #tpu.memory_space<vmem>>, vector<256x512xf32>
      tpu.vector_store %arg3[%swap3A, %swap3A_19], %dot_general3A_11 {strides = array<i32>} : memref<256x512xf32, #tpu.memory_space<vmem>>, vector<256x512xf32>,
    } else {
    }
    %gt3A = arith.constant 0 : i32
    %gt3A_15 = arith.cmpi sgt, %arg0, %gt3A : i32
    %convert_element_type3A_16 = arith.extui %gt3A_15 : i1 to i32
    %cond3A_17 = arith.constant 0 : i32
    %cond3A_18 = arith.cmpi ne, %convert_element_type3A_16, %cond3A_17 : i32
    scf.if %cond3A_18 {
      %get3A_19 = arith.constant 0 : index
      %get3A_20 = arith.constant 0 : index
      %get3A_21 = vector.load %arg3[%get3A_19, %get3A_20] : memref<256x512xf32, #tpu.memory_space<vmem>>, vector<256x512xf32>
      %add3A = arith.addf %get3A_21, %dot_general3A_11 : vector<256x512xf32>
      %swap3A = arith.constant 0 : index
      %swap3A_22 = arith.constant 0 : index
      %swap3A_23 = vector.load %arg3[%swap3A, %swap3A_22] : memref<256x512xf32, #tpu.memory_space<vmem>>, vector<256x512xf32>
      tpu.vector_store %arg3[%swap3A, %swap3A_22], %add3A {strides = array<i32>} : memref<256x512xf32, #tpu.memory_space<vmem>>, vector<256x512xf32>,
    } else {
    }
    return
  }
  func.func @transform_0(%arg0: i32) -> (i32, i32, i32) {
    %c0_i32 = arith.constant 0 : i32
    %c0_i32_0 = arith.constant 0 : i32
    %c0_i32_1 = arith.constant 0 : i32
    return %arg0, %c0_i32, %c0_i32_0 : i32, i32, i32
  }
  func.func @transform_1(%arg0: i32) -> (i32, i32) {
    %c0_i32 = arith.constant 0 : i32
    %c0_i32_0 = arith.constant 0 : i32
    return %arg0, %c0_i32 : i32, i32
  }
  func.func @transform_2(%arg0: i32) -> (i32, i32) {
    %c0_i32 = arith.constant 0 : i32
    %c0_i32_0 = arith.constant 0 : i32
    %c0_i32_1 = arith.constant 0 : i32
    return %c0_i32, %c0_i32_0 : i32, i32
  }
}

</mosaic_0001>

<sc_bundles>
// kernel: kernel.5.cloned.1.call-start
scs
__scs_entry_jumppad:
0x0: {  	(pc) =	sbr.rel $0x88, $3  }
0x1: {  	(tag) =	ssettag $0x0;
	lr =	simm.s32 $0x1  }
0x2: {  	[smem:$0x3F9F] =	sst lr;
	_ =	strace $0xD0000000  }
0x3: {  	_ = 	snop  }
0x4: {  	_ = 	snop  }
0x5: {  	_ = 	snop  }
0x6: {  	_ = 	snop  }
0x7: {  	_ = 	snop  }
__scs_overlays_trampoline_lowered:
0x8: {  	[smem:$0x3FAE] =	sst s0  }
0x9: {  	[smem:$0x3FAF] =	sst s1  }
0xa: {  	[smem:$0x3FB0] =	sst s2  }
0xb: {  	[smem:$0x3FB1] =	sst s3  }
0xc: {  	[smem:$0x3FB2] =	sst s4  }
0xd: {  	[smem:$0x3FB3] =	sst s5  }
0xe: {  	[smem:$0x3FB4] =	sst s6  }
0xf: {  	[smem:$0x3FB5] =	sst s7  }
0x10: {  	[smem:$0x3FB6] =	sst s8  }
0x11: {  	[smem:$0x3FB7] =	sst s9;
	s0 =	simm.s32 @!p0 $0x0  }
0x12: {  	s1 =	sld [smem:$0x3F9D];
	s0 =	simm.s32 @p0 $0x1  }
0x13: {  	[smem:$0x3FB8] =	sst s0;
	s0 =	simm.s32 @!p1 $0x0  }
0x14: {  	s2 =	sld [smem:$0x3F9C];
	s0 =	simm.s32 @p1 $0x1  }
0x15: {  	[smem:$0x3FB9] =	sst s0;
	s0 =	simm.s32 @!p2 $0x0  }
0x16: {  	s3 =	sld [smem:$0x3FDB];
	s0 =	simm.s32 @p2 $0x1  }
0x17: {  	s4 =	simm.s32 $0x1BF5;
	[smem:$0x3FBB] =	sst s0  }
0x18: {  	s0 =	sld [smem:$0x3F9E];
	_ =	swait.ge [sflag:s4], $0x0  }
0x19: {  	s7 =	sld [smem:$0x3F9F]  }
0x1a: {  	s8 =	sadd.s32 $0xFFFFE003, lr  }
0x1b: {  	s9 =	sadd.s32 $0xFFFFFEF7, lr;
	s5 =	simm.s32 $0xFFFFFFFF;
	p2 =	slt.u32 s8, $0xFFFFF086  }
0x1c: {  	p1 =	slt.u32 s9, $0xF7A;
	s5 =	simm.s32 @!p2 $0x0  }
0x1d: {  	s5 =	simm.s32 @p1 $0x1;
	p0 =	seq.s32 s7, s2  }
0x1e: {  	s7 =	smul.u32 @!p0 $0xF7A, s2;
	p2 =	seq.s32 @!p0 s5, $0x0  }
0x1f: {  	s9 =	smul.u32 $0xF7A, s1;
	s8 =	simm.s32 @!p0 $0x1BF5;
	p2 =	por !p2, p0  }
0x20: {  	[sflag:s8] =	ssyncset.s32 @!p0 $0xFFFFF086;
	s6 =	sadd.s32 @!p0 s3, s7;
	s7 =	simm.s32 @!p0 $0x108  }
0x21: {  	s3 =	sadd.s32 s3, s9;
	s6 =	sadd.s32 @!p0 $0x88, s6;
	s7 =	simm.s32 @p2 $0x1082  }
0x22: {  	[simem:s7], [sflag:s8] =	dma.local @!p0 [hbm:s6], $0xF7A  }
0x23: {  	s9 =	sor.u32 $0xD0000000, s2;
	s6 =	simm.s32 $0x108;
	_ =	swait.ge @!p0 [sflag:s8], $0x0  }
0x24: {  	s3 =	sadd.s32 $0x88, s3;
	s6 =	simm.s32 @!p1 $0x1082;
	[sflag:s4] =	ssyncset.s32 $0xFFFFF086  }
0x25: {  	[simem:s6], [sflag:s4] =	dma.local [hbm:s3], $0xF7A  }
0x26: {  	[smem:$0x3F9F] =	sst s1;
	(tag) =	ssettag s2;
	_ =	strace s9  }
0x27: {  	s1 =	sld [smem:$0x3FAF]  }
0x28: {  	s2 =	sld [smem:$0x3FB0]  }
0x29: {  	s4 =	sld [smem:$0x3FB2]  }
0x2a: {  	p0 =	seq.s32 s5, $0x0;
	s5 =	sld [smem:$0x3FB3]  }
0x2b: {  	s6 =	sld [smem:$0x3FB4]  }
0x2c: {  	s7 =	sld [smem:$0x3FB5]  }
0x2d: {  	s3 =	simm.s32 $0x108;
	s8 =	sld [smem:$0x3FB6]  }
0x2e: {  	s3 =	simm.s32 @!p0 $0x1082;
	s9 =	sld [smem:$0x3FB7]  }
0x2f: {  	lr =	sadd.s32 s0, s3;
	s0 =	sld [smem:$0x3FAE]  }
0x30: {  	s3 =	sld [smem:$0x3FB1]  }
0x31: {  	[smem:$0x3FBA] =	sst s10  }
0x32: {  	s10 =	sld [smem:$0x3FB8];
	_ =	sdelay $0x3  }
0x33: {  	p0 =	seq.s32 s10, $0x1;
	s10 =	sld [smem:$0x3FBA];
	_ =	sdelay $0x3  }
0x34: {  	[smem:$0x3FBA] =	sst s10  }
0x35: {  	s10 =	sld [smem:$0x3FB9];
	_ =	sdelay $0x3  }
0x36: {  	p1 =	seq.s32 s10, $0x1;
	s10 =	sld [smem:$0x3FBA];
	_ =	sdelay $0x3  }
0x37: {  	[smem:$0x3FBA] =	sst s10  }
0x38: {  	s10 =	sld [smem:$0x3FBB]  }
0x39: {  	_ = 	snop;
	(pc) =	sbr.ind lr, $3  }
0x3a: {  	_ = 	snop  }
0x3b: {  	_ = 	snop  }
0x3c: {  	p2 =	seq.s32 s10, $0x1;
	s10 =	sld [smem:$0x3FBA]  }
0x3d: {  	_ =	shalt  }
0x3e: {  	_ =	shalt  }
0x3f: {  	_ =	shalt  }
0x40: {  	_ =	shalt  }
0x41: {  	_ =	shalt  }
0x42: {  	_ =	shalt  }
0x43: {  	_ =	shalt  }
0x44: {  	_ =	shalt  }
0x45: {  	_ =	shalt  }
0x46: {  	_ =	shalt  }
0x47: {  	_ =	shalt  }
0x48: {  	_ =	shalt  }
0x49: {  	_ =	shalt  }
0x4a: {  	_ =	shalt  }
0x4b: {  	_ =	shalt  }
0x4c: {  	_ =	shalt  }
0x4d: {  	_ =	shalt  }
0x4e: {  	_ =	shalt  }
0x4f: {  	_ =	shalt  }
0x50: {  	_ =	shalt  }
0x51: {  	_ =	shalt  }
0x52: {  	_ =	shalt  }
0x53: {  	_ =	shalt  }
0x54: {  	_ =	shalt  }
0x55: {  	_ =	shalt  }
0x56: {  	_ =	shalt  }
0x57: {  	_ =	shalt  }
0x58: {  	_ =	shalt  }
0x59: {  	_ =	shalt  }
0x5a: {  	_ =	shalt  }
0x5b: {  	_ =	shalt  }
0x5c: {  	_ =	shalt  }
0x5d: {  	_ =	shalt  }
0x5e: {  	_ =	shalt  }
0x5f: {  	_ =	shalt  }
0x60: {  	_ =	shalt  }
0x61: {  	_ =	shalt  }
0x62: {  	_ =	shalt  }
0x63: {  	_ =	shalt  }
0x64: {  	_ =	shalt  }
0x65: {  	_ =	shalt  }
0x66: {  	_ =	shalt  }
0x67: {  	_ =	shalt  }
0x68: {  	_ =	shalt  }
0x69: {  	_ =	shalt  }
0x6a: {  	_ =	shalt  }
0x6b: {  	_ =	shalt  }
0x6c: {  	_ =	shalt  }
0x6d: {  	_ =	shalt  }
0x6e: {  	_ =	shalt  }
0x6f: {  	_ =	shalt  }
0x70: {  	_ =	shalt  }
0x71: {  	_ =	shalt  }
0x72: {  	_ =	shalt  }
0x73: {  	_ =	shalt  }
0x74: {  	_ =	shalt  }
0x75: {  	_ =	shalt  }
0x76: {  	_ =	shalt  }
0x77: {  	_ =	shalt  }
0x78: {  	_ =	shalt  }
0x79: {  	_ =	shalt  }
0x7a: {  	_ =	shalt  }
0x7b: {  	_ =	shalt  }
0x7c: {  	_ =	shalt  }
0x7d: {  	_ =	shalt  }
0x7e: {  	_ =	shalt  }
0x7f: {  	_ =	shalt  }
0x80: {  	_ =	shalt  }
0x81: {  	_ =	shalt  }
0x82: {  	_ =	shalt  }
0x83: {  	_ =	shalt  }
0x84: {  	_ =	shalt  }
0x85: {  	_ =	shalt  }
0x86: {  	_ =	shalt  }
0x87: {  	_ =	shalt  }
.Lfunc_end0:
.L_simem_size_0:
called_computation_lowered:
.L_overlay_start_0:
0x88: {  	s2 =	sld [smem:$0x3FD9]  }
0x89: {  	s3 =	sld [smem:$0x3FFE];
	_ =	sdelay $0x1  }
0x8a: {  	s1 =	srdreg.scid  }
0x8b: {  	s0 =	sand.u32 $0x1, s1  }
0x8c: {  	s17 =	sshll.u32 s0, $0xA;
	s2 =	sadd.s32 s3, s2  }
0x8d: {  	s2 =	sadd.s32 s2, s17  }
0x8e: {  	[smem:$0x3FC6] =	sst s2  }
0x8f: {  	_ = 	snop  }
0x90: {  	s2 =	sld [smem:$0x3FC9]  }
0x91: {  	s18 =	sld [smem:$0x3FC8];
	(tm) =	ssettm $0x1  }
0x92: {  	s4 =	sld [smem:$0x3FFB];
	_ =	sdelay $0x3  }
0x93: {  	_ =	strace s4  }
0x94: {  	s4 =	sld [smem:$0x3FFC];
	_ =	sdelay $0x3  }
0x95: {  	_ =	strace s4  }
0x96: {  	s4 =	sld [smem:$0x3FFD];
	_ =	sdelay $0x3  }
0x97: {  	_ =	strace s4  }
0x98: {  	_ =	strace $0x8FFFFFFF  }
0x99: {  	s19 =	sld [smem:$0x3FDB];
	_ =	sdelay $0x1  }
0x9a: {  	s5 =	simm.s32 $_scs_section_size  }
0x9b: {  	s6 =	simm.s32 $_size__tile_overlayer_lowered;
	s7 =	simm.s32 $_tile_overlayer_lowered  }
0x9c: {  	s22 =	simm.s32 $0x1BFF;
	s21 =	sshll.u32 s7, $0x1;
	s4 =	sadd.s32 s5, s19  }
0x9d: {  	s8 =	simm.s32 $0x0;
	s20 =	sshll.u32 s6, $0x1;
	s6 =	sadd.s32 s21, s4  }
0x9e: {  	[timem:s8], [sflag:s22] =	dma.local [hbm:s6], s20  }
0x9f: {  	_ =	swait.ge [sflag:s22], s20  }
0xa0: {  	s5 =	ssub.s32 $0x0, s20;
	[sflag:s22] =	ssyncset.done $0x0  }
0xa1: {  	[sflag:s22] =	ssyncadd.s32 s5;
	_ =	sdelay $0x1  }
0xa2: {  	s23 =	simm.s32 $0x1B8B  }
0xa3: {  	_ =	swait.ge [sflag:s23], $0x1  }
0xa4: {  	[sflag:s23] =	ssyncset.done $0x0  }
0xa5: {  	s25 =	simm.s32 $0x1B8E;
	s24 =	sld [smem:$0x3FFE];
	[sflag:s23] =	ssyncadd.s32 $0xFFFFFFFF  }
0xa6: {  	s26 =	simm.s32 $execute0_lowered;
	[smem:$0x3FD2] =	sst s25  }
0xa7: {  	s6 =	sshll.u32 s26, $0x1;
	_ =	strace $0x80000046;
	[dreg:$0x1] =	wrdreg $0xFFFFFFFF  }
0xa8: {  	s28 =	simm.s32 $_size_execute0_lowered;
	s4 =	sadd.s32 s4, s6;
	[dreg:$0x0] =	wrdreg $0x0  }
0xa9: {  	s6 =	sshll.u32 s28, $0x1;
	[dreg:$0x2] =	wrdreg s4  }
0xaa: {  	[dreg:$0x3] =	wrdreg s6  }
0xab: {  	[dreg:$0x4] =	wrdreg $0xC0  }
0xac: {  	_ =	task [dreg:s8], $0x5FFFF  }
0xad: {  	[dreg:$0x1] =	wrdreg $0xFFFFFFFF  }
0xae: {  	[dreg:$0x0] =	wrdreg $0x60  }
0xaf: {  	[dreg:$0x2] =	wrdreg s2  }
0xb0: {  	[dreg:$0x3] =	wrdreg s18  }
0xb1: {  	[dreg:$0x4] =	wrdreg s24  }
0xb2: {  	[dreg:$0x5] =	wrdreg $0x9  }
0xb3: {  	_ =	task.clear_ibuf [dreg:s8], $0x6FFFF;
	_ =	strace $0x90000046  }
0xb4: {  	s29 =	simm.s32 $0x9;
	_ =	strace $0x80000048  }
0xb5: {  	_ =	swait.ge [sflag:s29], $0x1  }
0xb6: {  	[sflag:s29] =	ssyncadd.s32 $0xFFFFFFFF  }
0xb7: {  	_ =	strace $0x90000048  }
0xb8: {  	_ =	sfence  }
0xb9: {  	s30 =	sld [smem:$0x0];
	_ =	sdelay $0x2  }
0xba: {  	s31 =	sshll.u32 s1, $0xD;
	s1 =	sshrl.u32 s1, $0x2  }
0xbb: {  	s3 =	sand.u32 $0x4000, s31;
	s1 =	sadd.s32 s1, s30  }
0xbc: {  	s0 =	sor.u32 s3, s0;
	s1 =	sshll.u32 s1, $0x11  }
0xbd: {  	s0 =	sor.u32 s1, s0  }
0xbe: {  	s0 =	sadd.s32 $0x8F2B, s0  }
0xbf: {  	[sflag:s0] =	ssyncadd.remote.s32 $0x1  }
0xc0: {  	_ =	sfence.sel $0xFFFF  }
0xc1: {  	[dreg:$0x0] =	wrdreg $0xFFFFFFFF;
	(pc) =	sbr.abs _section_cstart, $3  }
0xc2: {  	[dreg:$0x1] =	wrdreg $0xFFFFFFFF  }
0xc3: {  	_ =	task.clear_ibuf [dreg:s8], $0x2FFFF;
	_ =	strace $0x9FFFFFFF  }
0xc4: {  	(tm) =	ssettm $0x7FFFFFFF  }
0xc5: {  	_ =	shalt  }
tec
execute0_lowered:
.L_overlay_start_1:
0x0: {  	(tag) =	ssettag $0x1  }
0x1: {  	s2 =	rddreg [dreg:$0x0]  }
0x2: {  	s8 =	rddreg [dreg:$0x1];
	s0 =	srdreg.scid  }
0x3: {  	s6 =	rddreg [dreg:$0x2];
	s1 =	stileid.u32  }
0x4: {  	s3 =	simm.s32 $0x0;
	s16 =	simm.s32 $0x700;
	s17 =	simm.s32 $0x8700  }
0x5: {  	s18 =	simm.s32 $0x400;
	s19 =	simm.s32 $0x1000;
	s20 =	simm.s32 $0x10700  }
0x6: {  	s21 =	simm.s32 $0x1;
	s22 =	simm.s32 $0x14700;
	s23 =	simm.s32 $0x2  }
0x7: {  	s24 =	simm.s32 $0x0;
	s7 =	sand.u32 $0x1, s0;
	s0 =	rddreg [dreg:$0x3]  }
0x8: {  	s5 =	sshrl.u32 s1, $0x3;
	s9 =	sand.u32 $0x7, s1;
	[smem:$0x7FF] =	sst s3  }
0x9: {  	s4 =	sshll.u32 s7, $0x1;
	s25 =	sshll.u32 s9, $0x11;
	_ =	strace $0x80000047  }
0xa: {  	s13 =	smul.u32 $0x300, s9;
	s9 =	sshll.u32 s9, $0x2;
	s7 =	ssub.s32 $0x2, s7  }
0xb: {  	v0 =	vlaneseq.u32;
	s10 =	sor.u32 s5, s4;
	s4 =	sadd.s32 $0xE00, s6;
	s5 =	sadd.s32 $0x1E00, s6  }
0xc: {  	v1 =	vimm.f32 $1.000000000e+00;
	v2 =	vimm.s32 $0x0;
	v3 =	vimm.s32 $0x7;
	s14 =	sshrl.u32 s7, $0x1;
	s11 =	sshll.u32 s10, $0xA;
	s9 =	sor.u32 s10, s9  }
0xd: {  	v11 =	vimm.s32 $0x1;
	v12 =	vimm.s32 $0x2;
	v13 =	vimm.s32 $0x3;
	s28 =	sadd.s32 $0x6800, s13;
	s14 =	ssub.s32 s7, s14;
	s26 =	sor.u32 s25, s11  }
0xe: {  	v14 =	vimm.s32 $0x4;
	v15 =	vimm.s32 $0x5;
	v16 =	vimm.s32 $0x6;
	s29 =	sshll.u32 s9, $0xC;
	s15 =	sshll.u32 s28, $0x9;
	s30 =	sshrl.u32 s28, $0x3  }
0xf: {  	v17 =	vimm.s32 $0x8;
	v18 =	vimm.s32 $0x9;
	v19 =	vimm.s32 $0xA;
	s9 =	sshll.u32 s9, $0x7;
	s12 =	sshrl.u32 s26, $0x3;
	s13 =	sadd.s32 s29, s6  }
0x10: {  	v20 =	vimm.s32 $0xB;
	v21 =	vimm.s32 $0xC;
	v22 =	vimm.s32 $0xD;
	s7 =	sadd.s32 s8, s30;
	s12 =	sadd.s32 s12, s6;
	s6 =	sor.u32 s11, s15  }
0x11: {  	v23 =	vimm.s32 $0xE;
	v24 =	vimm.s32 $0xF;
	v4 =	vor.u32 $0x10, v0;
	s8 =	sadd.s32 s8, s9;
	s15 =	simm.s32 $0x300;
	s31 =	sshrl.u32 s6, $0x3  }
0x12: {  	v5 =	vor.u32 $0x20, v0;
	v6 =	vor.u32 $0x30, v0;
	v7 =	vor.u32 $0x40, v0;
	s10 =	sadd.s32 $0x20000, s6;
	s11 =	sadd.s32 $0x2E00, s12;
	s12 =	sadd.s32 $0x22E00, s13  }
0x13: {  	v8 =	vor.u32 $0x50, v0;
	v9 =	vor.u32 $0x60, v0;
	v10 =	vor.u32 $0x70, v0;
	s13 =	smax.u32 s14, $0x1;
	s14 =	simm.s32 $0x3;
	s9 =	sadd.s32 s2, s31  }
.LBB2_1:
0x14: {  	[tilespmem:s3], [sflag:$0x3] =	stream.linear.gather [hbm4b:s7+s3], $0x300, $0x38;
	[tilespmem:$0x18700] =	vst v63  }
0x15: {  	_ =	swait.ge [sflag:s14], $0x300  }
0x16: {  	[sflag:s14] =	ssyncset.done $0x0  }
0x17: {  	[sflag:s14] =	ssyncadd.s32 $0xFFFFFD00  }
0x18: {  	[tilespmem:s15], [sflag:$0x3] =	stream.linear.gather [hbm4b:s8+s3], $0x400, $0x38;
	[tilespmem:$0x18700] =	vst v63  }
0x19: {  	_ =	swait.ge [sflag:s14], $0x400  }
0x1a: {  	[sflag:s14] =	ssyncset.done $0x0  }
0x1b: {  	[sflag:s14] =	ssyncadd.s32 $0xFFFFFC00  }
0x1c: {  	[tilespmem:s16], [sflag:$0x3] =	stream.linear.gather [hbm4b:s4+s3], $0x8000, $0x38;
	[tilespmem:$0x18700] =	vst v63  }
0x1d: {  	_ =	swait.ge [sflag:s14], $0x8000  }
0x1e: {  	[sflag:s14] =	ssyncset.done $0x0  }
0x1f: {  	[sflag:s14] =	ssyncadd.s32 $0xFFFF8000  }
0x20: {  	[tilespmem:s17], [sflag:$0x3] =	stream.linear.gather [hbm4b:s5+s3], $0x8000, $0x38;
	[tilespmem:$0x18700] =	vst v63  }
0x21: {  	_ =	swait.ge [sflag:s14], $0x8000  }
0x22: {  	[sflag:s14] =	ssyncset.done $0x0  }
0x23: {  	s26 =	simm.s32 $0x320;
	[sflag:s14] =	ssyncadd.s32 $0xFFFF8000  }
0x24: {  	[tilespmem:s20], [sflag:$0x1] =	stream.strided.gather [hbm4b:s9+s18], $0x4000, s19, s18, $0x38;
	[tilespmem:$0x18700] =	vst v63  }
0x25: {  	v26 =	vld [tilespmem:s26+$0xFFFFFFF0]  }
0x26: {  	v25 =	vld [tilespmem:s26+$0x10];
	_ =	sdelay $0x1  }
0x27: {  	v28 =	vld [tilespmem:s26+$0x0];
	_ =	sdelay $0x1  }
0x28: {  	v29 =	vshll.u32 v26, $0x7;
	v26 =	vld [tilespmem:s26+$0xFFFFFFE0]  }
0x29: {  	v25 =	vshll.u32 v25, $0x7  }
0x2a: {  	v27 =	vor.u32 v0, v25  }
0x2b: {  	s25 =	simm.s32 $0x0;
	v28 =	vshll.u32 v28, $0x7;
	s26 =	simm.s32 $0x360;
	v25 =	vor.u32 v0, v29  }
.LBB2_2:
0x2c: {  	v29 =	vld [tilespmem:s26+$0x10];
	s25 =	sadd.s32 $0x4, s25;
	v28 =	vor.u32 v0, v28  }
0x2d: {  	v30 =	vld [tilespmem:s26+$0xFFFFFFF0];
	p0 =	slt.u32 s25, $0x3C;
	v26 =	vshll.u32 v26, $0x7  }
0x2e: {  	v31 =	vld [tilespmem:s26+$0x0];
	v32 =	vor.u32 v0, v26  }
.Ltmp0:
0x2f: {  	[tilespmem:v27+s17+$0x0] =	vst.idx.add.f32.msk $0xffff, v1;
	(pc) =	sbr.rel @p0 .LBB2_2-.Ltmp0, $4  }
0x30: {  	v26 =	vld [tilespmem:s26+$0xFFFFFFE0]  }
0x31: {  	v27 =	vshll.u32 v29, $0x7;
	[tilespmem:v25+s17+$0x0] =	vst.idx.add.f32.msk $0xffff, v1  }
0x32: {  	v25 =	vshll.u32 v30, $0x7;
	v27 =	vor.u32 v0, v27;
	[tilespmem:v28+s17+$0x0] =	vst.idx.add.f32.msk $0xffff, v1  }
0x33: {  	s26 =	sadd.s32 $0x40, s26;
	v25 =	vor.u32 v0, v25;
	v28 =	vshll.u32 v31, $0x7;
	[tilespmem:v32+s17+$0x0] =	vst.idx.add.f32.msk $0xffff, v1  }
0x34: {  	_ = 	snop  }
0x35: {  	v28 =	vor.u32 v0, v28;
	v26 =	vshll.u32 v26, $0x7  }
0x36: {  	v26 =	vor.u32 v0, v26;
	_ =	sdelay $0x1  }
0x37: {  	[tilespmem:v27+s17+$0x0] =	vst.idx.add.f32.msk $0xffff, v1  }
0x38: {  	[tilespmem:v25+s17+$0x0] =	vst.idx.add.f32.msk $0xffff, v1  }
0x39: {  	[tilespmem:v28+s17+$0x0] =	vst.idx.add.f32.msk $0xffff, v1  }
0x3a: {  	s25 =	simm.s32 $0x0;
	[tilespmem:v26+s17+$0x0] =	vst.idx.add.f32.msk $0xffff, v1  }
.LBB2_4:
0x3b: {  	s26 =	sshllo.u32 s25, $0x1  }
0x3c: {  	s28 =	sshll.u32 s26, $0x10  }
0x3d: {  	_ =	swait.ge [sflag:s21], $0x4000;
	s28 =	sadd.s32 s6, s28  }
0x3e: {  	[sflag:s21] =	ssyncset.done $0x0;
	s28 =	sshrl.u32 s28, $0x3  }
0x3f: {  	[sflag:s21] =	ssyncadd.s32 $0xFFFFC000;
	s28 =	sadd.s32 s2, s28  }
0x40: {  	[tilespmem:s22], [sflag:$0x2] =	stream.strided.gather [hbm4b:s28+s18], $0x4000, s19, s18, $0x38;
	[tilespmem:$0x18700] =	vst v63  }
0x41: {  	s28 =	sshll.u32 s25, $0x8  }
0x42: {  	s28 =	sand.u32 $0x3FFFFF00, s28  }
0x43: {  	v25 =	vmov s28;
	_ =	sdelay $0x1  }
0x44: {  	p0 =	por $0x1, $0x1;
	s28 =	simm.s32 $0x0  }
.LBB2_5:
0x45: {  	s29 =	sshll.u32 s28, $0x4  }
0x46: {  	s30 =	sand.u32 $0x3FFFFFF0, s29  }
0x47: {  	v26 =	vld.idx.msk [tilespmem:v25+s30+$0x0 ss:$0x1], $0xffff;
	_ =	sdelay $0x4  }
0x48: {  	v27 =	vperm.xlane v26, v2  }
0x49: {  	s28 =	sshll.u32 s28, $0xB  }
0x4a: {  	s28 =	sand.u32 $0x3FFFF800, s28;
	v27 =	vshll.u32 v27, $0x7  }
0x4b: {  	v28 =	vld [tilespmem:s28+$0x10700];
	v29 =	vor.u32 v0, v27;
	_ =	sdelay $0x4  }
0x4c: {  	[tilespmem:v29+s16+$0x0] =	vst.idx.add.f32.msk $0xffff, v28  }
0x4d: {  	v47 =	vor.u32 v4, v27;
	v28 =	vld [tilespmem:s28+$0x10710];
	_ =	sdelay $0x4  }
0x4e: {  	[tilespmem:v47+s16+$0x0] =	vst.idx.add.f32.msk $0xffff, v28  }
0x4f: {  	v48 =	vor.u32 v5, v27;
	v28 =	vld [tilespmem:s28+$0x10720];
	_ =	sdelay $0x4  }
0x50: {  	[tilespmem:v48+s16+$0x0] =	vst.idx.add.f32.msk $0xffff, v28  }
0x51: {  	v49 =	vor.u32 v6, v27;
	v28 =	vld [tilespmem:s28+$0x10730];
	_ =	sdelay $0x4  }
0x52: {  	[tilespmem:v49+s16+$0x0] =	vst.idx.add.f32.msk $0xffff, v28  }
0x53: {  	v50 =	vor.u32 v7, v27;
	v28 =	vld [tilespmem:s28+$0x10740];
	_ =	sdelay $0x4  }
0x54: {  	[tilespmem:v50+s16+$0x0] =	vst.idx.add.f32.msk $0xffff, v28  }
0x55: {  	v51 =	vor.u32 v8, v27;
	v28 =	vld [tilespmem:s28+$0x10750];
	_ =	sdelay $0x4  }
0x56: {  	[tilespmem:v51+s16+$0x0] =	vst.idx.add.f32.msk $0xffff, v28  }
0x57: {  	v52 =	vor.u32 v9, v27;
	v28 =	vld [tilespmem:s28+$0x10760];
	_ =	sdelay $0x4  }
0x58: {  	[tilespmem:v52+s16+$0x0] =	vst.idx.add.f32.msk $0xffff, v28  }
0x59: {  	v27 =	vor.u32 v10, v27;
	v28 =	vld [tilespmem:s28+$0x10770];
	_ =	sdelay $0x2  }
0x5a: {  	v53 =	vperm.xlane v26, v11;
	_ =	sdelay $0x1  }
0x5b: {  	v54 =	vshll.u32 v53, $0x7;
	[tilespmem:v27+s16+$0x0] =	vst.idx.add.f32.msk $0xffff, v28  }
0x5c: {  	v29 =	vor.u32 v0, v54;
	v27 =	vld [tilespmem:s28+$0x10780];
	_ =	sdelay $0x4  }
0x5d: {  	[tilespmem:v29+s16+$0x0] =	vst.idx.add.f32.msk $0xffff, v27  }
0x5e: {  	v55 =	vor.u32 v4, v54;
	v27 =	vld [tilespmem:s28+$0x10790];
	_ =	sdelay $0x4  }
0x5f: {  	[tilespmem:v55+s16+$0x0] =	vst.idx.add.f32.msk $0xffff, v27  }
0x60: {  	v56 =	vor.u32 v5, v54;
	v27 =	vld [tilespmem:s28+$0x107A0];
	_ =	sdelay $0x4  }
0x61: {  	[tilespmem:v56+s16+$0x0] =	vst.idx.add.f32.msk $0xffff, v27  }
0x62: {  	v57 =	vor.u32 v6, v54;
	v27 =	vld [tilespmem:s28+$0x107B0];
	_ =	sdelay $0x4  }
0x63: {  	[tilespmem:v57+s16+$0x0] =	vst.idx.add.f32.msk $0xffff, v27  }
0x64: {  	v58 =	vor.u32 v7, v54;
	v27 =	vld [tilespmem:s28+$0x107C0];
	_ =	sdelay $0x4  }
0x65: {  	[tilespmem:v58+s16+$0x0] =	vst.idx.add.f32.msk $0xffff, v27  }
0x66: {  	v59 =	vor.u32 v8, v54;
	v27 =	vld [tilespmem:s28+$0x107D0];
	_ =	sdelay $0x4  }
0x67: {  	s31 =	sor.u32 $0x10, s29;
	[tilespmem:v59+s16+$0x0] =	vst.idx.add.f32.msk $0xffff, v27  }
0x68: {  	v27 =	vld.idx.msk [tilespmem:v25+s31+$0x0 ss:$0x1], $0xffff;
	_ =	sdelay $0x4  }
0x69: {  	v60 =	vperm.xlane v27, v2  }
0x6a: {  	s30 =	sshll.u32 s31, $0x7  }
0x6b: {  	s30 =	sand.u32 $0x3FFFF800, s30;
	v29 =	vshll.u32 v60, $0x7  }
0x6c: {  	v30 =	vld [tilespmem:s30+$0x10700];
	v31 =	vor.u32 v0, v29;
	_ =	sdelay $0x4  }
0x6d: {  	[tilespmem:v31+s16+$0x0] =	vst.idx.add.f32.msk $0xffff, v30  }
0x6e: {  	v61 =	vor.u32 v4, v29;
	v30 =	vld [tilespmem:s30+$0x10710];
	_ =	sdelay $0x4  }
0x6f: {  	[tilespmem:v61+s16+$0x0] =	vst.idx.add.f32.msk $0xffff, v30  }
0x70: {  	v62 =	vor.u32 v5, v29;
	v30 =	vld [tilespmem:s30+$0x10720];
	_ =	sdelay $0x4  }
0x71: {  	[tilespmem:v62+s16+$0x0] =	vst.idx.add.f32.msk $0xffff, v30  }
0x72: {  	v63 =	vor.u32 v6, v29;
	v30 =	vld [tilespmem:s30+$0x10730];
	_ =	sdelay $0x4  }
0x73: {  	[tilespmem:v63+s16+$0x0] =	vst.idx.add.f32.msk $0xffff, v30  }
0x74: {  	v33 =	vor.u32 v7, v29;
	v30 =	vld [tilespmem:s30+$0x10740];
	_ =	sdelay $0x4  }
0x75: {  	[tilespmem:v33+s16+$0x0] =	vst.idx.add.f32.msk $0xffff, v30  }
0x76: {  	v34 =	vor.u32 v8, v29;
	v30 =	vld [tilespmem:s30+$0x10750];
	_ =	sdelay $0x4  }
0x77: {  	[tilespmem:v34+s16+$0x0] =	vst.idx.add.f32.msk $0xffff, v30  }
0x78: {  	v35 =	vor.u32 v9, v29;
	v30 =	vld [tilespmem:s30+$0x10760];
	_ =	sdelay $0x4  }
0x79: {  	[tilespmem:v35+s16+$0x0] =	vst.idx.add.f32.msk $0xffff, v30  }
0x7a: {  	v29 =	vor.u32 v10, v29;
	v30 =	vld [tilespmem:s30+$0x10770];
	_ =	sdelay $0x2  }
0x7b: {  	v36 =	vperm.xlane v27, v11;
	_ =	sdelay $0x1  }
0x7c: {  	v37 =	vshll.u32 v36, $0x7;
	[tilespmem:v29+s16+$0x0] =	vst.idx.add.f32.msk $0xffff, v30  }
0x7d: {  	v31 =	vor.u32 v0, v37;
	v30 =	vld [tilespmem:s28+$0x10F80];
	_ =	sdelay $0x4  }
0x7e: {  	[tilespmem:v31+s16+$0x0] =	vst.idx.add.f32.msk $0xffff, v30  }
0x7f: {  	v38 =	vor.u32 v4, v37;
	v30 =	vld [tilespmem:s28+$0x10F90];
	_ =	sdelay $0x4  }
0x80: {  	[tilespmem:v38+s16+$0x0] =	vst.idx.add.f32.msk $0xffff, v30  }
0x81: {  	v39 =	vor.u32 v5, v37;
	v30 =	vld [tilespmem:s28+$0x10FA0];
	_ =	sdelay $0x4  }
0x82: {  	[tilespmem:v39+s16+$0x0] =	vst.idx.add.f32.msk $0xffff, v30  }
0x83: {  	v40 =	vor.u32 v6, v37;
	v30 =	vld [tilespmem:s28+$0x10FB0];
	_ =	sdelay $0x1  }
0x84: {  	v32 =	vld [tilespmem:s28+$0x107E0];
	v33 =	vor.u32 v9, v54;
	_ =	sdelay $0x2  }
0x85: {  	[tilespmem:v40+s16+$0x0] =	vst.idx.add.f32.msk $0xffff, v30  }
0x86: {  	v41 =	vor.u32 v7, v37;
	v30 =	vld [tilespmem:s28+$0x10FC0]  }
0x87: {  	[tilespmem:v33+s16+$0x0] =	vst.idx.add.f32.msk $0xffff, v32  }
0x88: {  	v28 =	vor.u32 v10, v54;
	v32 =	vld [tilespmem:s28+$0x107F0];
	_ =	sdelay $0x2  }
0x89: {  	v43 =	vperm.xlane v26, v12;
	[tilespmem:v41+s16+$0x0] =	vst.idx.add.f32.msk $0xffff, v30  }
0x8a: {  	v42 =	vor.u32 v8, v37;
	v30 =	vld [tilespmem:s28+$0x10FD0]  }
0x8b: {  	v44 =	vshll.u32 v43, $0x7;
	[tilespmem:v28+s16+$0x0] =	vst.idx.add.f32.msk $0xffff, v32  }
0x8c: {  	v33 =	vor.u32 v0, v44;
	v32 =	vld [tilespmem:s28+$0x10800];
	_ =	sdelay $0x2  }
0x8d: {  	[tilespmem:v42+s16+$0x0] =	vst.idx.add.f32.msk $0xffff, v30  }
0x8e: {  	v45 =	vor.u32 v9, v37;
	v30 =	vld [tilespmem:s28+$0x10FE0]  }
0x8f: {  	[tilespmem:v33+s16+$0x0] =	vst.idx.add.f32.msk $0xffff, v32  }
0x90: {  	v46 =	vor.u32 v4, v44;
	v32 =	vld [tilespmem:s28+$0x10810];
	_ =	sdelay $0x2  }
0x91: {  	[tilespmem:v45+s16+$0x0] =	vst.idx.add.f32.msk $0xffff, v30  }
0x92: {  	v29 =	vor.u32 v10, v37;
	v30 =	vld [tilespmem:s28+$0x10FF0]  }
0x93: {  	[tilespmem:v46+s16+$0x0] =	vst.idx.add.f32.msk $0xffff, v32  }
0x94: {  	v48 =	vor.u32 v5, v44;
	v32 =	vld [tilespmem:s28+$0x10820]  }
0x95: {  	v47 =	vperm.xlane v27, v12;
	_ =	sdelay $0x1  }
0x96: {  	v49 =	vshll.u32 v47, $0x7;
	[tilespmem:v29+s16+$0x0] =	vst.idx.add.f32.msk $0xffff, v30  }
0x97: {  	v31 =	vor.u32 v0, v49;
	v30 =	vld [tilespmem:s28+$0x11000]  }
0x98: {  	[tilespmem:v48+s16+$0x0] =	vst.idx.add.f32.msk $0xffff, v32  }
0x99: {  	v50 =	vor.u32 v6, v44;
	v32 =	vld [tilespmem:s28+$0x10830];
	_ =	sdelay $0x2  }
0x9a: {  	[tilespmem:v31+s16+$0x0] =	vst.idx.add.f32.msk $0xffff, v30  }
0x9b: {  	v51 =	vor.u32 v4, v49;
	v30 =	vld [tilespmem:s28+$0x11010]  }
0x9c: {  	[tilespmem:v50+s16+$0x0] =	vst.idx.add.f32.msk $0xffff, v32  }
0x9d: {  	v52 =	vor.u32 v7, v44;
	v32 =	vld [tilespmem:s28+$0x10840];
	_ =	sdelay $0x2  }
0x9e: {  	[tilespmem:v51+s16+$0x0] =	vst.idx.add.f32.msk $0xffff, v30  }
0x9f: {  	v53 =	vor.u32 v5, v49;
	v30 =	vld [tilespmem:s28+$0x11020]  }
0xa0: {  	[tilespmem:v52+s16+$0x0] =	vst.idx.add.f32.msk $0xffff, v32  }
0xa1: {  	v54 =	vor.u32 v8, v44;
	v32 =	vld [tilespmem:s28+$0x10850];
	_ =	sdelay $0x2  }
0xa2: {  	[tilespmem:v53+s16+$0x0] =	vst.idx.add.f32.msk $0xffff, v30  }
0xa3: {  	v55 =	vor.u32 v6, v49;
	v30 =	vld [tilespmem:s28+$0x11030]  }
0xa4: {  	[tilespmem:v54+s16+$0x0] =	vst.idx.add.f32.msk $0xffff, v32  }
0xa5: {  	v56 =	vor.u32 v9, v44;
	v32 =	vld [tilespmem:s28+$0x10860];
	_ =	sdelay $0x2  }
0xa6: {  	[tilespmem:v55+s16+$0x0] =	vst.idx.add.f32.msk $0xffff, v30  }
0xa7: {  	v57 =	vor.u32 v7, v49;
	v30 =	vld [tilespmem:s28+$0x11040]  }
0xa8: {  	[tilespmem:v56+s16+$0x0] =	vst.idx.add.f32.msk $0xffff, v32  }
0xa9: {  	v28 =	vor.u32 v10, v44;
	v32 =	vld [tilespmem:s28+$0x10870];
	_ =	sdelay $0x2  }
0xaa: {  	v59 =	vperm.xlane v26, v13;
	[tilespmem:v57+s16+$0x0] =	vst.idx.add.f32.msk $0xffff, v30  }
0xab: {  	v58 =	vor.u32 v8, v49;
	v30 =	vld [tilespmem:s28+$0x11050]  }
0xac: {  	v60 =	vshll.u32 v59, $0x7;
	[tilespmem:v28+s16+$0x0] =	vst.idx.add.f32.msk $0xffff, v32  }
0xad: {  	v33 =	vor.u32 v0, v60;
	v32 =	vld [tilespmem:s28+$0x10880];
	_ =	sdelay $0x2  }
0xae: {  	[tilespmem:v58+s16+$0x0] =	vst.idx.add.f32.msk $0xffff, v30  }
0xaf: {  	v61 =	vor.u32 v9, v49;
	v30 =	vld [tilespmem:s28+$0x11060]  }
0xb0: {  	[tilespmem:v33+s16+$0x0] =	vst.idx.add.f32.msk $0xffff, v32  }
0xb1: {  	v62 =	vor.u32 v4, v60;
	v32 =	vld [tilespmem:s28+$0x10890];
	_ =	sdelay $0x2  }
0xb2: {  	[tilespmem:v61+s16+$0x0] =	vst.idx.add.f32.msk $0xffff, v30  }
0xb3: {  	v29 =	vor.u32 v10, v49;
	v30 =	vld [tilespmem:s28+$0x11070]  }
0xb4: {  	[tilespmem:v62+s16+$0x0] =	vst.idx.add.f32.msk $0xffff, v32  }
0xb5: {  	v36 =	vor.u32 v5, v60;
	v32 =	vld [tilespmem:s28+$0x108A0]  }
0xb6: {  	v63 =	vperm.xlane v27, v13;
	_ =	sdelay $0x1  }
0xb7: {  	v37 =	vshll.u32 v63, $0x7;
	[tilespmem:v29+s16+$0x0] =	vst.idx.add.f32.msk $0xffff, v30  }
0xb8: {  	v31 =	vor.u32 v0, v37;
	v30 =	vld [tilespmem:s28+$0x11080]  }
0xb9: {  	[tilespmem:v36+s16+$0x0] =	vst.idx.add.f32.msk $0xffff, v32  }
0xba: {  	v38 =	vor.u32 v6, v60;
	v32 =	vld [tilespmem:s28+$0x108B0];
	_ =	sdelay $0x2  }
0xbb: {  	[tilespmem:v31+s16+$0x0] =	vst.idx.add.f32.msk $0xffff, v30  }
0xbc: {  	v39 =	vor.u32 v4, v37;
	v30 =	vld [tilespmem:s28+$0x11090]  }
0xbd: {  	[tilespmem:v38+s16+$0x0] =	vst.idx.add.f32.msk $0xffff, v32  }
0xbe: {  	v40 =	vor.u32 v7, v60;
	v32 =	vld [tilespmem:s28+$0x108C0];
	_ =	sdelay $0x2  }
0xbf: {  	[tilespmem:v39+s16+$0x0] =	vst.idx.add.f32.msk $0xffff, v30  }
0xc0: {  	v41 =	vor.u32 v5, v37;
	v30 =	vld [tilespmem:s28+$0x110A0]  }
0xc1: {  	[tilespmem:v40+s16+$0x0] =	vst.idx.add.f32.msk $0xffff, v32  }
0xc2: {  	v42 =	vor.u32 v8, v60;
	v32 =	vld [tilespmem:s28+$0x108D0];
	_ =	sdelay $0x2  }
0xc3: {  	[tilespmem:v41+s16+$0x0] =	vst.idx.add.f32.msk $0xffff, v30  }
0xc4: {  	v43 =	vor.u32 v6, v37;
	v30 =	vld [tilespmem:s28+$0x110B0]  }
0xc5: {  	[tilespmem:v42+s16+$0x0] =	vst.idx.add.f32.msk $0xffff, v32  }
0xc6: {  	v44 =	vor.u32 v9, v60;
	v32 =	vld [tilespmem:s28+$0x108E0];
	_ =	sdelay $0x2  }
0xc7: {  	[tilespmem:v43+s16+$0x0] =	vst.idx.add.f32.msk $0xffff, v30  }
0xc8: {  	v45 =	vor.u32 v7, v37;
	v30 =	vld [tilespmem:s28+$0x110C0]  }
0xc9: {  	[tilespmem:v44+s16+$0x0] =	vst.idx.add.f32.msk $0xffff, v32  }
0xca: {  	v28 =	vor.u32 v10, v60;
	v32 =	vld [tilespmem:s28+$0x108F0];
	_ =	sdelay $0x2  }
0xcb: {  	v47 =	vperm.xlane v26, v14;
	[tilespmem:v45+s16+$0x0] =	vst.idx.add.f32.msk $0xffff, v30  }
0xcc: {  	v46 =	vor.u32 v8, v37;
	v30 =	vld [tilespmem:s28+$0x110D0]  }
0xcd: {  	v48 =	vshll.u32 v47, $0x7;
	[tilespmem:v28+s16+$0x0] =	vst.idx.add.f32.msk $0xffff, v32  }
0xce: {  	v33 =	vor.u32 v0, v48;
	v32 =	vld [tilespmem:s28+$0x10900];
	_ =	sdelay $0x2  }
0xcf: {  	[tilespmem:v46+s16+$0x0] =	vst.idx.add.f32.msk $0xffff, v30  }
0xd0: {  	v49 =	vor.u32 v9, v37;
	v30 =	vld [tilespmem:s28+$0x110E0]  }
0xd1: {  	[tilespmem:v33+s16+$0x0] =	vst.idx.add.f32.msk $0xffff, v32  }
0xd2: {  	v50 =	vor.u32 v4, v48;
	v32 =	vld [tilespmem:s28+$0x10910];
	_ =	sdelay $0x2  }
0xd3: {  	[tilespmem:v49+s16+$0x0] =	vst.idx.add.f32.msk $0xffff, v30  }
0xd4: {  	v29 =	vor.u32 v10, v37;
	v30 =	vld [tilespmem:s28+$0x110F0]  }
0xd5: {  	[tilespmem:v50+s16+$0x0] =	vst.idx.add.f32.msk $0xffff, v32  }
0xd6: {  	v52 =	vor.u32 v5, v48;
	v32 =	vld [tilespmem:s28+$0x10920]  }
0xd7: {  	v51 =	vperm.xlane v27, v14;
	_ =	sdelay $0x1  }
0xd8: {  	v53 =	vshll.u32 v51, $0x7;
	[tilespmem:v29+s16+$0x0] =	vst.idx.add.f32.msk $0xffff, v30  }
0xd9: {  	v31 =	vor.u32 v0, v53;
	v30 =	vld [tilespmem:s28+$0x11100]  }
0xda: {  	[tilespmem:v52+s16+$0x0] =	vst.idx.add.f32.msk $0xffff, v32  }
0xdb: {  	v54 =	vor.u32 v6, v48;
	v32 =	vld [tilespmem:s28+$0x10930];
	_ =	sdelay $0x2  }
0xdc: {  	[tilespmem:v31+s16+$0x0] =	vst.idx.add.f32.msk $0xffff, v30  }
0xdd: {  	v55 =	vor.u32 v4, v53;
	v30 =	vld [tilespmem:s28+$0x11110]  }
0xde: {  	[tilespmem:v54+s16+$0x0] =	vst.idx.add.f32.msk $0xffff, v32  }
0xdf: {  	v56 =	vor.u32 v7, v48;
	v32 =	vld [tilespmem:s28+$0x10940];
	_ =	sdelay $0x2  }
0xe0: {  	[tilespmem:v55+s16+$0x0] =	vst.idx.add.f32.msk $0xffff, v30  }
0xe1: {  	v57 =	vor.u32 v5, v53;
	v30 =	vld [tilespmem:s28+$0x11120]  }
0xe2: {  	[tilespmem:v56+s16+$0x0] =	vst.idx.add.f32.msk $0xffff, v32  }
0xe3: {  	v58 =	vor.u32 v8, v48;
	v32 =	vld [tilespmem:s28+$0x10950];
	_ =	sdelay $0x2  }
0xe4: {  	[tilespmem:v57+s16+$0x0] =	vst.idx.add.f32.msk $0xffff, v30  }
0xe5: {  	v59 =	vor.u32 v6, v53;
	v30 =	vld [tilespmem:s28+$0x11130]  }
0xe6: {  	[tilespmem:v58+s16+$0x0] =	vst.idx.add.f32.msk $0xffff, v32  }
0xe7: {  	v60 =	vor.u32 v9, v48;
	v32 =	vld [tilespmem:s28+$0x10960];
	_ =	sdelay $0x2  }
0xe8: {  	[tilespmem:v59+s16+$0x0] =	vst.idx.add.f32.msk $0xffff, v30  }
0xe9: {  	v61 =	vor.u32 v7, v53;
	v30 =	vld [tilespmem:s28+$0x11140]  }
0xea: {  	[tilespmem:v60+s16+$0x0] =	vst.idx.add.f32.msk $0xffff, v32  }
0xeb: {  	v28 =	vor.u32 v10, v48;
	v32 =	vld [tilespmem:s28+$0x10970];
	_ =	sdelay $0x2  }
0xec: {  	v63 =	vperm.xlane v26, v15;
	[tilespmem:v61+s16+$0x0] =	vst.idx.add.f32.msk $0xffff, v30  }
0xed: {  	v62 =	vor.u32 v8, v53;
	v30 =	vld [tilespmem:s28+$0x11150]  }
0xee: {  	v36 =	vshll.u32 v63, $0x7;
	[tilespmem:v28+s16+$0x0] =	vst.idx.add.f32.msk $0xffff, v32  }
0xef: {  	v33 =	vor.u32 v0, v36;
	v32 =	vld [tilespmem:s28+$0x10980];
	_ =	sdelay $0x2  }
0xf0: {  	[tilespmem:v62+s16+$0x0] =	vst.idx.add.f32.msk $0xffff, v30  }
0xf1: {  	v37 =	vor.u32 v9, v53;
	v30 =	vld [tilespmem:s28+$0x11160]  }
0xf2: {  	[tilespmem:v33+s16+$0x0] =	vst.idx.add.f32.msk $0xffff, v32  }
0xf3: {  	v38 =	vor.u32 v4, v36;
	v32 =	vld [tilespmem:s28+$0x10990];
	_ =	sdelay $0x2  }
0xf4: {  	[tilespmem:v37+s16+$0x0] =	vst.idx.add.f32.msk $0xffff, v30  }
0xf5: {  	v29 =	vor.u32 v10, v53;
	v30 =	vld [tilespmem:s28+$0x11170]  }
0xf6: {  	[tilespmem:v38+s16+$0x0] =	vst.idx.add.f32.msk $0xffff, v32  }
0xf7: {  	v40 =	vor.u32 v5, v36;
	v32 =	vld [tilespmem:s28+$0x109A0]  }
0xf8: {  	v39 =	vperm.xlane v27, v15;
	_ =	sdelay $0x1  }
0xf9: {  	v41 =	vshll.u32 v39, $0x7;
	[tilespmem:v29+s16+$0x0] =	vst.idx.add.f32.msk $0xffff, v30  }
0xfa: {  	v31 =	vor.u32 v0, v41;
	v30 =	vld [tilespmem:s28+$0x11180]  }
0xfb: {  	[tilespmem:v40+s16+$0x0] =	vst.idx.add.f32.msk $0xffff, v32  }
0xfc: {  	v42 =	vor.u32 v6, v36;
	v32 =	vld [tilespmem:s28+$0x109B0];
	_ =	sdelay $0x2  }
0xfd: {  	[tilespmem:v31+s16+$0x0] =	vst.idx.add.f32.msk $0xffff, v30  }
0xfe: {  	v43 =	vor.u32 v4, v41;
	v30 =	vld [tilespmem:s28+$0x11190]  }
0xff: {  	[tilespmem:v42+s16+$0x0] =	vst.idx.add.f32.msk $0xffff, v32  }
0x100: {  	v44 =	vor.u32 v7, v36;
	v32 =	vld [tilespmem:s28+$0x109C0];
	_ =	sdelay $0x2  }
0x101: {  	[tilespmem:v43+s16+$0x0] =	vst.idx.add.f32.msk $0xffff, v30  }
0x102: {  	v45 =	vor.u32 v5, v41;
	v30 =	vld [tilespmem:s28+$0x111A0]  }
0x103: {  	[tilespmem:v44+s16+$0x0] =	vst.idx.add.f32.msk $0xffff, v32  }
0x104: {  	v46 =	vor.u32 v8, v36;
	v32 =	vld [tilespmem:s28+$0x109D0];
	_ =	sdelay $0x2  }
0x105: {  	[tilespmem:v45+s16+$0x0] =	vst.idx.add.f32.msk $0xffff, v30  }
0x106: {  	v47 =	vor.u32 v6, v41;
	v30 =	vld [tilespmem:s28+$0x111B0]  }
0x107: {  	[tilespmem:v46+s16+$0x0] =	vst.idx.add.f32.msk $0xffff, v32  }
0x108: {  	v48 =	vor.u32 v9, v36;
	v32 =	vld [tilespmem:s28+$0x109E0];
	_ =	sdelay $0x2  }
0x109: {  	[tilespmem:v47+s16+$0x0] =	vst.idx.add.f32.msk $0xffff, v30  }
0x10a: {  	v49 =	vor.u32 v7, v41;
	v30 =	vld [tilespmem:s28+$0x111C0]  }
0x10b: {  	[tilespmem:v48+s16+$0x0] =	vst.idx.add.f32.msk $0xffff, v32  }
0x10c: {  	v28 =	vor.u32 v10, v36;
	v32 =	vld [tilespmem:s28+$0x109F0];
	_ =	sdelay $0x2  }
0x10d: {  	v51 =	vperm.xlane v26, v16;
	[tilespmem:v49+s16+$0x0] =	vst.idx.add.f32.msk $0xffff, v30  }
0x10e: {  	v50 =	vor.u32 v8, v41;
	v30 =	vld [tilespmem:s28+$0x111D0]  }
0x10f: {  	v52 =	vshll.u32 v51, $0x7;
	[tilespmem:v28+s16+$0x0] =	vst.idx.add.f32.msk $0xffff, v32  }
0x110: {  	v33 =	vor.u32 v0, v52;
	v32 =	vld [tilespmem:s28+$0x10A00];
	_ =	sdelay $0x2  }
0x111: {  	[tilespmem:v50+s16+$0x0] =	vst.idx.add.f32.msk $0xffff, v30  }
0x112: {  	v53 =	vor.u32 v9, v41;
	v30 =	vld [tilespmem:s28+$0x111E0]  }
0x113: {  	[tilespmem:v33+s16+$0x0] =	vst.idx.add.f32.msk $0xffff, v32  }
0x114: {  	v54 =	vor.u32 v4, v52;
	v32 =	vld [tilespmem:s28+$0x10A10];
	_ =	sdelay $0x2  }
0x115: {  	[tilespmem:v53+s16+$0x0] =	vst.idx.add.f32.msk $0xffff, v30  }
0x116: {  	v29 =	vor.u32 v10, v41;
	v30 =	vld [tilespmem:s28+$0x111F0]  }
0x117: {  	[tilespmem:v54+s16+$0x0] =	vst.idx.add.f32.msk $0xffff, v32  }
0x118: {  	v56 =	vor.u32 v5, v52;
	v32 =	vld [tilespmem:s28+$0x10A20]  }
0x119: {  	v55 =	vperm.xlane v27, v16;
	_ =	sdelay $0x1  }
0x11a: {  	v57 =	vshll.u32 v55, $0x7;
	[tilespmem:v29+s16+$0x0] =	vst.idx.add.f32.msk $0xffff, v30  }
0x11b: {  	v31 =	vor.u32 v0, v57;
	v30 =	vld [tilespmem:s28+$0x11200]  }
0x11c: {  	[tilespmem:v56+s16+$0x0] =	vst.idx.add.f32.msk $0xffff, v32  }
0x11d: {  	v58 =	vor.u32 v6, v52;
	v32 =	vld [tilespmem:s28+$0x10A30];
	_ =	sdelay $0x2  }
0x11e: {  	[tilespmem:v31+s16+$0x0] =	vst.idx.add.f32.msk $0xffff, v30  }
0x11f: {  	v59 =	vor.u32 v4, v57;
	v30 =	vld [tilespmem:s28+$0x11210]  }
0x120: {  	[tilespmem:v58+s16+$0x0] =	vst.idx.add.f32.msk $0xffff, v32  }
0x121: {  	v60 =	vor.u32 v7, v52;
	v32 =	vld [tilespmem:s28+$0x10A40];
	_ =	sdelay $0x2  }
0x122: {  	[tilespmem:v59+s16+$0x0] =	vst.idx.add.f32.msk $0xffff, v30  }
0x123: {  	v61 =	vor.u32 v5, v57;
	v30 =	vld [tilespmem:s28+$0x11220]  }
0x124: {  	[tilespmem:v60+s16+$0x0] =	vst.idx.add.f32.msk $0xffff, v32  }
0x125: {  	v62 =	vor.u32 v8, v52;
	v32 =	vld [tilespmem:s28+$0x10A50];
	_ =	sdelay $0x2  }
0x126: {  	[tilespmem:v61+s16+$0x0] =	vst.idx.add.f32.msk $0xffff, v30  }
0x127: {  	v63 =	vor.u32 v6, v57;
	v30 =	vld [tilespmem:s28+$0x11230]  }
0x128: {  	[tilespmem:v62+s16+$0x0] =	vst.idx.add.f32.msk $0xffff, v32  }
0x129: {  	v36 =	vor.u32 v9, v52;
	v32 =	vld [tilespmem:s28+$0x10A60];
	_ =	sdelay $0x2  }
0x12a: {  	[tilespmem:v63+s16+$0x0] =	vst.idx.add.f32.msk $0xffff, v30  }
0x12b: {  	v37 =	vor.u32 v7, v57;
	v30 =	vld [tilespmem:s28+$0x11240]  }
0x12c: {  	[tilespmem:v36+s16+$0x0] =	vst.idx.add.f32.msk $0xffff, v32  }
0x12d: {  	v28 =	vor.u32 v10, v52;
	v32 =	vld [tilespmem:s28+$0x10A70];
	_ =	sdelay $0x2  }
0x12e: {  	v39 =	vperm.xlane v26, v3;
	[tilespmem:v37+s16+$0x0] =	vst.idx.add.f32.msk $0xffff, v30  }
0x12f: {  	v38 =	vor.u32 v8, v57;
	v30 =	vld [tilespmem:s28+$0x11250]  }
0x130: {  	v40 =	vshll.u32 v39, $0x7;
	[tilespmem:v28+s16+$0x0] =	vst.idx.add.f32.msk $0xffff, v32  }
0x131: {  	v33 =	vor.u32 v0, v40;
	v32 =	vld [tilespmem:s28+$0x10A80];
	_ =	sdelay $0x2  }
0x132: {  	[tilespmem:v38+s16+$0x0] =	vst.idx.add.f32.msk $0xffff, v30  }
0x133: {  	v41 =	vor.u32 v9, v57;
	v30 =	vld [tilespmem:s28+$0x11260]  }
0x134: {  	[tilespmem:v33+s16+$0x0] =	vst.idx.add.f32.msk $0xffff, v32  }
0x135: {  	v42 =	vor.u32 v4, v40;
	v32 =	vld [tilespmem:s28+$0x10A90];
	_ =	sdelay $0x2  }
0x136: {  	[tilespmem:v41+s16+$0x0] =	vst.idx.add.f32.msk $0xffff, v30  }
0x137: {  	v29 =	vor.u32 v10, v57;
	v30 =	vld [tilespmem:s28+$0x11270]  }
0x138: {  	[tilespmem:v42+s16+$0x0] =	vst.idx.add.f32.msk $0xffff, v32  }
0x139: {  	v44 =	vor.u32 v5, v40;
	v32 =	vld [tilespmem:s28+$0x10AA0]  }
0x13a: {  	v43 =	vperm.xlane v27, v3;
	_ =	sdelay $0x1  }
0x13b: {  	v45 =	vshll.u32 v43, $0x7;
	[tilespmem:v29+s16+$0x0] =	vst.idx.add.f32.msk $0xffff, v30  }
0x13c: {  	v31 =	vor.u32 v0, v45;
	v30 =	vld [tilespmem:s28+$0x11280]  }
0x13d: {  	[tilespmem:v44+s16+$0x0] =	vst.idx.add.f32.msk $0xffff, v32  }
0x13e: {  	v46 =	vor.u32 v6, v40;
	v32 =	vld [tilespmem:s28+$0x10AB0];
	_ =	sdelay $0x2  }
0x13f: {  	[tilespmem:v31+s16+$0x0] =	vst.idx.add.f32.msk $0xffff, v30  }
0x140: {  	v47 =	vor.u32 v4, v45;
	v30 =	vld [tilespmem:s28+$0x11290]  }
0x141: {  	[tilespmem:v46+s16+$0x0] =	vst.idx.add.f32.msk $0xffff, v32  }
0x142: {  	v48 =	vor.u32 v7, v40;
	v32 =	vld [tilespmem:s28+$0x10AC0];
	_ =	sdelay $0x2  }
0x143: {  	[tilespmem:v47+s16+$0x0] =	vst.idx.add.f32.msk $0xffff, v30  }
0x144: {  	v49 =	vor.u32 v5, v45;
	v30 =	vld [tilespmem:s28+$0x112A0]  }
0x145: {  	[tilespmem:v48+s16+$0x0] =	vst.idx.add.f32.msk $0xffff, v32  }
0x146: {  	v50 =	vor.u32 v8, v40;
	v32 =	vld [tilespmem:s28+$0x10AD0];
	_ =	sdelay $0x2  }
0x147: {  	[tilespmem:v49+s16+$0x0] =	vst.idx.add.f32.msk $0xffff, v30  }
0x148: {  	v51 =	vor.u32 v6, v45;
	v30 =	vld [tilespmem:s28+$0x112B0]  }
0x149: {  	[tilespmem:v50+s16+$0x0] =	vst.idx.add.f32.msk $0xffff, v32  }
0x14a: {  	v52 =	vor.u32 v9, v40;
	v32 =	vld [tilespmem:s28+$0x10AE0];
	_ =	sdelay $0x2  }
0x14b: {  	[tilespmem:v51+s16+$0x0] =	vst.idx.add.f32.msk $0xffff, v30  }
0x14c: {  	v53 =	vor.u32 v7, v45;
	v30 =	vld [tilespmem:s28+$0x112C0]  }
0x14d: {  	[tilespmem:v52+s16+$0x0] =	vst.idx.add.f32.msk $0xffff, v32  }
0x14e: {  	v28 =	vor.u32 v10, v40;
	v32 =	vld [tilespmem:s28+$0x10AF0];
	_ =	sdelay $0x2  }
0x14f: {  	v55 =	vperm.xlane v26, v17;
	[tilespmem:v53+s16+$0x0] =	vst.idx.add.f32.msk $0xffff, v30  }
0x150: {  	v54 =	vor.u32 v8, v45;
	v30 =	vld [tilespmem:s28+$0x112D0]  }
0x151: {  	v56 =	vshll.u32 v55, $0x7;
	[tilespmem:v28+s16+$0x0] =	vst.idx.add.f32.msk $0xffff, v32  }
0x152: {  	v33 =	vor.u32 v0, v56;
	v32 =	vld [tilespmem:s28+$0x10B00];
	_ =	sdelay $0x2  }
0x153: {  	[tilespmem:v54+s16+$0x0] =	vst.idx.add.f32.msk $0xffff, v30  }
0x154: {  	v57 =	vor.u32 v9, v45;
	v30 =	vld [tilespmem:s28+$0x112E0]  }
0x155: {  	[tilespmem:v33+s16+$0x0] =	vst.idx.add.f32.msk $0xffff, v32  }
0x156: {  	v58 =	vor.u32 v4, v56;
	v32 =	vld [tilespmem:s28+$0x10B10];
	_ =	sdelay $0x2  }
0x157: {  	[tilespmem:v57+s16+$0x0] =	vst.idx.add.f32.msk $0xffff, v30  }
0x158: {  	v29 =	vor.u32 v10, v45;
	v30 =	vld [tilespmem:s28+$0x112F0]  }
0x159: {  	[tilespmem:v58+s16+$0x0] =	vst.idx.add.f32.msk $0xffff, v32  }
0x15a: {  	v60 =	vor.u32 v5, v56;
	v32 =	vld [tilespmem:s28+$0x10B20]  }
0x15b: {  	v59 =	vperm.xlane v27, v17;
	_ =	sdelay $0x1  }
0x15c: {  	v61 =	vshll.u32 v59, $0x7;
	[tilespmem:v29+s16+$0x0] =	vst.idx.add.f32.msk $0xffff, v30  }
0x15d: {  	v31 =	vor.u32 v0, v61;
	v30 =	vld [tilespmem:s28+$0x11300]  }
0x15e: {  	[tilespmem:v60+s16+$0x0] =	vst.idx.add.f32.msk $0xffff, v32  }
0x15f: {  	v62 =	vor.u32 v6, v56;
	v32 =	vld [tilespmem:s28+$0x10B30];
	_ =	sdelay $0x2  }
0x160: {  	[tilespmem:v31+s16+$0x0] =	vst.idx.add.f32.msk $0xffff, v30  }
0x161: {  	v63 =	vor.u32 v4, v61;
	v30 =	vld [tilespmem:s28+$0x11310]  }
0x162: {  	[tilespmem:v62+s16+$0x0] =	vst.idx.add.f32.msk $0xffff, v32  }
0x163: {  	v36 =	vor.u32 v7, v56;
	v32 =	vld [tilespmem:s28+$0x10B40];
	_ =	sdelay $0x2  }
0x164: {  	[tilespmem:v63+s16+$0x0] =	vst.idx.add.f32.msk $0xffff, v30  }
0x165: {  	v37 =	vor.u32 v5, v61;
	v30 =	vld [tilespmem:s28+$0x11320]  }
0x166: {  	[tilespmem:v36+s16+$0x0] =	vst.idx.add.f32.msk $0xffff, v32  }
0x167: {  	v38 =	vor.u32 v8, v56;
	v32 =	vld [tilespmem:s28+$0x10B50];
	_ =	sdelay $0x2  }
0x168: {  	[tilespmem:v37+s16+$0x0] =	vst.idx.add.f32.msk $0xffff, v30  }
0x169: {  	v39 =	vor.u32 v6, v61;
	v30 =	vld [tilespmem:s28+$0x11330]  }
0x16a: {  	[tilespmem:v38+s16+$0x0] =	vst.idx.add.f32.msk $0xffff, v32  }
0x16b: {  	v40 =	vor.u32 v9, v56;
	v32 =	vld [tilespmem:s28+$0x10B60];
	_ =	sdelay $0x2  }
0x16c: {  	[tilespmem:v39+s16+$0x0] =	vst.idx.add.f32.msk $0xffff, v30  }
0x16d: {  	v41 =	vor.u32 v7, v61;
	v30 =	vld [tilespmem:s28+$0x11340]  }
0x16e: {  	[tilespmem:v40+s16+$0x0] =	vst.idx.add.f32.msk $0xffff, v32  }
0x16f: {  	v28 =	vor.u32 v10, v56;
	v32 =	vld [tilespmem:s28+$0x10B70];
	_ =	sdelay $0x2  }
0x170: {  	v43 =	vperm.xlane v26, v18;
	[tilespmem:v41+s16+$0x0] =	vst.idx.add.f32.msk $0xffff, v30  }
0x171: {  	v42 =	vor.u32 v8, v61;
	v30 =	vld [tilespmem:s28+$0x11350]  }
0x172: {  	v44 =	vshll.u32 v43, $0x7;
	[tilespmem:v28+s16+$0x0] =	vst.idx.add.f32.msk $0xffff, v32  }
0x173: {  	v33 =	vor.u32 v0, v44;
	v32 =	vld [tilespmem:s28+$0x10B80];
	_ =	sdelay $0x2  }
0x174: {  	[tilespmem:v42+s16+$0x0] =	vst.idx.add.f32.msk $0xffff, v30  }
0x175: {  	v45 =	vor.u32 v9, v61;
	v30 =	vld [tilespmem:s28+$0x11360]  }
0x176: {  	[tilespmem:v33+s16+$0x0] =	vst.idx.add.f32.msk $0xffff, v32  }
0x177: {  	v46 =	vor.u32 v4, v44;
	v32 =	vld [tilespmem:s28+$0x10B90];
	_ =	sdelay $0x2  }
0x178: {  	[tilespmem:v45+s16+$0x0] =	vst.idx.add.f32.msk $0xffff, v30  }
0x179: {  	v29 =	vor.u32 v10, v61;
	v30 =	vld [tilespmem:s28+$0x11370]  }
0x17a: {  	[tilespmem:v46+s16+$0x0] =	vst.idx.add.f32.msk $0xffff, v32  }
0x17b: {  	v48 =	vor.u32 v5, v44;
	v32 =	vld [tilespmem:s28+$0x10BA0]  }
0x17c: {  	v47 =	vperm.xlane v27, v18;
	_ =	sdelay $0x1  }
0x17d: {  	v49 =	vshll.u32 v47, $0x7;
	[tilespmem:v29+s16+$0x0] =	vst.idx.add.f32.msk $0xffff, v30  }
0x17e: {  	v31 =	vor.u32 v0, v49;
	v30 =	vld [tilespmem:s28+$0x11380]  }
0x17f: {  	[tilespmem:v48+s16+$0x0] =	vst.idx.add.f32.msk $0xffff, v32  }
0x180: {  	v50 =	vor.u32 v6, v44;
	v32 =	vld [tilespmem:s28+$0x10BB0];
	_ =	sdelay $0x2  }
0x181: {  	[tilespmem:v31+s16+$0x0] =	vst.idx.add.f32.msk $0xffff, v30  }
0x182: {  	v51 =	vor.u32 v4, v49;
	v30 =	vld [tilespmem:s28+$0x11390]  }
0x183: {  	[tilespmem:v50+s16+$0x0] =	vst.idx.add.f32.msk $0xffff, v32  }
0x184: {  	v52 =	vor.u32 v7, v44;
	v32 =	vld [tilespmem:s28+$0x10BC0];
	_ =	sdelay $0x2  }
0x185: {  	[tilespmem:v51+s16+$0x0] =	vst.idx.add.f32.msk $0xffff, v30  }
0x186: {  	v53 =	vor.u32 v5, v49;
	v30 =	vld [tilespmem:s28+$0x113A0]  }
0x187: {  	[tilespmem:v52+s16+$0x0] =	vst.idx.add.f32.msk $0xffff, v32  }
0x188: {  	v54 =	vor.u32 v8, v44;
	v32 =	vld [tilespmem:s28+$0x10BD0];
	_ =	sdelay $0x2  }
0x189: {  	[tilespmem:v53+s16+$0x0] =	vst.idx.add.f32.msk $0xffff, v30  }
0x18a: {  	v55 =	vor.u32 v6, v49;
	v30 =	vld [tilespmem:s28+$0x113B0]  }
0x18b: {  	[tilespmem:v54+s16+$0x0] =	vst.idx.add.f32.msk $0xffff, v32  }
0x18c: {  	v56 =	vor.u32 v9, v44;
	v32 =	vld [tilespmem:s28+$0x10BE0];
	_ =	sdelay $0x2  }
0x18d: {  	[tilespmem:v55+s16+$0x0] =	vst.idx.add.f32.msk $0xffff, v30  }
0x18e: {  	v57 =	vor.u32 v7, v49;
	v30 =	vld [tilespmem:s28+$0x113C0]  }
0x18f: {  	[tilespmem:v56+s16+$0x0] =	vst.idx.add.f32.msk $0xffff, v32  }
0x190: {  	v28 =	vor.u32 v10, v44;
	v32 =	vld [tilespmem:s28+$0x10BF0];
	_ =	sdelay $0x2  }
0x191: {  	v59 =	vperm.xlane v26, v19;
	[tilespmem:v57+s16+$0x0] =	vst.idx.add.f32.msk $0xffff, v30  }
0x192: {  	v58 =	vor.u32 v8, v49;
	v30 =	vld [tilespmem:s28+$0x113D0]  }
0x193: {  	v60 =	vshll.u32 v59, $0x7;
	[tilespmem:v28+s16+$0x0] =	vst.idx.add.f32.msk $0xffff, v32  }
0x194: {  	v33 =	vor.u32 v0, v60;
	v32 =	vld [tilespmem:s28+$0x10C00];
	_ =	sdelay $0x2  }
0x195: {  	[tilespmem:v58+s16+$0x0] =	vst.idx.add.f32.msk $0xffff, v30  }
0x196: {  	v61 =	vor.u32 v9, v49;
	v30 =	vld [tilespmem:s28+$0x113E0]  }
0x197: {  	[tilespmem:v33+s16+$0x0] =	vst.idx.add.f32.msk $0xffff, v32  }
0x198: {  	v62 =	vor.u32 v4, v60;
	v32 =	vld [tilespmem:s28+$0x10C10];
	_ =	sdelay $0x2  }
0x199: {  	[tilespmem:v61+s16+$0x0] =	vst.idx.add.f32.msk $0xffff, v30  }
0x19a: {  	v29 =	vor.u32 v10, v49;
	v30 =	vld [tilespmem:s28+$0x113F0]  }
0x19b: {  	[tilespmem:v62+s16+$0x0] =	vst.idx.add.f32.msk $0xffff, v32  }
0x19c: {  	v36 =	vor.u32 v5, v60;
	v32 =	vld [tilespmem:s28+$0x10C20]  }
0x19d: {  	v63 =	vperm.xlane v27, v19;
	_ =	sdelay $0x1  }
0x19e: {  	v37 =	vshll.u32 v63, $0x7;
	[tilespmem:v29+s16+$0x0] =	vst.idx.add.f32.msk $0xffff, v30  }
0x19f: {  	v31 =	vor.u32 v0, v37;
	v30 =	vld [tilespmem:s28+$0x11400]  }
0x1a0: {  	[tilespmem:v36+s16+$0x0] =	vst.idx.add.f32.msk $0xffff, v32  }
0x1a1: {  	v38 =	vor.u32 v6, v60;
	v32 =	vld [tilespmem:s28+$0x10C30];
	_ =	sdelay $0x2  }
0x1a2: {  	[tilespmem:v31+s16+$0x0] =	vst.idx.add.f32.msk $0xffff, v30  }
0x1a3: {  	v39 =	vor.u32 v4, v37;
	v30 =	vld [tilespmem:s28+$0x11410]  }
0x1a4: {  	[tilespmem:v38+s16+$0x0] =	vst.idx.add.f32.msk $0xffff, v32  }
0x1a5: {  	v40 =	vor.u32 v7, v60;
	v32 =	vld [tilespmem:s28+$0x10C40];
	_ =	sdelay $0x2  }
0x1a6: {  	[tilespmem:v39+s16+$0x0] =	vst.idx.add.f32.msk $0xffff, v30  }
0x1a7: {  	v41 =	vor.u32 v5, v37;
	v30 =	vld [tilespmem:s28+$0x11420]  }
0x1a8: {  	[tilespmem:v40+s16+$0x0] =	vst.idx.add.f32.msk $0xffff, v32  }
0x1a9: {  	v42 =	vor.u32 v8, v60;
	v32 =	vld [tilespmem:s28+$0x10C50];
	_ =	sdelay $0x2  }
0x1aa: {  	[tilespmem:v41+s16+$0x0] =	vst.idx.add.f32.msk $0xffff, v30  }
0x1ab: {  	v43 =	vor.u32 v6, v37;
	v30 =	vld [tilespmem:s28+$0x11430]  }
0x1ac: {  	[tilespmem:v42+s16+$0x0] =	vst.idx.add.f32.msk $0xffff, v32  }
0x1ad: {  	v44 =	vor.u32 v9, v60;
	v32 =	vld [tilespmem:s28+$0x10C60];
	_ =	sdelay $0x2  }
0x1ae: {  	[tilespmem:v43+s16+$0x0] =	vst.idx.add.f32.msk $0xffff, v30  }
0x1af: {  	v45 =	vor.u32 v7, v37;
	v30 =	vld [tilespmem:s28+$0x11440]  }
0x1b0: {  	[tilespmem:v44+s16+$0x0] =	vst.idx.add.f32.msk $0xffff, v32  }
0x1b1: {  	v28 =	vor.u32 v10, v60;
	v32 =	vld [tilespmem:s28+$0x10C70];
	_ =	sdelay $0x2  }
0x1b2: {  	v47 =	vperm.xlane v26, v20;
	[tilespmem:v45+s16+$0x0] =	vst.idx.add.f32.msk $0xffff, v30  }
0x1b3: {  	v46 =	vor.u32 v8, v37;
	v30 =	vld [tilespmem:s28+$0x11450]  }
0x1b4: {  	v48 =	vshll.u32 v47, $0x7;
	[tilespmem:v28+s16+$0x0] =	vst.idx.add.f32.msk $0xffff, v32  }
0x1b5: {  	v33 =	vor.u32 v0, v48;
	v32 =	vld [tilespmem:s28+$0x10C80];
	_ =	sdelay $0x2  }
0x1b6: {  	[tilespmem:v46+s16+$0x0] =	vst.idx.add.f32.msk $0xffff, v30  }
0x1b7: {  	v49 =	vor.u32 v9, v37;
	v30 =	vld [tilespmem:s28+$0x11460]  }
0x1b8: {  	[tilespmem:v33+s16+$0x0] =	vst.idx.add.f32.msk $0xffff, v32  }
0x1b9: {  	v50 =	vor.u32 v4, v48;
	v32 =	vld [tilespmem:s28+$0x10C90];
	_ =	sdelay $0x2  }
0x1ba: {  	[tilespmem:v49+s16+$0x0] =	vst.idx.add.f32.msk $0xffff, v30  }
0x1bb: {  	v29 =	vor.u32 v10, v37;
	v30 =	vld [tilespmem:s28+$0x11470]  }
0x1bc: {  	[tilespmem:v50+s16+$0x0] =	vst.idx.add.f32.msk $0xffff, v32  }
0x1bd: {  	v52 =	vor.u32 v5, v48;
	v32 =	vld [tilespmem:s28+$0x10CA0]  }
0x1be: {  	v51 =	vperm.xlane v27, v20;
	_ =	sdelay $0x1  }
0x1bf: {  	v53 =	vshll.u32 v51, $0x7;
	[tilespmem:v29+s16+$0x0] =	vst.idx.add.f32.msk $0xffff, v30  }
0x1c0: {  	v31 =	vor.u32 v0, v53;
	v30 =	vld [tilespmem:s28+$0x11480]  }
0x1c1: {  	[tilespmem:v52+s16+$0x0] =	vst.idx.add.f32.msk $0xffff, v32  }
0x1c2: {  	v54 =	vor.u32 v6, v48;
	v32 =	vld [tilespmem:s28+$0x10CB0];
	_ =	sdelay $0x2  }
0x1c3: {  	[tilespmem:v31+s16+$0x0] =	vst.idx.add.f32.msk $0xffff, v30  }
0x1c4: {  	v55 =	vor.u32 v4, v53;
	v30 =	vld [tilespmem:s28+$0x11490]  }
0x1c5: {  	[tilespmem:v54+s16+$0x0] =	vst.idx.add.f32.msk $0xffff, v32  }
0x1c6: {  	v56 =	vor.u32 v7, v48;
	v32 =	vld [tilespmem:s28+$0x10CC0];
	_ =	sdelay $0x2  }
0x1c7: {  	[tilespmem:v55+s16+$0x0] =	vst.idx.add.f32.msk $0xffff, v30  }
0x1c8: {  	v57 =	vor.u32 v5, v53;
	v30 =	vld [tilespmem:s28+$0x114A0]  }
0x1c9: {  	[tilespmem:v56+s16+$0x0] =	vst.idx.add.f32.msk $0xffff, v32  }
0x1ca: {  	v58 =	vor.u32 v8, v48;
	v32 =	vld [tilespmem:s28+$0x10CD0];
	_ =	sdelay $0x2  }
0x1cb: {  	[tilespmem:v57+s16+$0x0] =	vst.idx.add.f32.msk $0xffff, v30  }
0x1cc: {  	v59 =	vor.u32 v6, v53;
	v30 =	vld [tilespmem:s28+$0x114B0]  }
0x1cd: {  	[tilespmem:v58+s16+$0x0] =	vst.idx.add.f32.msk $0xffff, v32  }
0x1ce: {  	v60 =	vor.u32 v9, v48;
	v32 =	vld [tilespmem:s28+$0x10CE0];
	_ =	sdelay $0x2  }
0x1cf: {  	[tilespmem:v59+s16+$0x0] =	vst.idx.add.f32.msk $0xffff, v30  }
0x1d0: {  	v61 =	vor.u32 v7, v53;
	v30 =	vld [tilespmem:s28+$0x114C0]  }
0x1d1: {  	[tilespmem:v60+s16+$0x0] =	vst.idx.add.f32.msk $0xffff, v32  }
0x1d2: {  	v28 =	vor.u32 v10, v48;
	v32 =	vld [tilespmem:s28+$0x10CF0];
	_ =	sdelay $0x2  }
0x1d3: {  	v63 =	vperm.xlane v26, v21;
	[tilespmem:v61+s16+$0x0] =	vst.idx.add.f32.msk $0xffff, v30  }
0x1d4: {  	v62 =	vor.u32 v8, v53;
	v30 =	vld [tilespmem:s28+$0x114D0]  }
0x1d5: {  	v36 =	vshll.u32 v63, $0x7;
	[tilespmem:v28+s16+$0x0] =	vst.idx.add.f32.msk $0xffff, v32  }
0x1d6: {  	v33 =	vor.u32 v0, v36;
	v32 =	vld [tilespmem:s28+$0x10D00];
	_ =	sdelay $0x2  }
0x1d7: {  	[tilespmem:v62+s16+$0x0] =	vst.idx.add.f32.msk $0xffff, v30  }
0x1d8: {  	v37 =	vor.u32 v9, v53;
	v30 =	vld [tilespmem:s28+$0x114E0]  }
0x1d9: {  	[tilespmem:v33+s16+$0x0] =	vst.idx.add.f32.msk $0xffff, v32  }
0x1da: {  	v38 =	vor.u32 v4, v36;
	v32 =	vld [tilespmem:s28+$0x10D10];
	_ =	sdelay $0x2  }
0x1db: {  	[tilespmem:v37+s16+$0x0] =	vst.idx.add.f32.msk $0xffff, v30  }
0x1dc: {  	v29 =	vor.u32 v10, v53;
	v30 =	vld [tilespmem:s28+$0x114F0]  }
0x1dd: {  	[tilespmem:v38+s16+$0x0] =	vst.idx.add.f32.msk $0xffff, v32  }
0x1de: {  	v40 =	vor.u32 v5, v36;
	v32 =	vld [tilespmem:s28+$0x10D20]  }
0x1df: {  	v39 =	vperm.xlane v27, v21;
	_ =	sdelay $0x1  }
0x1e0: {  	v41 =	vshll.u32 v39, $0x7;
	[tilespmem:v29+s16+$0x0] =	vst.idx.add.f32.msk $0xffff, v30  }
0x1e1: {  	v31 =	vor.u32 v0, v41;
	v30 =	vld [tilespmem:s28+$0x11500]  }
0x1e2: {  	[tilespmem:v40+s16+$0x0] =	vst.idx.add.f32.msk $0xffff, v32  }
0x1e3: {  	v42 =	vor.u32 v6, v36;
	v32 =	vld [tilespmem:s28+$0x10D30];
	_ =	sdelay $0x2  }
0x1e4: {  	[tilespmem:v31+s16+$0x0] =	vst.idx.add.f32.msk $0xffff, v30  }
0x1e5: {  	v43 =	vor.u32 v4, v41;
	v30 =	vld [tilespmem:s28+$0x11510]  }
0x1e6: {  	[tilespmem:v42+s16+$0x0] =	vst.idx.add.f32.msk $0xffff, v32  }
0x1e7: {  	v44 =	vor.u32 v7, v36;
	v32 =	vld [tilespmem:s28+$0x10D40];
	_ =	sdelay $0x2  }
0x1e8: {  	[tilespmem:v43+s16+$0x0] =	vst.idx.add.f32.msk $0xffff, v30  }
0x1e9: {  	v45 =	vor.u32 v5, v41;
	v30 =	vld [tilespmem:s28+$0x11520]  }
0x1ea: {  	[tilespmem:v44+s16+$0x0] =	vst.idx.add.f32.msk $0xffff, v32  }
0x1eb: {  	v46 =	vor.u32 v8, v36;
	v32 =	vld [tilespmem:s28+$0x10D50];
	_ =	sdelay $0x2  }
0x1ec: {  	[tilespmem:v45+s16+$0x0] =	vst.idx.add.f32.msk $0xffff, v30  }
0x1ed: {  	v47 =	vor.u32 v6, v41;
	v30 =	vld [tilespmem:s28+$0x11530]  }
0x1ee: {  	[tilespmem:v46+s16+$0x0] =	vst.idx.add.f32.msk $0xffff, v32  }
0x1ef: {  	v48 =	vor.u32 v9, v36;
	v32 =	vld [tilespmem:s28+$0x10D60];
	_ =	sdelay $0x2  }
0x1f0: {  	[tilespmem:v47+s16+$0x0] =	vst.idx.add.f32.msk $0xffff, v30  }
0x1f1: {  	v49 =	vor.u32 v7, v41;
	v30 =	vld [tilespmem:s28+$0x11540]  }
0x1f2: {  	[tilespmem:v48+s16+$0x0] =	vst.idx.add.f32.msk $0xffff, v32  }
0x1f3: {  	v28 =	vor.u32 v10, v36;
	v32 =	vld [tilespmem:s28+$0x10D70];
	_ =	sdelay $0x2  }
0x1f4: {  	v51 =	vperm.xlane v26, v22;
	[tilespmem:v49+s16+$0x0] =	vst.idx.add.f32.msk $0xffff, v30  }
0x1f5: {  	v50 =	vor.u32 v8, v41;
	v30 =	vld [tilespmem:s28+$0x11550]  }
0x1f6: {  	v52 =	vshll.u32 v51, $0x7;
	[tilespmem:v28+s16+$0x0] =	vst.idx.add.f32.msk $0xffff, v32  }
0x1f7: {  	v33 =	vor.u32 v0, v52;
	v32 =	vld [tilespmem:s28+$0x10D80];
	_ =	sdelay $0x2  }
0x1f8: {  	[tilespmem:v50+s16+$0x0] =	vst.idx.add.f32.msk $0xffff, v30  }
0x1f9: {  	v53 =	vor.u32 v9, v41;
	v30 =	vld [tilespmem:s28+$0x11560]  }
0x1fa: {  	[tilespmem:v33+s16+$0x0] =	vst.idx.add.f32.msk $0xffff, v32  }
0x1fb: {  	v54 =	vor.u32 v4, v52;
	v32 =	vld [tilespmem:s28+$0x10D90];
	_ =	sdelay $0x2  }
0x1fc: {  	[tilespmem:v53+s16+$0x0] =	vst.idx.add.f32.msk $0xffff, v30  }
0x1fd: {  	v29 =	vor.u32 v10, v41;
	v30 =	vld [tilespmem:s28+$0x11570]  }
0x1fe: {  	[tilespmem:v54+s16+$0x0] =	vst.idx.add.f32.msk $0xffff, v32  }
0x1ff: {  	v56 =	vor.u32 v5, v52;
	v32 =	vld [tilespmem:s28+$0x10DA0]  }
0x200: {  	v55 =	vperm.xlane v27, v22;
	_ =	sdelay $0x1  }
0x201: {  	v57 =	vshll.u32 v55, $0x7;
	[tilespmem:v29+s16+$0x0] =	vst.idx.add.f32.msk $0xffff, v30  }
0x202: {  	v31 =	vor.u32 v0, v57;
	v30 =	vld [tilespmem:s28+$0x11580]  }
0x203: {  	[tilespmem:v56+s16+$0x0] =	vst.idx.add.f32.msk $0xffff, v32  }
0x204: {  	v58 =	vor.u32 v6, v52;
	v32 =	vld [tilespmem:s28+$0x10DB0];
	_ =	sdelay $0x2  }
0x205: {  	[tilespmem:v31+s16+$0x0] =	vst.idx.add.f32.msk $0xffff, v30  }
0x206: {  	v59 =	vor.u32 v4, v57;
	v30 =	vld [tilespmem:s28+$0x11590]  }
0x207: {  	[tilespmem:v58+s16+$0x0] =	vst.idx.add.f32.msk $0xffff, v32  }
0x208: {  	v60 =	vor.u32 v7, v52;
	v32 =	vld [tilespmem:s28+$0x10DC0];
	_ =	sdelay $0x2  }
0x209: {  	[tilespmem:v59+s16+$0x0] =	vst.idx.add.f32.msk $0xffff, v30  }
0x20a: {  	v61 =	vor.u32 v5, v57;
	v30 =	vld [tilespmem:s28+$0x115A0]  }
0x20b: {  	[tilespmem:v60+s16+$0x0] =	vst.idx.add.f32.msk $0xffff, v32  }
0x20c: {  	v62 =	vor.u32 v8, v52;
	v32 =	vld [tilespmem:s28+$0x10DD0];
	_ =	sdelay $0x2  }
0x20d: {  	[tilespmem:v61+s16+$0x0] =	vst.idx.add.f32.msk $0xffff, v30  }
0x20e: {  	v63 =	vor.u32 v6, v57;
	v30 =	vld [tilespmem:s28+$0x115B0]  }
0x20f: {  	[tilespmem:v62+s16+$0x0] =	vst.idx.add.f32.msk $0xffff, v32  }
0x210: {  	v36 =	vor.u32 v9, v52;
	v32 =	vld [tilespmem:s28+$0x10DE0];
	_ =	sdelay $0x2  }
0x211: {  	[tilespmem:v63+s16+$0x0] =	vst.idx.add.f32.msk $0xffff, v30  }
0x212: {  	v37 =	vor.u32 v7, v57;
	v30 =	vld [tilespmem:s28+$0x115C0]  }
0x213: {  	[tilespmem:v36+s16+$0x0] =	vst.idx.add.f32.msk $0xffff, v32  }
0x214: {  	v28 =	vor.u32 v10, v52;
	v32 =	vld [tilespmem:s28+$0x10DF0];
	_ =	sdelay $0x2  }
0x215: {  	v39 =	vperm.xlane v26, v23;
	[tilespmem:v37+s16+$0x0] =	vst.idx.add.f32.msk $0xffff, v30  }
0x216: {  	v38 =	vor.u32 v8, v57;
	v30 =	vld [tilespmem:s28+$0x115D0]  }
0x217: {  	v40 =	vshll.u32 v39, $0x7;
	[tilespmem:v28+s16+$0x0] =	vst.idx.add.f32.msk $0xffff, v32  }
0x218: {  	v33 =	vor.u32 v0, v40;
	v32 =	vld [tilespmem:s28+$0x10E00];
	_ =	sdelay $0x2  }
0x219: {  	[tilespmem:v38+s16+$0x0] =	vst.idx.add.f32.msk $0xffff, v30  }
0x21a: {  	v41 =	vor.u32 v9, v57;
	v30 =	vld [tilespmem:s28+$0x115E0]  }
0x21b: {  	[tilespmem:v33+s16+$0x0] =	vst.idx.add.f32.msk $0xffff, v32  }
0x21c: {  	v42 =	vor.u32 v4, v40;
	v32 =	vld [tilespmem:s28+$0x10E10];
	_ =	sdelay $0x2  }
0x21d: {  	[tilespmem:v41+s16+$0x0] =	vst.idx.add.f32.msk $0xffff, v30  }
0x21e: {  	v29 =	vor.u32 v10, v57;
	v30 =	vld [tilespmem:s28+$0x115F0]  }
0x21f: {  	[tilespmem:v42+s16+$0x0] =	vst.idx.add.f32.msk $0xffff, v32  }
0x220: {  	v44 =	vor.u32 v5, v40;
	v32 =	vld [tilespmem:s28+$0x10E20]  }
0x221: {  	v43 =	vperm.xlane v27, v23;
	_ =	sdelay $0x1  }
0x222: {  	v45 =	vshll.u32 v43, $0x7;
	[tilespmem:v29+s16+$0x0] =	vst.idx.add.f32.msk $0xffff, v30  }
0x223: {  	v31 =	vor.u32 v0, v45;
	v30 =	vld [tilespmem:s28+$0x11600]  }
0x224: {  	[tilespmem:v44+s16+$0x0] =	vst.idx.add.f32.msk $0xffff, v32  }
0x225: {  	v46 =	vor.u32 v6, v40;
	v32 =	vld [tilespmem:s28+$0x10E30];
	_ =	sdelay $0x2  }
0x226: {  	[tilespmem:v31+s16+$0x0] =	vst.idx.add.f32.msk $0xffff, v30  }
0x227: {  	v47 =	vor.u32 v4, v45;
	v30 =	vld [tilespmem:s28+$0x11610]  }
0x228: {  	[tilespmem:v46+s16+$0x0] =	vst.idx.add.f32.msk $0xffff, v32  }
0x229: {  	v48 =	vor.u32 v7, v40;
	v32 =	vld [tilespmem:s28+$0x10E40];
	_ =	sdelay $0x2  }
0x22a: {  	[tilespmem:v47+s16+$0x0] =	vst.idx.add.f32.msk $0xffff, v30  }
0x22b: {  	v49 =	vor.u32 v5, v45;
	v30 =	vld [tilespmem:s28+$0x11620]  }
0x22c: {  	[tilespmem:v48+s16+$0x0] =	vst.idx.add.f32.msk $0xffff, v32  }
0x22d: {  	v50 =	vor.u32 v8, v40;
	v32 =	vld [tilespmem:s28+$0x10E50];
	_ =	sdelay $0x2  }
0x22e: {  	[tilespmem:v49+s16+$0x0] =	vst.idx.add.f32.msk $0xffff, v30  }
0x22f: {  	v51 =	vor.u32 v6, v45;
	v30 =	vld [tilespmem:s28+$0x11630]  }
0x230: {  	[tilespmem:v50+s16+$0x0] =	vst.idx.add.f32.msk $0xffff, v32  }
0x231: {  	v52 =	vor.u32 v9, v40;
	v32 =	vld [tilespmem:s28+$0x10E60];
	_ =	sdelay $0x2  }
0x232: {  	[tilespmem:v51+s16+$0x0] =	vst.idx.add.f32.msk $0xffff, v30  }
0x233: {  	v53 =	vor.u32 v7, v45;
	v30 =	vld [tilespmem:s28+$0x11640]  }
0x234: {  	[tilespmem:v52+s16+$0x0] =	vst.idx.add.f32.msk $0xffff, v32  }
0x235: {  	v28 =	vor.u32 v10, v40;
	v32 =	vld [tilespmem:s28+$0x10E70];
	_ =	sdelay $0x2  }
0x236: {  	v26 =	vperm.xlane v26, v24;
	[tilespmem:v53+s16+$0x0] =	vst.idx.add.f32.msk $0xffff, v30  }
0x237: {  	v54 =	vor.u32 v8, v45;
	v30 =	vld [tilespmem:s28+$0x11650]  }
0x238: {  	v55 =	vshll.u32 v26, $0x7;
	[tilespmem:v28+s16+$0x0] =	vst.idx.add.f32.msk $0xffff, v32  }
0x239: {  	v56 =	vor.u32 v0, v55;
	v26 =	vld [tilespmem:s28+$0x10E80];
	_ =	sdelay $0x2  }
0x23a: {  	[tilespmem:v54+s16+$0x0] =	vst.idx.add.f32.msk $0xffff, v30  }
0x23b: {  	v57 =	vor.u32 v9, v45;
	v30 =	vld [tilespmem:s28+$0x11660]  }
0x23c: {  	[tilespmem:v56+s16+$0x0] =	vst.idx.add.f32.msk $0xffff, v26  }
0x23d: {  	v58 =	vor.u32 v4, v55;
	v26 =	vld [tilespmem:s28+$0x10E90];
	_ =	sdelay $0x2  }
0x23e: {  	[tilespmem:v57+s16+$0x0] =	vst.idx.add.f32.msk $0xffff, v30  }
0x23f: {  	v29 =	vor.u32 v10, v45;
	v30 =	vld [tilespmem:s28+$0x11670]  }
0x240: {  	s31 =	sor.u32 $0x20, s29;
	[tilespmem:v58+s16+$0x0] =	vst.idx.add.f32.msk $0xffff, v26  }
0x241: {  	v26 =	vld.idx.msk [tilespmem:v25+s31+$0x0 ss:$0x1], $0xffff  }
0x242: {  	v27 =	vperm.xlane v27, v24;
	_ =	sdelay $0x1  }
0x243: {  	v27 =	vshll.u32 v27, $0x7;
	[tilespmem:v29+s16+$0x0] =	vst.idx.add.f32.msk $0xffff, v30  }
0x244: {  	v59 =	vor.u32 v0, v27;
	v29 =	vld [tilespmem:s28+$0x11680]  }
0x245: {  	v63 =	vperm.xlane v26, v2  }
0x246: {  	s30 =	sshll.u32 s31, $0x7;
	v61 =	vor.u32 v5, v55;
	v60 =	vld [tilespmem:s28+$0x10EA0]  }
0x247: {  	s30 =	sand.u32 $0x3FFFF800, s30;
	v33 =	vshll.u32 v63, $0x7  }
0x248: {  	v34 =	vld [tilespmem:s30+$0x10700];
	v35 =	vor.u32 v0, v33  }
0x249: {  	[tilespmem:v59+s16+$0x0] =	vst.idx.add.f32.msk $0xffff, v29  }
0x24a: {  	v62 =	vor.u32 v4, v27;
	v29 =	vld [tilespmem:s28+$0x11690]  }
0x24b: {  	[tilespmem:v61+s16+$0x0] =	vst.idx.add.f32.msk $0xffff, v60  }
0x24c: {  	v31 =	vld [tilespmem:s28+$0x10EB0]  }
0x24d: {  	v36 =	vor.u32 v6, v55;
	[tilespmem:v35+s16+$0x0] =	vst.idx.add.f32.msk $0xffff, v34  }
0x24e: {  	v39 =	vor.u32 v4, v33;
	v38 =	vld [tilespmem:s30+$0x10710]  }
0x24f: {  	[tilespmem:v62+s16+$0x0] =	vst.idx.add.f32.msk $0xffff, v29  }
0x250: {  	v37 =	vor.u32 v5, v27;
	v29 =	vld [tilespmem:s28+$0x116A0];
	_ =	sdelay $0x1  }
0x251: {  	[tilespmem:v36+s16+$0x0] =	vst.idx.add.f32.msk $0xffff, v31  }
0x252: {  	[tilespmem:v39+s16+$0x0] =	vst.idx.add.f32.msk $0xffff, v38  }
0x253: {  	v43 =	vor.u32 v5, v33;
	v31 =	vld [tilespmem:s30+$0x10720]  }
0x254: {  	[tilespmem:v37+s16+$0x0] =	vst.idx.add.f32.msk $0xffff, v29  }
0x255: {  	v42 =	vor.u32 v6, v27;
	v29 =	vld [tilespmem:s28+$0x116B0];
	_ =	sdelay $0x1  }
0x256: {  	v41 =	vor.u32 v7, v55;
	v40 =	vld [tilespmem:s28+$0x10EC0]  }
0x257: {  	[tilespmem:v43+s16+$0x0] =	vst.idx.add.f32.msk $0xffff, v31  }
0x258: {  	v46 =	vor.u32 v6, v33;
	v31 =	vld [tilespmem:s30+$0x10730]  }
0x259: {  	[tilespmem:v42+s16+$0x0] =	vst.idx.add.f32.msk $0xffff, v29  }
0x25a: {  	v44 =	vor.u32 v7, v27;
	v29 =	vld [tilespmem:s28+$0x116C0]  }
0x25b: {  	[tilespmem:v41+s16+$0x0] =	vst.idx.add.f32.msk $0xffff, v40  }
0x25c: {  	v45 =	vor.u32 v8, v55;
	v34 =	vld [tilespmem:s28+$0x10ED0]  }
0x25d: {  	[tilespmem:v46+s16+$0x0] =	vst.idx.add.f32.msk $0xffff, v31  }
0x25e: {  	v48 =	vor.u32 v7, v33;
	v31 =	vld [tilespmem:s30+$0x10740]  }
0x25f: {  	[tilespmem:v44+s16+$0x0] =	vst.idx.add.f32.msk $0xffff, v29  }
0x260: {  	v47 =	vor.u32 v8, v27;
	v29 =	vld [tilespmem:s28+$0x116D0]  }
0x261: {  	[tilespmem:v45+s16+$0x0] =	vst.idx.add.f32.msk $0xffff, v34  }
0x262: {  	v34 =	vld [tilespmem:s28+$0x10EE0]  }
0x263: {  	v49 =	vor.u32 v9, v55;
	[tilespmem:v48+s16+$0x0] =	vst.idx.add.f32.msk $0xffff, v31  }
0x264: {  	v31 =	vld [tilespmem:s30+$0x10750]  }
0x265: {  	v51 =	vor.u32 v8, v33;
	[tilespmem:v47+s16+$0x0] =	vst.idx.add.f32.msk $0xffff, v29  }
0x266: {  	v50 =	vor.u32 v9, v27;
	v29 =	vld [tilespmem:s28+$0x116E0];
	_ =	sdelay $0x1  }
0x267: {  	[tilespmem:v49+s16+$0x0] =	vst.idx.add.f32.msk $0xffff, v34  }
0x268: {  	v52 =	vld [tilespmem:s28+$0x10EF0]  }
0x269: {  	[tilespmem:v51+s16+$0x0] =	vst.idx.add.f32.msk $0xffff, v31  }
0x26a: {  	v28 =	vor.u32 v10, v55;
	[tilespmem:v50+s16+$0x0] =	vst.idx.add.f32.msk $0xffff, v29  }
0x26b: {  	v27 =	vor.u32 v10, v27;
	v30 =	vld [tilespmem:s28+$0x116F0]  }
0x26c: {  	v53 =	vor.u32 v9, v33;
	v31 =	vld [tilespmem:s30+$0x10760];
	_ =	sdelay $0x2  }
0x26d: {  	[tilespmem:v28+s16+$0x0] =	vst.idx.add.f32.msk $0xffff, v52  }
0x26e: {  	[tilespmem:v27+s16+$0x0] =	vst.idx.add.f32.msk $0xffff, v30  }
0x26f: {  	s29 =	sor.u32 $0x30, s29;
	[tilespmem:v53+s16+$0x0] =	vst.idx.add.f32.msk $0xffff, v31  }
0x270: {  	v27 =	vld.idx.msk [tilespmem:v25+s29+$0x0 ss:$0x1], $0xffff;
	_ =	sdelay $0x4  }
0x271: {  	v54 =	vperm.xlane v27, v2  }
0x272: {  	s29 =	sshll.u32 s29, $0x7  }
0x273: {  	s29 =	sand.u32 $0x3FFFF800, s29;
	v28 =	vshll.u32 v54, $0x7  }
0x274: {  	v55 =	vld [tilespmem:s29+$0x10700];
	v56 =	vor.u32 v0, v28;
	_ =	sdelay $0x4  }
0x275: {  	[tilespmem:v56+s16+$0x0] =	vst.idx.add.f32.msk $0xffff, v55  }
0x276: {  	v57 =	vor.u32 v4, v28;
	v29 =	vld [tilespmem:s29+$0x10710];
	_ =	sdelay $0x4  }
0x277: {  	[tilespmem:v57+s16+$0x0] =	vst.idx.add.f32.msk $0xffff, v29  }
0x278: {  	v58 =	vor.u32 v5, v28;
	v29 =	vld [tilespmem:s29+$0x10720];
	_ =	sdelay $0x4  }
0x279: {  	[tilespmem:v58+s16+$0x0] =	vst.idx.add.f32.msk $0xffff, v29  }
0x27a: {  	v59 =	vor.u32 v6, v28;
	v29 =	vld [tilespmem:s29+$0x10730];
	_ =	sdelay $0x4  }
0x27b: {  	[tilespmem:v59+s16+$0x0] =	vst.idx.add.f32.msk $0xffff, v29  }
0x27c: {  	v60 =	vor.u32 v7, v28;
	v29 =	vld [tilespmem:s29+$0x10740];
	_ =	sdelay $0x4  }
0x27d: {  	[tilespmem:v60+s16+$0x0] =	vst.idx.add.f32.msk $0xffff, v29  }
0x27e: {  	v61 =	vor.u32 v8, v28;
	v29 =	vld [tilespmem:s29+$0x10750];
	_ =	sdelay $0x4  }
0x27f: {  	[tilespmem:v61+s16+$0x0] =	vst.idx.add.f32.msk $0xffff, v29  }
0x280: {  	v62 =	vor.u32 v9, v28;
	v29 =	vld [tilespmem:s29+$0x10760];
	_ =	sdelay $0x3  }
0x281: {  	v63 =	vor.u32 v10, v33;
	v31 =	vld [tilespmem:s30+$0x10770]  }
0x282: {  	[tilespmem:v62+s16+$0x0] =	vst.idx.add.f32.msk $0xffff, v29  }
0x283: {  	v28 =	vor.u32 v10, v28;
	v29 =	vld [tilespmem:s29+$0x10770]  }
0x284: {  	v36 =	vperm.xlane v26, v11;
	_ =	sdelay $0x1  }
0x285: {  	v30 =	vshll.u32 v36, $0x7;
	[tilespmem:v63+s16+$0x0] =	vst.idx.add.f32.msk $0xffff, v31;
	v37 =	vperm.xlane v27, v11  }
0x286: {  	v38 =	vor.u32 v0, v30;
	v32 =	vld [tilespmem:s28+$0x11780]  }
0x287: {  	v39 =	vshll.u32 v37, $0x7;
	[tilespmem:v28+s16+$0x0] =	vst.idx.add.f32.msk $0xffff, v29  }
0x288: {  	v31 =	vor.u32 v0, v39;
	v29 =	vld [tilespmem:s28+$0x11F80];
	_ =	sdelay $0x2  }
0x289: {  	[tilespmem:v38+s16+$0x0] =	vst.idx.add.f32.msk $0xffff, v32  }
0x28a: {  	v40 =	vor.u32 v4, v30;
	v32 =	vld [tilespmem:s28+$0x11790]  }
0x28b: {  	[tilespmem:v31+s16+$0x0] =	vst.idx.add.f32.msk $0xffff, v29  }
0x28c: {  	v41 =	vor.u32 v4, v39;
	v29 =	vld [tilespmem:s28+$0x11F90];
	_ =	sdelay $0x2  }
0x28d: {  	[tilespmem:v40+s16+$0x0] =	vst.idx.add.f32.msk $0xffff, v32  }
0x28e: {  	v42 =	vor.u32 v5, v30;
	v32 =	vld [tilespmem:s28+$0x117A0]  }
0x28f: {  	[tilespmem:v41+s16+$0x0] =	vst.idx.add.f32.msk $0xffff, v29  }
0x290: {  	v43 =	vor.u32 v5, v39;
	v29 =	vld [tilespmem:s28+$0x11FA0];
	_ =	sdelay $0x2  }
0x291: {  	[tilespmem:v42+s16+$0x0] =	vst.idx.add.f32.msk $0xffff, v32  }
0x292: {  	v44 =	vor.u32 v6, v30;
	v32 =	vld [tilespmem:s28+$0x117B0]  }
0x293: {  	[tilespmem:v43+s16+$0x0] =	vst.idx.add.f32.msk $0xffff, v29  }
0x294: {  	v45 =	vor.u32 v6, v39;
	v29 =	vld [tilespmem:s28+$0x11FB0];
	_ =	sdelay $0x2  }
0x295: {  	[tilespmem:v44+s16+$0x0] =	vst.idx.add.f32.msk $0xffff, v32  }
0x296: {  	v46 =	vor.u32 v7, v30;
	v32 =	vld [tilespmem:s28+$0x117C0]  }
0x297: {  	[tilespmem:v45+s16+$0x0] =	vst.idx.add.f32.msk $0xffff, v29  }
0x298: {  	v47 =	vor.u32 v7, v39;
	v29 =	vld [tilespmem:s28+$0x11FC0];
	_ =	sdelay $0x2  }
0x299: {  	[tilespmem:v46+s16+$0x0] =	vst.idx.add.f32.msk $0xffff, v32  }
0x29a: {  	v48 =	vor.u32 v8, v30;
	v32 =	vld [tilespmem:s28+$0x117D0]  }
0x29b: {  	[tilespmem:v47+s16+$0x0] =	vst.idx.add.f32.msk $0xffff, v29  }
0x29c: {  	v49 =	vor.u32 v8, v39;
	v29 =	vld [tilespmem:s28+$0x11FD0];
	_ =	sdelay $0x2  }
0x29d: {  	[tilespmem:v48+s16+$0x0] =	vst.idx.add.f32.msk $0xffff, v32  }
0x29e: {  	v50 =	vor.u32 v9, v30;
	v32 =	vld [tilespmem:s28+$0x117E0]  }
0x29f: {  	[tilespmem:v49+s16+$0x0] =	vst.idx.add.f32.msk $0xffff, v29  }
0x2a0: {  	v51 =	vor.u32 v9, v39;
	v29 =	vld [tilespmem:s28+$0x11FE0];
	_ =	sdelay $0x2  }
0x2a1: {  	[tilespmem:v50+s16+$0x0] =	vst.idx.add.f32.msk $0xffff, v32  }
0x2a2: {  	v30 =	vor.u32 v10, v30;
	v32 =	vld [tilespmem:s28+$0x117F0]  }
0x2a3: {  	[tilespmem:v51+s16+$0x0] =	vst.idx.add.f32.msk $0xffff, v29  }
0x2a4: {  	v28 =	vor.u32 v10, v39;
	v29 =	vld [tilespmem:s28+$0x11FF0]  }
0x2a5: {  	v52 =	vperm.xlane v26, v12;
	_ =	sdelay $0x1  }
0x2a6: {  	v53 =	vshll.u32 v52, $0x7;
	v54 =	vperm.xlane v27, v12;
	[tilespmem:v30+s16+$0x0] =	vst.idx.add.f32.msk $0xffff, v32  }
0x2a7: {  	v55 =	vor.u32 v0, v53;
	v32 =	vld [tilespmem:s28+$0x11800]  }
0x2a8: {  	v56 =	vshll.u32 v54, $0x7;
	[tilespmem:v28+s16+$0x0] =	vst.idx.add.f32.msk $0xffff, v29  }
0x2a9: {  	v31 =	vor.u32 v0, v56;
	v29 =	vld [tilespmem:s28+$0x12000];
	_ =	sdelay $0x2  }
0x2aa: {  	[tilespmem:v55+s16+$0x0] =	vst.idx.add.f32.msk $0xffff, v32  }
0x2ab: {  	v57 =	vor.u32 v4, v53;
	v32 =	vld [tilespmem:s28+$0x11810]  }
0x2ac: {  	[tilespmem:v31+s16+$0x0] =	vst.idx.add.f32.msk $0xffff, v29  }
0x2ad: {  	v58 =	vor.u32 v4, v56;
	v29 =	vld [tilespmem:s28+$0x12010];
	_ =	sdelay $0x2  }
0x2ae: {  	[tilespmem:v57+s16+$0x0] =	vst.idx.add.f32.msk $0xffff, v32  }
0x2af: {  	v59 =	vor.u32 v5, v53;
	v32 =	vld [tilespmem:s28+$0x11820]  }
0x2b0: {  	[tilespmem:v58+s16+$0x0] =	vst.idx.add.f32.msk $0xffff, v29  }
0x2b1: {  	v60 =	vor.u32 v5, v56;
	v29 =	vld [tilespmem:s28+$0x12020];
	_ =	sdelay $0x2  }
0x2b2: {  	[tilespmem:v59+s16+$0x0] =	vst.idx.add.f32.msk $0xffff, v32  }
0x2b3: {  	v61 =	vor.u32 v6, v53;
	v32 =	vld [tilespmem:s28+$0x11830]  }
0x2b4: {  	[tilespmem:v60+s16+$0x0] =	vst.idx.add.f32.msk $0xffff, v29  }
0x2b5: {  	v62 =	vor.u32 v6, v56;
	v29 =	vld [tilespmem:s28+$0x12030];
	_ =	sdelay $0x2  }
0x2b6: {  	[tilespmem:v61+s16+$0x0] =	vst.idx.add.f32.msk $0xffff, v32  }
0x2b7: {  	v63 =	vor.u32 v7, v53;
	v32 =	vld [tilespmem:s28+$0x11840]  }
0x2b8: {  	[tilespmem:v62+s16+$0x0] =	vst.idx.add.f32.msk $0xffff, v29  }
0x2b9: {  	v36 =	vor.u32 v7, v56;
	v29 =	vld [tilespmem:s28+$0x12040];
	_ =	sdelay $0x2  }
0x2ba: {  	[tilespmem:v63+s16+$0x0] =	vst.idx.add.f32.msk $0xffff, v32  }
0x2bb: {  	v37 =	vor.u32 v8, v53;
	v32 =	vld [tilespmem:s28+$0x11850]  }
0x2bc: {  	[tilespmem:v36+s16+$0x0] =	vst.idx.add.f32.msk $0xffff, v29  }
0x2bd: {  	v38 =	vor.u32 v8, v56;
	v29 =	vld [tilespmem:s28+$0x12050];
	_ =	sdelay $0x2  }
0x2be: {  	[tilespmem:v37+s16+$0x0] =	vst.idx.add.f32.msk $0xffff, v32  }
0x2bf: {  	v39 =	vor.u32 v9, v53;
	v32 =	vld [tilespmem:s28+$0x11860]  }
0x2c0: {  	[tilespmem:v38+s16+$0x0] =	vst.idx.add.f32.msk $0xffff, v29  }
0x2c1: {  	v40 =	vor.u32 v9, v56;
	v29 =	vld [tilespmem:s28+$0x12060];
	_ =	sdelay $0x2  }
0x2c2: {  	[tilespmem:v39+s16+$0x0] =	vst.idx.add.f32.msk $0xffff, v32  }
0x2c3: {  	v30 =	vor.u32 v10, v53;
	v32 =	vld [tilespmem:s28+$0x11870]  }
0x2c4: {  	[tilespmem:v40+s16+$0x0] =	vst.idx.add.f32.msk $0xffff, v29  }
0x2c5: {  	v28 =	vor.u32 v10, v56;
	v29 =	vld [tilespmem:s28+$0x12070]  }
0x2c6: {  	v41 =	vperm.xlane v26, v13;
	_ =	sdelay $0x1  }
0x2c7: {  	v42 =	vshll.u32 v41, $0x7;
	v43 =	vperm.xlane v27, v13;
	[tilespmem:v30+s16+$0x0] =	vst.idx.add.f32.msk $0xffff, v32  }
0x2c8: {  	v44 =	vor.u32 v0, v42;
	v32 =	vld [tilespmem:s28+$0x11880]  }
0x2c9: {  	v45 =	vshll.u32 v43, $0x7;
	[tilespmem:v28+s16+$0x0] =	vst.idx.add.f32.msk $0xffff, v29  }
0x2ca: {  	v31 =	vor.u32 v0, v45;
	v29 =	vld [tilespmem:s28+$0x12080];
	_ =	sdelay $0x2  }
0x2cb: {  	[tilespmem:v44+s16+$0x0] =	vst.idx.add.f32.msk $0xffff, v32  }
0x2cc: {  	v46 =	vor.u32 v4, v42;
	v32 =	vld [tilespmem:s28+$0x11890]  }
0x2cd: {  	[tilespmem:v31+s16+$0x0] =	vst.idx.add.f32.msk $0xffff, v29  }
0x2ce: {  	v47 =	vor.u32 v4, v45;
	v29 =	vld [tilespmem:s28+$0x12090];
	_ =	sdelay $0x2  }
0x2cf: {  	[tilespmem:v46+s16+$0x0] =	vst.idx.add.f32.msk $0xffff, v32  }
0x2d0: {  	v48 =	vor.u32 v5, v42;
	v32 =	vld [tilespmem:s28+$0x118A0]  }
0x2d1: {  	[tilespmem:v47+s16+$0x0] =	vst.idx.add.f32.msk $0xffff, v29  }
0x2d2: {  	v49 =	vor.u32 v5, v45;
	v29 =	vld [tilespmem:s28+$0x120A0];
	_ =	sdelay $0x2  }
0x2d3: {  	[tilespmem:v48+s16+$0x0] =	vst.idx.add.f32.msk $0xffff, v32  }
0x2d4: {  	v50 =	vor.u32 v6, v42;
	v32 =	vld [tilespmem:s28+$0x118B0]  }
0x2d5: {  	[tilespmem:v49+s16+$0x0] =	vst.idx.add.f32.msk $0xffff, v29  }
0x2d6: {  	v51 =	vor.u32 v6, v45;
	v29 =	vld [tilespmem:s28+$0x120B0];
	_ =	sdelay $0x2  }
0x2d7: {  	[tilespmem:v50+s16+$0x0] =	vst.idx.add.f32.msk $0xffff, v32  }
0x2d8: {  	v52 =	vor.u32 v7, v42;
	v32 =	vld [tilespmem:s28+$0x118C0]  }
0x2d9: {  	[tilespmem:v51+s16+$0x0] =	vst.idx.add.f32.msk $0xffff, v29  }
0x2da: {  	v53 =	vor.u32 v7, v45;
	v29 =	vld [tilespmem:s28+$0x120C0];
	_ =	sdelay $0x2  }
0x2db: {  	[tilespmem:v52+s16+$0x0] =	vst.idx.add.f32.msk $0xffff, v32  }
0x2dc: {  	v54 =	vor.u32 v8, v42;
	v32 =	vld [tilespmem:s28+$0x118D0]  }
0x2dd: {  	[tilespmem:v53+s16+$0x0] =	vst.idx.add.f32.msk $0xffff, v29  }
0x2de: {  	v55 =	vor.u32 v8, v45;
	v29 =	vld [tilespmem:s28+$0x120D0];
	_ =	sdelay $0x2  }
0x2df: {  	[tilespmem:v54+s16+$0x0] =	vst.idx.add.f32.msk $0xffff, v32  }
0x2e0: {  	v56 =	vor.u32 v9, v42;
	v32 =	vld [tilespmem:s28+$0x118E0]  }
0x2e1: {  	[tilespmem:v55+s16+$0x0] =	vst.idx.add.f32.msk $0xffff, v29  }
0x2e2: {  	v57 =	vor.u32 v9, v45;
	v29 =	vld [tilespmem:s28+$0x120E0];
	_ =	sdelay $0x2  }
0x2e3: {  	[tilespmem:v56+s16+$0x0] =	vst.idx.add.f32.msk $0xffff, v32  }
0x2e4: {  	v30 =	vor.u32 v10, v42;
	v32 =	vld [tilespmem:s28+$0x118F0]  }
0x2e5: {  	[tilespmem:v57+s16+$0x0] =	vst.idx.add.f32.msk $0xffff, v29  }
0x2e6: {  	v28 =	vor.u32 v10, v45;
	v29 =	vld [tilespmem:s28+$0x120F0]  }
0x2e7: {  	v58 =	vperm.xlane v26, v14;
	_ =	sdelay $0x1  }
0x2e8: {  	v59 =	vshll.u32 v58, $0x7;
	v60 =	vperm.xlane v27, v14;
	[tilespmem:v30+s16+$0x0] =	vst.idx.add.f32.msk $0xffff, v32  }
0x2e9: {  	v61 =	vor.u32 v0, v59;
	v32 =	vld [tilespmem:s28+$0x11900]  }
0x2ea: {  	v62 =	vshll.u32 v60, $0x7;
	[tilespmem:v28+s16+$0x0] =	vst.idx.add.f32.msk $0xffff, v29  }
0x2eb: {  	v31 =	vor.u32 v0, v62;
	v29 =	vld [tilespmem:s28+$0x12100];
	_ =	sdelay $0x2  }
0x2ec: {  	[tilespmem:v61+s16+$0x0] =	vst.idx.add.f32.msk $0xffff, v32  }
0x2ed: {  	v63 =	vor.u32 v4, v59;
	v32 =	vld [tilespmem:s28+$0x11910]  }
0x2ee: {  	[tilespmem:v31+s16+$0x0] =	vst.idx.add.f32.msk $0xffff, v29  }
0x2ef: {  	v36 =	vor.u32 v4, v62;
	v29 =	vld [tilespmem:s28+$0x12110];
	_ =	sdelay $0x2  }
0x2f0: {  	[tilespmem:v63+s16+$0x0] =	vst.idx.add.f32.msk $0xffff, v32  }
0x2f1: {  	v37 =	vor.u32 v5, v59;
	v32 =	vld [tilespmem:s28+$0x11920]  }
0x2f2: {  	[tilespmem:v36+s16+$0x0] =	vst.idx.add.f32.msk $0xffff, v29  }
0x2f3: {  	v38 =	vor.u32 v5, v62;
	v29 =	vld [tilespmem:s28+$0x12120];
	_ =	sdelay $0x2  }
0x2f4: {  	[tilespmem:v37+s16+$0x0] =	vst.idx.add.f32.msk $0xffff, v32  }
0x2f5: {  	v39 =	vor.u32 v6, v59;
	v32 =	vld [tilespmem:s28+$0x11930]  }
0x2f6: {  	[tilespmem:v38+s16+$0x0] =	vst.idx.add.f32.msk $0xffff, v29  }
0x2f7: {  	v40 =	vor.u32 v6, v62;
	v29 =	vld [tilespmem:s28+$0x12130];
	_ =	sdelay $0x2  }
0x2f8: {  	[tilespmem:v39+s16+$0x0] =	vst.idx.add.f32.msk $0xffff, v32  }
0x2f9: {  	v41 =	vor.u32 v7, v59;
	v32 =	vld [tilespmem:s28+$0x11940]  }
0x2fa: {  	[tilespmem:v40+s16+$0x0] =	vst.idx.add.f32.msk $0xffff, v29  }
0x2fb: {  	v42 =	vor.u32 v7, v62;
	v29 =	vld [tilespmem:s28+$0x12140];
	_ =	sdelay $0x2  }
0x2fc: {  	[tilespmem:v41+s16+$0x0] =	vst.idx.add.f32.msk $0xffff, v32  }
0x2fd: {  	v43 =	vor.u32 v8, v59;
	v32 =	vld [tilespmem:s28+$0x11950]  }
0x2fe: {  	[tilespmem:v42+s16+$0x0] =	vst.idx.add.f32.msk $0xffff, v29  }
0x2ff: {  	v44 =	vor.u32 v8, v62;
	v29 =	vld [tilespmem:s28+$0x12150];
	_ =	sdelay $0x2  }
0x300: {  	[tilespmem:v43+s16+$0x0] =	vst.idx.add.f32.msk $0xffff, v32  }
0x301: {  	v45 =	vor.u32 v9, v59;
	v32 =	vld [tilespmem:s28+$0x11960]  }
0x302: {  	[tilespmem:v44+s16+$0x0] =	vst.idx.add.f32.msk $0xffff, v29  }
0x303: {  	v46 =	vor.u32 v9, v62;
	v29 =	vld [tilespmem:s28+$0x12160];
	_ =	sdelay $0x2  }
0x304: {  	[tilespmem:v45+s16+$0x0] =	vst.idx.add.f32.msk $0xffff, v32  }
0x305: {  	v30 =	vor.u32 v10, v59;
	v32 =	vld [tilespmem:s28+$0x11970]  }
0x306: {  	[tilespmem:v46+s16+$0x0] =	vst.idx.add.f32.msk $0xffff, v29  }
0x307: {  	v28 =	vor.u32 v10, v62;
	v29 =	vld [tilespmem:s28+$0x12170]  }
0x308: {  	v47 =	vperm.xlane v26, v15;
	_ =	sdelay $0x1  }
0x309: {  	v48 =	vshll.u32 v47, $0x7;
	v49 =	vperm.xlane v27, v15;
	[tilespmem:v30+s16+$0x0] =	vst.idx.add.f32.msk $0xffff, v32  }
0x30a: {  	v50 =	vor.u32 v0, v48;
	v32 =	vld [tilespmem:s28+$0x11980]  }
0x30b: {  	v51 =	vshll.u32 v49, $0x7;
	[tilespmem:v28+s16+$0x0] =	vst.idx.add.f32.msk $0xffff, v29  }
0x30c: {  	v31 =	vor.u32 v0, v51;
	v29 =	vld [tilespmem:s28+$0x12180];
	_ =	sdelay $0x2  }
0x30d: {  	[tilespmem:v50+s16+$0x0] =	vst.idx.add.f32.msk $0xffff, v32  }
0x30e: {  	v52 =	vor.u32 v4, v48;
	v32 =	vld [tilespmem:s28+$0x11990]  }
0x30f: {  	[tilespmem:v31+s16+$0x0] =	vst.idx.add.f32.msk $0xffff, v29  }
0x310: {  	v53 =	vor.u32 v4, v51;
	v29 =	vld [tilespmem:s28+$0x12190];
	_ =	sdelay $0x2  }
0x311: {  	[tilespmem:v52+s16+$0x0] =	vst.idx.add.f32.msk $0xffff, v32  }
0x312: {  	v54 =	vor.u32 v5, v48;
	v32 =	vld [tilespmem:s28+$0x119A0]  }
0x313: {  	[tilespmem:v53+s16+$0x0] =	vst.idx.add.f32.msk $0xffff, v29  }
0x314: {  	v55 =	vor.u32 v5, v51;
	v29 =	vld [tilespmem:s28+$0x121A0];
	_ =	sdelay $0x2  }
0x315: {  	[tilespmem:v54+s16+$0x0] =	vst.idx.add.f32.msk $0xffff, v32  }
0x316: {  	v56 =	vor.u32 v6, v48;
	v32 =	vld [tilespmem:s28+$0x119B0]  }
0x317: {  	[tilespmem:v55+s16+$0x0] =	vst.idx.add.f32.msk $0xffff, v29  }
0x318: {  	v57 =	vor.u32 v6, v51;
	v29 =	vld [tilespmem:s28+$0x121B0];
	_ =	sdelay $0x2  }
0x319: {  	[tilespmem:v56+s16+$0x0] =	vst.idx.add.f32.msk $0xffff, v32  }
0x31a: {  	v58 =	vor.u32 v7, v48;
	v32 =	vld [tilespmem:s28+$0x119C0]  }
0x31b: {  	[tilespmem:v57+s16+$0x0] =	vst.idx.add.f32.msk $0xffff, v29  }
0x31c: {  	v59 =	vor.u32 v7, v51;
	v29 =	vld [tilespmem:s28+$0x121C0];
	_ =	sdelay $0x2  }
0x31d: {  	[tilespmem:v58+s16+$0x0] =	vst.idx.add.f32.msk $0xffff, v32  }
0x31e: {  	v60 =	vor.u32 v8, v48;
	v32 =	vld [tilespmem:s28+$0x119D0]  }
0x31f: {  	[tilespmem:v59+s16+$0x0] =	vst.idx.add.f32.msk $0xffff, v29  }
0x320: {  	v61 =	vor.u32 v8, v51;
	v29 =	vld [tilespmem:s28+$0x121D0];
	_ =	sdelay $0x2  }
0x321: {  	[tilespmem:v60+s16+$0x0] =	vst.idx.add.f32.msk $0xffff, v32  }
0x322: {  	v62 =	vor.u32 v9, v48;
	v32 =	vld [tilespmem:s28+$0x119E0]  }
0x323: {  	[tilespmem:v61+s16+$0x0] =	vst.idx.add.f32.msk $0xffff, v29  }
0x324: {  	v63 =	vor.u32 v9, v51;
	v29 =	vld [tilespmem:s28+$0x121E0];
	_ =	sdelay $0x2  }
0x325: {  	[tilespmem:v62+s16+$0x0] =	vst.idx.add.f32.msk $0xffff, v32  }
0x326: {  	v30 =	vor.u32 v10, v48;
	v32 =	vld [tilespmem:s28+$0x119F0]  }
0x327: {  	[tilespmem:v63+s16+$0x0] =	vst.idx.add.f32.msk $0xffff, v29  }
0x328: {  	v28 =	vor.u32 v10, v51;
	v29 =	vld [tilespmem:s28+$0x121F0]  }
0x329: {  	v36 =	vperm.xlane v26, v16;
	_ =	sdelay $0x1  }
0x32a: {  	v37 =	vshll.u32 v36, $0x7;
	v38 =	vperm.xlane v27, v16;
	[tilespmem:v30+s16+$0x0] =	vst.idx.add.f32.msk $0xffff, v32  }
0x32b: {  	v39 =	vor.u32 v0, v37;
	v32 =	vld [tilespmem:s28+$0x11A00]  }
0x32c: {  	v40 =	vshll.u32 v38, $0x7;
	[tilespmem:v28+s16+$0x0] =	vst.idx.add.f32.msk $0xffff, v29  }
0x32d: {  	v31 =	vor.u32 v0, v40;
	v29 =	vld [tilespmem:s28+$0x12200];
	_ =	sdelay $0x2  }
0x32e: {  	[tilespmem:v39+s16+$0x0] =	vst.idx.add.f32.msk $0xffff, v32  }
0x32f: {  	v41 =	vor.u32 v4, v37;
	v32 =	vld [tilespmem:s28+$0x11A10]  }
0x330: {  	[tilespmem:v31+s16+$0x0] =	vst.idx.add.f32.msk $0xffff, v29  }
0x331: {  	v42 =	vor.u32 v4, v40;
	v29 =	vld [tilespmem:s28+$0x12210];
	_ =	sdelay $0x2  }
0x332: {  	[tilespmem:v41+s16+$0x0] =	vst.idx.add.f32.msk $0xffff, v32  }
0x333: {  	v43 =	vor.u32 v5, v37;
	v32 =	vld [tilespmem:s28+$0x11A20]  }
0x334: {  	[tilespmem:v42+s16+$0x0] =	vst.idx.add.f32.msk $0xffff, v29  }
0x335: {  	v44 =	vor.u32 v5, v40;
	v29 =	vld [tilespmem:s28+$0x12220];
	_ =	sdelay $0x2  }
0x336: {  	[tilespmem:v43+s16+$0x0] =	vst.idx.add.f32.msk $0xffff, v32  }
0x337: {  	v45 =	vor.u32 v6, v37;
	v32 =	vld [tilespmem:s28+$0x11A30]  }
0x338: {  	[tilespmem:v44+s16+$0x0] =	vst.idx.add.f32.msk $0xffff, v29  }
0x339: {  	v46 =	vor.u32 v6, v40;
	v29 =	vld [tilespmem:s28+$0x12230];
	_ =	sdelay $0x2  }
0x33a: {  	[tilespmem:v45+s16+$0x0] =	vst.idx.add.f32.msk $0xffff, v32  }
0x33b: {  	v47 =	vor.u32 v7, v37;
	v32 =	vld [tilespmem:s28+$0x11A40]  }
0x33c: {  	[tilespmem:v46+s16+$0x0] =	vst.idx.add.f32.msk $0xffff, v29  }
0x33d: {  	v48 =	vor.u32 v7, v40;
	v29 =	vld [tilespmem:s28+$0x12240];
	_ =	sdelay $0x2  }
0x33e: {  	[tilespmem:v47+s16+$0x0] =	vst.idx.add.f32.msk $0xffff, v32  }
0x33f: {  	v49 =	vor.u32 v8, v37;
	v32 =	vld [tilespmem:s28+$0x11A50]  }
0x340: {  	[tilespmem:v48+s16+$0x0] =	vst.idx.add.f32.msk $0xffff, v29  }
0x341: {  	v50 =	vor.u32 v8, v40;
	v29 =	vld [tilespmem:s28+$0x12250];
	_ =	sdelay $0x2  }
0x342: {  	[tilespmem:v49+s16+$0x0] =	vst.idx.add.f32.msk $0xffff, v32  }
0x343: {  	v51 =	vor.u32 v9, v37;
	v32 =	vld [tilespmem:s28+$0x11A60]  }
0x344: {  	[tilespmem:v50+s16+$0x0] =	vst.idx.add.f32.msk $0xffff, v29  }
0x345: {  	v52 =	vor.u32 v9, v40;
	v29 =	vld [tilespmem:s28+$0x12260];
	_ =	sdelay $0x2  }
0x346: {  	[tilespmem:v51+s16+$0x0] =	vst.idx.add.f32.msk $0xffff, v32  }
0x347: {  	v30 =	vor.u32 v10, v37;
	v32 =	vld [tilespmem:s28+$0x11A70]  }
0x348: {  	[tilespmem:v52+s16+$0x0] =	vst.idx.add.f32.msk $0xffff, v29  }
0x349: {  	v28 =	vor.u32 v10, v40;
	v29 =	vld [tilespmem:s28+$0x12270]  }
0x34a: {  	v53 =	vperm.xlane v26, v3;
	_ =	sdelay $0x1  }
0x34b: {  	v54 =	vshll.u32 v53, $0x7;
	v55 =	vperm.xlane v27, v3;
	[tilespmem:v30+s16+$0x0] =	vst.idx.add.f32.msk $0xffff, v32  }
0x34c: {  	v56 =	vor.u32 v0, v54;
	v32 =	vld [tilespmem:s28+$0x11A80]  }
0x34d: {  	v57 =	vshll.u32 v55, $0x7;
	[tilespmem:v28+s16+$0x0] =	vst.idx.add.f32.msk $0xffff, v29  }
0x34e: {  	v31 =	vor.u32 v0, v57;
	v29 =	vld [tilespmem:s28+$0x12280];
	_ =	sdelay $0x2  }
0x34f: {  	[tilespmem:v56+s16+$0x0] =	vst.idx.add.f32.msk $0xffff, v32  }
0x350: {  	v58 =	vor.u32 v4, v54;
	v32 =	vld [tilespmem:s28+$0x11A90]  }
0x351: {  	[tilespmem:v31+s16+$0x0] =	vst.idx.add.f32.msk $0xffff, v29  }
0x352: {  	v59 =	vor.u32 v4, v57;
	v29 =	vld [tilespmem:s28+$0x12290];
	_ =	sdelay $0x2  }
0x353: {  	[tilespmem:v58+s16+$0x0] =	vst.idx.add.f32.msk $0xffff, v32  }
0x354: {  	v60 =	vor.u32 v5, v54;
	v32 =	vld [tilespmem:s28+$0x11AA0]  }
0x355: {  	[tilespmem:v59+s16+$0x0] =	vst.idx.add.f32.msk $0xffff, v29  }
0x356: {  	v61 =	vor.u32 v5, v57;
	v29 =	vld [tilespmem:s28+$0x122A0];
	_ =	sdelay $0x2  }
0x357: {  	[tilespmem:v60+s16+$0x0] =	vst.idx.add.f32.msk $0xffff, v32  }
0x358: {  	v62 =	vor.u32 v6, v54;
	v32 =	vld [tilespmem:s28+$0x11AB0]  }
0x359: {  	[tilespmem:v61+s16+$0x0] =	vst.idx.add.f32.msk $0xffff, v29  }
0x35a: {  	v63 =	vor.u32 v6, v57;
	v29 =	vld [tilespmem:s28+$0x122B0];
	_ =	sdelay $0x2  }
0x35b: {  	[tilespmem:v62+s16+$0x0] =	vst.idx.add.f32.msk $0xffff, v32  }
0x35c: {  	v36 =	vor.u32 v7, v54;
	v32 =	vld [tilespmem:s28+$0x11AC0]  }
0x35d: {  	[tilespmem:v63+s16+$0x0] =	vst.idx.add.f32.msk $0xffff, v29  }
0x35e: {  	v37 =	vor.u32 v7, v57;
	v29 =	vld [tilespmem:s28+$0x122C0];
	_ =	sdelay $0x2  }
0x35f: {  	[tilespmem:v36+s16+$0x0] =	vst.idx.add.f32.msk $0xffff, v32  }
0x360: {  	v38 =	vor.u32 v8, v54;
	v32 =	vld [tilespmem:s28+$0x11AD0]  }
0x361: {  	[tilespmem:v37+s16+$0x0] =	vst.idx.add.f32.msk $0xffff, v29  }
0x362: {  	v39 =	vor.u32 v8, v57;
	v29 =	vld [tilespmem:s28+$0x122D0];
	_ =	sdelay $0x2  }
0x363: {  	[tilespmem:v38+s16+$0x0] =	vst.idx.add.f32.msk $0xffff, v32  }
0x364: {  	v40 =	vor.u32 v9, v54;
	v32 =	vld [tilespmem:s28+$0x11AE0]  }
0x365: {  	[tilespmem:v39+s16+$0x0] =	vst.idx.add.f32.msk $0xffff, v29  }
0x366: {  	v41 =	vor.u32 v9, v57;
	v29 =	vld [tilespmem:s28+$0x122E0];
	_ =	sdelay $0x2  }
0x367: {  	[tilespmem:v40+s16+$0x0] =	vst.idx.add.f32.msk $0xffff, v32  }
0x368: {  	v30 =	vor.u32 v10, v54;
	v32 =	vld [tilespmem:s28+$0x11AF0]  }
0x369: {  	[tilespmem:v41+s16+$0x0] =	vst.idx.add.f32.msk $0xffff, v29  }
0x36a: {  	v28 =	vor.u32 v10, v57;
	v29 =	vld [tilespmem:s28+$0x122F0]  }
0x36b: {  	v42 =	vperm.xlane v26, v17;
	_ =	sdelay $0x1  }
0x36c: {  	v43 =	vshll.u32 v42, $0x7;
	v44 =	vperm.xlane v27, v17;
	[tilespmem:v30+s16+$0x0] =	vst.idx.add.f32.msk $0xffff, v32  }
0x36d: {  	v45 =	vor.u32 v0, v43;
	v32 =	vld [tilespmem:s28+$0x11B00]  }
0x36e: {  	v46 =	vshll.u32 v44, $0x7;
	[tilespmem:v28+s16+$0x0] =	vst.idx.add.f32.msk $0xffff, v29  }
0x36f: {  	v31 =	vor.u32 v0, v46;
	v29 =	vld [tilespmem:s28+$0x12300];
	_ =	sdelay $0x2  }
0x370: {  	[tilespmem:v45+s16+$0x0] =	vst.idx.add.f32.msk $0xffff, v32  }
0x371: {  	v47 =	vor.u32 v4, v43;
	v32 =	vld [tilespmem:s28+$0x11B10]  }
0x372: {  	[tilespmem:v31+s16+$0x0] =	vst.idx.add.f32.msk $0xffff, v29  }
0x373: {  	v48 =	vor.u32 v4, v46;
	v29 =	vld [tilespmem:s28+$0x12310];
	_ =	sdelay $0x2  }
0x374: {  	[tilespmem:v47+s16+$0x0] =	vst.idx.add.f32.msk $0xffff, v32  }
0x375: {  	v49 =	vor.u32 v5, v43;
	v32 =	vld [tilespmem:s28+$0x11B20]  }
0x376: {  	[tilespmem:v48+s16+$0x0] =	vst.idx.add.f32.msk $0xffff, v29  }
0x377: {  	v50 =	vor.u32 v5, v46;
	v29 =	vld [tilespmem:s28+$0x12320];
	_ =	sdelay $0x2  }
0x378: {  	[tilespmem:v49+s16+$0x0] =	vst.idx.add.f32.msk $0xffff, v32  }
0x379: {  	v51 =	vor.u32 v6, v43;
	v32 =	vld [tilespmem:s28+$0x11B30]  }
0x37a: {  	[tilespmem:v50+s16+$0x0] =	vst.idx.add.f32.msk $0xffff, v29  }
0x37b: {  	v52 =	vor.u32 v6, v46;
	v29 =	vld [tilespmem:s28+$0x12330];
	_ =	sdelay $0x2  }
0x37c: {  	[tilespmem:v51+s16+$0x0] =	vst.idx.add.f32.msk $0xffff, v32  }
0x37d: {  	v53 =	vor.u32 v7, v43;
	v32 =	vld [tilespmem:s28+$0x11B40]  }
0x37e: {  	[tilespmem:v52+s16+$0x0] =	vst.idx.add.f32.msk $0xffff, v29  }
0x37f: {  	v54 =	vor.u32 v7, v46;
	v29 =	vld [tilespmem:s28+$0x12340];
	_ =	sdelay $0x2  }
0x380: {  	[tilespmem:v53+s16+$0x0] =	vst.idx.add.f32.msk $0xffff, v32  }
0x381: {  	v55 =	vor.u32 v8, v43;
	v32 =	vld [tilespmem:s28+$0x11B50]  }
0x382: {  	[tilespmem:v54+s16+$0x0] =	vst.idx.add.f32.msk $0xffff, v29  }
0x383: {  	v56 =	vor.u32 v8, v46;
	v29 =	vld [tilespmem:s28+$0x12350];
	_ =	sdelay $0x2  }
0x384: {  	[tilespmem:v55+s16+$0x0] =	vst.idx.add.f32.msk $0xffff, v32  }
0x385: {  	v57 =	vor.u32 v9, v43;
	v32 =	vld [tilespmem:s28+$0x11B60]  }
0x386: {  	[tilespmem:v56+s16+$0x0] =	vst.idx.add.f32.msk $0xffff, v29  }
0x387: {  	v58 =	vor.u32 v9, v46;
	v29 =	vld [tilespmem:s28+$0x12360];
	_ =	sdelay $0x2  }
0x388: {  	[tilespmem:v57+s16+$0x0] =	vst.idx.add.f32.msk $0xffff, v32  }
0x389: {  	v30 =	vor.u32 v10, v43;
	v32 =	vld [tilespmem:s28+$0x11B70]  }
0x38a: {  	[tilespmem:v58+s16+$0x0] =	vst.idx.add.f32.msk $0xffff, v29  }
0x38b: {  	v28 =	vor.u32 v10, v46;
	v29 =	vld [tilespmem:s28+$0x12370]  }
0x38c: {  	v59 =	vperm.xlane v26, v18;
	_ =	sdelay $0x1  }
0x38d: {  	v60 =	vshll.u32 v59, $0x7;
	v61 =	vperm.xlane v27, v18;
	[tilespmem:v30+s16+$0x0] =	vst.idx.add.f32.msk $0xffff, v32  }
0x38e: {  	v62 =	vor.u32 v0, v60;
	v32 =	vld [tilespmem:s28+$0x11B80]  }
0x38f: {  	v63 =	vshll.u32 v61, $0x7;
	[tilespmem:v28+s16+$0x0] =	vst.idx.add.f32.msk $0xffff, v29  }
0x390: {  	v31 =	vor.u32 v0, v63;
	v29 =	vld [tilespmem:s28+$0x12380];
	_ =	sdelay $0x2  }
0x391: {  	[tilespmem:v62+s16+$0x0] =	vst.idx.add.f32.msk $0xffff, v32  }
0x392: {  	v36 =	vor.u32 v4, v60;
	v32 =	vld [tilespmem:s28+$0x11B90]  }
0x393: {  	[tilespmem:v31+s16+$0x0] =	vst.idx.add.f32.msk $0xffff, v29  }
0x394: {  	v37 =	vor.u32 v4, v63;
	v29 =	vld [tilespmem:s28+$0x12390];
	_ =	sdelay $0x2  }
0x395: {  	[tilespmem:v36+s16+$0x0] =	vst.idx.add.f32.msk $0xffff, v32  }
0x396: {  	v38 =	vor.u32 v5, v60;
	v32 =	vld [tilespmem:s28+$0x11BA0]  }
0x397: {  	[tilespmem:v37+s16+$0x0] =	vst.idx.add.f32.msk $0xffff, v29  }
0x398: {  	v39 =	vor.u32 v5, v63;
	v29 =	vld [tilespmem:s28+$0x123A0];
	_ =	sdelay $0x2  }
0x399: {  	[tilespmem:v38+s16+$0x0] =	vst.idx.add.f32.msk $0xffff, v32  }
0x39a: {  	v40 =	vor.u32 v6, v60;
	v32 =	vld [tilespmem:s28+$0x11BB0]  }
0x39b: {  	[tilespmem:v39+s16+$0x0] =	vst.idx.add.f32.msk $0xffff, v29  }
0x39c: {  	v41 =	vor.u32 v6, v63;
	v29 =	vld [tilespmem:s28+$0x123B0];
	_ =	sdelay $0x2  }
0x39d: {  	[tilespmem:v40+s16+$0x0] =	vst.idx.add.f32.msk $0xffff, v32  }
0x39e: {  	v42 =	vor.u32 v7, v60;
	v32 =	vld [tilespmem:s28+$0x11BC0]  }
0x39f: {  	[tilespmem:v41+s16+$0x0] =	vst.idx.add.f32.msk $0xffff, v29  }
0x3a0: {  	v43 =	vor.u32 v7, v63;
	v29 =	vld [tilespmem:s28+$0x123C0];
	_ =	sdelay $0x2  }
0x3a1: {  	[tilespmem:v42+s16+$0x0] =	vst.idx.add.f32.msk $0xffff, v32  }
0x3a2: {  	v44 =	vor.u32 v8, v60;
	v32 =	vld [tilespmem:s28+$0x11BD0]  }
0x3a3: {  	[tilespmem:v43+s16+$0x0] =	vst.idx.add.f32.msk $0xffff, v29  }
0x3a4: {  	v45 =	vor.u32 v8, v63;
	v29 =	vld [tilespmem:s28+$0x123D0];
	_ =	sdelay $0x2  }
0x3a5: {  	[tilespmem:v44+s16+$0x0] =	vst.idx.add.f32.msk $0xffff, v32  }
0x3a6: {  	v46 =	vor.u32 v9, v60;
	v32 =	vld [tilespmem:s28+$0x11BE0]  }
0x3a7: {  	[tilespmem:v45+s16+$0x0] =	vst.idx.add.f32.msk $0xffff, v29  }
0x3a8: {  	v47 =	vor.u32 v9, v63;
	v29 =	vld [tilespmem:s28+$0x123E0];
	_ =	sdelay $0x2  }
0x3a9: {  	[tilespmem:v46+s16+$0x0] =	vst.idx.add.f32.msk $0xffff, v32  }
0x3aa: {  	v30 =	vor.u32 v10, v60;
	v32 =	vld [tilespmem:s28+$0x11BF0]  }
0x3ab: {  	[tilespmem:v47+s16+$0x0] =	vst.idx.add.f32.msk $0xffff, v29  }
0x3ac: {  	v28 =	vor.u32 v10, v63;
	v29 =	vld [tilespmem:s28+$0x123F0]  }
0x3ad: {  	v48 =	vperm.xlane v26, v19;
	_ =	sdelay $0x1  }
0x3ae: {  	v49 =	vshll.u32 v48, $0x7;
	v50 =	vperm.xlane v27, v19;
	[tilespmem:v30+s16+$0x0] =	vst.idx.add.f32.msk $0xffff, v32  }
0x3af: {  	v51 =	vor.u32 v0, v49;
	v32 =	vld [tilespmem:s28+$0x11C00]  }
0x3b0: {  	v52 =	vshll.u32 v50, $0x7;
	[tilespmem:v28+s16+$0x0] =	vst.idx.add.f32.msk $0xffff, v29  }
0x3b1: {  	v31 =	vor.u32 v0, v52;
	v29 =	vld [tilespmem:s28+$0x12400];
	_ =	sdelay $0x2  }
0x3b2: {  	[tilespmem:v51+s16+$0x0] =	vst.idx.add.f32.msk $0xffff, v32  }
0x3b3: {  	v53 =	vor.u32 v4, v49;
	v32 =	vld [tilespmem:s28+$0x11C10]  }
0x3b4: {  	[tilespmem:v31+s16+$0x0] =	vst.idx.add.f32.msk $0xffff, v29  }
0x3b5: {  	v54 =	vor.u32 v4, v52;
	v29 =	vld [tilespmem:s28+$0x12410];
	_ =	sdelay $0x2  }
0x3b6: {  	[tilespmem:v53+s16+$0x0] =	vst.idx.add.f32.msk $0xffff, v32  }
0x3b7: {  	v55 =	vor.u32 v5, v49;
	v32 =	vld [tilespmem:s28+$0x11C20]  }
0x3b8: {  	[tilespmem:v54+s16+$0x0] =	vst.idx.add.f32.msk $0xffff, v29  }
0x3b9: {  	v56 =	vor.u32 v5, v52;
	v29 =	vld [tilespmem:s28+$0x12420];
	_ =	sdelay $0x2  }
0x3ba: {  	[tilespmem:v55+s16+$0x0] =	vst.idx.add.f32.msk $0xffff, v32  }
0x3bb: {  	v57 =	vor.u32 v6, v49;
	v32 =	vld [tilespmem:s28+$0x11C30]  }
0x3bc: {  	[tilespmem:v56+s16+$0x0] =	vst.idx.add.f32.msk $0xffff, v29  }
0x3bd: {  	v58 =	vor.u32 v6, v52;
	v29 =	vld [tilespmem:s28+$0x12430];
	_ =	sdelay $0x2  }
0x3be: {  	[tilespmem:v57+s16+$0x0] =	vst.idx.add.f32.msk $0xffff, v32  }
0x3bf: {  	v59 =	vor.u32 v7, v49;
	v32 =	vld [tilespmem:s28+$0x11C40]  }
0x3c0: {  	[tilespmem:v58+s16+$0x0] =	vst.idx.add.f32.msk $0xffff, v29  }
0x3c1: {  	v60 =	vor.u32 v7, v52;
	v29 =	vld [tilespmem:s28+$0x12440];
	_ =	sdelay $0x2  }
0x3c2: {  	[tilespmem:v59+s16+$0x0] =	vst.idx.add.f32.msk $0xffff, v32  }
0x3c3: {  	v61 =	vor.u32 v8, v49;
	v32 =	vld [tilespmem:s28+$0x11C50]  }
0x3c4: {  	[tilespmem:v60+s16+$0x0] =	vst.idx.add.f32.msk $0xffff, v29  }
0x3c5: {  	v62 =	vor.u32 v8, v52;
	v29 =	vld [tilespmem:s28+$0x12450];
	_ =	sdelay $0x2  }
0x3c6: {  	[tilespmem:v61+s16+$0x0] =	vst.idx.add.f32.msk $0xffff, v32  }
0x3c7: {  	v63 =	vor.u32 v9, v49;
	v32 =	vld [tilespmem:s28+$0x11C60]  }
0x3c8: {  	[tilespmem:v62+s16+$0x0] =	vst.idx.add.f32.msk $0xffff, v29  }
0x3c9: {  	v36 =	vor.u32 v9, v52;
	v29 =	vld [tilespmem:s28+$0x12460];
	_ =	sdelay $0x2  }
0x3ca: {  	[tilespmem:v63+s16+$0x0] =	vst.idx.add.f32.msk $0xffff, v32  }
0x3cb: {  	v30 =	vor.u32 v10, v49;
	v32 =	vld [tilespmem:s28+$0x11C70]  }
0x3cc: {  	[tilespmem:v36+s16+$0x0] =	vst.idx.add.f32.msk $0xffff, v29  }
0x3cd: {  	v28 =	vor.u32 v10, v52;
	v29 =	vld [tilespmem:s28+$0x12470]  }
0x3ce: {  	v37 =	vperm.xlane v26, v20;
	_ =	sdelay $0x1  }
0x3cf: {  	v38 =	vshll.u32 v37, $0x7;
	v39 =	vperm.xlane v27, v20;
	[tilespmem:v30+s16+$0x0] =	vst.idx.add.f32.msk $0xffff, v32  }
0x3d0: {  	v40 =	vor.u32 v0, v38;
	v32 =	vld [tilespmem:s28+$0x11C80]  }
0x3d1: {  	v41 =	vshll.u32 v39, $0x7;
	[tilespmem:v28+s16+$0x0] =	vst.idx.add.f32.msk $0xffff, v29  }
0x3d2: {  	v31 =	vor.u32 v0, v41;
	v29 =	vld [tilespmem:s28+$0x12480];
	_ =	sdelay $0x2  }
0x3d3: {  	[tilespmem:v40+s16+$0x0] =	vst.idx.add.f32.msk $0xffff, v32  }
0x3d4: {  	v42 =	vor.u32 v4, v38;
	v32 =	vld [tilespmem:s28+$0x11C90]  }
0x3d5: {  	[tilespmem:v31+s16+$0x0] =	vst.idx.add.f32.msk $0xffff, v29  }
0x3d6: {  	v43 =	vor.u32 v4, v41;
	v29 =	vld [tilespmem:s28+$0x12490];
	_ =	sdelay $0x2  }
0x3d7: {  	[tilespmem:v42+s16+$0x0] =	vst.idx.add.f32.msk $0xffff, v32  }
0x3d8: {  	v44 =	vor.u32 v5, v38;
	v32 =	vld [tilespmem:s28+$0x11CA0]  }
0x3d9: {  	[tilespmem:v43+s16+$0x0] =	vst.idx.add.f32.msk $0xffff, v29  }
0x3da: {  	v45 =	vor.u32 v5, v41;
	v29 =	vld [tilespmem:s28+$0x124A0];
	_ =	sdelay $0x2  }
0x3db: {  	[tilespmem:v44+s16+$0x0] =	vst.idx.add.f32.msk $0xffff, v32  }
0x3dc: {  	v46 =	vor.u32 v6, v38;
	v32 =	vld [tilespmem:s28+$0x11CB0]  }
0x3dd: {  	[tilespmem:v45+s16+$0x0] =	vst.idx.add.f32.msk $0xffff, v29  }
0x3de: {  	v47 =	vor.u32 v6, v41;
	v29 =	vld [tilespmem:s28+$0x124B0];
	_ =	sdelay $0x2  }
0x3df: {  	[tilespmem:v46+s16+$0x0] =	vst.idx.add.f32.msk $0xffff, v32  }
0x3e0: {  	v48 =	vor.u32 v7, v38;
	v32 =	vld [tilespmem:s28+$0x11CC0]  }
0x3e1: {  	[tilespmem:v47+s16+$0x0] =	vst.idx.add.f32.msk $0xffff, v29  }
0x3e2: {  	v49 =	vor.u32 v7, v41;
	v29 =	vld [tilespmem:s28+$0x124C0];
	_ =	sdelay $0x2  }
0x3e3: {  	[tilespmem:v48+s16+$0x0] =	vst.idx.add.f32.msk $0xffff, v32  }
0x3e4: {  	v50 =	vor.u32 v8, v38;
	v32 =	vld [tilespmem:s28+$0x11CD0]  }
0x3e5: {  	[tilespmem:v49+s16+$0x0] =	vst.idx.add.f32.msk $0xffff, v29  }
0x3e6: {  	v51 =	vor.u32 v8, v41;
	v29 =	vld [tilespmem:s28+$0x124D0];
	_ =	sdelay $0x2  }
0x3e7: {  	[tilespmem:v50+s16+$0x0] =	vst.idx.add.f32.msk $0xffff, v32  }
0x3e8: {  	v52 =	vor.u32 v9, v38;
	v32 =	vld [tilespmem:s28+$0x11CE0]  }
0x3e9: {  	[tilespmem:v51+s16+$0x0] =	vst.idx.add.f32.msk $0xffff, v29  }
0x3ea: {  	v53 =	vor.u32 v9, v41;
	v29 =	vld [tilespmem:s28+$0x124E0];
	_ =	sdelay $0x2  }
0x3eb: {  	[tilespmem:v52+s16+$0x0] =	vst.idx.add.f32.msk $0xffff, v32  }
0x3ec: {  	v30 =	vor.u32 v10, v38;
	v32 =	vld [tilespmem:s28+$0x11CF0]  }
0x3ed: {  	[tilespmem:v53+s16+$0x0] =	vst.idx.add.f32.msk $0xffff, v29  }
0x3ee: {  	v28 =	vor.u32 v10, v41;
	v29 =	vld [tilespmem:s28+$0x124F0]  }
0x3ef: {  	v54 =	vperm.xlane v26, v21;
	_ =	sdelay $0x1  }
0x3f0: {  	v55 =	vshll.u32 v54, $0x7;
	v56 =	vperm.xlane v27, v21;
	[tilespmem:v30+s16+$0x0] =	vst.idx.add.f32.msk $0xffff, v32  }
0x3f1: {  	v57 =	vor.u32 v0, v55;
	v32 =	vld [tilespmem:s28+$0x11D00]  }
0x3f2: {  	v58 =	vshll.u32 v56, $0x7;
	[tilespmem:v28+s16+$0x0] =	vst.idx.add.f32.msk $0xffff, v29  }
0x3f3: {  	v31 =	vor.u32 v0, v58;
	v29 =	vld [tilespmem:s28+$0x12500];
	_ =	sdelay $0x2  }
0x3f4: {  	[tilespmem:v57+s16+$0x0] =	vst.idx.add.f32.msk $0xffff, v32  }
0x3f5: {  	v59 =	vor.u32 v4, v55;
	v32 =	vld [tilespmem:s28+$0x11D10]  }
0x3f6: {  	[tilespmem:v31+s16+$0x0] =	vst.idx.add.f32.msk $0xffff, v29  }
0x3f7: {  	v60 =	vor.u32 v4, v58;
	v29 =	vld [tilespmem:s28+$0x12510];
	_ =	sdelay $0x2  }
0x3f8: {  	[tilespmem:v59+s16+$0x0] =	vst.idx.add.f32.msk $0xffff, v32  }
0x3f9: {  	v61 =	vor.u32 v5, v55;
	v32 =	vld [tilespmem:s28+$0x11D20]  }
0x3fa: {  	[tilespmem:v60+s16+$0x0] =	vst.idx.add.f32.msk $0xffff, v29  }
0x3fb: {  	v62 =	vor.u32 v5, v58;
	v29 =	vld [tilespmem:s28+$0x12520];
	_ =	sdelay $0x2  }
0x3fc: {  	[tilespmem:v61+s16+$0x0] =	vst.idx.add.f32.msk $0xffff, v32  }
0x3fd: {  	v63 =	vor.u32 v6, v55;
	v32 =	vld [tilespmem:s28+$0x11D30]  }
0x3fe: {  	[tilespmem:v62+s16+$0x0] =	vst.idx.add.f32.msk $0xffff, v29  }
0x3ff: {  	v36 =	vor.u32 v6, v58;
	v29 =	vld [tilespmem:s28+$0x12530];
	_ =	sdelay $0x2  }
0x400: {  	[tilespmem:v63+s16+$0x0] =	vst.idx.add.f32.msk $0xffff, v32  }
0x401: {  	v37 =	vor.u32 v7, v55;
	v32 =	vld [tilespmem:s28+$0x11D40]  }
0x402: {  	[tilespmem:v36+s16+$0x0] =	vst.idx.add.f32.msk $0xffff, v29  }
0x403: {  	v38 =	vor.u32 v7, v58;
	v29 =	vld [tilespmem:s28+$0x12540];
	_ =	sdelay $0x2  }
0x404: {  	[tilespmem:v37+s16+$0x0] =	vst.idx.add.f32.msk $0xffff, v32  }
0x405: {  	v39 =	vor.u32 v8, v55;
	v32 =	vld [tilespmem:s28+$0x11D50]  }
0x406: {  	[tilespmem:v38+s16+$0x0] =	vst.idx.add.f32.msk $0xffff, v29  }
0x407: {  	v40 =	vor.u32 v8, v58;
	v29 =	vld [tilespmem:s28+$0x12550];
	_ =	sdelay $0x2  }
0x408: {  	[tilespmem:v39+s16+$0x0] =	vst.idx.add.f32.msk $0xffff, v32  }
0x409: {  	v41 =	vor.u32 v9, v55;
	v32 =	vld [tilespmem:s28+$0x11D60]  }
0x40a: {  	[tilespmem:v40+s16+$0x0] =	vst.idx.add.f32.msk $0xffff, v29  }
0x40b: {  	v42 =	vor.u32 v9, v58;
	v29 =	vld [tilespmem:s28+$0x12560];
	_ =	sdelay $0x2  }
0x40c: {  	[tilespmem:v41+s16+$0x0] =	vst.idx.add.f32.msk $0xffff, v32  }
0x40d: {  	v30 =	vor.u32 v10, v55;
	v32 =	vld [tilespmem:s28+$0x11D70]  }
0x40e: {  	[tilespmem:v42+s16+$0x0] =	vst.idx.add.f32.msk $0xffff, v29  }
0x40f: {  	v28 =	vor.u32 v10, v58;
	v29 =	vld [tilespmem:s28+$0x12570]  }
0x410: {  	v43 =	vperm.xlane v26, v22;
	_ =	sdelay $0x1  }
0x411: {  	v44 =	vshll.u32 v43, $0x7;
	v45 =	vperm.xlane v27, v22;
	[tilespmem:v30+s16+$0x0] =	vst.idx.add.f32.msk $0xffff, v32  }
0x412: {  	v46 =	vor.u32 v0, v44;
	v32 =	vld [tilespmem:s28+$0x11D80]  }
0x413: {  	v47 =	vshll.u32 v45, $0x7;
	[tilespmem:v28+s16+$0x0] =	vst.idx.add.f32.msk $0xffff, v29  }
0x414: {  	v31 =	vor.u32 v0, v47;
	v29 =	vld [tilespmem:s28+$0x12580];
	_ =	sdelay $0x2  }
0x415: {  	[tilespmem:v46+s16+$0x0] =	vst.idx.add.f32.msk $0xffff, v32  }
0x416: {  	v48 =	vor.u32 v4, v44;
	v32 =	vld [tilespmem:s28+$0x11D90]  }
0x417: {  	[tilespmem:v31+s16+$0x0] =	vst.idx.add.f32.msk $0xffff, v29  }
0x418: {  	v49 =	vor.u32 v4, v47;
	v29 =	vld [tilespmem:s28+$0x12590];
	_ =	sdelay $0x2  }
0x419: {  	[tilespmem:v48+s16+$0x0] =	vst.idx.add.f32.msk $0xffff, v32  }
0x41a: {  	v50 =	vor.u32 v5, v44;
	v32 =	vld [tilespmem:s28+$0x11DA0]  }
0x41b: {  	[tilespmem:v49+s16+$0x0] =	vst.idx.add.f32.msk $0xffff, v29  }
0x41c: {  	v51 =	vor.u32 v5, v47;
	v29 =	vld [tilespmem:s28+$0x125A0];
	_ =	sdelay $0x2  }
0x41d: {  	[tilespmem:v50+s16+$0x0] =	vst.idx.add.f32.msk $0xffff, v32  }
0x41e: {  	v52 =	vor.u32 v6, v44;
	v32 =	vld [tilespmem:s28+$0x11DB0]  }
0x41f: {  	[tilespmem:v51+s16+$0x0] =	vst.idx.add.f32.msk $0xffff, v29  }
0x420: {  	v53 =	vor.u32 v6, v47;
	v29 =	vld [tilespmem:s28+$0x125B0];
	_ =	sdelay $0x2  }
0x421: {  	[tilespmem:v52+s16+$0x0] =	vst.idx.add.f32.msk $0xffff, v32  }
0x422: {  	v54 =	vor.u32 v7, v44;
	v32 =	vld [tilespmem:s28+$0x11DC0]  }
0x423: {  	[tilespmem:v53+s16+$0x0] =	vst.idx.add.f32.msk $0xffff, v29  }
0x424: {  	v55 =	vor.u32 v7, v47;
	v29 =	vld [tilespmem:s28+$0x125C0];
	_ =	sdelay $0x2  }
0x425: {  	[tilespmem:v54+s16+$0x0] =	vst.idx.add.f32.msk $0xffff, v32  }
0x426: {  	v56 =	vor.u32 v8, v44;
	v32 =	vld [tilespmem:s28+$0x11DD0]  }
0x427: {  	[tilespmem:v55+s16+$0x0] =	vst.idx.add.f32.msk $0xffff, v29  }
0x428: {  	v57 =	vor.u32 v8, v47;
	v29 =	vld [tilespmem:s28+$0x125D0];
	_ =	sdelay $0x2  }
0x429: {  	[tilespmem:v56+s16+$0x0] =	vst.idx.add.f32.msk $0xffff, v32  }
0x42a: {  	v58 =	vor.u32 v9, v44;
	v32 =	vld [tilespmem:s28+$0x11DE0]  }
0x42b: {  	[tilespmem:v57+s16+$0x0] =	vst.idx.add.f32.msk $0xffff, v29  }
0x42c: {  	v59 =	vor.u32 v9, v47;
	v29 =	vld [tilespmem:s28+$0x125E0];
	_ =	sdelay $0x2  }
0x42d: {  	[tilespmem:v58+s16+$0x0] =	vst.idx.add.f32.msk $0xffff, v32  }
0x42e: {  	v30 =	vor.u32 v10, v44;
	v32 =	vld [tilespmem:s28+$0x11DF0]  }
0x42f: {  	[tilespmem:v59+s16+$0x0] =	vst.idx.add.f32.msk $0xffff, v29  }
0x430: {  	v28 =	vor.u32 v10, v47;
	v29 =	vld [tilespmem:s28+$0x125F0]  }
0x431: {  	v60 =	vperm.xlane v26, v23;
	_ =	sdelay $0x1  }
0x432: {  	v61 =	vshll.u32 v60, $0x7;
	v62 =	vperm.xlane v27, v23;
	[tilespmem:v30+s16+$0x0] =	vst.idx.add.f32.msk $0xffff, v32  }
0x433: {  	v63 =	vor.u32 v0, v61;
	v32 =	vld [tilespmem:s28+$0x11E00]  }
0x434: {  	v36 =	vshll.u32 v62, $0x7;
	[tilespmem:v28+s16+$0x0] =	vst.idx.add.f32.msk $0xffff, v29  }
0x435: {  	v31 =	vor.u32 v0, v36;
	v29 =	vld [tilespmem:s28+$0x12600];
	_ =	sdelay $0x2  }
0x436: {  	[tilespmem:v63+s16+$0x0] =	vst.idx.add.f32.msk $0xffff, v32  }
0x437: {  	v37 =	vor.u32 v4, v61;
	v32 =	vld [tilespmem:s28+$0x11E10]  }
0x438: {  	[tilespmem:v31+s16+$0x0] =	vst.idx.add.f32.msk $0xffff, v29  }
0x439: {  	v38 =	vor.u32 v4, v36;
	v29 =	vld [tilespmem:s28+$0x12610];
	_ =	sdelay $0x2  }
0x43a: {  	[tilespmem:v37+s16+$0x0] =	vst.idx.add.f32.msk $0xffff, v32  }
0x43b: {  	v39 =	vor.u32 v5, v61;
	v32 =	vld [tilespmem:s28+$0x11E20]  }
0x43c: {  	[tilespmem:v38+s16+$0x0] =	vst.idx.add.f32.msk $0xffff, v29  }
0x43d: {  	v40 =	vor.u32 v5, v36;
	v29 =	vld [tilespmem:s28+$0x12620];
	_ =	sdelay $0x2  }
0x43e: {  	[tilespmem:v39+s16+$0x0] =	vst.idx.add.f32.msk $0xffff, v32  }
0x43f: {  	v41 =	vor.u32 v6, v61;
	v32 =	vld [tilespmem:s28+$0x11E30]  }
0x440: {  	[tilespmem:v40+s16+$0x0] =	vst.idx.add.f32.msk $0xffff, v29  }
0x441: {  	v42 =	vor.u32 v6, v36;
	v29 =	vld [tilespmem:s28+$0x12630];
	_ =	sdelay $0x2  }
0x442: {  	[tilespmem:v41+s16+$0x0] =	vst.idx.add.f32.msk $0xffff, v32  }
0x443: {  	v43 =	vor.u32 v7, v61;
	v32 =	vld [tilespmem:s28+$0x11E40]  }
0x444: {  	[tilespmem:v42+s16+$0x0] =	vst.idx.add.f32.msk $0xffff, v29  }
0x445: {  	v44 =	vor.u32 v7, v36;
	v29 =	vld [tilespmem:s28+$0x12640];
	_ =	sdelay $0x2  }
0x446: {  	[tilespmem:v43+s16+$0x0] =	vst.idx.add.f32.msk $0xffff, v32  }
0x447: {  	v45 =	vor.u32 v8, v61;
	v32 =	vld [tilespmem:s28+$0x11E50]  }
0x448: {  	[tilespmem:v44+s16+$0x0] =	vst.idx.add.f32.msk $0xffff, v29  }
0x449: {  	v46 =	vor.u32 v8, v36;
	v29 =	vld [tilespmem:s28+$0x12650];
	_ =	sdelay $0x2  }
0x44a: {  	[tilespmem:v45+s16+$0x0] =	vst.idx.add.f32.msk $0xffff, v32  }
0x44b: {  	v47 =	vor.u32 v9, v61;
	v32 =	vld [tilespmem:s28+$0x11E60]  }
0x44c: {  	[tilespmem:v46+s16+$0x0] =	vst.idx.add.f32.msk $0xffff, v29  }
0x44d: {  	v48 =	vor.u32 v9, v36;
	v29 =	vld [tilespmem:s28+$0x12660];
	_ =	sdelay $0x2  }
0x44e: {  	[tilespmem:v47+s16+$0x0] =	vst.idx.add.f32.msk $0xffff, v32  }
0x44f: {  	v30 =	vor.u32 v10, v61;
	v32 =	vld [tilespmem:s28+$0x11E70]  }
0x450: {  	[tilespmem:v48+s16+$0x0] =	vst.idx.add.f32.msk $0xffff, v29  }
0x451: {  	v28 =	vor.u32 v10, v36;
	v29 =	vld [tilespmem:s28+$0x12670]  }
0x452: {  	v26 =	vperm.xlane v26, v24;
	_ =	sdelay $0x1  }
0x453: {  	v26 =	vshll.u32 v26, $0x7;
	v27 =	vperm.xlane v27, v24;
	[tilespmem:v30+s16+$0x0] =	vst.idx.add.f32.msk $0xffff, v32  }
0x454: {  	v49 =	vor.u32 v0, v26;
	v30 =	vld [tilespmem:s28+$0x11E80]  }
0x455: {  	v27 =	vshll.u32 v27, $0x7;
	[tilespmem:v28+s16+$0x0] =	vst.idx.add.f32.msk $0xffff, v29  }
0x456: {  	v50 =	vor.u32 v0, v27;
	v28 =	vld [tilespmem:s28+$0x12680];
	_ =	sdelay $0x2  }
0x457: {  	[tilespmem:v49+s16+$0x0] =	vst.idx.add.f32.msk $0xffff, v30  }
0x458: {  	v51 =	vor.u32 v4, v26;
	v30 =	vld [tilespmem:s28+$0x11E90]  }
0x459: {  	[tilespmem:v50+s16+$0x0] =	vst.idx.add.f32.msk $0xffff, v28  }
0x45a: {  	v52 =	vor.u32 v4, v27;
	v28 =	vld [tilespmem:s28+$0x12690];
	_ =	sdelay $0x2  }
0x45b: {  	[tilespmem:v51+s16+$0x0] =	vst.idx.add.f32.msk $0xffff, v30  }
0x45c: {  	v53 =	vor.u32 v5, v26;
	v30 =	vld [tilespmem:s28+$0x11EA0]  }
0x45d: {  	[tilespmem:v52+s16+$0x0] =	vst.idx.add.f32.msk $0xffff, v28  }
0x45e: {  	v54 =	vor.u32 v5, v27;
	v28 =	vld [tilespmem:s28+$0x126A0];
	_ =	sdelay $0x2  }
0x45f: {  	[tilespmem:v53+s16+$0x0] =	vst.idx.add.f32.msk $0xffff, v30  }
0x460: {  	v55 =	vor.u32 v6, v26;
	v30 =	vld [tilespmem:s28+$0x11EB0]  }
0x461: {  	[tilespmem:v54+s16+$0x0] =	vst.idx.add.f32.msk $0xffff, v28  }
0x462: {  	v56 =	vor.u32 v6, v27;
	v28 =	vld [tilespmem:s28+$0x126B0];
	_ =	sdelay $0x2  }
0x463: {  	[tilespmem:v55+s16+$0x0] =	vst.idx.add.f32.msk $0xffff, v30  }
0x464: {  	v57 =	vor.u32 v7, v26;
	v30 =	vld [tilespmem:s28+$0x11EC0]  }
0x465: {  	[tilespmem:v56+s16+$0x0] =	vst.idx.add.f32.msk $0xffff, v28  }
0x466: {  	v58 =	vor.u32 v7, v27;
	v28 =	vld [tilespmem:s28+$0x126C0];
	_ =	sdelay $0x2  }
0x467: {  	[tilespmem:v57+s16+$0x0] =	vst.idx.add.f32.msk $0xffff, v30  }
0x468: {  	v59 =	vor.u32 v8, v26;
	v30 =	vld [tilespmem:s28+$0x11ED0]  }
0x469: {  	[tilespmem:v58+s16+$0x0] =	vst.idx.add.f32.msk $0xffff, v28  }
0x46a: {  	v60 =	vor.u32 v8, v27;
	v28 =	vld [tilespmem:s28+$0x126D0];
	_ =	sdelay $0x2  }
0x46b: {  	[tilespmem:v59+s16+$0x0] =	vst.idx.add.f32.msk $0xffff, v30  }
0x46c: {  	v61 =	vor.u32 v9, v26;
	v30 =	vld [tilespmem:s28+$0x11EE0]  }
0x46d: {  	[tilespmem:v60+s16+$0x0] =	vst.idx.add.f32.msk $0xffff, v28  }
0x46e: {  	v62 =	vor.u32 v9, v27;
	v28 =	vld [tilespmem:s28+$0x126E0];
	_ =	sdelay $0x2  }
0x46f: {  	[tilespmem:v61+s16+$0x0] =	vst.idx.add.f32.msk $0xffff, v30  }
0x470: {  	v63 =	vld [tilespmem:s28+$0x11EF0]  }
0x471: {  	v26 =	vor.u32 v10, v26;
	[tilespmem:v62+s16+$0x0] =	vst.idx.add.f32.msk $0xffff, v28  }
0x472: {  	p1 =	por p0, p0;
	v27 =	vor.u32 v10, v27;
	v29 =	vld [tilespmem:s28+$0x126F0]  }
.Ltmp1:
0x473: {  	_ = 	snop;
	(pc) =	sbr.rel @p1 .LBB2_5-.Ltmp1, $3  }
0x474: {  	_ =	sdelay $0x1  }
0x475: {  	[tilespmem:v26+s16+$0x0] =	vst.idx.add.f32.msk $0xffff, v63  }
0x476: {  	p0 =	por $0x0, $0x0;
	s28 =	simm.s32 $0x4;
	[tilespmem:v27+s16+$0x0] =	vst.idx.add.f32.msk $0xffff, v29  }
0x477: {  	p0 =	seq.s32 s25, $0x2  }
0x478: {  	_ =	swait.ge [sflag:s23], $0x4000;
	s28 =	sshll.u32 @!p0 s25, $0x11  }
0x479: {  	s26 =	sshll.u32 s26, $0x7;
	[sflag:s23] =	ssyncset.done $0x0;
	s28 =	sadd.s32 @!p0 s28, s10  }
0x47a: {  	s29 =	simm.s32 @!p0 $0x400;
	s30 =	simm.s32 @!p0 $0x1000;
	s28 =	sshrl.u32 @!p0 s28, $0x3  }
0x47b: {  	s31 =	simm.s32 @!p0 $0x10700;
	[sflag:s23] =	ssyncadd.s32 $0xFFFFC000;
	s28 =	sadd.s32 @!p0 s2, s28  }
0x47c: {  	[tilespmem:s31], [sflag:$0x1] =	stream.strided.gather @!p0 [hbm4b:s28+s29], $0x4000, s30, s29, $0x38;
	[tilespmem:$0x18700] =	vst v63  }
0x47d: {  	s31 =	sand.u32 $0x3FFFFF80, s26  }
0x47e: {  	v25 =	vmov s31;
	_ =	sdelay $0x1  }
0x47f: {  	s26 =	simm.s32 $0x0;
	p0 =	por $0x1, $0x1  }
.LBB2_7:
0x480: {  	s28 =	sshll.u32 s26, $0x4  }
0x481: {  	s29 =	sand.u32 $0x3FFFFFF0, s28  }
0x482: {  	v26 =	vld.idx.msk [tilespmem:v25+s29+$0x0 ss:$0x1], $0xffff;
	_ =	sdelay $0x4  }
0x483: {  	v27 =	vperm.xlane v26, v2  }
0x484: {  	s29 =	sshll.u32 s26, $0xB  }
0x485: {  	s26 =	sand.u32 $0x3FFFF800, s29;
	v27 =	vshll.u32 v27, $0x7  }
0x486: {  	v28 =	vld [tilespmem:s26+$0x14700];
	v29 =	vor.u32 v0, v27;
	_ =	sdelay $0x4  }
0x487: {  	[tilespmem:v29+s16+$0x0] =	vst.idx.add.f32.msk $0xffff, v28  }
0x488: {  	v47 =	vor.u32 v4, v27;
	v28 =	vld [tilespmem:s26+$0x14710];
	_ =	sdelay $0x4  }
0x489: {  	[tilespmem:v47+s16+$0x0] =	vst.idx.add.f32.msk $0xffff, v28  }
0x48a: {  	v48 =	vor.u32 v5, v27;
	v28 =	vld [tilespmem:s26+$0x14720];
	_ =	sdelay $0x4  }
0x48b: {  	[tilespmem:v48+s16+$0x0] =	vst.idx.add.f32.msk $0xffff, v28  }
0x48c: {  	v49 =	vor.u32 v6, v27;
	v28 =	vld [tilespmem:s26+$0x14730];
	_ =	sdelay $0x4  }
0x48d: {  	[tilespmem:v49+s16+$0x0] =	vst.idx.add.f32.msk $0xffff, v28  }
0x48e: {  	v50 =	vor.u32 v7, v27;
	v28 =	vld [tilespmem:s26+$0x14740];
	_ =	sdelay $0x4  }
0x48f: {  	[tilespmem:v50+s16+$0x0] =	vst.idx.add.f32.msk $0xffff, v28  }
0x490: {  	v51 =	vor.u32 v8, v27;
	v28 =	vld [tilespmem:s26+$0x14750];
	_ =	sdelay $0x4  }
0x491: {  	[tilespmem:v51+s16+$0x0] =	vst.idx.add.f32.msk $0xffff, v28  }
0x492: {  	v52 =	vor.u32 v9, v27;
	v28 =	vld [tilespmem:s26+$0x14760];
	_ =	sdelay $0x4  }
0x493: {  	[tilespmem:v52+s16+$0x0] =	vst.idx.add.f32.msk $0xffff, v28  }
0x494: {  	v27 =	vor.u32 v10, v27;
	v28 =	vld [tilespmem:s26+$0x14770];
	_ =	sdelay $0x2  }
0x495: {  	v53 =	vperm.xlane v26, v11;
	_ =	sdelay $0x1  }
0x496: {  	v54 =	vshll.u32 v53, $0x7;
	[tilespmem:v27+s16+$0x0] =	vst.idx.add.f32.msk $0xffff, v28  }
0x497: {  	v29 =	vor.u32 v0, v54;
	v27 =	vld [tilespmem:s26+$0x14780];
	_ =	sdelay $0x4  }
0x498: {  	[tilespmem:v29+s16+$0x0] =	vst.idx.add.f32.msk $0xffff, v27  }
0x499: {  	v55 =	vor.u32 v4, v54;
	v27 =	vld [tilespmem:s26+$0x14790];
	_ =	sdelay $0x4  }
0x49a: {  	[tilespmem:v55+s16+$0x0] =	vst.idx.add.f32.msk $0xffff, v27  }
0x49b: {  	v56 =	vor.u32 v5, v54;
	v27 =	vld [tilespmem:s26+$0x147A0];
	_ =	sdelay $0x4  }
0x49c: {  	[tilespmem:v56+s16+$0x0] =	vst.idx.add.f32.msk $0xffff, v27  }
0x49d: {  	v57 =	vor.u32 v6, v54;
	v27 =	vld [tilespmem:s26+$0x147B0];
	_ =	sdelay $0x4  }
0x49e: {  	[tilespmem:v57+s16+$0x0] =	vst.idx.add.f32.msk $0xffff, v27  }
0x49f: {  	v58 =	vor.u32 v7, v54;
	v27 =	vld [tilespmem:s26+$0x147C0];
	_ =	sdelay $0x4  }
0x4a0: {  	[tilespmem:v58+s16+$0x0] =	vst.idx.add.f32.msk $0xffff, v27  }
0x4a1: {  	v59 =	vor.u32 v8, v54;
	v27 =	vld [tilespmem:s26+$0x147D0];
	_ =	sdelay $0x4  }
0x4a2: {  	s30 =	sor.u32 $0x10, s28;
	[tilespmem:v59+s16+$0x0] =	vst.idx.add.f32.msk $0xffff, v27  }
0x4a3: {  	v27 =	vld.idx.msk [tilespmem:v25+s30+$0x0 ss:$0x1], $0xffff;
	_ =	sdelay $0x4  }
0x4a4: {  	v60 =	vperm.xlane v27, v2  }
0x4a5: {  	s29 =	sshll.u32 s30, $0x7  }
0x4a6: {  	s29 =	sand.u32 $0x3FFFF800, s29;
	v29 =	vshll.u32 v60, $0x7  }
0x4a7: {  	v30 =	vld [tilespmem:s29+$0x14700];
	v31 =	vor.u32 v0, v29;
	_ =	sdelay $0x4  }
0x4a8: {  	[tilespmem:v31+s16+$0x0] =	vst.idx.add.f32.msk $0xffff, v30  }
0x4a9: {  	v61 =	vor.u32 v4, v29;
	v30 =	vld [tilespmem:s29+$0x14710];
	_ =	sdelay $0x4  }
0x4aa: {  	[tilespmem:v61+s16+$0x0] =	vst.idx.add.f32.msk $0xffff, v30  }
0x4ab: {  	v62 =	vor.u32 v5, v29;
	v30 =	vld [tilespmem:s29+$0x14720];
	_ =	sdelay $0x4  }
0x4ac: {  	[tilespmem:v62+s16+$0x0] =	vst.idx.add.f32.msk $0xffff, v30  }
0x4ad: {  	v63 =	vor.u32 v6, v29;
	v30 =	vld [tilespmem:s29+$0x14730];
	_ =	sdelay $0x4  }
0x4ae: {  	[tilespmem:v63+s16+$0x0] =	vst.idx.add.f32.msk $0xffff, v30  }
0x4af: {  	v33 =	vor.u32 v7, v29;
	v30 =	vld [tilespmem:s29+$0x14740];
	_ =	sdelay $0x4  }
0x4b0: {  	[tilespmem:v33+s16+$0x0] =	vst.idx.add.f32.msk $0xffff, v30  }
0x4b1: {  	v34 =	vor.u32 v8, v29;
	v30 =	vld [tilespmem:s29+$0x14750];
	_ =	sdelay $0x4  }
0x4b2: {  	[tilespmem:v34+s16+$0x0] =	vst.idx.add.f32.msk $0xffff, v30  }
0x4b3: {  	v35 =	vor.u32 v9, v29;
	v30 =	vld [tilespmem:s29+$0x14760];
	_ =	sdelay $0x4  }
0x4b4: {  	[tilespmem:v35+s16+$0x0] =	vst.idx.add.f32.msk $0xffff, v30  }
0x4b5: {  	v29 =	vor.u32 v10, v29;
	v30 =	vld [tilespmem:s29+$0x14770];
	_ =	sdelay $0x2  }
0x4b6: {  	v36 =	vperm.xlane v27, v11;
	_ =	sdelay $0x1  }
0x4b7: {  	v37 =	vshll.u32 v36, $0x7;
	[tilespmem:v29+s16+$0x0] =	vst.idx.add.f32.msk $0xffff, v30  }
0x4b8: {  	v31 =	vor.u32 v0, v37;
	v30 =	vld [tilespmem:s26+$0x14F80];
	_ =	sdelay $0x4  }
0x4b9: {  	[tilespmem:v31+s16+$0x0] =	vst.idx.add.f32.msk $0xffff, v30  }
0x4ba: {  	v38 =	vor.u32 v4, v37;
	v30 =	vld [tilespmem:s26+$0x14F90];
	_ =	sdelay $0x4  }
0x4bb: {  	[tilespmem:v38+s16+$0x0] =	vst.idx.add.f32.msk $0xffff, v30  }
0x4bc: {  	v39 =	vor.u32 v5, v37;
	v30 =	vld [tilespmem:s26+$0x14FA0];
	_ =	sdelay $0x4  }
0x4bd: {  	[tilespmem:v39+s16+$0x0] =	vst.idx.add.f32.msk $0xffff, v30  }
0x4be: {  	v40 =	vor.u32 v6, v37;
	v30 =	vld [tilespmem:s26+$0x14FB0];
	_ =	sdelay $0x1  }
0x4bf: {  	v32 =	vld [tilespmem:s26+$0x147E0];
	v33 =	vor.u32 v9, v54;
	_ =	sdelay $0x2  }
0x4c0: {  	[tilespmem:v40+s16+$0x0] =	vst.idx.add.f32.msk $0xffff, v30  }
0x4c1: {  	v41 =	vor.u32 v7, v37;
	v30 =	vld [tilespmem:s26+$0x14FC0]  }
0x4c2: {  	[tilespmem:v33+s16+$0x0] =	vst.idx.add.f32.msk $0xffff, v32  }
0x4c3: {  	v28 =	vor.u32 v10, v54;
	v32 =	vld [tilespmem:s26+$0x147F0];
	_ =	sdelay $0x2  }
0x4c4: {  	v43 =	vperm.xlane v26, v12;
	[tilespmem:v41+s16+$0x0] =	vst.idx.add.f32.msk $0xffff, v30  }
0x4c5: {  	v42 =	vor.u32 v8, v37;
	v30 =	vld [tilespmem:s26+$0x14FD0]  }
0x4c6: {  	v44 =	vshll.u32 v43, $0x7;
	[tilespmem:v28+s16+$0x0] =	vst.idx.add.f32.msk $0xffff, v32  }
0x4c7: {  	v33 =	vor.u32 v0, v44;
	v32 =	vld [tilespmem:s26+$0x14800];
	_ =	sdelay $0x2  }
0x4c8: {  	[tilespmem:v42+s16+$0x0] =	vst.idx.add.f32.msk $0xffff, v30  }
0x4c9: {  	v45 =	vor.u32 v9, v37;
	v30 =	vld [tilespmem:s26+$0x14FE0]  }
0x4ca: {  	[tilespmem:v33+s16+$0x0] =	vst.idx.add.f32.msk $0xffff, v32  }
0x4cb: {  	v46 =	vor.u32 v4, v44;
	v32 =	vld [tilespmem:s26+$0x14810];
	_ =	sdelay $0x2  }
0x4cc: {  	[tilespmem:v45+s16+$0x0] =	vst.idx.add.f32.msk $0xffff, v30  }
0x4cd: {  	v29 =	vor.u32 v10, v37;
	v30 =	vld [tilespmem:s26+$0x14FF0]  }
0x4ce: {  	[tilespmem:v46+s16+$0x0] =	vst.idx.add.f32.msk $0xffff, v32  }
0x4cf: {  	v48 =	vor.u32 v5, v44;
	v32 =	vld [tilespmem:s26+$0x14820]  }
0x4d0: {  	v47 =	vperm.xlane v27, v12;
	_ =	sdelay $0x1  }
0x4d1: {  	v49 =	vshll.u32 v47, $0x7;
	[tilespmem:v29+s16+$0x0] =	vst.idx.add.f32.msk $0xffff, v30  }
0x4d2: {  	v31 =	vor.u32 v0, v49;
	v30 =	vld [tilespmem:s26+$0x15000]  }
0x4d3: {  	[tilespmem:v48+s16+$0x0] =	vst.idx.add.f32.msk $0xffff, v32  }
0x4d4: {  	v50 =	vor.u32 v6, v44;
	v32 =	vld [tilespmem:s26+$0x14830];
	_ =	sdelay $0x2  }
0x4d5: {  	[tilespmem:v31+s16+$0x0] =	vst.idx.add.f32.msk $0xffff, v30  }
0x4d6: {  	v51 =	vor.u32 v4, v49;
	v30 =	vld [tilespmem:s26+$0x15010]  }
0x4d7: {  	[tilespmem:v50+s16+$0x0] =	vst.idx.add.f32.msk $0xffff, v32  }
0x4d8: {  	v52 =	vor.u32 v7, v44;
	v32 =	vld [tilespmem:s26+$0x14840];
	_ =	sdelay $0x2  }
0x4d9: {  	[tilespmem:v51+s16+$0x0] =	vst.idx.add.f32.msk $0xffff, v30  }
0x4da: {  	v53 =	vor.u32 v5, v49;
	v30 =	vld [tilespmem:s26+$0x15020]  }
0x4db: {  	[tilespmem:v52+s16+$0x0] =	vst.idx.add.f32.msk $0xffff, v32  }
0x4dc: {  	v54 =	vor.u32 v8, v44;
	v32 =	vld [tilespmem:s26+$0x14850];
	_ =	sdelay $0x2  }
0x4dd: {  	[tilespmem:v53+s16+$0x0] =	vst.idx.add.f32.msk $0xffff, v30  }
0x4de: {  	v55 =	vor.u32 v6, v49;
	v30 =	vld [tilespmem:s26+$0x15030]  }
0x4df: {  	[tilespmem:v54+s16+$0x0] =	vst.idx.add.f32.msk $0xffff, v32  }
0x4e0: {  	v56 =	vor.u32 v9, v44;
	v32 =	vld [tilespmem:s26+$0x14860];
	_ =	sdelay $0x2  }
0x4e1: {  	[tilespmem:v55+s16+$0x0] =	vst.idx.add.f32.msk $0xffff, v30  }
0x4e2: {  	v57 =	vor.u32 v7, v49;
	v30 =	vld [tilespmem:s26+$0x15040]  }
0x4e3: {  	[tilespmem:v56+s16+$0x0] =	vst.idx.add.f32.msk $0xffff, v32  }
0x4e4: {  	v28 =	vor.u32 v10, v44;
	v32 =	vld [tilespmem:s26+$0x14870];
	_ =	sdelay $0x2  }
0x4e5: {  	v59 =	vperm.xlane v26, v13;
	[tilespmem:v57+s16+$0x0] =	vst.idx.add.f32.msk $0xffff, v30  }
0x4e6: {  	v58 =	vor.u32 v8, v49;
	v30 =	vld [tilespmem:s26+$0x15050]  }
0x4e7: {  	v60 =	vshll.u32 v59, $0x7;
	[tilespmem:v28+s16+$0x0] =	vst.idx.add.f32.msk $0xffff, v32  }
0x4e8: {  	v33 =	vor.u32 v0, v60;
	v32 =	vld [tilespmem:s26+$0x14880];
	_ =	sdelay $0x2  }
0x4e9: {  	[tilespmem:v58+s16+$0x0] =	vst.idx.add.f32.msk $0xffff, v30  }
0x4ea: {  	v61 =	vor.u32 v9, v49;
	v30 =	vld [tilespmem:s26+$0x15060]  }
0x4eb: {  	[tilespmem:v33+s16+$0x0] =	vst.idx.add.f32.msk $0xffff, v32  }
0x4ec: {  	v62 =	vor.u32 v4, v60;
	v32 =	vld [tilespmem:s26+$0x14890];
	_ =	sdelay $0x2  }
0x4ed: {  	[tilespmem:v61+s16+$0x0] =	vst.idx.add.f32.msk $0xffff, v30  }
0x4ee: {  	v29 =	vor.u32 v10, v49;
	v30 =	vld [tilespmem:s26+$0x15070]  }
0x4ef: {  	[tilespmem:v62+s16+$0x0] =	vst.idx.add.f32.msk $0xffff, v32  }
0x4f0: {  	v36 =	vor.u32 v5, v60;
	v32 =	vld [tilespmem:s26+$0x148A0]  }
0x4f1: {  	v63 =	vperm.xlane v27, v13;
	_ =	sdelay $0x1  }
0x4f2: {  	v37 =	vshll.u32 v63, $0x7;
	[tilespmem:v29+s16+$0x0] =	vst.idx.add.f32.msk $0xffff, v30  }
0x4f3: {  	v31 =	vor.u32 v0, v37;
	v30 =	vld [tilespmem:s26+$0x15080]  }
0x4f4: {  	[tilespmem:v36+s16+$0x0] =	vst.idx.add.f32.msk $0xffff, v32  }
0x4f5: {  	v38 =	vor.u32 v6, v60;
	v32 =	vld [tilespmem:s26+$0x148B0];
	_ =	sdelay $0x2  }
0x4f6: {  	[tilespmem:v31+s16+$0x0] =	vst.idx.add.f32.msk $0xffff, v30  }
0x4f7: {  	v39 =	vor.u32 v4, v37;
	v30 =	vld [tilespmem:s26+$0x15090]  }
0x4f8: {  	[tilespmem:v38+s16+$0x0] =	vst.idx.add.f32.msk $0xffff, v32  }
0x4f9: {  	v40 =	vor.u32 v7, v60;
	v32 =	vld [tilespmem:s26+$0x148C0];
	_ =	sdelay $0x2  }
0x4fa: {  	[tilespmem:v39+s16+$0x0] =	vst.idx.add.f32.msk $0xffff, v30  }
0x4fb: {  	v41 =	vor.u32 v5, v37;
	v30 =	vld [tilespmem:s26+$0x150A0]  }
0x4fc: {  	[tilespmem:v40+s16+$0x0] =	vst.idx.add.f32.msk $0xffff, v32  }
0x4fd: {  	v42 =	vor.u32 v8, v60;
	v32 =	vld [tilespmem:s26+$0x148D0];
	_ =	sdelay $0x2  }
0x4fe: {  	[tilespmem:v41+s16+$0x0] =	vst.idx.add.f32.msk $0xffff, v30  }
0x4ff: {  	v43 =	vor.u32 v6, v37;
	v30 =	vld [tilespmem:s26+$0x150B0]  }
0x500: {  	[tilespmem:v42+s16+$0x0] =	vst.idx.add.f32.msk $0xffff, v32  }
0x501: {  	v44 =	vor.u32 v9, v60;
	v32 =	vld [tilespmem:s26+$0x148E0];
	_ =	sdelay $0x2  }
0x502: {  	[tilespmem:v43+s16+$0x0] =	vst.idx.add.f32.msk $0xffff, v30  }
0x503: {  	v45 =	vor.u32 v7, v37;
	v30 =	vld [tilespmem:s26+$0x150C0]  }
0x504: {  	[tilespmem:v44+s16+$0x0] =	vst.idx.add.f32.msk $0xffff, v32  }
0x505: {  	v28 =	vor.u32 v10, v60;
	v32 =	vld [tilespmem:s26+$0x148F0];
	_ =	sdelay $0x2  }
0x506: {  	v47 =	vperm.xlane v26, v14;
	[tilespmem:v45+s16+$0x0] =	vst.idx.add.f32.msk $0xffff, v30  }
0x507: {  	v46 =	vor.u32 v8, v37;
	v30 =	vld [tilespmem:s26+$0x150D0]  }
0x508: {  	v48 =	vshll.u32 v47, $0x7;
	[tilespmem:v28+s16+$0x0] =	vst.idx.add.f32.msk $0xffff, v32  }
0x509: {  	v33 =	vor.u32 v0, v48;
	v32 =	vld [tilespmem:s26+$0x14900];
	_ =	sdelay $0x2  }
0x50a: {  	[tilespmem:v46+s16+$0x0] =	vst.idx.add.f32.msk $0xffff, v30  }
0x50b: {  	v49 =	vor.u32 v9, v37;
	v30 =	vld [tilespmem:s26+$0x150E0]  }
0x50c: {  	[tilespmem:v33+s16+$0x0] =	vst.idx.add.f32.msk $0xffff, v32  }
0x50d: {  	v50 =	vor.u32 v4, v48;
	v32 =	vld [tilespmem:s26+$0x14910];
	_ =	sdelay $0x2  }
0x50e: {  	[tilespmem:v49+s16+$0x0] =	vst.idx.add.f32.msk $0xffff, v30  }
0x50f: {  	v29 =	vor.u32 v10, v37;
	v30 =	vld [tilespmem:s26+$0x150F0]  }
0x510: {  	[tilespmem:v50+s16+$0x0] =	vst.idx.add.f32.msk $0xffff, v32  }
0x511: {  	v52 =	vor.u32 v5, v48;
	v32 =	vld [tilespmem:s26+$0x14920]  }
0x512: {  	v51 =	vperm.xlane v27, v14;
	_ =	sdelay $0x1  }
0x513: {  	v53 =	vshll.u32 v51, $0x7;
	[tilespmem:v29+s16+$0x0] =	vst.idx.add.f32.msk $0xffff, v30  }
0x514: {  	v31 =	vor.u32 v0, v53;
	v30 =	vld [tilespmem:s26+$0x15100]  }
0x515: {  	[tilespmem:v52+s16+$0x0] =	vst.idx.add.f32.msk $0xffff, v32  }
0x516: {  	v54 =	vor.u32 v6, v48;
	v32 =	vld [tilespmem:s26+$0x14930];
	_ =	sdelay $0x2  }
0x517: {  	[tilespmem:v31+s16+$0x0] =	vst.idx.add.f32.msk $0xffff, v30  }
0x518: {  	v55 =	vor.u32 v4, v53;
	v30 =	vld [tilespmem:s26+$0x15110]  }
0x519: {  	[tilespmem:v54+s16+$0x0] =	vst.idx.add.f32.msk $0xffff, v32  }
0x51a: {  	v56 =	vor.u32 v7, v48;
	v32 =	vld [tilespmem:s26+$0x14940];
	_ =	sdelay $0x2  }
0x51b: {  	[tilespmem:v55+s16+$0x0] =	vst.idx.add.f32.msk $0xffff, v30  }
0x51c: {  	v57 =	vor.u32 v5, v53;
	v30 =	vld [tilespmem:s26+$0x15120]  }
0x51d: {  	[tilespmem:v56+s16+$0x0] =	vst.idx.add.f32.msk $0xffff, v32  }
0x51e: {  	v58 =	vor.u32 v8, v48;
	v32 =	vld [tilespmem:s26+$0x14950];
	_ =	sdelay $0x2  }
0x51f: {  	[tilespmem:v57+s16+$0x0] =	vst.idx.add.f32.msk $0xffff, v30  }
0x520: {  	v59 =	vor.u32 v6, v53;
	v30 =	vld [tilespmem:s26+$0x15130]  }
0x521: {  	[tilespmem:v58+s16+$0x0] =	vst.idx.add.f32.msk $0xffff, v32  }
0x522: {  	v60 =	vor.u32 v9, v48;
	v32 =	vld [tilespmem:s26+$0x14960];
	_ =	sdelay $0x2  }
0x523: {  	[tilespmem:v59+s16+$0x0] =	vst.idx.add.f32.msk $0xffff, v30  }
0x524: {  	v61 =	vor.u32 v7, v53;
	v30 =	vld [tilespmem:s26+$0x15140]  }
0x525: {  	[tilespmem:v60+s16+$0x0] =	vst.idx.add.f32.msk $0xffff, v32  }
0x526: {  	v28 =	vor.u32 v10, v48;
	v32 =	vld [tilespmem:s26+$0x14970];
	_ =	sdelay $0x2  }
0x527: {  	v63 =	vperm.xlane v26, v15;
	[tilespmem:v61+s16+$0x0] =	vst.idx.add.f32.msk $0xffff, v30  }
0x528: {  	v62 =	vor.u32 v8, v53;
	v30 =	vld [tilespmem:s26+$0x15150]  }
0x529: {  	v36 =	vshll.u32 v63, $0x7;
	[tilespmem:v28+s16+$0x0] =	vst.idx.add.f32.msk $0xffff, v32  }
0x52a: {  	v33 =	vor.u32 v0, v36;
	v32 =	vld [tilespmem:s26+$0x14980];
	_ =	sdelay $0x2  }
0x52b: {  	[tilespmem:v62+s16+$0x0] =	vst.idx.add.f32.msk $0xffff, v30  }
0x52c: {  	v37 =	vor.u32 v9, v53;
	v30 =	vld [tilespmem:s26+$0x15160]  }
0x52d: {  	[tilespmem:v33+s16+$0x0] =	vst.idx.add.f32.msk $0xffff, v32  }
0x52e: {  	v38 =	vor.u32 v4, v36;
	v32 =	vld [tilespmem:s26+$0x14990];
	_ =	sdelay $0x2  }
0x52f: {  	[tilespmem:v37+s16+$0x0] =	vst.idx.add.f32.msk $0xffff, v30  }
0x530: {  	v29 =	vor.u32 v10, v53;
	v30 =	vld [tilespmem:s26+$0x15170]  }
0x531: {  	[tilespmem:v38+s16+$0x0] =	vst.idx.add.f32.msk $0xffff, v32  }
0x532: {  	v40 =	vor.u32 v5, v36;
	v32 =	vld [tilespmem:s26+$0x149A0]  }
0x533: {  	v39 =	vperm.xlane v27, v15;
	_ =	sdelay $0x1  }
0x534: {  	v41 =	vshll.u32 v39, $0x7;
	[tilespmem:v29+s16+$0x0] =	vst.idx.add.f32.msk $0xffff, v30  }
0x535: {  	v31 =	vor.u32 v0, v41;
	v30 =	vld [tilespmem:s26+$0x15180]  }
0x536: {  	[tilespmem:v40+s16+$0x0] =	vst.idx.add.f32.msk $0xffff, v32  }
0x537: {  	v42 =	vor.u32 v6, v36;
	v32 =	vld [tilespmem:s26+$0x149B0];
	_ =	sdelay $0x2  }
0x538: {  	[tilespmem:v31+s16+$0x0] =	vst.idx.add.f32.msk $0xffff, v30  }
0x539: {  	v43 =	vor.u32 v4, v41;
	v30 =	vld [tilespmem:s26+$0x15190]  }
0x53a: {  	[tilespmem:v42+s16+$0x0] =	vst.idx.add.f32.msk $0xffff, v32  }
0x53b: {  	v44 =	vor.u32 v7, v36;
	v32 =	vld [tilespmem:s26+$0x149C0];
	_ =	sdelay $0x2  }
0x53c: {  	[tilespmem:v43+s16+$0x0] =	vst.idx.add.f32.msk $0xffff, v30  }
0x53d: {  	v45 =	vor.u32 v5, v41;
	v30 =	vld [tilespmem:s26+$0x151A0]  }
0x53e: {  	[tilespmem:v44+s16+$0x0] =	vst.idx.add.f32.msk $0xffff, v32  }
0x53f: {  	v46 =	vor.u32 v8, v36;
	v32 =	vld [tilespmem:s26+$0x149D0];
	_ =	sdelay $0x2  }
0x540: {  	[tilespmem:v45+s16+$0x0] =	vst.idx.add.f32.msk $0xffff, v30  }
0x541: {  	v47 =	vor.u32 v6, v41;
	v30 =	vld [tilespmem:s26+$0x151B0]  }
0x542: {  	[tilespmem:v46+s16+$0x0] =	vst.idx.add.f32.msk $0xffff, v32  }
0x543: {  	v48 =	vor.u32 v9, v36;
	v32 =	vld [tilespmem:s26+$0x149E0];
	_ =	sdelay $0x2  }
0x544: {  	[tilespmem:v47+s16+$0x0] =	vst.idx.add.f32.msk $0xffff, v30  }
0x545: {  	v49 =	vor.u32 v7, v41;
	v30 =	vld [tilespmem:s26+$0x151C0]  }
0x546: {  	[tilespmem:v48+s16+$0x0] =	vst.idx.add.f32.msk $0xffff, v32  }
0x547: {  	v28 =	vor.u32 v10, v36;
	v32 =	vld [tilespmem:s26+$0x149F0];
	_ =	sdelay $0x2  }
0x548: {  	v51 =	vperm.xlane v26, v16;
	[tilespmem:v49+s16+$0x0] =	vst.idx.add.f32.msk $0xffff, v30  }
0x549: {  	v50 =	vor.u32 v8, v41;
	v30 =	vld [tilespmem:s26+$0x151D0]  }
0x54a: {  	v52 =	vshll.u32 v51, $0x7;
	[tilespmem:v28+s16+$0x0] =	vst.idx.add.f32.msk $0xffff, v32  }
0x54b: {  	v33 =	vor.u32 v0, v52;
	v32 =	vld [tilespmem:s26+$0x14A00];
	_ =	sdelay $0x2  }
0x54c: {  	[tilespmem:v50+s16+$0x0] =	vst.idx.add.f32.msk $0xffff, v30  }
0x54d: {  	v53 =	vor.u32 v9, v41;
	v30 =	vld [tilespmem:s26+$0x151E0]  }
0x54e: {  	[tilespmem:v33+s16+$0x0] =	vst.idx.add.f32.msk $0xffff, v32  }
0x54f: {  	v54 =	vor.u32 v4, v52;
	v32 =	vld [tilespmem:s26+$0x14A10];
	_ =	sdelay $0x2  }
0x550: {  	[tilespmem:v53+s16+$0x0] =	vst.idx.add.f32.msk $0xffff, v30  }
0x551: {  	v29 =	vor.u32 v10, v41;
	v30 =	vld [tilespmem:s26+$0x151F0]  }
0x552: {  	[tilespmem:v54+s16+$0x0] =	vst.idx.add.f32.msk $0xffff, v32  }
0x553: {  	v56 =	vor.u32 v5, v52;
	v32 =	vld [tilespmem:s26+$0x14A20]  }
0x554: {  	v55 =	vperm.xlane v27, v16;
	_ =	sdelay $0x1  }
0x555: {  	v57 =	vshll.u32 v55, $0x7;
	[tilespmem:v29+s16+$0x0] =	vst.idx.add.f32.msk $0xffff, v30  }
0x556: {  	v31 =	vor.u32 v0, v57;
	v30 =	vld [tilespmem:s26+$0x15200]  }
0x557: {  	[tilespmem:v56+s16+$0x0] =	vst.idx.add.f32.msk $0xffff, v32  }
0x558: {  	v58 =	vor.u32 v6, v52;
	v32 =	vld [tilespmem:s26+$0x14A30];
	_ =	sdelay $0x2  }
0x559: {  	[tilespmem:v31+s16+$0x0] =	vst.idx.add.f32.msk $0xffff, v30  }
0x55a: {  	v59 =	vor.u32 v4, v57;
	v30 =	vld [tilespmem:s26+$0x15210]  }
0x55b: {  	[tilespmem:v58+s16+$0x0] =	vst.idx.add.f32.msk $0xffff, v32  }
0x55c: {  	v60 =	vor.u32 v7, v52;
	v32 =	vld [tilespmem:s26+$0x14A40];
	_ =	sdelay $0x2  }
0x55d: {  	[tilespmem:v59+s16+$0x0] =	vst.idx.add.f32.msk $0xffff, v30  }
0x55e: {  	v61 =	vor.u32 v5, v57;
	v30 =	vld [tilespmem:s26+$0x15220]  }
0x55f: {  	[tilespmem:v60+s16+$0x0] =	vst.idx.add.f32.msk $0xffff, v32  }
0x560: {  	v62 =	vor.u32 v8, v52;
	v32 =	vld [tilespmem:s26+$0x14A50];
	_ =	sdelay $0x2  }
0x561: {  	[tilespmem:v61+s16+$0x0] =	vst.idx.add.f32.msk $0xffff, v30  }
0x562: {  	v63 =	vor.u32 v6, v57;
	v30 =	vld [tilespmem:s26+$0x15230]  }
0x563: {  	[tilespmem:v62+s16+$0x0] =	vst.idx.add.f32.msk $0xffff, v32  }
0x564: {  	v36 =	vor.u32 v9, v52;
	v32 =	vld [tilespmem:s26+$0x14A60];
	_ =	sdelay $0x2  }
0x565: {  	[tilespmem:v63+s16+$0x0] =	vst.idx.add.f32.msk $0xffff, v30  }
0x566: {  	v37 =	vor.u32 v7, v57;
	v30 =	vld [tilespmem:s26+$0x15240]  }
0x567: {  	[tilespmem:v36+s16+$0x0] =	vst.idx.add.f32.msk $0xffff, v32  }
0x568: {  	v28 =	vor.u32 v10, v52;
	v32 =	vld [tilespmem:s26+$0x14A70];
	_ =	sdelay $0x2  }
0x569: {  	v39 =	vperm.xlane v26, v3;
	[tilespmem:v37+s16+$0x0] =	vst.idx.add.f32.msk $0xffff, v30  }
0x56a: {  	v38 =	vor.u32 v8, v57;
	v30 =	vld [tilespmem:s26+$0x15250]  }
0x56b: {  	v40 =	vshll.u32 v39, $0x7;
	[tilespmem:v28+s16+$0x0] =	vst.idx.add.f32.msk $0xffff, v32  }
0x56c: {  	v33 =	vor.u32 v0, v40;
	v32 =	vld [tilespmem:s26+$0x14A80];
	_ =	sdelay $0x2  }
0x56d: {  	[tilespmem:v38+s16+$0x0] =	vst.idx.add.f32.msk $0xffff, v30  }
0x56e: {  	v41 =	vor.u32 v9, v57;
	v30 =	vld [tilespmem:s26+$0x15260]  }
0x56f: {  	[tilespmem:v33+s16+$0x0] =	vst.idx.add.f32.msk $0xffff, v32  }
0x570: {  	v42 =	vor.u32 v4, v40;
	v32 =	vld [tilespmem:s26+$0x14A90];
	_ =	sdelay $0x2  }
0x571: {  	[tilespmem:v41+s16+$0x0] =	vst.idx.add.f32.msk $0xffff, v30  }
0x572: {  	v29 =	vor.u32 v10, v57;
	v30 =	vld [tilespmem:s26+$0x15270]  }
0x573: {  	[tilespmem:v42+s16+$0x0] =	vst.idx.add.f32.msk $0xffff, v32  }
0x574: {  	v44 =	vor.u32 v5, v40;
	v32 =	vld [tilespmem:s26+$0x14AA0]  }
0x575: {  	v43 =	vperm.xlane v27, v3;
	_ =	sdelay $0x1  }
0x576: {  	v45 =	vshll.u32 v43, $0x7;
	[tilespmem:v29+s16+$0x0] =	vst.idx.add.f32.msk $0xffff, v30  }
0x577: {  	v31 =	vor.u32 v0, v45;
	v30 =	vld [tilespmem:s26+$0x15280]  }
0x578: {  	[tilespmem:v44+s16+$0x0] =	vst.idx.add.f32.msk $0xffff, v32  }
0x579: {  	v46 =	vor.u32 v6, v40;
	v32 =	vld [tilespmem:s26+$0x14AB0];
	_ =	sdelay $0x2  }
0x57a: {  	[tilespmem:v31+s16+$0x0] =	vst.idx.add.f32.msk $0xffff, v30  }
0x57b: {  	v47 =	vor.u32 v4, v45;
	v30 =	vld [tilespmem:s26+$0x15290]  }
0x57c: {  	[tilespmem:v46+s16+$0x0] =	vst.idx.add.f32.msk $0xffff, v32  }
0x57d: {  	v48 =	vor.u32 v7, v40;
	v32 =	vld [tilespmem:s26+$0x14AC0];
	_ =	sdelay $0x2  }
0x57e: {  	[tilespmem:v47+s16+$0x0] =	vst.idx.add.f32.msk $0xffff, v30  }
0x57f: {  	v49 =	vor.u32 v5, v45;
	v30 =	vld [tilespmem:s26+$0x152A0]  }
0x580: {  	[tilespmem:v48+s16+$0x0] =	vst.idx.add.f32.msk $0xffff, v32  }
0x581: {  	v50 =	vor.u32 v8, v40;
	v32 =	vld [tilespmem:s26+$0x14AD0];
	_ =	sdelay $0x2  }
0x582: {  	[tilespmem:v49+s16+$0x0] =	vst.idx.add.f32.msk $0xffff, v30  }
0x583: {  	v51 =	vor.u32 v6, v45;
	v30 =	vld [tilespmem:s26+$0x152B0]  }
0x584: {  	[tilespmem:v50+s16+$0x0] =	vst.idx.add.f32.msk $0xffff, v32  }
0x585: {  	v52 =	vor.u32 v9, v40;
	v32 =	vld [tilespmem:s26+$0x14AE0];
	_ =	sdelay $0x2  }
0x586: {  	[tilespmem:v51+s16+$0x0] =	vst.idx.add.f32.msk $0xffff, v30  }
0x587: {  	v53 =	vor.u32 v7, v45;
	v30 =	vld [tilespmem:s26+$0x152C0]  }
0x588: {  	[tilespmem:v52+s16+$0x0] =	vst.idx.add.f32.msk $0xffff, v32  }
0x589: {  	v28 =	vor.u32 v10, v40;
	v32 =	vld [tilespmem:s26+$0x14AF0];
	_ =	sdelay $0x2  }
0x58a: {  	v55 =	vperm.xlane v26, v17;
	[tilespmem:v53+s16+$0x0] =	vst.idx.add.f32.msk $0xffff, v30  }
0x58b: {  	v54 =	vor.u32 v8, v45;
	v30 =	vld [tilespmem:s26+$0x152D0]  }
0x58c: {  	v56 =	vshll.u32 v55, $0x7;
	[tilespmem:v28+s16+$0x0] =	vst.idx.add.f32.msk $0xffff, v32  }
0x58d: {  	v33 =	vor.u32 v0, v56;
	v32 =	vld [tilespmem:s26+$0x14B00];
	_ =	sdelay $0x2  }
0x58e: {  	[tilespmem:v54+s16+$0x0] =	vst.idx.add.f32.msk $0xffff, v30  }
0x58f: {  	v57 =	vor.u32 v9, v45;
	v30 =	vld [tilespmem:s26+$0x152E0]  }
0x590: {  	[tilespmem:v33+s16+$0x0] =	vst.idx.add.f32.msk $0xffff, v32  }
0x591: {  	v58 =	vor.u32 v4, v56;
	v32 =	vld [tilespmem:s26+$0x14B10];
	_ =	sdelay $0x2  }
0x592: {  	[tilespmem:v57+s16+$0x0] =	vst.idx.add.f32.msk $0xffff, v30  }
0x593: {  	v29 =	vor.u32 v10, v45;
	v30 =	vld [tilespmem:s26+$0x152F0]  }
0x594: {  	[tilespmem:v58+s16+$0x0] =	vst.idx.add.f32.msk $0xffff, v32  }
0x595: {  	v60 =	vor.u32 v5, v56;
	v32 =	vld [tilespmem:s26+$0x14B20]  }
0x596: {  	v59 =	vperm.xlane v27, v17;
	_ =	sdelay $0x1  }
0x597: {  	v61 =	vshll.u32 v59, $0x7;
	[tilespmem:v29+s16+$0x0] =	vst.idx.add.f32.msk $0xffff, v30  }
0x598: {  	v31 =	vor.u32 v0, v61;
	v30 =	vld [tilespmem:s26+$0x15300]  }
0x599: {  	[tilespmem:v60+s16+$0x0] =	vst.idx.add.f32.msk $0xffff, v32  }
0x59a: {  	v62 =	vor.u32 v6, v56;
	v32 =	vld [tilespmem:s26+$0x14B30];
	_ =	sdelay $0x2  }
0x59b: {  	[tilespmem:v31+s16+$0x0] =	vst.idx.add.f32.msk $0xffff, v30  }
0x59c: {  	v63 =	vor.u32 v4, v61;
	v30 =	vld [tilespmem:s26+$0x15310]  }
0x59d: {  	[tilespmem:v62+s16+$0x0] =	vst.idx.add.f32.msk $0xffff, v32  }
0x59e: {  	v36 =	vor.u32 v7, v56;
	v32 =	vld [tilespmem:s26+$0x14B40];
	_ =	sdelay $0x2  }
0x59f: {  	[tilespmem:v63+s16+$0x0] =	vst.idx.add.f32.msk $0xffff, v30  }
0x5a0: {  	v37 =	vor.u32 v5, v61;
	v30 =	vld [tilespmem:s26+$0x15320]  }
0x5a1: {  	[tilespmem:v36+s16+$0x0] =	vst.idx.add.f32.msk $0xffff, v32  }
0x5a2: {  	v38 =	vor.u32 v8, v56;
	v32 =	vld [tilespmem:s26+$0x14B50];
	_ =	sdelay $0x2  }
0x5a3: {  	[tilespmem:v37+s16+$0x0] =	vst.idx.add.f32.msk $0xffff, v30  }
0x5a4: {  	v39 =	vor.u32 v6, v61;
	v30 =	vld [tilespmem:s26+$0x15330]  }
0x5a5: {  	[tilespmem:v38+s16+$0x0] =	vst.idx.add.f32.msk $0xffff, v32  }
0x5a6: {  	v40 =	vor.u32 v9, v56;
	v32 =	vld [tilespmem:s26+$0x14B60];
	_ =	sdelay $0x2  }
0x5a7: {  	[tilespmem:v39+s16+$0x0] =	vst.idx.add.f32.msk $0xffff, v30  }
0x5a8: {  	v41 =	vor.u32 v7, v61;
	v30 =	vld [tilespmem:s26+$0x15340]  }
0x5a9: {  	[tilespmem:v40+s16+$0x0] =	vst.idx.add.f32.msk $0xffff, v32  }
0x5aa: {  	v28 =	vor.u32 v10, v56;
	v32 =	vld [tilespmem:s26+$0x14B70];
	_ =	sdelay $0x2  }
0x5ab: {  	v43 =	vperm.xlane v26, v18;
	[tilespmem:v41+s16+$0x0] =	vst.idx.add.f32.msk $0xffff, v30  }
0x5ac: {  	v42 =	vor.u32 v8, v61;
	v30 =	vld [tilespmem:s26+$0x15350]  }
0x5ad: {  	v44 =	vshll.u32 v43, $0x7;
	[tilespmem:v28+s16+$0x0] =	vst.idx.add.f32.msk $0xffff, v32  }
0x5ae: {  	v33 =	vor.u32 v0, v44;
	v32 =	vld [tilespmem:s26+$0x14B80];
	_ =	sdelay $0x2  }
0x5af: {  	[tilespmem:v42+s16+$0x0] =	vst.idx.add.f32.msk $0xffff, v30  }
0x5b0: {  	v45 =	vor.u32 v9, v61;
	v30 =	vld [tilespmem:s26+$0x15360]  }
0x5b1: {  	[tilespmem:v33+s16+$0x0] =	vst.idx.add.f32.msk $0xffff, v32  }
0x5b2: {  	v46 =	vor.u32 v4, v44;
	v32 =	vld [tilespmem:s26+$0x14B90];
	_ =	sdelay $0x2  }
0x5b3: {  	[tilespmem:v45+s16+$0x0] =	vst.idx.add.f32.msk $0xffff, v30  }
0x5b4: {  	v29 =	vor.u32 v10, v61;
	v30 =	vld [tilespmem:s26+$0x15370]  }
0x5b5: {  	[tilespmem:v46+s16+$0x0] =	vst.idx.add.f32.msk $0xffff, v32  }
0x5b6: {  	v48 =	vor.u32 v5, v44;
	v32 =	vld [tilespmem:s26+$0x14BA0]  }
0x5b7: {  	v47 =	vperm.xlane v27, v18;
	_ =	sdelay $0x1  }
0x5b8: {  	v49 =	vshll.u32 v47, $0x7;
	[tilespmem:v29+s16+$0x0] =	vst.idx.add.f32.msk $0xffff, v30  }
0x5b9: {  	v31 =	vor.u32 v0, v49;
	v30 =	vld [tilespmem:s26+$0x15380]  }
0x5ba: {  	[tilespmem:v48+s16+$0x0] =	vst.idx.add.f32.msk $0xffff, v32  }
0x5bb: {  	v50 =	vor.u32 v6, v44;
	v32 =	vld [tilespmem:s26+$0x14BB0];
	_ =	sdelay $0x2  }
0x5bc: {  	[tilespmem:v31+s16+$0x0] =	vst.idx.add.f32.msk $0xffff, v30  }
0x5bd: {  	v51 =	vor.u32 v4, v49;
	v30 =	vld [tilespmem:s26+$0x15390]  }
0x5be: {  	[tilespmem:v50+s16+$0x0] =	vst.idx.add.f32.msk $0xffff, v32  }
0x5bf: {  	v52 =	vor.u32 v7, v44;
	v32 =	vld [tilespmem:s26+$0x14BC0];
	_ =	sdelay $0x2  }
0x5c0: {  	[tilespmem:v51+s16+$0x0] =	vst.idx.add.f32.msk $0xffff, v30  }
0x5c1: {  	v53 =	vor.u32 v5, v49;
	v30 =	vld [tilespmem:s26+$0x153A0]  }
0x5c2: {  	[tilespmem:v52+s16+$0x0] =	vst.idx.add.f32.msk $0xffff, v32  }
0x5c3: {  	v54 =	vor.u32 v8, v44;
	v32 =	vld [tilespmem:s26+$0x14BD0];
	_ =	sdelay $0x2  }
0x5c4: {  	[tilespmem:v53+s16+$0x0] =	vst.idx.add.f32.msk $0xffff, v30  }
0x5c5: {  	v55 =	vor.u32 v6, v49;
	v30 =	vld [tilespmem:s26+$0x153B0]  }
0x5c6: {  	[tilespmem:v54+s16+$0x0] =	vst.idx.add.f32.msk $0xffff, v32  }
0x5c7: {  	v56 =	vor.u32 v9, v44;
	v32 =	vld [tilespmem:s26+$0x14BE0];
	_ =	sdelay $0x2  }
0x5c8: {  	[tilespmem:v55+s16+$0x0] =	vst.idx.add.f32.msk $0xffff, v30  }
0x5c9: {  	v57 =	vor.u32 v7, v49;
	v30 =	vld [tilespmem:s26+$0x153C0]  }
0x5ca: {  	[tilespmem:v56+s16+$0x0] =	vst.idx.add.f32.msk $0xffff, v32  }
0x5cb: {  	v28 =	vor.u32 v10, v44;
	v32 =	vld [tilespmem:s26+$0x14BF0];
	_ =	sdelay $0x2  }
0x5cc: {  	v59 =	vperm.xlane v26, v19;
	[tilespmem:v57+s16+$0x0] =	vst.idx.add.f32.msk $0xffff, v30  }
0x5cd: {  	v58 =	vor.u32 v8, v49;
	v30 =	vld [tilespmem:s26+$0x153D0]  }
0x5ce: {  	v60 =	vshll.u32 v59, $0x7;
	[tilespmem:v28+s16+$0x0] =	vst.idx.add.f32.msk $0xffff, v32  }
0x5cf: {  	v33 =	vor.u32 v0, v60;
	v32 =	vld [tilespmem:s26+$0x14C00];
	_ =	sdelay $0x2  }
0x5d0: {  	[tilespmem:v58+s16+$0x0] =	vst.idx.add.f32.msk $0xffff, v30  }
0x5d1: {  	v61 =	vor.u32 v9, v49;
	v30 =	vld [tilespmem:s26+$0x153E0]  }
0x5d2: {  	[tilespmem:v33+s16+$0x0] =	vst.idx.add.f32.msk $0xffff, v32  }
0x5d3: {  	v62 =	vor.u32 v4, v60;
	v32 =	vld [tilespmem:s26+$0x14C10];
	_ =	sdelay $0x2  }
0x5d4: {  	[tilespmem:v61+s16+$0x0] =	vst.idx.add.f32.msk $0xffff, v30  }
0x5d5: {  	v29 =	vor.u32 v10, v49;
	v30 =	vld [tilespmem:s26+$0x153F0]  }
0x5d6: {  	[tilespmem:v62+s16+$0x0] =	vst.idx.add.f32.msk $0xffff, v32  }
0x5d7: {  	v36 =	vor.u32 v5, v60;
	v32 =	vld [tilespmem:s26+$0x14C20]  }
0x5d8: {  	v63 =	vperm.xlane v27, v19;
	_ =	sdelay $0x1  }
0x5d9: {  	v37 =	vshll.u32 v63, $0x7;
	[tilespmem:v29+s16+$0x0] =	vst.idx.add.f32.msk $0xffff, v30  }
0x5da: {  	v31 =	vor.u32 v0, v37;
	v30 =	vld [tilespmem:s26+$0x15400]  }
0x5db: {  	[tilespmem:v36+s16+$0x0] =	vst.idx.add.f32.msk $0xffff, v32  }
0x5dc: {  	v38 =	vor.u32 v6, v60;
	v32 =	vld [tilespmem:s26+$0x14C30];
	_ =	sdelay $0x2  }
0x5dd: {  	[tilespmem:v31+s16+$0x0] =	vst.idx.add.f32.msk $0xffff, v30  }
0x5de: {  	v39 =	vor.u32 v4, v37;
	v30 =	vld [tilespmem:s26+$0x15410]  }
0x5df: {  	[tilespmem:v38+s16+$0x0] =	vst.idx.add.f32.msk $0xffff, v32  }
0x5e0: {  	v40 =	vor.u32 v7, v60;
	v32 =	vld [tilespmem:s26+$0x14C40];
	_ =	sdelay $0x2  }
0x5e1: {  	[tilespmem:v39+s16+$0x0] =	vst.idx.add.f32.msk $0xffff, v30  }
0x5e2: {  	v41 =	vor.u32 v5, v37;
	v30 =	vld [tilespmem:s26+$0x15420]  }
0x5e3: {  	[tilespmem:v40+s16+$0x0] =	vst.idx.add.f32.msk $0xffff, v32  }
0x5e4: {  	v42 =	vor.u32 v8, v60;
	v32 =	vld [tilespmem:s26+$0x14C50];
	_ =	sdelay $0x2  }
0x5e5: {  	[tilespmem:v41+s16+$0x0] =	vst.idx.add.f32.msk $0xffff, v30  }
0x5e6: {  	v43 =	vor.u32 v6, v37;
	v30 =	vld [tilespmem:s26+$0x15430]  }
0x5e7: {  	[tilespmem:v42+s16+$0x0] =	vst.idx.add.f32.msk $0xffff, v32  }
0x5e8: {  	v44 =	vor.u32 v9, v60;
	v32 =	vld [tilespmem:s26+$0x14C60];
	_ =	sdelay $0x2  }
0x5e9: {  	[tilespmem:v43+s16+$0x0] =	vst.idx.add.f32.msk $0xffff, v30  }
0x5ea: {  	v45 =	vor.u32 v7, v37;
	v30 =	vld [tilespmem:s26+$0x15440]  }
0x5eb: {  	[tilespmem:v44+s16+$0x0] =	vst.idx.add.f32.msk $0xffff, v32  }
0x5ec: {  	v28 =	vor.u32 v10, v60;
	v32 =	vld [tilespmem:s26+$0x14C70];
	_ =	sdelay $0x2  }
0x5ed: {  	v47 =	vperm.xlane v26, v20;
	[tilespmem:v45+s16+$0x0] =	vst.idx.add.f32.msk $0xffff, v30  }
0x5ee: {  	v46 =	vor.u32 v8, v37;
	v30 =	vld [tilespmem:s26+$0x15450]  }
0x5ef: {  	v48 =	vshll.u32 v47, $0x7;
	[tilespmem:v28+s16+$0x0] =	vst.idx.add.f32.msk $0xffff, v32  }
0x5f0: {  	v33 =	vor.u32 v0, v48;
	v32 =	vld [tilespmem:s26+$0x14C80];
	_ =	sdelay $0x2  }
0x5f1: {  	[tilespmem:v46+s16+$0x0] =	vst.idx.add.f32.msk $0xffff, v30  }
0x5f2: {  	v49 =	vor.u32 v9, v37;
	v30 =	vld [tilespmem:s26+$0x15460]  }
0x5f3: {  	[tilespmem:v33+s16+$0x0] =	vst.idx.add.f32.msk $0xffff, v32  }
0x5f4: {  	v50 =	vor.u32 v4, v48;
	v32 =	vld [tilespmem:s26+$0x14C90];
	_ =	sdelay $0x2  }
0x5f5: {  	[tilespmem:v49+s16+$0x0] =	vst.idx.add.f32.msk $0xffff, v30  }
0x5f6: {  	v29 =	vor.u32 v10, v37;
	v30 =	vld [tilespmem:s26+$0x15470]  }
0x5f7: {  	[tilespmem:v50+s16+$0x0] =	vst.idx.add.f32.msk $0xffff, v32  }
0x5f8: {  	v52 =	vor.u32 v5, v48;
	v32 =	vld [tilespmem:s26+$0x14CA0]  }
0x5f9: {  	v51 =	vperm.xlane v27, v20;
	_ =	sdelay $0x1  }
0x5fa: {  	v53 =	vshll.u32 v51, $0x7;
	[tilespmem:v29+s16+$0x0] =	vst.idx.add.f32.msk $0xffff, v30  }
0x5fb: {  	v31 =	vor.u32 v0, v53;
	v30 =	vld [tilespmem:s26+$0x15480]  }
0x5fc: {  	[tilespmem:v52+s16+$0x0] =	vst.idx.add.f32.msk $0xffff, v32  }
0x5fd: {  	v54 =	vor.u32 v6, v48;
	v32 =	vld [tilespmem:s26+$0x14CB0];
	_ =	sdelay $0x2  }
0x5fe: {  	[tilespmem:v31+s16+$0x0] =	vst.idx.add.f32.msk $0xffff, v30  }
0x5ff: {  	v55 =	vor.u32 v4, v53;
	v30 =	vld [tilespmem:s26+$0x15490]  }
0x600: {  	[tilespmem:v54+s16+$0x0] =	vst.idx.add.f32.msk $0xffff, v32  }
0x601: {  	v56 =	vor.u32 v7, v48;
	v32 =	vld [tilespmem:s26+$0x14CC0];
	_ =	sdelay $0x2  }
0x602: {  	[tilespmem:v55+s16+$0x0] =	vst.idx.add.f32.msk $0xffff, v30  }
0x603: {  	v57 =	vor.u32 v5, v53;
	v30 =	vld [tilespmem:s26+$0x154A0]  }
0x604: {  	[tilespmem:v56+s16+$0x0] =	vst.idx.add.f32.msk $0xffff, v32  }
0x605: {  	v58 =	vor.u32 v8, v48;
	v32 =	vld [tilespmem:s26+$0x14CD0];
	_ =	sdelay $0x2  }
0x606: {  	[tilespmem:v57+s16+$0x0] =	vst.idx.add.f32.msk $0xffff, v30  }
0x607: {  	v59 =	vor.u32 v6, v53;
	v30 =	vld [tilespmem:s26+$0x154B0]  }
0x608: {  	[tilespmem:v58+s16+$0x0] =	vst.idx.add.f32.msk $0xffff, v32  }
0x609: {  	v60 =	vor.u32 v9, v48;
	v32 =	vld [tilespmem:s26+$0x14CE0];
	_ =	sdelay $0x2  }
0x60a: {  	[tilespmem:v59+s16+$0x0] =	vst.idx.add.f32.msk $0xffff, v30  }
0x60b: {  	v61 =	vor.u32 v7, v53;
	v30 =	vld [tilespmem:s26+$0x154C0]  }
0x60c: {  	[tilespmem:v60+s16+$0x0] =	vst.idx.add.f32.msk $0xffff, v32  }
0x60d: {  	v28 =	vor.u32 v10, v48;
	v32 =	vld [tilespmem:s26+$0x14CF0];
	_ =	sdelay $0x2  }
0x60e: {  	v63 =	vperm.xlane v26, v21;
	[tilespmem:v61+s16+$0x0] =	vst.idx.add.f32.msk $0xffff, v30  }
0x60f: {  	v62 =	vor.u32 v8, v53;
	v30 =	vld [tilespmem:s26+$0x154D0]  }
0x610: {  	v36 =	vshll.u32 v63, $0x7;
	[tilespmem:v28+s16+$0x0] =	vst.idx.add.f32.msk $0xffff, v32  }
0x611: {  	v33 =	vor.u32 v0, v36;
	v32 =	vld [tilespmem:s26+$0x14D00];
	_ =	sdelay $0x2  }
0x612: {  	[tilespmem:v62+s16+$0x0] =	vst.idx.add.f32.msk $0xffff, v30  }
0x613: {  	v37 =	vor.u32 v9, v53;
	v30 =	vld [tilespmem:s26+$0x154E0]  }
0x614: {  	[tilespmem:v33+s16+$0x0] =	vst.idx.add.f32.msk $0xffff, v32  }
0x615: {  	v38 =	vor.u32 v4, v36;
	v32 =	vld [tilespmem:s26+$0x14D10];
	_ =	sdelay $0x2  }
0x616: {  	[tilespmem:v37+s16+$0x0] =	vst.idx.add.f32.msk $0xffff, v30  }
0x617: {  	v29 =	vor.u32 v10, v53;
	v30 =	vld [tilespmem:s26+$0x154F0]  }
0x618: {  	[tilespmem:v38+s16+$0x0] =	vst.idx.add.f32.msk $0xffff, v32  }
0x619: {  	v40 =	vor.u32 v5, v36;
	v32 =	vld [tilespmem:s26+$0x14D20]  }
0x61a: {  	v39 =	vperm.xlane v27, v21;
	_ =	sdelay $0x1  }
0x61b: {  	v41 =	vshll.u32 v39, $0x7;
	[tilespmem:v29+s16+$0x0] =	vst.idx.add.f32.msk $0xffff, v30  }
0x61c: {  	v31 =	vor.u32 v0, v41;
	v30 =	vld [tilespmem:s26+$0x15500]  }
0x61d: {  	[tilespmem:v40+s16+$0x0] =	vst.idx.add.f32.msk $0xffff, v32  }
0x61e: {  	v42 =	vor.u32 v6, v36;
	v32 =	vld [tilespmem:s26+$0x14D30];
	_ =	sdelay $0x2  }
0x61f: {  	[tilespmem:v31+s16+$0x0] =	vst.idx.add.f32.msk $0xffff, v30  }
0x620: {  	v43 =	vor.u32 v4, v41;
	v30 =	vld [tilespmem:s26+$0x15510]  }
0x621: {  	[tilespmem:v42+s16+$0x0] =	vst.idx.add.f32.msk $0xffff, v32  }
0x622: {  	v44 =	vor.u32 v7, v36;
	v32 =	vld [tilespmem:s26+$0x14D40];
	_ =	sdelay $0x2  }
0x623: {  	[tilespmem:v43+s16+$0x0] =	vst.idx.add.f32.msk $0xffff, v30  }
0x624: {  	v45 =	vor.u32 v5, v41;
	v30 =	vld [tilespmem:s26+$0x15520]  }
0x625: {  	[tilespmem:v44+s16+$0x0] =	vst.idx.add.f32.msk $0xffff, v32  }
0x626: {  	v46 =	vor.u32 v8, v36;
	v32 =	vld [tilespmem:s26+$0x14D50];
	_ =	sdelay $0x2  }
0x627: {  	[tilespmem:v45+s16+$0x0] =	vst.idx.add.f32.msk $0xffff, v30  }
0x628: {  	v47 =	vor.u32 v6, v41;
	v30 =	vld [tilespmem:s26+$0x15530]  }
0x629: {  	[tilespmem:v46+s16+$0x0] =	vst.idx.add.f32.msk $0xffff, v32  }
0x62a: {  	v48 =	vor.u32 v9, v36;
	v32 =	vld [tilespmem:s26+$0x14D60];
	_ =	sdelay $0x2  }
0x62b: {  	[tilespmem:v47+s16+$0x0] =	vst.idx.add.f32.msk $0xffff, v30  }
0x62c: {  	v49 =	vor.u32 v7, v41;
	v30 =	vld [tilespmem:s26+$0x15540]  }
0x62d: {  	[tilespmem:v48+s16+$0x0] =	vst.idx.add.f32.msk $0xffff, v32  }
0x62e: {  	v28 =	vor.u32 v10, v36;
	v32 =	vld [tilespmem:s26+$0x14D70];
	_ =	sdelay $0x2  }
0x62f: {  	v51 =	vperm.xlane v26, v22;
	[tilespmem:v49+s16+$0x0] =	vst.idx.add.f32.msk $0xffff, v30  }
0x630: {  	v50 =	vor.u32 v8, v41;
	v30 =	vld [tilespmem:s26+$0x15550]  }
0x631: {  	v52 =	vshll.u32 v51, $0x7;
	[tilespmem:v28+s16+$0x0] =	vst.idx.add.f32.msk $0xffff, v32  }
0x632: {  	v33 =	vor.u32 v0, v52;
	v32 =	vld [tilespmem:s26+$0x14D80];
	_ =	sdelay $0x2  }
0x633: {  	[tilespmem:v50+s16+$0x0] =	vst.idx.add.f32.msk $0xffff, v30  }
0x634: {  	v53 =	vor.u32 v9, v41;
	v30 =	vld [tilespmem:s26+$0x15560]  }
0x635: {  	[tilespmem:v33+s16+$0x0] =	vst.idx.add.f32.msk $0xffff, v32  }
0x636: {  	v54 =	vor.u32 v4, v52;
	v32 =	vld [tilespmem:s26+$0x14D90];
	_ =	sdelay $0x2  }
0x637: {  	[tilespmem:v53+s16+$0x0] =	vst.idx.add.f32.msk $0xffff, v30  }
0x638: {  	v29 =	vor.u32 v10, v41;
	v30 =	vld [tilespmem:s26+$0x15570]  }
0x639: {  	[tilespmem:v54+s16+$0x0] =	vst.idx.add.f32.msk $0xffff, v32  }
0x63a: {  	v56 =	vor.u32 v5, v52;
	v32 =	vld [tilespmem:s26+$0x14DA0]  }
0x63b: {  	v55 =	vperm.xlane v27, v22;
	_ =	sdelay $0x1  }
0x63c: {  	v57 =	vshll.u32 v55, $0x7;
	[tilespmem:v29+s16+$0x0] =	vst.idx.add.f32.msk $0xffff, v30  }
0x63d: {  	v31 =	vor.u32 v0, v57;
	v30 =	vld [tilespmem:s26+$0x15580]  }
0x63e: {  	[tilespmem:v56+s16+$0x0] =	vst.idx.add.f32.msk $0xffff, v32  }
0x63f: {  	v58 =	vor.u32 v6, v52;
	v32 =	vld [tilespmem:s26+$0x14DB0];
	_ =	sdelay $0x2  }
0x640: {  	[tilespmem:v31+s16+$0x0] =	vst.idx.add.f32.msk $0xffff, v30  }
0x641: {  	v59 =	vor.u32 v4, v57;
	v30 =	vld [tilespmem:s26+$0x15590]  }
0x642: {  	[tilespmem:v58+s16+$0x0] =	vst.idx.add.f32.msk $0xffff, v32  }
0x643: {  	v60 =	vor.u32 v7, v52;
	v32 =	vld [tilespmem:s26+$0x14DC0];
	_ =	sdelay $0x2  }
0x644: {  	[tilespmem:v59+s16+$0x0] =	vst.idx.add.f32.msk $0xffff, v30  }
0x645: {  	v61 =	vor.u32 v5, v57;
	v30 =	vld [tilespmem:s26+$0x155A0]  }
0x646: {  	[tilespmem:v60+s16+$0x0] =	vst.idx.add.f32.msk $0xffff, v32  }
0x647: {  	v62 =	vor.u32 v8, v52;
	v32 =	vld [tilespmem:s26+$0x14DD0];
	_ =	sdelay $0x2  }
0x648: {  	[tilespmem:v61+s16+$0x0] =	vst.idx.add.f32.msk $0xffff, v30  }
0x649: {  	v63 =	vor.u32 v6, v57;
	v30 =	vld [tilespmem:s26+$0x155B0]  }
0x64a: {  	[tilespmem:v62+s16+$0x0] =	vst.idx.add.f32.msk $0xffff, v32  }
0x64b: {  	v36 =	vor.u32 v9, v52;
	v32 =	vld [tilespmem:s26+$0x14DE0];
	_ =	sdelay $0x2  }
0x64c: {  	[tilespmem:v63+s16+$0x0] =	vst.idx.add.f32.msk $0xffff, v30  }
0x64d: {  	v37 =	vor.u32 v7, v57;
	v30 =	vld [tilespmem:s26+$0x155C0]  }
0x64e: {  	[tilespmem:v36+s16+$0x0] =	vst.idx.add.f32.msk $0xffff, v32  }
0x64f: {  	v28 =	vor.u32 v10, v52;
	v32 =	vld [tilespmem:s26+$0x14DF0];
	_ =	sdelay $0x2  }
0x650: {  	v39 =	vperm.xlane v26, v23;
	[tilespmem:v37+s16+$0x0] =	vst.idx.add.f32.msk $0xffff, v30  }
0x651: {  	v38 =	vor.u32 v8, v57;
	v30 =	vld [tilespmem:s26+$0x155D0]  }
0x652: {  	v40 =	vshll.u32 v39, $0x7;
	[tilespmem:v28+s16+$0x0] =	vst.idx.add.f32.msk $0xffff, v32  }
0x653: {  	v33 =	vor.u32 v0, v40;
	v32 =	vld [tilespmem:s26+$0x14E00];
	_ =	sdelay $0x2  }
0x654: {  	[tilespmem:v38+s16+$0x0] =	vst.idx.add.f32.msk $0xffff, v30  }
0x655: {  	v41 =	vor.u32 v9, v57;
	v30 =	vld [tilespmem:s26+$0x155E0]  }
0x656: {  	[tilespmem:v33+s16+$0x0] =	vst.idx.add.f32.msk $0xffff, v32  }
0x657: {  	v42 =	vor.u32 v4, v40;
	v32 =	vld [tilespmem:s26+$0x14E10];
	_ =	sdelay $0x2  }
0x658: {  	[tilespmem:v41+s16+$0x0] =	vst.idx.add.f32.msk $0xffff, v30  }
0x659: {  	v29 =	vor.u32 v10, v57;
	v30 =	vld [tilespmem:s26+$0x155F0]  }
0x65a: {  	[tilespmem:v42+s16+$0x0] =	vst.idx.add.f32.msk $0xffff, v32  }
0x65b: {  	v44 =	vor.u32 v5, v40;
	v32 =	vld [tilespmem:s26+$0x14E20]  }
0x65c: {  	v43 =	vperm.xlane v27, v23;
	_ =	sdelay $0x1  }
0x65d: {  	v45 =	vshll.u32 v43, $0x7;
	[tilespmem:v29+s16+$0x0] =	vst.idx.add.f32.msk $0xffff, v30  }
0x65e: {  	v31 =	vor.u32 v0, v45;
	v30 =	vld [tilespmem:s26+$0x15600]  }
0x65f: {  	[tilespmem:v44+s16+$0x0] =	vst.idx.add.f32.msk $0xffff, v32  }
0x660: {  	v46 =	vor.u32 v6, v40;
	v32 =	vld [tilespmem:s26+$0x14E30];
	_ =	sdelay $0x2  }
0x661: {  	[tilespmem:v31+s16+$0x0] =	vst.idx.add.f32.msk $0xffff, v30  }
0x662: {  	v47 =	vor.u32 v4, v45;
	v30 =	vld [tilespmem:s26+$0x15610]  }
0x663: {  	[tilespmem:v46+s16+$0x0] =	vst.idx.add.f32.msk $0xffff, v32  }
0x664: {  	v48 =	vor.u32 v7, v40;
	v32 =	vld [tilespmem:s26+$0x14E40];
	_ =	sdelay $0x2  }
0x665: {  	[tilespmem:v47+s16+$0x0] =	vst.idx.add.f32.msk $0xffff, v30  }
0x666: {  	v49 =	vor.u32 v5, v45;
	v30 =	vld [tilespmem:s26+$0x15620]  }
0x667: {  	[tilespmem:v48+s16+$0x0] =	vst.idx.add.f32.msk $0xffff, v32  }
0x668: {  	v50 =	vor.u32 v8, v40;
	v32 =	vld [tilespmem:s26+$0x14E50];
	_ =	sdelay $0x2  }
0x669: {  	[tilespmem:v49+s16+$0x0] =	vst.idx.add.f32.msk $0xffff, v30  }
0x66a: {  	v51 =	vor.u32 v6, v45;
	v30 =	vld [tilespmem:s26+$0x15630]  }
0x66b: {  	[tilespmem:v50+s16+$0x0] =	vst.idx.add.f32.msk $0xffff, v32  }
0x66c: {  	v52 =	vor.u32 v9, v40;
	v32 =	vld [tilespmem:s26+$0x14E60];
	_ =	sdelay $0x2  }
0x66d: {  	[tilespmem:v51+s16+$0x0] =	vst.idx.add.f32.msk $0xffff, v30  }
0x66e: {  	v53 =	vor.u32 v7, v45;
	v30 =	vld [tilespmem:s26+$0x15640]  }
0x66f: {  	[tilespmem:v52+s16+$0x0] =	vst.idx.add.f32.msk $0xffff, v32  }
0x670: {  	v28 =	vor.u32 v10, v40;
	v32 =	vld [tilespmem:s26+$0x14E70];
	_ =	sdelay $0x2  }
0x671: {  	v26 =	vperm.xlane v26, v24;
	[tilespmem:v53+s16+$0x0] =	vst.idx.add.f32.msk $0xffff, v30  }
0x672: {  	v54 =	vor.u32 v8, v45;
	v30 =	vld [tilespmem:s26+$0x15650]  }
0x673: {  	v55 =	vshll.u32 v26, $0x7;
	[tilespmem:v28+s16+$0x0] =	vst.idx.add.f32.msk $0xffff, v32  }
0x674: {  	v56 =	vor.u32 v0, v55;
	v26 =	vld [tilespmem:s26+$0x14E80];
	_ =	sdelay $0x2  }
0x675: {  	[tilespmem:v54+s16+$0x0] =	vst.idx.add.f32.msk $0xffff, v30  }
0x676: {  	v57 =	vor.u32 v9, v45;
	v30 =	vld [tilespmem:s26+$0x15660]  }
0x677: {  	[tilespmem:v56+s16+$0x0] =	vst.idx.add.f32.msk $0xffff, v26  }
0x678: {  	v58 =	vor.u32 v4, v55;
	v26 =	vld [tilespmem:s26+$0x14E90];
	_ =	sdelay $0x2  }
0x679: {  	[tilespmem:v57+s16+$0x0] =	vst.idx.add.f32.msk $0xffff, v30  }
0x67a: {  	v29 =	vor.u32 v10, v45;
	v30 =	vld [tilespmem:s26+$0x15670]  }
0x67b: {  	s31 =	sor.u32 $0x20, s28;
	[tilespmem:v58+s16+$0x0] =	vst.idx.add.f32.msk $0xffff, v26  }
0x67c: {  	v26 =	vld.idx.msk [tilespmem:v25+s31+$0x0 ss:$0x1], $0xffff  }
0x67d: {  	v27 =	vperm.xlane v27, v24;
	_ =	sdelay $0x1  }
0x67e: {  	v27 =	vshll.u32 v27, $0x7;
	[tilespmem:v29+s16+$0x0] =	vst.idx.add.f32.msk $0xffff, v30  }
0x67f: {  	v59 =	vor.u32 v0, v27;
	v29 =	vld [tilespmem:s26+$0x15680]  }
0x680: {  	v63 =	vperm.xlane v26, v2  }
0x681: {  	s29 =	sshll.u32 s31, $0x7;
	v61 =	vor.u32 v5, v55;
	v60 =	vld [tilespmem:s26+$0x14EA0]  }
0x682: {  	s29 =	sand.u32 $0x3FFFF800, s29;
	v33 =	vshll.u32 v63, $0x7  }
0x683: {  	v34 =	vld [tilespmem:s29+$0x14700];
	v35 =	vor.u32 v0, v33  }
0x684: {  	[tilespmem:v59+s16+$0x0] =	vst.idx.add.f32.msk $0xffff, v29  }
0x685: {  	v62 =	vor.u32 v4, v27;
	v29 =	vld [tilespmem:s26+$0x15690]  }
0x686: {  	[tilespmem:v61+s16+$0x0] =	vst.idx.add.f32.msk $0xffff, v60  }
0x687: {  	v31 =	vld [tilespmem:s26+$0x14EB0]  }
0x688: {  	v36 =	vor.u32 v6, v55;
	[tilespmem:v35+s16+$0x0] =	vst.idx.add.f32.msk $0xffff, v34  }
0x689: {  	v39 =	vor.u32 v4, v33;
	v38 =	vld [tilespmem:s29+$0x14710]  }
0x68a: {  	[tilespmem:v62+s16+$0x0] =	vst.idx.add.f32.msk $0xffff, v29  }
0x68b: {  	v37 =	vor.u32 v5, v27;
	v29 =	vld [tilespmem:s26+$0x156A0];
	_ =	sdelay $0x1  }
0x68c: {  	[tilespmem:v36+s16+$0x0] =	vst.idx.add.f32.msk $0xffff, v31  }
0x68d: {  	[tilespmem:v39+s16+$0x0] =	vst.idx.add.f32.msk $0xffff, v38  }
0x68e: {  	v43 =	vor.u32 v5, v33;
	v31 =	vld [tilespmem:s29+$0x14720]  }
0x68f: {  	[tilespmem:v37+s16+$0x0] =	vst.idx.add.f32.msk $0xffff, v29  }
0x690: {  	v42 =	vor.u32 v6, v27;
	v29 =	vld [tilespmem:s26+$0x156B0];
	_ =	sdelay $0x1  }
0x691: {  	v41 =	vor.u32 v7, v55;
	v40 =	vld [tilespmem:s26+$0x14EC0]  }
0x692: {  	[tilespmem:v43+s16+$0x0] =	vst.idx.add.f32.msk $0xffff, v31  }
0x693: {  	v46 =	vor.u32 v6, v33;
	v31 =	vld [tilespmem:s29+$0x14730]  }
0x694: {  	[tilespmem:v42+s16+$0x0] =	vst.idx.add.f32.msk $0xffff, v29  }
0x695: {  	v44 =	vor.u32 v7, v27;
	v29 =	vld [tilespmem:s26+$0x156C0]  }
0x696: {  	[tilespmem:v41+s16+$0x0] =	vst.idx.add.f32.msk $0xffff, v40  }
0x697: {  	v45 =	vor.u32 v8, v55;
	v34 =	vld [tilespmem:s26+$0x14ED0]  }
0x698: {  	[tilespmem:v46+s16+$0x0] =	vst.idx.add.f32.msk $0xffff, v31  }
0x699: {  	v48 =	vor.u32 v7, v33;
	v31 =	vld [tilespmem:s29+$0x14740]  }
0x69a: {  	[tilespmem:v44+s16+$0x0] =	vst.idx.add.f32.msk $0xffff, v29  }
0x69b: {  	v47 =	vor.u32 v8, v27;
	v29 =	vld [tilespmem:s26+$0x156D0]  }
0x69c: {  	[tilespmem:v45+s16+$0x0] =	vst.idx.add.f32.msk $0xffff, v34  }
0x69d: {  	v34 =	vld [tilespmem:s26+$0x14EE0]  }
0x69e: {  	v49 =	vor.u32 v9, v55;
	[tilespmem:v48+s16+$0x0] =	vst.idx.add.f32.msk $0xffff, v31  }
0x69f: {  	v31 =	vld [tilespmem:s29+$0x14750]  }
0x6a0: {  	v51 =	vor.u32 v8, v33;
	[tilespmem:v47+s16+$0x0] =	vst.idx.add.f32.msk $0xffff, v29  }
0x6a1: {  	v50 =	vor.u32 v9, v27;
	v29 =	vld [tilespmem:s26+$0x156E0];
	_ =	sdelay $0x1  }
0x6a2: {  	[tilespmem:v49+s16+$0x0] =	vst.idx.add.f32.msk $0xffff, v34  }
0x6a3: {  	v52 =	vld [tilespmem:s26+$0x14EF0]  }
0x6a4: {  	[tilespmem:v51+s16+$0x0] =	vst.idx.add.f32.msk $0xffff, v31  }
0x6a5: {  	v28 =	vor.u32 v10, v55;
	[tilespmem:v50+s16+$0x0] =	vst.idx.add.f32.msk $0xffff, v29  }
0x6a6: {  	v27 =	vor.u32 v10, v27;
	v30 =	vld [tilespmem:s26+$0x156F0]  }
0x6a7: {  	v53 =	vor.u32 v9, v33;
	v31 =	vld [tilespmem:s29+$0x14760];
	_ =	sdelay $0x2  }
0x6a8: {  	[tilespmem:v28+s16+$0x0] =	vst.idx.add.f32.msk $0xffff, v52  }
0x6a9: {  	[tilespmem:v27+s16+$0x0] =	vst.idx.add.f32.msk $0xffff, v30  }
0x6aa: {  	s28 =	sor.u32 $0x30, s28;
	[tilespmem:v53+s16+$0x0] =	vst.idx.add.f32.msk $0xffff, v31  }
0x6ab: {  	v27 =	vld.idx.msk [tilespmem:v25+s28+$0x0 ss:$0x1], $0xffff;
	_ =	sdelay $0x4  }
0x6ac: {  	v54 =	vperm.xlane v27, v2  }
0x6ad: {  	s28 =	sshll.u32 s28, $0x7  }
0x6ae: {  	s28 =	sand.u32 $0x3FFFF800, s28;
	v28 =	vshll.u32 v54, $0x7  }
0x6af: {  	v55 =	vld [tilespmem:s28+$0x14700];
	v56 =	vor.u32 v0, v28;
	_ =	sdelay $0x4  }
0x6b0: {  	[tilespmem:v56+s16+$0x0] =	vst.idx.add.f32.msk $0xffff, v55  }
0x6b1: {  	v57 =	vor.u32 v4, v28;
	v29 =	vld [tilespmem:s28+$0x14710];
	_ =	sdelay $0x4  }
0x6b2: {  	[tilespmem:v57+s16+$0x0] =	vst.idx.add.f32.msk $0xffff, v29  }
0x6b3: {  	v58 =	vor.u32 v5, v28;
	v29 =	vld [tilespmem:s28+$0x14720];
	_ =	sdelay $0x4  }
0x6b4: {  	[tilespmem:v58+s16+$0x0] =	vst.idx.add.f32.msk $0xffff, v29  }
0x6b5: {  	v59 =	vor.u32 v6, v28;
	v29 =	vld [tilespmem:s28+$0x14730];
	_ =	sdelay $0x4  }
0x6b6: {  	[tilespmem:v59+s16+$0x0] =	vst.idx.add.f32.msk $0xffff, v29  }
0x6b7: {  	v60 =	vor.u32 v7, v28;
	v29 =	vld [tilespmem:s28+$0x14740];
	_ =	sdelay $0x4  }
0x6b8: {  	[tilespmem:v60+s16+$0x0] =	vst.idx.add.f32.msk $0xffff, v29  }
0x6b9: {  	v61 =	vor.u32 v8, v28;
	v29 =	vld [tilespmem:s28+$0x14750];
	_ =	sdelay $0x4  }
0x6ba: {  	[tilespmem:v61+s16+$0x0] =	vst.idx.add.f32.msk $0xffff, v29  }
0x6bb: {  	v62 =	vor.u32 v9, v28;
	v29 =	vld [tilespmem:s28+$0x14760];
	_ =	sdelay $0x3  }
0x6bc: {  	v63 =	vor.u32 v10, v33;
	v31 =	vld [tilespmem:s29+$0x14770]  }
0x6bd: {  	[tilespmem:v62+s16+$0x0] =	vst.idx.add.f32.msk $0xffff, v29  }
0x6be: {  	v28 =	vor.u32 v10, v28;
	v29 =	vld [tilespmem:s28+$0x14770]  }
0x6bf: {  	v36 =	vperm.xlane v26, v11;
	_ =	sdelay $0x1  }
0x6c0: {  	v30 =	vshll.u32 v36, $0x7;
	[tilespmem:v63+s16+$0x0] =	vst.idx.add.f32.msk $0xffff, v31;
	v37 =	vperm.xlane v27, v11  }
0x6c1: {  	v38 =	vor.u32 v0, v30;
	v32 =	vld [tilespmem:s26+$0x15780]  }
0x6c2: {  	v39 =	vshll.u32 v37, $0x7;
	[tilespmem:v28+s16+$0x0] =	vst.idx.add.f32.msk $0xffff, v29  }
0x6c3: {  	v31 =	vor.u32 v0, v39;
	v29 =	vld [tilespmem:s26+$0x15F80];
	_ =	sdelay $0x2  }
0x6c4: {  	[tilespmem:v38+s16+$0x0] =	vst.idx.add.f32.msk $0xffff, v32  }
0x6c5: {  	v40 =	vor.u32 v4, v30;
	v32 =	vld [tilespmem:s26+$0x15790]  }
0x6c6: {  	[tilespmem:v31+s16+$0x0] =	vst.idx.add.f32.msk $0xffff, v29  }
0x6c7: {  	v41 =	vor.u32 v4, v39;
	v29 =	vld [tilespmem:s26+$0x15F90];
	_ =	sdelay $0x2  }
0x6c8: {  	[tilespmem:v40+s16+$0x0] =	vst.idx.add.f32.msk $0xffff, v32  }
0x6c9: {  	v42 =	vor.u32 v5, v30;
	v32 =	vld [tilespmem:s26+$0x157A0]  }
0x6ca: {  	[tilespmem:v41+s16+$0x0] =	vst.idx.add.f32.msk $0xffff, v29  }
0x6cb: {  	v43 =	vor.u32 v5, v39;
	v29 =	vld [tilespmem:s26+$0x15FA0];
	_ =	sdelay $0x2  }
0x6cc: {  	[tilespmem:v42+s16+$0x0] =	vst.idx.add.f32.msk $0xffff, v32  }
0x6cd: {  	v44 =	vor.u32 v6, v30;
	v32 =	vld [tilespmem:s26+$0x157B0]  }
0x6ce: {  	[tilespmem:v43+s16+$0x0] =	vst.idx.add.f32.msk $0xffff, v29  }
0x6cf: {  	v45 =	vor.u32 v6, v39;
	v29 =	vld [tilespmem:s26+$0x15FB0];
	_ =	sdelay $0x2  }
0x6d0: {  	[tilespmem:v44+s16+$0x0] =	vst.idx.add.f32.msk $0xffff, v32  }
0x6d1: {  	v46 =	vor.u32 v7, v30;
	v32 =	vld [tilespmem:s26+$0x157C0]  }
0x6d2: {  	[tilespmem:v45+s16+$0x0] =	vst.idx.add.f32.msk $0xffff, v29  }
0x6d3: {  	v47 =	vor.u32 v7, v39;
	v29 =	vld [tilespmem:s26+$0x15FC0];
	_ =	sdelay $0x2  }
0x6d4: {  	[tilespmem:v46+s16+$0x0] =	vst.idx.add.f32.msk $0xffff, v32  }
0x6d5: {  	v48 =	vor.u32 v8, v30;
	v32 =	vld [tilespmem:s26+$0x157D0]  }
0x6d6: {  	[tilespmem:v47+s16+$0x0] =	vst.idx.add.f32.msk $0xffff, v29  }
0x6d7: {  	v49 =	vor.u32 v8, v39;
	v29 =	vld [tilespmem:s26+$0x15FD0];
	_ =	sdelay $0x2  }
0x6d8: {  	[tilespmem:v48+s16+$0x0] =	vst.idx.add.f32.msk $0xffff, v32  }
0x6d9: {  	v50 =	vor.u32 v9, v30;
	v32 =	vld [tilespmem:s26+$0x157E0]  }
0x6da: {  	[tilespmem:v49+s16+$0x0] =	vst.idx.add.f32.msk $0xffff, v29  }
0x6db: {  	v51 =	vor.u32 v9, v39;
	v29 =	vld [tilespmem:s26+$0x15FE0];
	_ =	sdelay $0x2  }
0x6dc: {  	[tilespmem:v50+s16+$0x0] =	vst.idx.add.f32.msk $0xffff, v32  }
0x6dd: {  	v30 =	vor.u32 v10, v30;
	v32 =	vld [tilespmem:s26+$0x157F0]  }
0x6de: {  	[tilespmem:v51+s16+$0x0] =	vst.idx.add.f32.msk $0xffff, v29  }
0x6df: {  	v28 =	vor.u32 v10, v39;
	v29 =	vld [tilespmem:s26+$0x15FF0]  }
0x6e0: {  	v52 =	vperm.xlane v26, v12;
	_ =	sdelay $0x1  }
0x6e1: {  	v53 =	vshll.u32 v52, $0x7;
	v54 =	vperm.xlane v27, v12;
	[tilespmem:v30+s16+$0x0] =	vst.idx.add.f32.msk $0xffff, v32  }
0x6e2: {  	v55 =	vor.u32 v0, v53;
	v32 =	vld [tilespmem:s26+$0x15800]  }
0x6e3: {  	v56 =	vshll.u32 v54, $0x7;
	[tilespmem:v28+s16+$0x0] =	vst.idx.add.f32.msk $0xffff, v29  }
0x6e4: {  	v31 =	vor.u32 v0, v56;
	v29 =	vld [tilespmem:s26+$0x16000];
	_ =	sdelay $0x2  }
0x6e5: {  	[tilespmem:v55+s16+$0x0] =	vst.idx.add.f32.msk $0xffff, v32  }
0x6e6: {  	v57 =	vor.u32 v4, v53;
	v32 =	vld [tilespmem:s26+$0x15810]  }
0x6e7: {  	[tilespmem:v31+s16+$0x0] =	vst.idx.add.f32.msk $0xffff, v29  }
0x6e8: {  	v58 =	vor.u32 v4, v56;
	v29 =	vld [tilespmem:s26+$0x16010];
	_ =	sdelay $0x2  }
0x6e9: {  	[tilespmem:v57+s16+$0x0] =	vst.idx.add.f32.msk $0xffff, v32  }
0x6ea: {  	v59 =	vor.u32 v5, v53;
	v32 =	vld [tilespmem:s26+$0x15820]  }
0x6eb: {  	[tilespmem:v58+s16+$0x0] =	vst.idx.add.f32.msk $0xffff, v29  }
0x6ec: {  	v60 =	vor.u32 v5, v56;
	v29 =	vld [tilespmem:s26+$0x16020];
	_ =	sdelay $0x2  }
0x6ed: {  	[tilespmem:v59+s16+$0x0] =	vst.idx.add.f32.msk $0xffff, v32  }
0x6ee: {  	v61 =	vor.u32 v6, v53;
	v32 =	vld [tilespmem:s26+$0x15830]  }
0x6ef: {  	[tilespmem:v60+s16+$0x0] =	vst.idx.add.f32.msk $0xffff, v29  }
0x6f0: {  	v62 =	vor.u32 v6, v56;
	v29 =	vld [tilespmem:s26+$0x16030];
	_ =	sdelay $0x2  }
0x6f1: {  	[tilespmem:v61+s16+$0x0] =	vst.idx.add.f32.msk $0xffff, v32  }
0x6f2: {  	v63 =	vor.u32 v7, v53;
	v32 =	vld [tilespmem:s26+$0x15840]  }
0x6f3: {  	[tilespmem:v62+s16+$0x0] =	vst.idx.add.f32.msk $0xffff, v29  }
0x6f4: {  	v36 =	vor.u32 v7, v56;
	v29 =	vld [tilespmem:s26+$0x16040];
	_ =	sdelay $0x2  }
0x6f5: {  	[tilespmem:v63+s16+$0x0] =	vst.idx.add.f32.msk $0xffff, v32  }
0x6f6: {  	v37 =	vor.u32 v8, v53;
	v32 =	vld [tilespmem:s26+$0x15850]  }
0x6f7: {  	[tilespmem:v36+s16+$0x0] =	vst.idx.add.f32.msk $0xffff, v29  }
0x6f8: {  	v38 =	vor.u32 v8, v56;
	v29 =	vld [tilespmem:s26+$0x16050];
	_ =	sdelay $0x2  }
0x6f9: {  	[tilespmem:v37+s16+$0x0] =	vst.idx.add.f32.msk $0xffff, v32  }
0x6fa: {  	v39 =	vor.u32 v9, v53;
	v32 =	vld [tilespmem:s26+$0x15860]  }
0x6fb: {  	[tilespmem:v38+s16+$0x0] =	vst.idx.add.f32.msk $0xffff, v29  }
0x6fc: {  	v40 =	vor.u32 v9, v56;
	v29 =	vld [tilespmem:s26+$0x16060];
	_ =	sdelay $0x2  }
0x6fd: {  	[tilespmem:v39+s16+$0x0] =	vst.idx.add.f32.msk $0xffff, v32  }
0x6fe: {  	v30 =	vor.u32 v10, v53;
	v32 =	vld [tilespmem:s26+$0x15870]  }
0x6ff: {  	[tilespmem:v40+s16+$0x0] =	vst.idx.add.f32.msk $0xffff, v29  }
0x700: {  	v28 =	vor.u32 v10, v56;
	v29 =	vld [tilespmem:s26+$0x16070]  }
0x701: {  	v41 =	vperm.xlane v26, v13;
	_ =	sdelay $0x1  }
0x702: {  	v42 =	vshll.u32 v41, $0x7;
	v43 =	vperm.xlane v27, v13;
	[tilespmem:v30+s16+$0x0] =	vst.idx.add.f32.msk $0xffff, v32  }
0x703: {  	v44 =	vor.u32 v0, v42;
	v32 =	vld [tilespmem:s26+$0x15880]  }
0x704: {  	v45 =	vshll.u32 v43, $0x7;
	[tilespmem:v28+s16+$0x0] =	vst.idx.add.f32.msk $0xffff, v29  }
0x705: {  	v31 =	vor.u32 v0, v45;
	v29 =	vld [tilespmem:s26+$0x16080];
	_ =	sdelay $0x2  }
0x706: {  	[tilespmem:v44+s16+$0x0] =	vst.idx.add.f32.msk $0xffff, v32  }
0x707: {  	v46 =	vor.u32 v4, v42;
	v32 =	vld [tilespmem:s26+$0x15890]  }
0x708: {  	[tilespmem:v31+s16+$0x0] =	vst.idx.add.f32.msk $0xffff, v29  }
0x709: {  	v47 =	vor.u32 v4, v45;
	v29 =	vld [tilespmem:s26+$0x16090];
	_ =	sdelay $0x2  }
0x70a: {  	[tilespmem:v46+s16+$0x0] =	vst.idx.add.f32.msk $0xffff, v32  }
0x70b: {  	v48 =	vor.u32 v5, v42;
	v32 =	vld [tilespmem:s26+$0x158A0]  }
0x70c: {  	[tilespmem:v47+s16+$0x0] =	vst.idx.add.f32.msk $0xffff, v29  }
0x70d: {  	v49 =	vor.u32 v5, v45;
	v29 =	vld [tilespmem:s26+$0x160A0];
	_ =	sdelay $0x2  }
0x70e: {  	[tilespmem:v48+s16+$0x0] =	vst.idx.add.f32.msk $0xffff, v32  }
0x70f: {  	v50 =	vor.u32 v6, v42;
	v32 =	vld [tilespmem:s26+$0x158B0]  }
0x710: {  	[tilespmem:v49+s16+$0x0] =	vst.idx.add.f32.msk $0xffff, v29  }
0x711: {  	v51 =	vor.u32 v6, v45;
	v29 =	vld [tilespmem:s26+$0x160B0];
	_ =	sdelay $0x2  }
0x712: {  	[tilespmem:v50+s16+$0x0] =	vst.idx.add.f32.msk $0xffff, v32  }
0x713: {  	v52 =	vor.u32 v7, v42;
	v32 =	vld [tilespmem:s26+$0x158C0]  }
0x714: {  	[tilespmem:v51+s16+$0x0] =	vst.idx.add.f32.msk $0xffff, v29  }
0x715: {  	v53 =	vor.u32 v7, v45;
	v29 =	vld [tilespmem:s26+$0x160C0];
	_ =	sdelay $0x2  }
0x716: {  	[tilespmem:v52+s16+$0x0] =	vst.idx.add.f32.msk $0xffff, v32  }
0x717: {  	v54 =	vor.u32 v8, v42;
	v32 =	vld [tilespmem:s26+$0x158D0]  }
0x718: {  	[tilespmem:v53+s16+$0x0] =	vst.idx.add.f32.msk $0xffff, v29  }
0x719: {  	v55 =	vor.u32 v8, v45;
	v29 =	vld [tilespmem:s26+$0x160D0];
	_ =	sdelay $0x2  }
0x71a: {  	[tilespmem:v54+s16+$0x0] =	vst.idx.add.f32.msk $0xffff, v32  }
0x71b: {  	v56 =	vor.u32 v9, v42;
	v32 =	vld [tilespmem:s26+$0x158E0]  }
0x71c: {  	[tilespmem:v55+s16+$0x0] =	vst.idx.add.f32.msk $0xffff, v29  }
0x71d: {  	v57 =	vor.u32 v9, v45;
	v29 =	vld [tilespmem:s26+$0x160E0];
	_ =	sdelay $0x2  }
0x71e: {  	[tilespmem:v56+s16+$0x0] =	vst.idx.add.f32.msk $0xffff, v32  }
0x71f: {  	v30 =	vor.u32 v10, v42;
	v32 =	vld [tilespmem:s26+$0x158F0]  }
0x720: {  	[tilespmem:v57+s16+$0x0] =	vst.idx.add.f32.msk $0xffff, v29  }
0x721: {  	v28 =	vor.u32 v10, v45;
	v29 =	vld [tilespmem:s26+$0x160F0]  }
0x722: {  	v58 =	vperm.xlane v26, v14;
	_ =	sdelay $0x1  }
0x723: {  	v59 =	vshll.u32 v58, $0x7;
	v60 =	vperm.xlane v27, v14;
	[tilespmem:v30+s16+$0x0] =	vst.idx.add.f32.msk $0xffff, v32  }
0x724: {  	v61 =	vor.u32 v0, v59;
	v32 =	vld [tilespmem:s26+$0x15900]  }
0x725: {  	v62 =	vshll.u32 v60, $0x7;
	[tilespmem:v28+s16+$0x0] =	vst.idx.add.f32.msk $0xffff, v29  }
0x726: {  	v31 =	vor.u32 v0, v62;
	v29 =	vld [tilespmem:s26+$0x16100];
	_ =	sdelay $0x2  }
0x727: {  	[tilespmem:v61+s16+$0x0] =	vst.idx.add.f32.msk $0xffff, v32  }
0x728: {  	v63 =	vor.u32 v4, v59;
	v32 =	vld [tilespmem:s26+$0x15910]  }
0x729: {  	[tilespmem:v31+s16+$0x0] =	vst.idx.add.f32.msk $0xffff, v29  }
0x72a: {  	v36 =	vor.u32 v4, v62;
	v29 =	vld [tilespmem:s26+$0x16110];
	_ =	sdelay $0x2  }
0x72b: {  	[tilespmem:v63+s16+$0x0] =	vst.idx.add.f32.msk $0xffff, v32  }
0x72c: {  	v37 =	vor.u32 v5, v59;
	v32 =	vld [tilespmem:s26+$0x15920]  }
0x72d: {  	[tilespmem:v36+s16+$0x0] =	vst.idx.add.f32.msk $0xffff, v29  }
0x72e: {  	v38 =	vor.u32 v5, v62;
	v29 =	vld [tilespmem:s26+$0x16120];
	_ =	sdelay $0x2  }
0x72f: {  	[tilespmem:v37+s16+$0x0] =	vst.idx.add.f32.msk $0xffff, v32  }
0x730: {  	v39 =	vor.u32 v6, v59;
	v32 =	vld [tilespmem:s26+$0x15930]  }
0x731: {  	[tilespmem:v38+s16+$0x0] =	vst.idx.add.f32.msk $0xffff, v29  }
0x732: {  	v40 =	vor.u32 v6, v62;
	v29 =	vld [tilespmem:s26+$0x16130];
	_ =	sdelay $0x2  }
0x733: {  	[tilespmem:v39+s16+$0x0] =	vst.idx.add.f32.msk $0xffff, v32  }
0x734: {  	v41 =	vor.u32 v7, v59;
	v32 =	vld [tilespmem:s26+$0x15940]  }
0x735: {  	[tilespmem:v40+s16+$0x0] =	vst.idx.add.f32.msk $0xffff, v29  }
0x736: {  	v42 =	vor.u32 v7, v62;
	v29 =	vld [tilespmem:s26+$0x16140];
	_ =	sdelay $0x2  }
0x737: {  	[tilespmem:v41+s16+$0x0] =	vst.idx.add.f32.msk $0xffff, v32  }
0x738: {  	v43 =	vor.u32 v8, v59;
	v32 =	vld [tilespmem:s26+$0x15950]  }
0x739: {  	[tilespmem:v42+s16+$0x0] =	vst.idx.add.f32.msk $0xffff, v29  }
0x73a: {  	v44 =	vor.u32 v8, v62;
	v29 =	vld [tilespmem:s26+$0x16150];
	_ =	sdelay $0x2  }
0x73b: {  	[tilespmem:v43+s16+$0x0] =	vst.idx.add.f32.msk $0xffff, v32  }
0x73c: {  	v45 =	vor.u32 v9, v59;
	v32 =	vld [tilespmem:s26+$0x15960]  }
0x73d: {  	[tilespmem:v44+s16+$0x0] =	vst.idx.add.f32.msk $0xffff, v29  }
0x73e: {  	v46 =	vor.u32 v9, v62;
	v29 =	vld [tilespmem:s26+$0x16160];
	_ =	sdelay $0x2  }
0x73f: {  	[tilespmem:v45+s16+$0x0] =	vst.idx.add.f32.msk $0xffff, v32  }
0x740: {  	v30 =	vor.u32 v10, v59;
	v32 =	vld [tilespmem:s26+$0x15970]  }
0x741: {  	[tilespmem:v46+s16+$0x0] =	vst.idx.add.f32.msk $0xffff, v29  }
0x742: {  	v28 =	vor.u32 v10, v62;
	v29 =	vld [tilespmem:s26+$0x16170]  }
0x743: {  	v47 =	vperm.xlane v26, v15;
	_ =	sdelay $0x1  }
0x744: {  	v48 =	vshll.u32 v47, $0x7;
	v49 =	vperm.xlane v27, v15;
	[tilespmem:v30+s16+$0x0] =	vst.idx.add.f32.msk $0xffff, v32  }
0x745: {  	v50 =	vor.u32 v0, v48;
	v32 =	vld [tilespmem:s26+$0x15980]  }
0x746: {  	v51 =	vshll.u32 v49, $0x7;
	[tilespmem:v28+s16+$0x0] =	vst.idx.add.f32.msk $0xffff, v29  }
0x747: {  	v31 =	vor.u32 v0, v51;
	v29 =	vld [tilespmem:s26+$0x16180];
	_ =	sdelay $0x2  }
0x748: {  	[tilespmem:v50+s16+$0x0] =	vst.idx.add.f32.msk $0xffff, v32  }
0x749: {  	v52 =	vor.u32 v4, v48;
	v32 =	vld [tilespmem:s26+$0x15990]  }
0x74a: {  	[tilespmem:v31+s16+$0x0] =	vst.idx.add.f32.msk $0xffff, v29  }
0x74b: {  	v53 =	vor.u32 v4, v51;
	v29 =	vld [tilespmem:s26+$0x16190];
	_ =	sdelay $0x2  }
0x74c: {  	[tilespmem:v52+s16+$0x0] =	vst.idx.add.f32.msk $0xffff, v32  }
0x74d: {  	v54 =	vor.u32 v5, v48;
	v32 =	vld [tilespmem:s26+$0x159A0]  }
0x74e: {  	[tilespmem:v53+s16+$0x0] =	vst.idx.add.f32.msk $0xffff, v29  }
0x74f: {  	v55 =	vor.u32 v5, v51;
	v29 =	vld [tilespmem:s26+$0x161A0];
	_ =	sdelay $0x2  }
0x750: {  	[tilespmem:v54+s16+$0x0] =	vst.idx.add.f32.msk $0xffff, v32  }
0x751: {  	v56 =	vor.u32 v6, v48;
	v32 =	vld [tilespmem:s26+$0x159B0]  }
0x752: {  	[tilespmem:v55+s16+$0x0] =	vst.idx.add.f32.msk $0xffff, v29  }
0x753: {  	v57 =	vor.u32 v6, v51;
	v29 =	vld [tilespmem:s26+$0x161B0];
	_ =	sdelay $0x2  }
0x754: {  	[tilespmem:v56+s16+$0x0] =	vst.idx.add.f32.msk $0xffff, v32  }
0x755: {  	v58 =	vor.u32 v7, v48;
	v32 =	vld [tilespmem:s26+$0x159C0]  }
0x756: {  	[tilespmem:v57+s16+$0x0] =	vst.idx.add.f32.msk $0xffff, v29  }
0x757: {  	v59 =	vor.u32 v7, v51;
	v29 =	vld [tilespmem:s26+$0x161C0];
	_ =	sdelay $0x2  }
0x758: {  	[tilespmem:v58+s16+$0x0] =	vst.idx.add.f32.msk $0xffff, v32  }
0x759: {  	v60 =	vor.u32 v8, v48;
	v32 =	vld [tilespmem:s26+$0x159D0]  }
0x75a: {  	[tilespmem:v59+s16+$0x0] =	vst.idx.add.f32.msk $0xffff, v29  }
0x75b: {  	v61 =	vor.u32 v8, v51;
	v29 =	vld [tilespmem:s26+$0x161D0];
	_ =	sdelay $0x2  }
0x75c: {  	[tilespmem:v60+s16+$0x0] =	vst.idx.add.f32.msk $0xffff, v32  }
0x75d: {  	v62 =	vor.u32 v9, v48;
	v32 =	vld [tilespmem:s26+$0x159E0]  }
0x75e: {  	[tilespmem:v61+s16+$0x0] =	vst.idx.add.f32.msk $0xffff, v29  }
0x75f: {  	v63 =	vor.u32 v9, v51;
	v29 =	vld [tilespmem:s26+$0x161E0];
	_ =	sdelay $0x2  }
0x760: {  	[tilespmem:v62+s16+$0x0] =	vst.idx.add.f32.msk $0xffff, v32  }
0x761: {  	v30 =	vor.u32 v10, v48;
	v32 =	vld [tilespmem:s26+$0x159F0]  }
0x762: {  	[tilespmem:v63+s16+$0x0] =	vst.idx.add.f32.msk $0xffff, v29  }
0x763: {  	v28 =	vor.u32 v10, v51;
	v29 =	vld [tilespmem:s26+$0x161F0]  }
0x764: {  	v36 =	vperm.xlane v26, v16;
	_ =	sdelay $0x1  }
0x765: {  	v37 =	vshll.u32 v36, $0x7;
	v38 =	vperm.xlane v27, v16;
	[tilespmem:v30+s16+$0x0] =	vst.idx.add.f32.msk $0xffff, v32  }
0x766: {  	v39 =	vor.u32 v0, v37;
	v32 =	vld [tilespmem:s26+$0x15A00]  }
0x767: {  	v40 =	vshll.u32 v38, $0x7;
	[tilespmem:v28+s16+$0x0] =	vst.idx.add.f32.msk $0xffff, v29  }
0x768: {  	v31 =	vor.u32 v0, v40;
	v29 =	vld [tilespmem:s26+$0x16200];
	_ =	sdelay $0x2  }
0x769: {  	[tilespmem:v39+s16+$0x0] =	vst.idx.add.f32.msk $0xffff, v32  }
0x76a: {  	v41 =	vor.u32 v4, v37;
	v32 =	vld [tilespmem:s26+$0x15A10]  }
0x76b: {  	[tilespmem:v31+s16+$0x0] =	vst.idx.add.f32.msk $0xffff, v29  }
0x76c: {  	v42 =	vor.u32 v4, v40;
	v29 =	vld [tilespmem:s26+$0x16210];
	_ =	sdelay $0x2  }
0x76d: {  	[tilespmem:v41+s16+$0x0] =	vst.idx.add.f32.msk $0xffff, v32  }
0x76e: {  	v43 =	vor.u32 v5, v37;
	v32 =	vld [tilespmem:s26+$0x15A20]  }
0x76f: {  	[tilespmem:v42+s16+$0x0] =	vst.idx.add.f32.msk $0xffff, v29  }
0x770: {  	v44 =	vor.u32 v5, v40;
	v29 =	vld [tilespmem:s26+$0x16220];
	_ =	sdelay $0x2  }
0x771: {  	[tilespmem:v43+s16+$0x0] =	vst.idx.add.f32.msk $0xffff, v32  }
0x772: {  	v45 =	vor.u32 v6, v37;
	v32 =	vld [tilespmem:s26+$0x15A30]  }
0x773: {  	[tilespmem:v44+s16+$0x0] =	vst.idx.add.f32.msk $0xffff, v29  }
0x774: {  	v46 =	vor.u32 v6, v40;
	v29 =	vld [tilespmem:s26+$0x16230];
	_ =	sdelay $0x2  }
0x775: {  	[tilespmem:v45+s16+$0x0] =	vst.idx.add.f32.msk $0xffff, v32  }
0x776: {  	v47 =	vor.u32 v7, v37;
	v32 =	vld [tilespmem:s26+$0x15A40]  }
0x777: {  	[tilespmem:v46+s16+$0x0] =	vst.idx.add.f32.msk $0xffff, v29  }
0x778: {  	v48 =	vor.u32 v7, v40;
	v29 =	vld [tilespmem:s26+$0x16240];
	_ =	sdelay $0x2  }
0x779: {  	[tilespmem:v47+s16+$0x0] =	vst.idx.add.f32.msk $0xffff, v32  }
0x77a: {  	v49 =	vor.u32 v8, v37;
	v32 =	vld [tilespmem:s26+$0x15A50]  }
0x77b: {  	[tilespmem:v48+s16+$0x0] =	vst.idx.add.f32.msk $0xffff, v29  }
0x77c: {  	v50 =	vor.u32 v8, v40;
	v29 =	vld [tilespmem:s26+$0x16250];
	_ =	sdelay $0x2  }
0x77d: {  	[tilespmem:v49+s16+$0x0] =	vst.idx.add.f32.msk $0xffff, v32  }
0x77e: {  	v51 =	vor.u32 v9, v37;
	v32 =	vld [tilespmem:s26+$0x15A60]  }
0x77f: {  	[tilespmem:v50+s16+$0x0] =	vst.idx.add.f32.msk $0xffff, v29  }
0x780: {  	v52 =	vor.u32 v9, v40;
	v29 =	vld [tilespmem:s26+$0x16260];
	_ =	sdelay $0x2  }
0x781: {  	[tilespmem:v51+s16+$0x0] =	vst.idx.add.f32.msk $0xffff, v32  }
0x782: {  	v30 =	vor.u32 v10, v37;
	v32 =	vld [tilespmem:s26+$0x15A70]  }
0x783: {  	[tilespmem:v52+s16+$0x0] =	vst.idx.add.f32.msk $0xffff, v29  }
0x784: {  	v28 =	vor.u32 v10, v40;
	v29 =	vld [tilespmem:s26+$0x16270]  }
0x785: {  	v53 =	vperm.xlane v26, v3;
	_ =	sdelay $0x1  }
0x786: {  	v54 =	vshll.u32 v53, $0x7;
	v55 =	vperm.xlane v27, v3;
	[tilespmem:v30+s16+$0x0] =	vst.idx.add.f32.msk $0xffff, v32  }
0x787: {  	v56 =	vor.u32 v0, v54;
	v32 =	vld [tilespmem:s26+$0x15A80]  }
0x788: {  	v57 =	vshll.u32 v55, $0x7;
	[tilespmem:v28+s16+$0x0] =	vst.idx.add.f32.msk $0xffff, v29  }
0x789: {  	v31 =	vor.u32 v0, v57;
	v29 =	vld [tilespmem:s26+$0x16280];
	_ =	sdelay $0x2  }
0x78a: {  	[tilespmem:v56+s16+$0x0] =	vst.idx.add.f32.msk $0xffff, v32  }
0x78b: {  	v58 =	vor.u32 v4, v54;
	v32 =	vld [tilespmem:s26+$0x15A90]  }
0x78c: {  	[tilespmem:v31+s16+$0x0] =	vst.idx.add.f32.msk $0xffff, v29  }
0x78d: {  	v59 =	vor.u32 v4, v57;
	v29 =	vld [tilespmem:s26+$0x16290];
	_ =	sdelay $0x2  }
0x78e: {  	[tilespmem:v58+s16+$0x0] =	vst.idx.add.f32.msk $0xffff, v32  }
0x78f: {  	v60 =	vor.u32 v5, v54;
	v32 =	vld [tilespmem:s26+$0x15AA0]  }
0x790: {  	[tilespmem:v59+s16+$0x0] =	vst.idx.add.f32.msk $0xffff, v29  }
0x791: {  	v61 =	vor.u32 v5, v57;
	v29 =	vld [tilespmem:s26+$0x162A0];
	_ =	sdelay $0x2  }
0x792: {  	[tilespmem:v60+s16+$0x0] =	vst.idx.add.f32.msk $0xffff, v32  }
0x793: {  	v62 =	vor.u32 v6, v54;
	v32 =	vld [tilespmem:s26+$0x15AB0]  }
0x794: {  	[tilespmem:v61+s16+$0x0] =	vst.idx.add.f32.msk $0xffff, v29  }
0x795: {  	v63 =	vor.u32 v6, v57;
	v29 =	vld [tilespmem:s26+$0x162B0];
	_ =	sdelay $0x2  }
0x796: {  	[tilespmem:v62+s16+$0x0] =	vst.idx.add.f32.msk $0xffff, v32  }
0x797: {  	v36 =	vor.u32 v7, v54;
	v32 =	vld [tilespmem:s26+$0x15AC0]  }
0x798: {  	[tilespmem:v63+s16+$0x0] =	vst.idx.add.f32.msk $0xffff, v29  }
0x799: {  	v37 =	vor.u32 v7, v57;
	v29 =	vld [tilespmem:s26+$0x162C0];
	_ =	sdelay $0x2  }
0x79a: {  	[tilespmem:v36+s16+$0x0] =	vst.idx.add.f32.msk $0xffff, v32  }
0x79b: {  	v38 =	vor.u32 v8, v54;
	v32 =	vld [tilespmem:s26+$0x15AD0]  }
0x79c: {  	[tilespmem:v37+s16+$0x0] =	vst.idx.add.f32.msk $0xffff, v29  }
0x79d: {  	v39 =	vor.u32 v8, v57;
	v29 =	vld [tilespmem:s26+$0x162D0];
	_ =	sdelay $0x2  }
0x79e: {  	[tilespmem:v38+s16+$0x0] =	vst.idx.add.f32.msk $0xffff, v32  }
0x79f: {  	v40 =	vor.u32 v9, v54;
	v32 =	vld [tilespmem:s26+$0x15AE0]  }
0x7a0: {  	[tilespmem:v39+s16+$0x0] =	vst.idx.add.f32.msk $0xffff, v29  }
0x7a1: {  	v41 =	vor.u32 v9, v57;
	v29 =	vld [tilespmem:s26+$0x162E0];
	_ =	sdelay $0x2  }
0x7a2: {  	[tilespmem:v40+s16+$0x0] =	vst.idx.add.f32.msk $0xffff, v32  }
0x7a3: {  	v30 =	vor.u32 v10, v54;
	v32 =	vld [tilespmem:s26+$0x15AF0]  }
0x7a4: {  	[tilespmem:v41+s16+$0x0] =	vst.idx.add.f32.msk $0xffff, v29  }
0x7a5: {  	v28 =	vor.u32 v10, v57;
	v29 =	vld [tilespmem:s26+$0x162F0]  }
0x7a6: {  	v42 =	vperm.xlane v26, v17;
	_ =	sdelay $0x1  }
0x7a7: {  	v43 =	vshll.u32 v42, $0x7;
	v44 =	vperm.xlane v27, v17;
	[tilespmem:v30+s16+$0x0] =	vst.idx.add.f32.msk $0xffff, v32  }
0x7a8: {  	v45 =	vor.u32 v0, v43;
	v32 =	vld [tilespmem:s26+$0x15B00]  }
0x7a9: {  	v46 =	vshll.u32 v44, $0x7;
	[tilespmem:v28+s16+$0x0] =	vst.idx.add.f32.msk $0xffff, v29  }
0x7aa: {  	v31 =	vor.u32 v0, v46;
	v29 =	vld [tilespmem:s26+$0x16300];
	_ =	sdelay $0x2  }
0x7ab: {  	[tilespmem:v45+s16+$0x0] =	vst.idx.add.f32.msk $0xffff, v32  }
0x7ac: {  	v47 =	vor.u32 v4, v43;
	v32 =	vld [tilespmem:s26+$0x15B10]  }
0x7ad: {  	[tilespmem:v31+s16+$0x0] =	vst.idx.add.f32.msk $0xffff, v29  }
0x7ae: {  	v48 =	vor.u32 v4, v46;
	v29 =	vld [tilespmem:s26+$0x16310];
	_ =	sdelay $0x2  }
0x7af: {  	[tilespmem:v47+s16+$0x0] =	vst.idx.add.f32.msk $0xffff, v32  }
0x7b0: {  	v49 =	vor.u32 v5, v43;
	v32 =	vld [tilespmem:s26+$0x15B20]  }
0x7b1: {  	[tilespmem:v48+s16+$0x0] =	vst.idx.add.f32.msk $0xffff, v29  }
0x7b2: {  	v50 =	vor.u32 v5, v46;
	v29 =	vld [tilespmem:s26+$0x16320];
	_ =	sdelay $0x2  }
0x7b3: {  	[tilespmem:v49+s16+$0x0] =	vst.idx.add.f32.msk $0xffff, v32  }
0x7b4: {  	v51 =	vor.u32 v6, v43;
	v32 =	vld [tilespmem:s26+$0x15B30]  }
0x7b5: {  	[tilespmem:v50+s16+$0x0] =	vst.idx.add.f32.msk $0xffff, v29  }
0x7b6: {  	v52 =	vor.u32 v6, v46;
	v29 =	vld [tilespmem:s26+$0x16330];
	_ =	sdelay $0x2  }
0x7b7: {  	[tilespmem:v51+s16+$0x0] =	vst.idx.add.f32.msk $0xffff, v32  }
0x7b8: {  	v53 =	vor.u32 v7, v43;
	v32 =	vld [tilespmem:s26+$0x15B40]  }
0x7b9: {  	[tilespmem:v52+s16+$0x0] =	vst.idx.add.f32.msk $0xffff, v29  }
0x7ba: {  	v54 =	vor.u32 v7, v46;
	v29 =	vld [tilespmem:s26+$0x16340];
	_ =	sdelay $0x2  }
0x7bb: {  	[tilespmem:v53+s16+$0x0] =	vst.idx.add.f32.msk $0xffff, v32  }
0x7bc: {  	v55 =	vor.u32 v8, v43;
	v32 =	vld [tilespmem:s26+$0x15B50]  }
0x7bd: {  	[tilespmem:v54+s16+$0x0] =	vst.idx.add.f32.msk $0xffff, v29  }
0x7be: {  	v56 =	vor.u32 v8, v46;
	v29 =	vld [tilespmem:s26+$0x16350];
	_ =	sdelay $0x2  }
0x7bf: {  	[tilespmem:v55+s16+$0x0] =	vst.idx.add.f32.msk $0xffff, v32  }
0x7c0: {  	v57 =	vor.u32 v9, v43;
	v32 =	vld [tilespmem:s26+$0x15B60]  }
0x7c1: {  	[tilespmem:v56+s16+$0x0] =	vst.idx.add.f32.msk $0xffff, v29  }
0x7c2: {  	v58 =	vor.u32 v9, v46;
	v29 =	vld [tilespmem:s26+$0x16360];
	_ =	sdelay $0x2  }
0x7c3: {  	[tilespmem:v57+s16+$0x0] =	vst.idx.add.f32.msk $0xffff, v32  }
0x7c4: {  	v30 =	vor.u32 v10, v43;
	v32 =	vld [tilespmem:s26+$0x15B70]  }
0x7c5: {  	[tilespmem:v58+s16+$0x0] =	vst.idx.add.f32.msk $0xffff, v29  }
0x7c6: {  	v28 =	vor.u32 v10, v46;
	v29 =	vld [tilespmem:s26+$0x16370]  }
0x7c7: {  	v59 =	vperm.xlane v26, v18;
	_ =	sdelay $0x1  }
0x7c8: {  	v60 =	vshll.u32 v59, $0x7;
	v61 =	vperm.xlane v27, v18;
	[tilespmem:v30+s16+$0x0] =	vst.idx.add.f32.msk $0xffff, v32  }
0x7c9: {  	v62 =	vor.u32 v0, v60;
	v32 =	vld [tilespmem:s26+$0x15B80]  }
0x7ca: {  	v63 =	vshll.u32 v61, $0x7;
	[tilespmem:v28+s16+$0x0] =	vst.idx.add.f32.msk $0xffff, v29  }
0x7cb: {  	v31 =	vor.u32 v0, v63;
	v29 =	vld [tilespmem:s26+$0x16380];
	_ =	sdelay $0x2  }
0x7cc: {  	[tilespmem:v62+s16+$0x0] =	vst.idx.add.f32.msk $0xffff, v32  }
0x7cd: {  	v36 =	vor.u32 v4, v60;
	v32 =	vld [tilespmem:s26+$0x15B90]  }
0x7ce: {  	[tilespmem:v31+s16+$0x0] =	vst.idx.add.f32.msk $0xffff, v29  }
0x7cf: {  	v37 =	vor.u32 v4, v63;
	v29 =	vld [tilespmem:s26+$0x16390];
	_ =	sdelay $0x2  }
0x7d0: {  	[tilespmem:v36+s16+$0x0] =	vst.idx.add.f32.msk $0xffff, v32  }
0x7d1: {  	v38 =	vor.u32 v5, v60;
	v32 =	vld [tilespmem:s26+$0x15BA0]  }
0x7d2: {  	[tilespmem:v37+s16+$0x0] =	vst.idx.add.f32.msk $0xffff, v29  }
0x7d3: {  	v39 =	vor.u32 v5, v63;
	v29 =	vld [tilespmem:s26+$0x163A0];
	_ =	sdelay $0x2  }
0x7d4: {  	[tilespmem:v38+s16+$0x0] =	vst.idx.add.f32.msk $0xffff, v32  }
0x7d5: {  	v40 =	vor.u32 v6, v60;
	v32 =	vld [tilespmem:s26+$0x15BB0]  }
0x7d6: {  	[tilespmem:v39+s16+$0x0] =	vst.idx.add.f32.msk $0xffff, v29  }
0x7d7: {  	v41 =	vor.u32 v6, v63;
	v29 =	vld [tilespmem:s26+$0x163B0];
	_ =	sdelay $0x2  }
0x7d8: {  	[tilespmem:v40+s16+$0x0] =	vst.idx.add.f32.msk $0xffff, v32  }
0x7d9: {  	v42 =	vor.u32 v7, v60;
	v32 =	vld [tilespmem:s26+$0x15BC0]  }
0x7da: {  	[tilespmem:v41+s16+$0x0] =	vst.idx.add.f32.msk $0xffff, v29  }
0x7db: {  	v43 =	vor.u32 v7, v63;
	v29 =	vld [tilespmem:s26+$0x163C0];
	_ =	sdelay $0x2  }
0x7dc: {  	[tilespmem:v42+s16+$0x0] =	vst.idx.add.f32.msk $0xffff, v32  }
0x7dd: {  	v44 =	vor.u32 v8, v60;
	v32 =	vld [tilespmem:s26+$0x15BD0]  }
0x7de: {  	[tilespmem:v43+s16+$0x0] =	vst.idx.add.f32.msk $0xffff, v29  }
0x7df: {  	v45 =	vor.u32 v8, v63;
	v29 =	vld [tilespmem:s26+$0x163D0];
	_ =	sdelay $0x2  }
0x7e0: {  	[tilespmem:v44+s16+$0x0] =	vst.idx.add.f32.msk $0xffff, v32  }
0x7e1: {  	v46 =	vor.u32 v9, v60;
	v32 =	vld [tilespmem:s26+$0x15BE0]  }
0x7e2: {  	[tilespmem:v45+s16+$0x0] =	vst.idx.add.f32.msk $0xffff, v29  }
0x7e3: {  	v47 =	vor.u32 v9, v63;
	v29 =	vld [tilespmem:s26+$0x163E0];
	_ =	sdelay $0x2  }
0x7e4: {  	[tilespmem:v46+s16+$0x0] =	vst.idx.add.f32.msk $0xffff, v32  }
0x7e5: {  	v30 =	vor.u32 v10, v60;
	v32 =	vld [tilespmem:s26+$0x15BF0]  }
0x7e6: {  	[tilespmem:v47+s16+$0x0] =	vst.idx.add.f32.msk $0xffff, v29  }
0x7e7: {  	v28 =	vor.u32 v10, v63;
	v29 =	vld [tilespmem:s26+$0x163F0]  }
0x7e8: {  	v48 =	vperm.xlane v26, v19;
	_ =	sdelay $0x1  }
0x7e9: {  	v49 =	vshll.u32 v48, $0x7;
	v50 =	vperm.xlane v27, v19;
	[tilespmem:v30+s16+$0x0] =	vst.idx.add.f32.msk $0xffff, v32  }
0x7ea: {  	v51 =	vor.u32 v0, v49;
	v32 =	vld [tilespmem:s26+$0x15C00]  }
0x7eb: {  	v52 =	vshll.u32 v50, $0x7;
	[tilespmem:v28+s16+$0x0] =	vst.idx.add.f32.msk $0xffff, v29  }
0x7ec: {  	v31 =	vor.u32 v0, v52;
	v29 =	vld [tilespmem:s26+$0x16400];
	_ =	sdelay $0x2  }
0x7ed: {  	[tilespmem:v51+s16+$0x0] =	vst.idx.add.f32.msk $0xffff, v32  }
0x7ee: {  	v53 =	vor.u32 v4, v49;
	v32 =	vld [tilespmem:s26+$0x15C10]  }
0x7ef: {  	[tilespmem:v31+s16+$0x0] =	vst.idx.add.f32.msk $0xffff, v29  }
0x7f0: {  	v54 =	vor.u32 v4, v52;
	v29 =	vld [tilespmem:s26+$0x16410];
	_ =	sdelay $0x2  }
0x7f1: {  	[tilespmem:v53+s16+$0x0] =	vst.idx.add.f32.msk $0xffff, v32  }
0x7f2: {  	v55 =	vor.u32 v5, v49;
	v32 =	vld [tilespmem:s26+$0x15C20]  }
0x7f3: {  	[tilespmem:v54+s16+$0x0] =	vst.idx.add.f32.msk $0xffff, v29  }
0x7f4: {  	v56 =	vor.u32 v5, v52;
	v29 =	vld [tilespmem:s26+$0x16420];
	_ =	sdelay $0x2  }
0x7f5: {  	[tilespmem:v55+s16+$0x0] =	vst.idx.add.f32.msk $0xffff, v32  }
0x7f6: {  	v57 =	vor.u32 v6, v49;
	v32 =	vld [tilespmem:s26+$0x15C30]  }
0x7f7: {  	[tilespmem:v56+s16+$0x0] =	vst.idx.add.f32.msk $0xffff, v29  }
0x7f8: {  	v58 =	vor.u32 v6, v52;
	v29 =	vld [tilespmem:s26+$0x16430];
	_ =	sdelay $0x2  }
0x7f9: {  	[tilespmem:v57+s16+$0x0] =	vst.idx.add.f32.msk $0xffff, v32  }
0x7fa: {  	v59 =	vor.u32 v7, v49;
	v32 =	vld [tilespmem:s26+$0x15C40]  }
0x7fb: {  	[tilespmem:v58+s16+$0x0] =	vst.idx.add.f32.msk $0xffff, v29  }
0x7fc: {  	v60 =	vor.u32 v7, v52;
	v29 =	vld [tilespmem:s26+$0x16440];
	_ =	sdelay $0x2  }
0x7fd: {  	[tilespmem:v59+s16+$0x0] =	vst.idx.add.f32.msk $0xffff, v32  }
0x7fe: {  	v61 =	vor.u32 v8, v49;
	v32 =	vld [tilespmem:s26+$0x15C50]  }
0x7ff: {  	[tilespmem:v60+s16+$0x0] =	vst.idx.add.f32.msk $0xffff, v29  }
0x800: {  	v62 =	vor.u32 v8, v52;
	v29 =	vld [tilespmem:s26+$0x16450];
	_ =	sdelay $0x2  }
0x801: {  	[tilespmem:v61+s16+$0x0] =	vst.idx.add.f32.msk $0xffff, v32  }
0x802: {  	v63 =	vor.u32 v9, v49;
	v32 =	vld [tilespmem:s26+$0x15C60]  }
0x803: {  	[tilespmem:v62+s16+$0x0] =	vst.idx.add.f32.msk $0xffff, v29  }
0x804: {  	v36 =	vor.u32 v9, v52;
	v29 =	vld [tilespmem:s26+$0x16460];
	_ =	sdelay $0x2  }
0x805: {  	[tilespmem:v63+s16+$0x0] =	vst.idx.add.f32.msk $0xffff, v32  }
0x806: {  	v30 =	vor.u32 v10, v49;
	v32 =	vld [tilespmem:s26+$0x15C70]  }
0x807: {  	[tilespmem:v36+s16+$0x0] =	vst.idx.add.f32.msk $0xffff, v29  }
0x808: {  	v28 =	vor.u32 v10, v52;
	v29 =	vld [tilespmem:s26+$0x16470]  }
0x809: {  	v37 =	vperm.xlane v26, v20;
	_ =	sdelay $0x1  }
0x80a: {  	v38 =	vshll.u32 v37, $0x7;
	v39 =	vperm.xlane v27, v20;
	[tilespmem:v30+s16+$0x0] =	vst.idx.add.f32.msk $0xffff, v32  }
0x80b: {  	v40 =	vor.u32 v0, v38;
	v32 =	vld [tilespmem:s26+$0x15C80]  }
0x80c: {  	v41 =	vshll.u32 v39, $0x7;
	[tilespmem:v28+s16+$0x0] =	vst.idx.add.f32.msk $0xffff, v29  }
0x80d: {  	v31 =	vor.u32 v0, v41;
	v29 =	vld [tilespmem:s26+$0x16480];
	_ =	sdelay $0x2  }
0x80e: {  	[tilespmem:v40+s16+$0x0] =	vst.idx.add.f32.msk $0xffff, v32  }
0x80f: {  	v42 =	vor.u32 v4, v38;
	v32 =	vld [tilespmem:s26+$0x15C90]  }
0x810: {  	[tilespmem:v31+s16+$0x0] =	vst.idx.add.f32.msk $0xffff, v29  }
0x811: {  	v43 =	vor.u32 v4, v41;
	v29 =	vld [tilespmem:s26+$0x16490];
	_ =	sdelay $0x2  }
0x812: {  	[tilespmem:v42+s16+$0x0] =	vst.idx.add.f32.msk $0xffff, v32  }
0x813: {  	v44 =	vor.u32 v5, v38;
	v32 =	vld [tilespmem:s26+$0x15CA0]  }
0x814: {  	[tilespmem:v43+s16+$0x0] =	vst.idx.add.f32.msk $0xffff, v29  }
0x815: {  	v45 =	vor.u32 v5, v41;
	v29 =	vld [tilespmem:s26+$0x164A0];
	_ =	sdelay $0x2  }
0x816: {  	[tilespmem:v44+s16+$0x0] =	vst.idx.add.f32.msk $0xffff, v32  }
0x817: {  	v46 =	vor.u32 v6, v38;
	v32 =	vld [tilespmem:s26+$0x15CB0]  }
0x818: {  	[tilespmem:v45+s16+$0x0] =	vst.idx.add.f32.msk $0xffff, v29  }
0x819: {  	v47 =	vor.u32 v6, v41;
	v29 =	vld [tilespmem:s26+$0x164B0];
	_ =	sdelay $0x2  }
0x81a: {  	[tilespmem:v46+s16+$0x0] =	vst.idx.add.f32.msk $0xffff, v32  }
0x81b: {  	v48 =	vor.u32 v7, v38;
	v32 =	vld [tilespmem:s26+$0x15CC0]  }
0x81c: {  	[tilespmem:v47+s16+$0x0] =	vst.idx.add.f32.msk $0xffff, v29  }
0x81d: {  	v49 =	vor.u32 v7, v41;
	v29 =	vld [tilespmem:s26+$0x164C0];
	_ =	sdelay $0x2  }
0x81e: {  	[tilespmem:v48+s16+$0x0] =	vst.idx.add.f32.msk $0xffff, v32  }
0x81f: {  	v50 =	vor.u32 v8, v38;
	v32 =	vld [tilespmem:s26+$0x15CD0]  }
0x820: {  	[tilespmem:v49+s16+$0x0] =	vst.idx.add.f32.msk $0xffff, v29  }
0x821: {  	v51 =	vor.u32 v8, v41;
	v29 =	vld [tilespmem:s26+$0x164D0];
	_ =	sdelay $0x2  }
0x822: {  	[tilespmem:v50+s16+$0x0] =	vst.idx.add.f32.msk $0xffff, v32  }
0x823: {  	v52 =	vor.u32 v9, v38;
	v32 =	vld [tilespmem:s26+$0x15CE0]  }
0x824: {  	[tilespmem:v51+s16+$0x0] =	vst.idx.add.f32.msk $0xffff, v29  }
0x825: {  	v53 =	vor.u32 v9, v41;
	v29 =	vld [tilespmem:s26+$0x164E0];
	_ =	sdelay $0x2  }
0x826: {  	[tilespmem:v52+s16+$0x0] =	vst.idx.add.f32.msk $0xffff, v32  }
0x827: {  	v30 =	vor.u32 v10, v38;
	v32 =	vld [tilespmem:s26+$0x15CF0]  }
0x828: {  	[tilespmem:v53+s16+$0x0] =	vst.idx.add.f32.msk $0xffff, v29  }
0x829: {  	v28 =	vor.u32 v10, v41;
	v29 =	vld [tilespmem:s26+$0x164F0]  }
0x82a: {  	v54 =	vperm.xlane v26, v21;
	_ =	sdelay $0x1  }
0x82b: {  	v55 =	vshll.u32 v54, $0x7;
	v56 =	vperm.xlane v27, v21;
	[tilespmem:v30+s16+$0x0] =	vst.idx.add.f32.msk $0xffff, v32  }
0x82c: {  	v57 =	vor.u32 v0, v55;
	v32 =	vld [tilespmem:s26+$0x15D00]  }
0x82d: {  	v58 =	vshll.u32 v56, $0x7;
	[tilespmem:v28+s16+$0x0] =	vst.idx.add.f32.msk $0xffff, v29  }
0x82e: {  	v31 =	vor.u32 v0, v58;
	v29 =	vld [tilespmem:s26+$0x16500];
	_ =	sdelay $0x2  }
0x82f: {  	[tilespmem:v57+s16+$0x0] =	vst.idx.add.f32.msk $0xffff, v32  }
0x830: {  	v59 =	vor.u32 v4, v55;
	v32 =	vld [tilespmem:s26+$0x15D10]  }
0x831: {  	[tilespmem:v31+s16+$0x0] =	vst.idx.add.f32.msk $0xffff, v29  }
0x832: {  	v60 =	vor.u32 v4, v58;
	v29 =	vld [tilespmem:s26+$0x16510];
	_ =	sdelay $0x2  }
0x833: {  	[tilespmem:v59+s16+$0x0] =	vst.idx.add.f32.msk $0xffff, v32  }
0x834: {  	v61 =	vor.u32 v5, v55;
	v32 =	vld [tilespmem:s26+$0x15D20]  }
0x835: {  	[tilespmem:v60+s16+$0x0] =	vst.idx.add.f32.msk $0xffff, v29  }
0x836: {  	v62 =	vor.u32 v5, v58;
	v29 =	vld [tilespmem:s26+$0x16520];
	_ =	sdelay $0x2  }
0x837: {  	[tilespmem:v61+s16+$0x0] =	vst.idx.add.f32.msk $0xffff, v32  }
0x838: {  	v63 =	vor.u32 v6, v55;
	v32 =	vld [tilespmem:s26+$0x15D30]  }
0x839: {  	[tilespmem:v62+s16+$0x0] =	vst.idx.add.f32.msk $0xffff, v29  }
0x83a: {  	v36 =	vor.u32 v6, v58;
	v29 =	vld [tilespmem:s26+$0x16530];
	_ =	sdelay $0x2  }
0x83b: {  	[tilespmem:v63+s16+$0x0] =	vst.idx.add.f32.msk $0xffff, v32  }
0x83c: {  	v37 =	vor.u32 v7, v55;
	v32 =	vld [tilespmem:s26+$0x15D40]  }
0x83d: {  	[tilespmem:v36+s16+$0x0] =	vst.idx.add.f32.msk $0xffff, v29  }
0x83e: {  	v38 =	vor.u32 v7, v58;
	v29 =	vld [tilespmem:s26+$0x16540];
	_ =	sdelay $0x2  }
0x83f: {  	[tilespmem:v37+s16+$0x0] =	vst.idx.add.f32.msk $0xffff, v32  }
0x840: {  	v39 =	vor.u32 v8, v55;
	v32 =	vld [tilespmem:s26+$0x15D50]  }
0x841: {  	[tilespmem:v38+s16+$0x0] =	vst.idx.add.f32.msk $0xffff, v29  }
0x842: {  	v40 =	vor.u32 v8, v58;
	v29 =	vld [tilespmem:s26+$0x16550];
	_ =	sdelay $0x2  }
0x843: {  	[tilespmem:v39+s16+$0x0] =	vst.idx.add.f32.msk $0xffff, v32  }
0x844: {  	v41 =	vor.u32 v9, v55;
	v32 =	vld [tilespmem:s26+$0x15D60]  }
0x845: {  	[tilespmem:v40+s16+$0x0] =	vst.idx.add.f32.msk $0xffff, v29  }
0x846: {  	v42 =	vor.u32 v9, v58;
	v29 =	vld [tilespmem:s26+$0x16560];
	_ =	sdelay $0x2  }
0x847: {  	[tilespmem:v41+s16+$0x0] =	vst.idx.add.f32.msk $0xffff, v32  }
0x848: {  	v30 =	vor.u32 v10, v55;
	v32 =	vld [tilespmem:s26+$0x15D70]  }
0x849: {  	[tilespmem:v42+s16+$0x0] =	vst.idx.add.f32.msk $0xffff, v29  }
0x84a: {  	v28 =	vor.u32 v10, v58;
	v29 =	vld [tilespmem:s26+$0x16570]  }
0x84b: {  	v43 =	vperm.xlane v26, v22;
	_ =	sdelay $0x1  }
0x84c: {  	v44 =	vshll.u32 v43, $0x7;
	v45 =	vperm.xlane v27, v22;
	[tilespmem:v30+s16+$0x0] =	vst.idx.add.f32.msk $0xffff, v32  }
0x84d: {  	v46 =	vor.u32 v0, v44;
	v32 =	vld [tilespmem:s26+$0x15D80]  }
0x84e: {  	v47 =	vshll.u32 v45, $0x7;
	[tilespmem:v28+s16+$0x0] =	vst.idx.add.f32.msk $0xffff, v29  }
0x84f: {  	v31 =	vor.u32 v0, v47;
	v29 =	vld [tilespmem:s26+$0x16580];
	_ =	sdelay $0x2  }
0x850: {  	[tilespmem:v46+s16+$0x0] =	vst.idx.add.f32.msk $0xffff, v32  }
0x851: {  	v48 =	vor.u32 v4, v44;
	v32 =	vld [tilespmem:s26+$0x15D90]  }
0x852: {  	[tilespmem:v31+s16+$0x0] =	vst.idx.add.f32.msk $0xffff, v29  }
0x853: {  	v49 =	vor.u32 v4, v47;
	v29 =	vld [tilespmem:s26+$0x16590];
	_ =	sdelay $0x2  }
0x854: {  	[tilespmem:v48+s16+$0x0] =	vst.idx.add.f32.msk $0xffff, v32  }
0x855: {  	v50 =	vor.u32 v5, v44;
	v32 =	vld [tilespmem:s26+$0x15DA0]  }
0x856: {  	[tilespmem:v49+s16+$0x0] =	vst.idx.add.f32.msk $0xffff, v29  }
0x857: {  	v51 =	vor.u32 v5, v47;
	v29 =	vld [tilespmem:s26+$0x165A0];
	_ =	sdelay $0x2  }
0x858: {  	[tilespmem:v50+s16+$0x0] =	vst.idx.add.f32.msk $0xffff, v32  }
0x859: {  	v52 =	vor.u32 v6, v44;
	v32 =	vld [tilespmem:s26+$0x15DB0]  }
0x85a: {  	[tilespmem:v51+s16+$0x0] =	vst.idx.add.f32.msk $0xffff, v29  }
0x85b: {  	v53 =	vor.u32 v6, v47;
	v29 =	vld [tilespmem:s26+$0x165B0];
	_ =	sdelay $0x2  }
0x85c: {  	[tilespmem:v52+s16+$0x0] =	vst.idx.add.f32.msk $0xffff, v32  }
0x85d: {  	v54 =	vor.u32 v7, v44;
	v32 =	vld [tilespmem:s26+$0x15DC0]  }
0x85e: {  	[tilespmem:v53+s16+$0x0] =	vst.idx.add.f32.msk $0xffff, v29  }
0x85f: {  	v55 =	vor.u32 v7, v47;
	v29 =	vld [tilespmem:s26+$0x165C0];
	_ =	sdelay $0x2  }
0x860: {  	[tilespmem:v54+s16+$0x0] =	vst.idx.add.f32.msk $0xffff, v32  }
0x861: {  	v56 =	vor.u32 v8, v44;
	v32 =	vld [tilespmem:s26+$0x15DD0]  }
0x862: {  	[tilespmem:v55+s16+$0x0] =	vst.idx.add.f32.msk $0xffff, v29  }
0x863: {  	v57 =	vor.u32 v8, v47;
	v29 =	vld [tilespmem:s26+$0x165D0];
	_ =	sdelay $0x2  }
0x864: {  	[tilespmem:v56+s16+$0x0] =	vst.idx.add.f32.msk $0xffff, v32  }
0x865: {  	v58 =	vor.u32 v9, v44;
	v32 =	vld [tilespmem:s26+$0x15DE0]  }
0x866: {  	[tilespmem:v57+s16+$0x0] =	vst.idx.add.f32.msk $0xffff, v29  }
0x867: {  	v59 =	vor.u32 v9, v47;
	v29 =	vld [tilespmem:s26+$0x165E0];
	_ =	sdelay $0x2  }
0x868: {  	[tilespmem:v58+s16+$0x0] =	vst.idx.add.f32.msk $0xffff, v32  }
0x869: {  	v30 =	vor.u32 v10, v44;
	v32 =	vld [tilespmem:s26+$0x15DF0]  }
0x86a: {  	[tilespmem:v59+s16+$0x0] =	vst.idx.add.f32.msk $0xffff, v29  }
0x86b: {  	v28 =	vor.u32 v10, v47;
	v29 =	vld [tilespmem:s26+$0x165F0]  }
0x86c: {  	v60 =	vperm.xlane v26, v23;
	_ =	sdelay $0x1  }
0x86d: {  	v61 =	vshll.u32 v60, $0x7;
	v62 =	vperm.xlane v27, v23;
	[tilespmem:v30+s16+$0x0] =	vst.idx.add.f32.msk $0xffff, v32  }
0x86e: {  	v63 =	vor.u32 v0, v61;
	v32 =	vld [tilespmem:s26+$0x15E00]  }
0x86f: {  	v36 =	vshll.u32 v62, $0x7;
	[tilespmem:v28+s16+$0x0] =	vst.idx.add.f32.msk $0xffff, v29  }
0x870: {  	v31 =	vor.u32 v0, v36;
	v29 =	vld [tilespmem:s26+$0x16600];
	_ =	sdelay $0x2  }
0x871: {  	[tilespmem:v63+s16+$0x0] =	vst.idx.add.f32.msk $0xffff, v32  }
0x872: {  	v37 =	vor.u32 v4, v61;
	v32 =	vld [tilespmem:s26+$0x15E10]  }
0x873: {  	[tilespmem:v31+s16+$0x0] =	vst.idx.add.f32.msk $0xffff, v29  }
0x874: {  	v38 =	vor.u32 v4, v36;
	v29 =	vld [tilespmem:s26+$0x16610];
	_ =	sdelay $0x2  }
0x875: {  	[tilespmem:v37+s16+$0x0] =	vst.idx.add.f32.msk $0xffff, v32  }
0x876: {  	v39 =	vor.u32 v5, v61;
	v32 =	vld [tilespmem:s26+$0x15E20]  }
0x877: {  	[tilespmem:v38+s16+$0x0] =	vst.idx.add.f32.msk $0xffff, v29  }
0x878: {  	v40 =	vor.u32 v5, v36;
	v29 =	vld [tilespmem:s26+$0x16620];
	_ =	sdelay $0x2  }
0x879: {  	[tilespmem:v39+s16+$0x0] =	vst.idx.add.f32.msk $0xffff, v32  }
0x87a: {  	v41 =	vor.u32 v6, v61;
	v32 =	vld [tilespmem:s26+$0x15E30]  }
0x87b: {  	[tilespmem:v40+s16+$0x0] =	vst.idx.add.f32.msk $0xffff, v29  }
0x87c: {  	v42 =	vor.u32 v6, v36;
	v29 =	vld [tilespmem:s26+$0x16630];
	_ =	sdelay $0x2  }
0x87d: {  	[tilespmem:v41+s16+$0x0] =	vst.idx.add.f32.msk $0xffff, v32  }
0x87e: {  	v43 =	vor.u32 v7, v61;
	v32 =	vld [tilespmem:s26+$0x15E40]  }
0x87f: {  	[tilespmem:v42+s16+$0x0] =	vst.idx.add.f32.msk $0xffff, v29  }
0x880: {  	v44 =	vor.u32 v7, v36;
	v29 =	vld [tilespmem:s26+$0x16640];
	_ =	sdelay $0x2  }
0x881: {  	[tilespmem:v43+s16+$0x0] =	vst.idx.add.f32.msk $0xffff, v32  }
0x882: {  	v45 =	vor.u32 v8, v61;
	v32 =	vld [tilespmem:s26+$0x15E50]  }
0x883: {  	[tilespmem:v44+s16+$0x0] =	vst.idx.add.f32.msk $0xffff, v29  }
0x884: {  	v46 =	vor.u32 v8, v36;
	v29 =	vld [tilespmem:s26+$0x16650];
	_ =	sdelay $0x2  }
0x885: {  	[tilespmem:v45+s16+$0x0] =	vst.idx.add.f32.msk $0xffff, v32  }
0x886: {  	v47 =	vor.u32 v9, v61;
	v32 =	vld [tilespmem:s26+$0x15E60]  }
0x887: {  	[tilespmem:v46+s16+$0x0] =	vst.idx.add.f32.msk $0xffff, v29  }
0x888: {  	v48 =	vor.u32 v9, v36;
	v29 =	vld [tilespmem:s26+$0x16660];
	_ =	sdelay $0x2  }
0x889: {  	[tilespmem:v47+s16+$0x0] =	vst.idx.add.f32.msk $0xffff, v32  }
0x88a: {  	v30 =	vor.u32 v10, v61;
	v32 =	vld [tilespmem:s26+$0x15E70]  }
0x88b: {  	[tilespmem:v48+s16+$0x0] =	vst.idx.add.f32.msk $0xffff, v29  }
0x88c: {  	v28 =	vor.u32 v10, v36;
	v29 =	vld [tilespmem:s26+$0x16670]  }
0x88d: {  	v26 =	vperm.xlane v26, v24;
	_ =	sdelay $0x1  }
0x88e: {  	v26 =	vshll.u32 v26, $0x7;
	v27 =	vperm.xlane v27, v24;
	[tilespmem:v30+s16+$0x0] =	vst.idx.add.f32.msk $0xffff, v32  }
0x88f: {  	v49 =	vor.u32 v0, v26;
	v30 =	vld [tilespmem:s26+$0x15E80]  }
0x890: {  	v27 =	vshll.u32 v27, $0x7;
	[tilespmem:v28+s16+$0x0] =	vst.idx.add.f32.msk $0xffff, v29  }
0x891: {  	v50 =	vor.u32 v0, v27;
	v28 =	vld [tilespmem:s26+$0x16680];
	_ =	sdelay $0x2  }
0x892: {  	[tilespmem:v49+s16+$0x0] =	vst.idx.add.f32.msk $0xffff, v30  }
0x893: {  	v51 =	vor.u32 v4, v26;
	v30 =	vld [tilespmem:s26+$0x15E90]  }
0x894: {  	[tilespmem:v50+s16+$0x0] =	vst.idx.add.f32.msk $0xffff, v28  }
0x895: {  	v52 =	vor.u32 v4, v27;
	v28 =	vld [tilespmem:s26+$0x16690];
	_ =	sdelay $0x2  }
0x896: {  	[tilespmem:v51+s16+$0x0] =	vst.idx.add.f32.msk $0xffff, v30  }
0x897: {  	v53 =	vor.u32 v5, v26;
	v30 =	vld [tilespmem:s26+$0x15EA0]  }
0x898: {  	[tilespmem:v52+s16+$0x0] =	vst.idx.add.f32.msk $0xffff, v28  }
0x899: {  	v54 =	vor.u32 v5, v27;
	v28 =	vld [tilespmem:s26+$0x166A0];
	_ =	sdelay $0x2  }
0x89a: {  	[tilespmem:v53+s16+$0x0] =	vst.idx.add.f32.msk $0xffff, v30  }
0x89b: {  	v55 =	vor.u32 v6, v26;
	v30 =	vld [tilespmem:s26+$0x15EB0]  }
0x89c: {  	[tilespmem:v54+s16+$0x0] =	vst.idx.add.f32.msk $0xffff, v28  }
0x89d: {  	v56 =	vor.u32 v6, v27;
	v28 =	vld [tilespmem:s26+$0x166B0];
	_ =	sdelay $0x2  }
0x89e: {  	[tilespmem:v55+s16+$0x0] =	vst.idx.add.f32.msk $0xffff, v30  }
0x89f: {  	v57 =	vor.u32 v7, v26;
	v30 =	vld [tilespmem:s26+$0x15EC0]  }
0x8a0: {  	[tilespmem:v56+s16+$0x0] =	vst.idx.add.f32.msk $0xffff, v28  }
0x8a1: {  	v58 =	vor.u32 v7, v27;
	v28 =	vld [tilespmem:s26+$0x166C0];
	_ =	sdelay $0x2  }
0x8a2: {  	[tilespmem:v57+s16+$0x0] =	vst.idx.add.f32.msk $0xffff, v30  }
0x8a3: {  	v59 =	vor.u32 v8, v26;
	v30 =	vld [tilespmem:s26+$0x15ED0]  }
0x8a4: {  	[tilespmem:v58+s16+$0x0] =	vst.idx.add.f32.msk $0xffff, v28  }
0x8a5: {  	v60 =	vor.u32 v8, v27;
	v28 =	vld [tilespmem:s26+$0x166D0];
	_ =	sdelay $0x2  }
0x8a6: {  	[tilespmem:v59+s16+$0x0] =	vst.idx.add.f32.msk $0xffff, v30  }
0x8a7: {  	v61 =	vor.u32 v9, v26;
	v30 =	vld [tilespmem:s26+$0x15EE0]  }
0x8a8: {  	[tilespmem:v60+s16+$0x0] =	vst.idx.add.f32.msk $0xffff, v28  }
0x8a9: {  	v62 =	vor.u32 v9, v27;
	v28 =	vld [tilespmem:s26+$0x166E0];
	_ =	sdelay $0x2  }
0x8aa: {  	[tilespmem:v61+s16+$0x0] =	vst.idx.add.f32.msk $0xffff, v30  }
0x8ab: {  	v63 =	vld [tilespmem:s26+$0x15EF0]  }
0x8ac: {  	v26 =	vor.u32 v10, v26;
	[tilespmem:v62+s16+$0x0] =	vst.idx.add.f32.msk $0xffff, v28  }
0x8ad: {  	p1 =	por p0, p0;
	v27 =	vor.u32 v10, v27;
	v29 =	vld [tilespmem:s26+$0x166F0]  }
.Ltmp2:
0x8ae: {  	_ = 	snop;
	(pc) =	sbr.rel @p1 .LBB2_7-.Ltmp2, $3  }
0x8af: {  	_ =	sdelay $0x1  }
0x8b0: {  	[tilespmem:v26+s16+$0x0] =	vst.idx.add.f32.msk $0xffff, v63  }
0x8b1: {  	p0 =	por $0x0, $0x0;
	s26 =	simm.s32 $0x4;
	[tilespmem:v27+s16+$0x0] =	vst.idx.add.f32.msk $0xffff, v29  }
0x8b2: {  	s25 =	sadd.s32 $0x1, s25  }
0x8b3: {  	p0 =	sne.s32 s25, $0x3  }
.Ltmp3:
0x8b4: {  	_ = 	snop;
	(pc) =	sbr.rel @p0 .LBB2_4-.Ltmp3, $1  }
0x8b5: {  	_ =	sdelay $0x3  }
0x8b6: {  	[hbm4b:s11+s18] =	stream.strided.scatter [tilespmem:s16], [sflag:$0x3], $0x8000, s19, s18, $0x38;
	[tilespmem:$0x18700] =	vst v63  }
0x8b7: {  	s24 =	sadd.s32 $0x1, s24;
	_ =	swait.ge [sflag:s14], $0x8000  }
0x8b8: {  	p0 =	sne.s32 s24, s13;
	[sflag:s14] =	ssyncset.done $0x0  }
.Ltmp4:
0x8b9: {  	[sflag:s14] =	ssyncadd.s32 $0xFFFF8000;
	(pc) =	sbr.rel @p0 .LBB2_1-.Ltmp4, $4  }
0x8ba: {  	[hbm4b:s12+s3] =	stream.linear.scatter [tilespmem:s17], [sflag:$0x3], $0x8000, $0x38;
	[tilespmem:$0x18700] =	vst v63  }
0x8bb: {  	_ =	swait.ge [sflag:s14], $0x8000  }
0x8bc: {  	[sflag:s14] =	ssyncset.done $0x0  }
0x8bd: {  	[sflag:s14] =	ssyncadd.s32 $0xFFFF8000  }
0x8be: {  	_ =	sfence.sel $0x180000  }
0x8bf: {  	[bflag:$0x0] =	sbarrier.arrive $0xFFFF  }
0x8c0: {  	p0 =	sne.s32 s1, $0x0;
	_ =	strace $0x90000047  }
0x8c1: {  	s0 =	sadd.s32 @!p0 $0x100000, s0;
	[bflag:$0x2] =	sbarrier.arrive $0xFFFF  }
0x8c2: {  	[sflag:s0] =	ssyncadd.tile.s32 @!p0 $0x1;
	_ =	shalt  }
.Lfunc_end2:
_tile_overlayer_lowered:
.L_overlay_start_2:
0x8c3: {  	(tag) =	ssettag $0x2  }
0x8c4: {  	s0 =	rddreg [dreg:$0x0];
	s2 =	stileid.u32  }
0x8c5: {  	s1 =	rddreg [dreg:$0x1];
	p0 =	sne.s32 s2, $0x0  }
0x8c6: {  	s3 =	rddreg [dreg:$0x2];
	[bflag:$0x3] =	sbarrier.arrive $0xFFFF;
	s2 =	simm.s32 @!p0 $0x1C03  }
0x8c7: {  	[timem:s3], [sflag:s2] =	dma.local @!p0 [hbm:s0], s1  }
0x8c8: {  	s0 =	simm.s32 @!p0 $0x3  }
0x8c9: {  	_ =	swait.ge @!p0 [sflag:s0], s1  }
0x8ca: {  	s1 =	ssub.s32 @!p0 $0x0, s1;
	[sflag:s0] =	ssyncset.done @!p0 $0x0  }
0x8cb: {  	[sflag:s0] =	ssyncadd.s32 @!p0 s1  }
0x8cc: {  	[bflag:$0x3] =	sbarrier.arrive $0xFFFF  }
0x8cd: {  	_ =	shalt  }

</sc_bundles>
